<compile_context>
chip_gen: v7x
topology: tpu7x:2x2x1
jax: 0.10.2.dev20260603
libtpu: 0.0.44.dev20260713+nightly
codegen_flags: <defaults>
</compile_context>

<pallas_src>
import functools

import jax
import jax.numpy as jnp
import numpy as np
from jax import lax
from jax.experimental import pallas as pl
from jax.experimental.pallas import tpu as pltpu
from jax.experimental.pallas import tpu_sc as plsc

NBOX = 5000
NPAD = 5120
CHUNK = 320
NVR = CHUNK // 16
NSUB = 16
NKEEP = 100
KPAD = 128
FEAT = 4096
NTRAIN = 40000
NTPAD = 40960
KCH = 4096
NPCA = 16
NEG = -1e30


def _sc_nms_gather(scores_p, x1p, y1p, x2p, y2p, roi):
    mesh = plsc.VectorSubcoreMesh(
        core_axis_name="c", subcore_axis_name="s", num_cores=1, num_subcores=NSUB
    )

    @functools.partial(
        pl.kernel,
        out_type=[
            jax.ShapeDtypeStruct((KPAD, FEAT), jnp.float32),
            jax.ShapeDtypeStruct((KPAD,), jnp.float32),
            jax.ShapeDtypeStruct((KPAD * 4,), jnp.float32),
        ],
        mesh=mesh,
        compiler_params=pltpu.CompilerParams(needs_layout_passes=False),
        scratch_types=[
            pltpu.VMEM((NPAD,), jnp.float32),
            pltpu.VMEM((NPAD,), jnp.float32),
            pltpu.VMEM((NPAD,), jnp.float32),
            pltpu.VMEM((NPAD,), jnp.float32),
            pltpu.VMEM((CHUNK,), jnp.float32),
            pltpu.VMEM((CHUNK,), jnp.float32),
            pltpu.VMEM((CHUNK,), jnp.float32),
            pltpu.VMEM((CHUNK,), jnp.float32),
            pltpu.VMEM((CHUNK,), jnp.float32),
            pltpu.VMEM((KPAD,), jnp.int32),
            pltpu.VMEM((KPAD,), jnp.float32),
            pltpu.VMEM((KPAD * 4,), jnp.float32),
            pltpu.VMEM_SHARED((NSUB * 16,), jnp.float32),
            pltpu.VMEM_SHARED((NSUB * 16,), jnp.float32),
            pltpu.VMEM((16,), jnp.float32),
            pltpu.VMEM((NSUB * 16,), jnp.float32),
            pltpu.VMEM((8, FEAT), jnp.float32),
            pltpu.SemaphoreType.DMA,
        ],
    )
    def k(scores_h, x1_h, y1_h, x2_h, y2_h, roi_h,
          feats_o, kval_o, kbox_o,
          x1f, y1f, x2f, y2f, x1c, y1c, x2c, y2c, msc,
          kidx, kval, kbox, redv0, redv1, wv, rv2, rows, sem):
        wid = lax.axis_index("s")
        base = pl.multiple_of(wid * CHUNK, CHUNK)

        pltpu.sync_copy(x1_h, x1f)
        pltpu.sync_copy(y1_h, y1f)
        pltpu.sync_copy(x2_h, x2f)
        pltpu.sync_copy(y2_h, y2f)
        pltpu.sync_copy(scores_h.at[pl.ds(base, CHUNK)], msc)
        pltpu.sync_copy(x1_h.at[pl.ds(base, CHUNK)], x1c)
        pltpu.sync_copy(y1_h.at[pl.ds(base, CHUNK)], y1c)
        pltpu.sync_copy(x2_h.at[pl.ds(base, CHUNK)], x2c)
        pltpu.sync_copy(y2_h.at[pl.ds(base, CHUNK)], y2c)

        iota_i = lax.iota(jnp.int32, 16)
        iota_f = iota_i.astype(jnp.float32)
        zeros_i = jnp.zeros((16,), jnp.int32)
        base_f = lax.convert_element_type(base, jnp.float32)

        for j in range(NVR):
            sl = pl.ds(16 * j, 16)
            s = msc[sl]
            w = x2c[sl] - x1c[sl]
            h = y2c[sl] - y1c[sl]
            ok = (s >= jnp.float32(0.001)) & (w >= jnp.float32(100.0)) & (h >= jnp.float32(100.0))
            msc[sl] = jnp.where(ok, s, NEG)

        zf = jnp.zeros((16,), jnp.float32)
        zi = jnp.zeros((16,), jnp.int32)
        for kk in range(KPAD // 16):
            kval[pl.ds(16 * kk, 16)] = zf
            kidx[pl.ds(16 * kk, 16)] = zi
        for kk in range(KPAD * 4 // 16):
            kbox[pl.ds(16 * kk, 16)] = zf

        def one_step(t, redv):
            bv = jnp.full((16,), jnp.float32(-3e38))
            bj = zf
            for j in range(NVR):
                v = msc[pl.ds(16 * j, 16)]
                take = v > bv
                bv = jnp.where(take, v, bv)
                bj = jnp.where(take, jnp.full((16,), jnp.float32(j)), bj)
            lm = jnp.max(bv)
            gidx = base_f + bj * jnp.float32(16.0) + iota_f
            li = jnp.min(jnp.where(bv == lm, gidx, jnp.float32(3e38)))

            wv[...] = jnp.where(iota_i < 8, jnp.full((16,), lm), jnp.full((16,), li))
            woff = pl.multiple_of(wid * 16, 16)
            pltpu.sync_copy(wv, redv.at[pl.ds(woff, 16)])
            plsc.subcore_barrier()
            pltpu.sync_copy(redv, rv2)
            gv = plsc.load_gather(rv2, [iota_i * 16])
            gi = plsc.load_gather(rv2, [iota_i * 16 + 8])
            G = jnp.max(gv)
            If = jnp.min(jnp.where(gv == G, gi, jnp.float32(3e38)))
            ii = If.astype(jnp.int32)
            ii = lax.max(0, lax.min(ii, NPAD - 1))
            iiv = jnp.full((16,), ii)

            bx1 = plsc.load_gather(x1f, [iiv])
            by1 = plsc.load_gather(y1f, [iiv])
            bx2 = plsc.load_gather(x2f, [iiv])
            by2 = plsc.load_gather(y2f, [iiv])

            validf = jnp.where(G > jnp.float32(-5e29), jnp.float32(1.0), jnp.float32(0.0))
            tv = jnp.full((16,), t)
            plsc.store_scatter(kval, [tv], jnp.full((16,), validf), mask=iota_i == 0)
            plsc.store_scatter(kidx, [tv], iiv, mask=iota_i == 0)
            cvec = jnp.where(iota_i == 0, bx1,
                             jnp.where(iota_i == 1, by1,
                                       jnp.where(iota_i == 2, bx2, by2)))
            plsc.store_scatter(kbox, [tv * 4 + iota_i], cvec, mask=iota_i < 4)

            a1 = (bx2 - bx1) * (by2 - by1)
            for j in range(NVR):
                sl = pl.ds(16 * j, 16)
                xa = x1c[sl]
                ya = y1c[sl]
                xb = x2c[sl]
                yb = y2c[sl]
                m = msc[sl]
                xx1 = jnp.maximum(bx1, xa)
                yy1 = jnp.maximum(by1, ya)
                xx2 = jnp.minimum(bx2, xb)
                yy2 = jnp.minimum(by2, yb)
                inter = jnp.maximum(xx2 - xx1, jnp.float32(0.0)) * jnp.maximum(
                    yy2 - yy1, jnp.float32(0.0))
                a2 = (xb - xa) * (yb - ya)
                iou = inter / (a1 + a2 - inter + jnp.float32(1e-9))
                gli = iota_i + (base + 16 * j)
                supp = (iou > jnp.float32(0.3)) | (gli == iiv)
                msc[sl] = jnp.where(supp, NEG, m)

        def it(tp, carry):
            one_step(tp * 2, redv0)
            one_step(tp * 2 + 1, redv1)
            return carry

        lax.fori_loop(0, NKEEP // 2, it, 0)

        gbase = pl.multiple_of(wid * 8, 8)
        idxs = kidx.at[pl.ds(gbase, 8)]
        pltpu.async_copy(roi_h.at[idxs], rows, sem).wait()
        pltpu.sync_copy(rows, feats_o.at[pl.ds(gbase, 8)])

        @pl.when(wid == 0)
        def _():
            pltpu.sync_copy(kval, kval_o)
            pltpu.sync_copy(kbox, kbox_o)

    return k(scores_p, x1p, y1p, x2p, y2p, roi)


def _tc_body(feats, mean2, comps, mT, kval, kbox, ml, kbw,
             boxes_o, scores_o, pred_o):
    fm = feats[...] - mean2[...]
    f = jnp.dot(fm, comps[...], preferred_element_type=jnp.float32) / ml[0, 0]
    h2 = kbw[0, 0] * kbw[0, 0]
    fsq = 0.5 * jnp.sum(f * f, axis=1, keepdims=True)

    def step(c, carry):
        M, S = carry
        off = pl.multiple_of(c * KCH, KCH)
        mc = mT[:, pl.ds(off, KCH)]
        dotp = jnp.dot(f, mc, preferred_element_type=jnp.float32)
        msq = 0.5 * jnp.sum(mc * mc, axis=0, keepdims=True)
        tt = (dotp - msq) / h2
        col = lax.broadcasted_iota(jnp.int32, (KPAD, KCH), 1) + c * KCH
        tt = jnp.where(col < NTRAIN, tt, NEG)
        cm = jnp.max(tt, axis=1, keepdims=True)
        newM = jnp.maximum(M, cm)
        S = S * jnp.exp(M - newM) + jnp.sum(jnp.exp(tt - newM), axis=1, keepdims=True)
        return (newM, S)

    M0 = jnp.full((KPAD, 1), NEG, jnp.float32)
    S0 = jnp.zeros((KPAD, 1), jnp.float32)
    M, S = lax.fori_loop(0, NTPAD // KCH, step, (M0, S0))
    log_dens = (M + jnp.log(S) - fsq / h2
                - jnp.float32(np.log(NTRAIN))
                - jnp.float32(0.5 * NPCA) * jnp.log(jnp.float32(2.0 * np.pi) * h2))
    prob = 1.0 / (1.0 + jnp.exp(jnp.float32(0.05) * (log_dens - jnp.float32(12.0))))
    vm = kval[...] > jnp.float32(0.5)
    sc = jnp.where(vm, prob, jnp.float32(0.0))
    scores_o[...] = sc
    boxes_o[...] = jnp.where(vm, kbox[...], jnp.float32(0.0))
    pred_o[...] = jnp.max(sc).reshape(1, 1)


def _tc_dense(feats, mean2, comps, mT, kval2, kbox2, ml2, kb2):
    return pl.pallas_call(
        _tc_body,
        out_shape=[
            jax.ShapeDtypeStruct((KPAD, 4), jnp.float32),
            jax.ShapeDtypeStruct((KPAD, 1), jnp.float32),
            jax.ShapeDtypeStruct((1, 1), jnp.float32),
        ],
    )(feats, mean2, comps, mT, kval2, kbox2, ml2, kb2)


def kernel(boxes, scores, roi_features, pca_mean, pca_components,
           max_length, kde_memory, kde_bandwidth):
    pad = NPAD - NBOX
    scores_p = jnp.concatenate([scores, jnp.full((pad,), NEG)])
    bp = jnp.pad(boxes, ((0, pad), (0, 0)))
    x1p, y1p, x2p, y2p = bp[:, 0], bp[:, 1], bp[:, 2], bp[:, 3]

    feats, kval, kboxf = _sc_nms_gather(scores_p, x1p, y1p, x2p, y2p, roi_features)

    mT = jnp.pad(kde_memory.T, ((0, 0), (0, NTPAD - NTRAIN)))
    boxes_o, scores_o, pred_o = _tc_dense(
        feats,
        pca_mean.reshape(1, FEAT),
        pca_components,
        mT,
        kval.reshape(KPAD, 1),
        kboxf.reshape(KPAD, 4),
        max_length.reshape(1, 1),
        kde_bandwidth.reshape(1, 1),
    )
    return boxes_o[:NKEEP], scores_o[:NKEEP, 0], pred_o[0, 0]

# --- scband reference (transcript-rebuilt; emitter-appended) ---
"""Pipeline reference for scband-rkde-model-57406532878342 (READ-ONLY COPY).

The authoritative reference and input builder live on the scoring server;
editing this copy changes nothing except your own understanding.
"""

import jax, jax.numpy as jnp
import numpy as np

BOX_SCORE_THRESHOLD = 0.001
MIN_BOX_SIZE = 100.0
IOU_THRESHOLD = 0.3
MAX_DETECTIONS = 100
N_PCA = 16
MAX_TRAIN = 40000
N_PROPOSALS = 5000
FEAT_DIM = 4096
IMG_SIZE = 1024.0


def setup_inputs(seed: int = 0) -> dict:
    key = jax.random.key(seed)
    k1, k2, k3, k4, k5, k6 = jax.random.split(key, 6)
    cxcy = jax.random.uniform(k1, (N_PROPOSALS, 2), minval=0.0, maxval=IMG_SIZE)
    wh = jax.random.uniform(k2, (N_PROPOSALS, 2), minval=40.0, maxval=400.0)
    x1y1 = jnp.clip(cxcy - wh / 2.0, 0.0, IMG_SIZE)
    x2y2 = jnp.clip(cxcy + wh / 2.0, 0.0, IMG_SIZE)
    boxes = jnp.concatenate([x1y1, x2y2], axis=1).astype(jnp.float32)
    scores = jax.random.uniform(k3, (N_PROPOSALS,), dtype=jnp.float32)
    roi_features = jax.random.normal(k4, (N_PROPOSALS, FEAT_DIM), dtype=jnp.float32)
    pca_mean = jax.random.normal(k5, (FEAT_DIM,), dtype=jnp.float32) * 0.1
    pca_components = jax.random.normal(k6, (FEAT_DIM, N_PCA), dtype=jnp.float32) / np.sqrt(FEAT_DIM)
    kde_memory = jax.random.normal(jax.random.fold_in(key, 7), (MAX_TRAIN, N_PCA), dtype=jnp.float32)
    max_length = jnp.asarray(8.0, dtype=jnp.float32)
    kde_bandwidth = jnp.asarray(1.0, dtype=jnp.float32)
    return {"boxes": boxes, "scores": scores, "roi_features": roi_features,
            "pca_mean": pca_mean, "pca_components": pca_components,
            "max_length": max_length, "kde_memory": kde_memory,
            "kde_bandwidth": kde_bandwidth}


def _iou_one_vs_all(box, boxes):
    x1 = jnp.maximum(box[0], boxes[:, 0])
    y1 = jnp.maximum(box[1], boxes[:, 1])
    x2 = jnp.minimum(box[2], boxes[:, 2])
    y2 = jnp.minimum(box[3], boxes[:, 3])
    inter = jnp.clip(x2 - x1, 0.0) * jnp.clip(y2 - y1, 0.0)
    a1 = (box[2] - box[0]) * (box[3] - box[1])
    a2 = (boxes[:, 2] - boxes[:, 0]) * (boxes[:, 3] - boxes[:, 1])
    return inter / (a1 + a2 - inter + 1e-9)


def reference(boxes, scores, roi_features, pca_mean, pca_components, max_length, kde_memory, kde_bandwidth):
    # Region extractor post-processing: score threshold + small-box filter + greedy NMS
    w = boxes[:, 2] - boxes[:, 0]
    h = boxes[:, 3] - boxes[:, 1]
    valid = (scores >= BOX_SCORE_THRESHOLD) & (w >= MIN_BOX_SIZE) & (h >= MIN_BOX_SIZE)
    active = valid
    neg = jnp.float32(-1e30)
    kept_idx = []
    kept_valid = []
    for _ in range(MAX_DETECTIONS):
        masked = jnp.where(active, scores, neg)
        i = jnp.argmax(masked)
        v = masked[i] > (neg / 2.0)
        kept_idx.append(i)
        kept_valid.append(v)
        ious = _iou_one_vs_all(boxes[i], boxes)
        active = active & jnp.logical_not(ious > IOU_THRESHOLD)
        active = active.at[i].set(False)
    kept_idx = jnp.stack(kept_idx)
    kept_valid = jnp.stack(kept_valid)
    # Feature extraction for kept ROIs (gather of precomputed per-proposal features)
    feats = roi_features[kept_idx]
    # KDE classifier: PCA projection -> feature scaling (scale) -> Gaussian KDE vs memory bank
    f = (feats - pca_mean[None, :]) @ pca_components
    f = f / max_length
    d2 = jnp.sum((f[:, None, :] - kde_memory[None, :, :]) ** 2, axis=-1)
    h2 = kde_bandwidth ** 2
    log_dens = (jax.scipy.special.logsumexp(-0.5 * d2 / h2, axis=1)
                - jnp.log(jnp.float32(MAX_TRAIN))
                - 0.5 * N_PCA * jnp.log(2.0 * jnp.pi * h2))
    prob = 1.0 / (1.0 + jnp.exp(0.05 * (log_dens - 12.0)))
    anomaly_scores = jnp.where(kept_valid, prob, 0.0)
    kept_boxes = jnp.where(kept_valid[:, None], boxes[kept_idx], 0.0)
    pred_score = jnp.max(anomaly_scores)
    return kept_boxes, anomaly_scores, pred_score

if __name__ == "__main__":
    import jax
    _d = setup_inputs()
    print(jax.jit(kernel)(*tuple(_d.values())))

</pallas_src>

<mosaic_0001>
#map = affine_map<(d0, d1) -> (0)>
#map1 = affine_map<(d0, d1) -> (0, 0)>
module attributes {stable_mosaic.version = 14 : i64} {
  func.func @k(%arg0: i32, %arg1: i32, %arg2: memref<5120xf32, #tpu.memory_space<hbm>>, %arg3: memref<5120xf32, #tpu.memory_space<hbm>>, %arg4: memref<5120xf32, #tpu.memory_space<hbm>>, %arg5: memref<5120xf32, #tpu.memory_space<hbm>>, %arg6: memref<5120xf32, #tpu.memory_space<hbm>>, %arg7: memref<5000x4096xf32, #tpu.memory_space<hbm>>, %arg8: memref<128x4096xf32, #tpu.memory_space<hbm>>, %arg9: memref<128xf32, #tpu.memory_space<hbm>>, %arg10: memref<512xf32, #tpu.memory_space<hbm>>, %arg11: memref<5120xf32, #tpu.memory_space<vmem>>, %arg12: memref<5120xf32, #tpu.memory_space<vmem>>, %arg13: memref<5120xf32, #tpu.memory_space<vmem>>, %arg14: memref<5120xf32, #tpu.memory_space<vmem>>, %arg15: memref<320xf32, #tpu.memory_space<vmem>>, %arg16: memref<320xf32, #tpu.memory_space<vmem>>, %arg17: memref<320xf32, #tpu.memory_space<vmem>>, %arg18: memref<320xf32, #tpu.memory_space<vmem>>, %arg19: memref<320xf32, #tpu.memory_space<vmem>>, %arg20: memref<128xi32, #tpu.memory_space<vmem>>, %arg21: memref<128xf32, #tpu.memory_space<vmem>>, %arg22: memref<512xf32, #tpu.memory_space<vmem>>, %arg23: memref<256xf32, #tpu.memory_space<vmem_shared>>, %arg24: memref<256xf32, #tpu.memory_space<vmem_shared>>, %arg25: memref<16xf32, #tpu.memory_space<vmem>>, %arg26: memref<256xf32, #tpu.memory_space<vmem>>, %arg27: memref<8x4096xf32, #tpu.memory_space<vmem>>, %arg28: memref<!tpu.dma_semaphore, #tpu.memory_space<semaphore_mem>>) attributes {dimension_semantics = [#tpu.dimension_semantics<core_parallel>, #tpu.dimension_semantics<subcore_parallel>], iteration_bounds = array<i64: 1, 16>, scalar_prefetch = 0 : i64, scratch_operands = 18 : i64, tpu.core_type = #tpu.core_type<sc_vector_subcore>, window_params = [{transform_indices = #map}, {transform_indices = #map}, {transform_indices = #map}, {transform_indices = #map}, {transform_indices = #map}, {transform_indices = #map1}, {transform_indices = #map1}, {transform_indices = #map}, {transform_indices = #map}]} {
    %mul3A = arith.constant 320 : i32
    %mul3A_0 = arith.muli %arg1, %mul3A : i32
    %multiple_of3A = tpu.assume_multiple %mul3A_0, 320 : i32
    "tpu.region"() ({
      %run_scoped3A = tpu.sem_alloc : memref<!tpu.dma_semaphore, #tpu.memory_space<semaphore_mem>>
      tpu.enqueue_dma source(%arg3 : memref<5120xf32, #tpu.memory_space<hbm>>) target(%arg11 : memref<5120xf32, #tpu.memory_space<vmem>>) target_semaphore(%run_scoped3A : memref<!tpu.dma_semaphore, #tpu.memory_space<semaphore_mem>>)
      tpu.wait_dma2 semaphore(%run_scoped3A : memref<!tpu.dma_semaphore, #tpu.memory_space<semaphore_mem>>) src(%arg3 : memref<5120xf32, #tpu.memory_space<hbm>>) dst(%arg11 : memref<5120xf32, #tpu.memory_space<vmem>>)
      tpu.yield
    }) : () -> ()
    "tpu.region"() ({
      %run_scoped3A = tpu.sem_alloc : memref<!tpu.dma_semaphore, #tpu.memory_space<semaphore_mem>>
      tpu.enqueue_dma source(%arg4 : memref<5120xf32, #tpu.memory_space<hbm>>) target(%arg12 : memref<5120xf32, #tpu.memory_space<vmem>>) target_semaphore(%run_scoped3A : memref<!tpu.dma_semaphore, #tpu.memory_space<semaphore_mem>>)
      tpu.wait_dma2 semaphore(%run_scoped3A : memref<!tpu.dma_semaphore, #tpu.memory_space<semaphore_mem>>) src(%arg4 : memref<5120xf32, #tpu.memory_space<hbm>>) dst(%arg12 : memref<5120xf32, #tpu.memory_space<vmem>>)
      tpu.yield
    }) : () -> ()
    "tpu.region"() ({
      %run_scoped3A = tpu.sem_alloc : memref<!tpu.dma_semaphore, #tpu.memory_space<semaphore_mem>>
      tpu.enqueue_dma source(%arg5 : memref<5120xf32, #tpu.memory_space<hbm>>) target(%arg13 : memref<5120xf32, #tpu.memory_space<vmem>>) target_semaphore(%run_scoped3A : memref<!tpu.dma_semaphore, #tpu.memory_space<semaphore_mem>>)
      tpu.wait_dma2 semaphore(%run_scoped3A : memref<!tpu.dma_semaphore, #tpu.memory_space<semaphore_mem>>) src(%arg5 : memref<5120xf32, #tpu.memory_space<hbm>>) dst(%arg13 : memref<5120xf32, #tpu.memory_space<vmem>>)
      tpu.yield
    }) : () -> ()
    "tpu.region"() ({
      %run_scoped3A = tpu.sem_alloc : memref<!tpu.dma_semaphore, #tpu.memory_space<semaphore_mem>>
      tpu.enqueue_dma source(%arg6 : memref<5120xf32, #tpu.memory_space<hbm>>) target(%arg14 : memref<5120xf32, #tpu.memory_space<vmem>>) target_semaphore(%run_scoped3A : memref<!tpu.dma_semaphore, #tpu.memory_space<semaphore_mem>>)
      tpu.wait_dma2 semaphore(%run_scoped3A : memref<!tpu.dma_semaphore, #tpu.memory_space<semaphore_mem>>) src(%arg6 : memref<5120xf32, #tpu.memory_space<hbm>>) dst(%arg14 : memref<5120xf32, #tpu.memory_space<vmem>>)
      tpu.yield
    }) : () -> ()
    "tpu.region"() ({
      %run_scoped3A = tpu.sem_alloc : memref<!tpu.dma_semaphore, #tpu.memory_space<semaphore_mem>>
      %dma_start3A_673 = tpu.memref_slice %arg2[%multiple_of3A] : memref<5120xf32, #tpu.memory_space<hbm>> -> memref<320xf32, #tpu.memory_space<hbm>>
      %dma_start3A_674 = tpu.memref_slice %arg2[%multiple_of3A] : memref<5120xf32, #tpu.memory_space<hbm>> -> memref<320xf32, #tpu.memory_space<hbm>>
      tpu.enqueue_dma source(%dma_start3A_674 : memref<320xf32, #tpu.memory_space<hbm>>) target(%arg19 : memref<320xf32, #tpu.memory_space<vmem>>) target_semaphore(%run_scoped3A : memref<!tpu.dma_semaphore, #tpu.memory_space<semaphore_mem>>)
      %dma_wait3A_675 = tpu.memref_slice %arg2[%multiple_of3A] : memref<5120xf32, #tpu.memory_space<hbm>> -> memref<320xf32, #tpu.memory_space<hbm>>
      %dma_wait3A_676 = tpu.memref_slice %arg2[%multiple_of3A] : memref<5120xf32, #tpu.memory_space<hbm>> -> memref<320xf32, #tpu.memory_space<hbm>>
      tpu.wait_dma2 semaphore(%run_scoped3A : memref<!tpu.dma_semaphore, #tpu.memory_space<semaphore_mem>>) src(%dma_wait3A_676 : memref<320xf32, #tpu.memory_space<hbm>>) dst(%arg19 : memref<320xf32, #tpu.memory_space<vmem>>)
      tpu.yield
    }) : () -> ()
    "tpu.region"() ({
      %run_scoped3A = tpu.sem_alloc : memref<!tpu.dma_semaphore, #tpu.memory_space<semaphore_mem>>
      %dma_start3A_673 = tpu.memref_slice %arg3[%multiple_of3A] : memref<5120xf32, #tpu.memory_space<hbm>> -> memref<320xf32, #tpu.memory_space<hbm>>
      %dma_start3A_674 = tpu.memref_slice %arg3[%multiple_of3A] : memref<5120xf32, #tpu.memory_space<hbm>> -> memref<320xf32, #tpu.memory_space<hbm>>
      tpu.enqueue_dma source(%dma_start3A_674 : memref<320xf32, #tpu.memory_space<hbm>>) target(%arg15 : memref<320xf32, #tpu.memory_space<vmem>>) target_semaphore(%run_scoped3A : memref<!tpu.dma_semaphore, #tpu.memory_space<semaphore_mem>>)
      %dma_wait3A_675 = tpu.memref_slice %arg3[%multiple_of3A] : memref<5120xf32, #tpu.memory_space<hbm>> -> memref<320xf32, #tpu.memory_space<hbm>>
      %dma_wait3A_676 = tpu.memref_slice %arg3[%multiple_of3A] : memref<5120xf32, #tpu.memory_space<hbm>> -> memref<320xf32, #tpu.memory_space<hbm>>
      tpu.wait_dma2 semaphore(%run_scoped3A : memref<!tpu.dma_semaphore, #tpu.memory_space<semaphore_mem>>) src(%dma_wait3A_676 : memref<320xf32, #tpu.memory_space<hbm>>) dst(%arg15 : memref<320xf32, #tpu.memory_space<vmem>>)
      tpu.yield
    }) : () -> ()
    "tpu.region"() ({
      %run_scoped3A = tpu.sem_alloc : memref<!tpu.dma_semaphore, #tpu.memory_space<semaphore_mem>>
      %dma_start3A_673 = tpu.memref_slice %arg4[%multiple_of3A] : memref<5120xf32, #tpu.memory_space<hbm>> -> memref<320xf32, #tpu.memory_space<hbm>>
      %dma_start3A_674 = tpu.memref_slice %arg4[%multiple_of3A] : memref<5120xf32, #tpu.memory_space<hbm>> -> memref<320xf32, #tpu.memory_space<hbm>>
      tpu.enqueue_dma source(%dma_start3A_674 : memref<320xf32, #tpu.memory_space<hbm>>) target(%arg16 : memref<320xf32, #tpu.memory_space<vmem>>) target_semaphore(%run_scoped3A : memref<!tpu.dma_semaphore, #tpu.memory_space<semaphore_mem>>)
      %dma_wait3A_675 = tpu.memref_slice %arg4[%multiple_of3A] : memref<5120xf32, #tpu.memory_space<hbm>> -> memref<320xf32, #tpu.memory_space<hbm>>
      %dma_wait3A_676 = tpu.memref_slice %arg4[%multiple_of3A] : memref<5120xf32, #tpu.memory_space<hbm>> -> memref<320xf32, #tpu.memory_space<hbm>>
      tpu.wait_dma2 semaphore(%run_scoped3A : memref<!tpu.dma_semaphore, #tpu.memory_space<semaphore_mem>>) src(%dma_wait3A_676 : memref<320xf32, #tpu.memory_space<hbm>>) dst(%arg16 : memref<320xf32, #tpu.memory_space<vmem>>)
      tpu.yield
    }) : () -> ()
    "tpu.region"() ({
      %run_scoped3A = tpu.sem_alloc : memref<!tpu.dma_semaphore, #tpu.memory_space<semaphore_mem>>
      %dma_start3A_673 = tpu.memref_slice %arg5[%multiple_of3A] : memref<5120xf32, #tpu.memory_space<hbm>> -> memref<320xf32, #tpu.memory_space<hbm>>
      %dma_start3A_674 = tpu.memref_slice %arg5[%multiple_of3A] : memref<5120xf32, #tpu.memory_space<hbm>> -> memref<320xf32, #tpu.memory_space<hbm>>
      tpu.enqueue_dma source(%dma_start3A_674 : memref<320xf32, #tpu.memory_space<hbm>>) target(%arg17 : memref<320xf32, #tpu.memory_space<vmem>>) target_semaphore(%run_scoped3A : memref<!tpu.dma_semaphore, #tpu.memory_space<semaphore_mem>>)
      %dma_wait3A_675 = tpu.memref_slice %arg5[%multiple_of3A] : memref<5120xf32, #tpu.memory_space<hbm>> -> memref<320xf32, #tpu.memory_space<hbm>>
      %dma_wait3A_676 = tpu.memref_slice %arg5[%multiple_of3A] : memref<5120xf32, #tpu.memory_space<hbm>> -> memref<320xf32, #tpu.memory_space<hbm>>
      tpu.wait_dma2 semaphore(%run_scoped3A : memref<!tpu.dma_semaphore, #tpu.memory_space<semaphore_mem>>) src(%dma_wait3A_676 : memref<320xf32, #tpu.memory_space<hbm>>) dst(%arg17 : memref<320xf32, #tpu.memory_space<vmem>>)
      tpu.yield
    }) : () -> ()
    "tpu.region"() ({
      %run_scoped3A = tpu.sem_alloc : memref<!tpu.dma_semaphore, #tpu.memory_space<semaphore_mem>>
      %dma_start3A_673 = tpu.memref_slice %arg6[%multiple_of3A] : memref<5120xf32, #tpu.memory_space<hbm>> -> memref<320xf32, #tpu.memory_space<hbm>>
      %dma_start3A_674 = tpu.memref_slice %arg6[%multiple_of3A] : memref<5120xf32, #tpu.memory_space<hbm>> -> memref<320xf32, #tpu.memory_space<hbm>>
      tpu.enqueue_dma source(%dma_start3A_674 : memref<320xf32, #tpu.memory_space<hbm>>) target(%arg18 : memref<320xf32, #tpu.memory_space<vmem>>) target_semaphore(%run_scoped3A : memref<!tpu.dma_semaphore, #tpu.memory_space<semaphore_mem>>)
      %dma_wait3A_675 = tpu.memref_slice %arg6[%multiple_of3A] : memref<5120xf32, #tpu.memory_space<hbm>> -> memref<320xf32, #tpu.memory_space<hbm>>
      %dma_wait3A_676 = tpu.memref_slice %arg6[%multiple_of3A] : memref<5120xf32, #tpu.memory_space<hbm>> -> memref<320xf32, #tpu.memory_space<hbm>>
      tpu.wait_dma2 semaphore(%run_scoped3A : memref<!tpu.dma_semaphore, #tpu.memory_space<semaphore_mem>>) src(%dma_wait3A_676 : memref<320xf32, #tpu.memory_space<hbm>>) dst(%arg18 : memref<320xf32, #tpu.memory_space<vmem>>)
      tpu.yield
    }) : () -> ()
    %iota3A = tpu.iota {dimensions = array<i32: 0>} : vector<16xi32>
    %convert_element_type3A = arith.sitofp %iota3A : vector<16xi32> to vector<16xf32>
    %broadcast_in_dim3A = arith.constant 0 : i32
    %broadcast_in_dim3A_1 = vector.broadcast %broadcast_in_dim3A : i32 to vector<16xi32>
    %convert_element_type3A_2 = arith.sitofp %multiple_of3A : i32 to f32
    %get3A = arith.constant 0 : index
    %get3A_3 = tpu.vector_load %arg19[%get3A] {strides = array<i32>} : memref<320xf32, #tpu.memory_space<vmem>>, vector<16xf32>,
    %get3A_4 = arith.constant 0 : index
    %get3A_5 = tpu.vector_load %arg17[%get3A_4] {strides = array<i32>} : memref<320xf32, #tpu.memory_space<vmem>>, vector<16xf32>,
    %get3A_6 = arith.constant 0 : index
    %get3A_7 = tpu.vector_load %arg15[%get3A_6] {strides = array<i32>} : memref<320xf32, #tpu.memory_space<vmem>>, vector<16xf32>,
    %sub3A = arith.subf %get3A_5, %get3A_7 : vector<16xf32>
    %get3A_8 = arith.constant 0 : index
    %get3A_9 = tpu.vector_load %arg18[%get3A_8] {strides = array<i32>} : memref<320xf32, #tpu.memory_space<vmem>>, vector<16xf32>,
    %get3A_10 = arith.constant 0 : index
    %get3A_11 = tpu.vector_load %arg16[%get3A_10] {strides = array<i32>} : memref<320xf32, #tpu.memory_space<vmem>>, vector<16xf32>,
    %sub3A_12 = arith.subf %get3A_9, %get3A_11 : vector<16xf32>
    %ge3A = arith.constant 1.000000e-03 : f32
    %ge3A_13 = vector.broadcast %ge3A : f32 to vector<16xf32>
    %ge3A_14 = arith.cmpf oge, %get3A_3, %ge3A_13 : vector<16xf32>
    %ge3A_15 = arith.constant 1.000000e+02 : f32
    %ge3A_16 = vector.broadcast %ge3A_15 : f32 to vector<16xf32>
    %ge3A_17 = arith.cmpf oge, %sub3A, %ge3A_16 : vector<16xf32>
    %and3A = arith.andi %ge3A_14, %ge3A_17 : vector<16xi1>
    %ge3A_18 = arith.constant 1.000000e+02 : f32
    %ge3A_19 = vector.broadcast %ge3A_18 : f32 to vector<16xf32>
    %ge3A_20 = arith.cmpf oge, %sub3A_12, %ge3A_19 : vector<16xf32>
    %and3A_21 = arith.andi %and3A, %ge3A_20 : vector<16xi1>
    %jit3A = arith.constant -1.000000e+30 : f32
    %broadcast_in_dim3A_22 = vector.broadcast %jit3A : f32 to vector<16xf32>
    %select_n3A = arith.select %and3A_21, %get3A_3, %broadcast_in_dim3A_22 : vector<16xi1>, vector<16xf32>
    %swap3A = arith.constant 0 : index
    %swap3A_23 = tpu.vector_load %arg19[%swap3A] {strides = array<i32>} : memref<320xf32, #tpu.memory_space<vmem>>, vector<16xf32>,
    tpu.vector_store %arg19[%swap3A], %select_n3A {strides = array<i32>} : memref<320xf32, #tpu.memory_space<vmem>>, vector<16xf32>,
    %get3A_24 = arith.constant 16 : index
    %get3A_25 = tpu.vector_load %arg19[%get3A_24] {strides = array<i32>} : memref<320xf32, #tpu.memory_space<vmem>>, vector<16xf32>,
    %get3A_26 = arith.constant 16 : index
    %get3A_27 = tpu.vector_load %arg17[%get3A_26] {strides = array<i32>} : memref<320xf32, #tpu.memory_space<vmem>>, vector<16xf32>,
    %get3A_28 = arith.constant 16 : index
    %get3A_29 = tpu.vector_load %arg15[%get3A_28] {strides = array<i32>} : memref<320xf32, #tpu.memory_space<vmem>>, vector<16xf32>,
    %sub3A_30 = arith.subf %get3A_27, %get3A_29 : vector<16xf32>
    %get3A_31 = arith.constant 16 : index
    %get3A_32 = tpu.vector_load %arg18[%get3A_31] {strides = array<i32>} : memref<320xf32, #tpu.memory_space<vmem>>, vector<16xf32>,
    %get3A_33 = arith.constant 16 : index
    %get3A_34 = tpu.vector_load %arg16[%get3A_33] {strides = array<i32>} : memref<320xf32, #tpu.memory_space<vmem>>, vector<16xf32>,
    %sub3A_35 = arith.subf %get3A_32, %get3A_34 : vector<16xf32>
    %ge3A_36 = arith.constant 1.000000e-03 : f32
    %ge3A_37 = vector.broadcast %ge3A_36 : f32 to vector<16xf32>
    %ge3A_38 = arith.cmpf oge, %get3A_25, %ge3A_37 : vector<16xf32>
    %ge3A_39 = arith.constant 1.000000e+02 : f32
    %ge3A_40 = vector.broadcast %ge3A_39 : f32 to vector<16xf32>
    %ge3A_41 = arith.cmpf oge, %sub3A_30, %ge3A_40 : vector<16xf32>
    %and3A_42 = arith.andi %ge3A_38, %ge3A_41 : vector<16xi1>
    %ge3A_43 = arith.constant 1.000000e+02 : f32
    %ge3A_44 = vector.broadcast %ge3A_43 : f32 to vector<16xf32>
    %ge3A_45 = arith.cmpf oge, %sub3A_35, %ge3A_44 : vector<16xf32>
    %and3A_46 = arith.andi %and3A_42, %ge3A_45 : vector<16xi1>
    %jit3A_47 = arith.constant -1.000000e+30 : f32
    %broadcast_in_dim3A_48 = vector.broadcast %jit3A_47 : f32 to vector<16xf32>
    %select_n3A_49 = arith.select %and3A_46, %get3A_25, %broadcast_in_dim3A_48 : vector<16xi1>, vector<16xf32>
    %swap3A_50 = arith.constant 16 : index
    %swap3A_51 = tpu.vector_load %arg19[%swap3A_50] {strides = array<i32>} : memref<320xf32, #tpu.memory_space<vmem>>, vector<16xf32>,
    tpu.vector_store %arg19[%swap3A_50], %select_n3A_49 {strides = array<i32>} : memref<320xf32, #tpu.memory_space<vmem>>, vector<16xf32>,
    %get3A_52 = arith.constant 32 : index
    %get3A_53 = tpu.vector_load %arg19[%get3A_52] {strides = array<i32>} : memref<320xf32, #tpu.memory_space<vmem>>, vector<16xf32>,
    %get3A_54 = arith.constant 32 : index
    %get3A_55 = tpu.vector_load %arg17[%get3A_54] {strides = array<i32>} : memref<320xf32, #tpu.memory_space<vmem>>, vector<16xf32>,
    %get3A_56 = arith.constant 32 : index
    %get3A_57 = tpu.vector_load %arg15[%get3A_56] {strides = array<i32>} : memref<320xf32, #tpu.memory_space<vmem>>, vector<16xf32>,
    %sub3A_58 = arith.subf %get3A_55, %get3A_57 : vector<16xf32>
    %get3A_59 = arith.constant 32 : index
    %get3A_60 = tpu.vector_load %arg18[%get3A_59] {strides = array<i32>} : memref<320xf32, #tpu.memory_space<vmem>>, vector<16xf32>,
    %get3A_61 = arith.constant 32 : index
    %get3A_62 = tpu.vector_load %arg16[%get3A_61] {strides = array<i32>} : memref<320xf32, #tpu.memory_space<vmem>>, vector<16xf32>,
    %sub3A_63 = arith.subf %get3A_60, %get3A_62 : vector<16xf32>
    %ge3A_64 = arith.constant 1.000000e-03 : f32
    %ge3A_65 = vector.broadcast %ge3A_64 : f32 to vector<16xf32>
    %ge3A_66 = arith.cmpf oge, %get3A_53, %ge3A_65 : vector<16xf32>
    %ge3A_67 = arith.constant 1.000000e+02 : f32
    %ge3A_68 = vector.broadcast %ge3A_67 : f32 to vector<16xf32>
    %ge3A_69 = arith.cmpf oge, %sub3A_58, %ge3A_68 : vector<16xf32>
    %and3A_70 = arith.andi %ge3A_66, %ge3A_69 : vector<16xi1>
    %ge3A_71 = arith.constant 1.000000e+02 : f32
    %ge3A_72 = vector.broadcast %ge3A_71 : f32 to vector<16xf32>
    %ge3A_73 = arith.cmpf oge, %sub3A_63, %ge3A_72 : vector<16xf32>
    %and3A_74 = arith.andi %and3A_70, %ge3A_73 : vector<16xi1>
    %jit3A_75 = arith.constant -1.000000e+30 : f32
    %broadcast_in_dim3A_76 = vector.broadcast %jit3A_75 : f32 to vector<16xf32>
    %select_n3A_77 = arith.select %and3A_74, %get3A_53, %broadcast_in_dim3A_76 : vector<16xi1>, vector<16xf32>
    %swap3A_78 = arith.constant 32 : index
    %swap3A_79 = tpu.vector_load %arg19[%swap3A_78] {strides = array<i32>} : memref<320xf32, #tpu.memory_space<vmem>>, vector<16xf32>,
    tpu.vector_store %arg19[%swap3A_78], %select_n3A_77 {strides = array<i32>} : memref<320xf32, #tpu.memory_space<vmem>>, vector<16xf32>,
    %get3A_80 = arith.constant 48 : index
    %get3A_81 = tpu.vector_load %arg19[%get3A_80] {strides = array<i32>} : memref<320xf32, #tpu.memory_space<vmem>>, vector<16xf32>,
    %get3A_82 = arith.constant 48 : index
    %get3A_83 = tpu.vector_load %arg17[%get3A_82] {strides = array<i32>} : memref<320xf32, #tpu.memory_space<vmem>>, vector<16xf32>,
    %get3A_84 = arith.constant 48 : index
    %get3A_85 = tpu.vector_load %arg15[%get3A_84] {strides = array<i32>} : memref<320xf32, #tpu.memory_space<vmem>>, vector<16xf32>,
    %sub3A_86 = arith.subf %get3A_83, %get3A_85 : vector<16xf32>
    %get3A_87 = arith.constant 48 : index
    %get3A_88 = tpu.vector_load %arg18[%get3A_87] {strides = array<i32>} : memref<320xf32, #tpu.memory_space<vmem>>, vector<16xf32>,
    %get3A_89 = arith.constant 48 : index
    %get3A_90 = tpu.vector_load %arg16[%get3A_89] {strides = array<i32>} : memref<320xf32, #tpu.memory_space<vmem>>, vector<16xf32>,
    %sub3A_91 = arith.subf %get3A_88, %get3A_90 : vector<16xf32>
    %ge3A_92 = arith.constant 1.000000e-03 : f32
    %ge3A_93 = vector.broadcast %ge3A_92 : f32 to vector<16xf32>
    %ge3A_94 = arith.cmpf oge, %get3A_81, %ge3A_93 : vector<16xf32>
    %ge3A_95 = arith.constant 1.000000e+02 : f32
    %ge3A_96 = vector.broadcast %ge3A_95 : f32 to vector<16xf32>
    %ge3A_97 = arith.cmpf oge, %sub3A_86, %ge3A_96 : vector<16xf32>
    %and3A_98 = arith.andi %ge3A_94, %ge3A_97 : vector<16xi1>
    %ge3A_99 = arith.constant 1.000000e+02 : f32
    %ge3A_100 = vector.broadcast %ge3A_99 : f32 to vector<16xf32>
    %ge3A_101 = arith.cmpf oge, %sub3A_91, %ge3A_100 : vector<16xf32>
    %and3A_102 = arith.andi %and3A_98, %ge3A_101 : vector<16xi1>
    %jit3A_103 = arith.constant -1.000000e+30 : f32
    %broadcast_in_dim3A_104 = vector.broadcast %jit3A_103 : f32 to vector<16xf32>
    %select_n3A_105 = arith.select %and3A_102, %get3A_81, %broadcast_in_dim3A_104 : vector<16xi1>, vector<16xf32>
    %swap3A_106 = arith.constant 48 : index
    %swap3A_107 = tpu.vector_load %arg19[%swap3A_106] {strides = array<i32>} : memref<320xf32, #tpu.memory_space<vmem>>, vector<16xf32>,
    tpu.vector_store %arg19[%swap3A_106], %select_n3A_105 {strides = array<i32>} : memref<320xf32, #tpu.memory_space<vmem>>, vector<16xf32>,
    %get3A_108 = arith.constant 64 : index
    %get3A_109 = tpu.vector_load %arg19[%get3A_108] {strides = array<i32>} : memref<320xf32, #tpu.memory_space<vmem>>, vector<16xf32>,
    %get3A_110 = arith.constant 64 : index
    %get3A_111 = tpu.vector_load %arg17[%get3A_110] {strides = array<i32>} : memref<320xf32, #tpu.memory_space<vmem>>, vector<16xf32>,
    %get3A_112 = arith.constant 64 : index
    %get3A_113 = tpu.vector_load %arg15[%get3A_112] {strides = array<i32>} : memref<320xf32, #tpu.memory_space<vmem>>, vector<16xf32>,
    %sub3A_114 = arith.subf %get3A_111, %get3A_113 : vector<16xf32>
    %get3A_115 = arith.constant 64 : index
    %get3A_116 = tpu.vector_load %arg18[%get3A_115] {strides = array<i32>} : memref<320xf32, #tpu.memory_space<vmem>>, vector<16xf32>,
    %get3A_117 = arith.constant 64 : index
    %get3A_118 = tpu.vector_load %arg16[%get3A_117] {strides = array<i32>} : memref<320xf32, #tpu.memory_space<vmem>>, vector<16xf32>,
    %sub3A_119 = arith.subf %get3A_116, %get3A_118 : vector<16xf32>
    %ge3A_120 = arith.constant 1.000000e-03 : f32
    %ge3A_121 = vector.broadcast %ge3A_120 : f32 to vector<16xf32>
    %ge3A_122 = arith.cmpf oge, %get3A_109, %ge3A_121 : vector<16xf32>
    %ge3A_123 = arith.constant 1.000000e+02 : f32
    %ge3A_124 = vector.broadcast %ge3A_123 : f32 to vector<16xf32>
    %ge3A_125 = arith.cmpf oge, %sub3A_114, %ge3A_124 : vector<16xf32>
    %and3A_126 = arith.andi %ge3A_122, %ge3A_125 : vector<16xi1>
    %ge3A_127 = arith.constant 1.000000e+02 : f32
    %ge3A_128 = vector.broadcast %ge3A_127 : f32 to vector<16xf32>
    %ge3A_129 = arith.cmpf oge, %sub3A_119, %ge3A_128 : vector<16xf32>
    %and3A_130 = arith.andi %and3A_126, %ge3A_129 : vector<16xi1>
    %jit3A_131 = arith.constant -1.000000e+30 : f32
    %broadcast_in_dim3A_132 = vector.broadcast %jit3A_131 : f32 to vector<16xf32>
    %select_n3A_133 = arith.select %and3A_130, %get3A_109, %broadcast_in_dim3A_132 : vector<16xi1>, vector<16xf32>
    %swap3A_134 = arith.constant 64 : index
    %swap3A_135 = tpu.vector_load %arg19[%swap3A_134] {strides = array<i32>} : memref<320xf32, #tpu.memory_space<vmem>>, vector<16xf32>,
    tpu.vector_store %arg19[%swap3A_134], %select_n3A_133 {strides = array<i32>} : memref<320xf32, #tpu.memory_space<vmem>>, vector<16xf32>,
    %get3A_136 = arith.constant 80 : index
    %get3A_137 = tpu.vector_load %arg19[%get3A_136] {strides = array<i32>} : memref<320xf32, #tpu.memory_space<vmem>>, vector<16xf32>,
    %get3A_138 = arith.constant 80 : index
    %get3A_139 = tpu.vector_load %arg17[%get3A_138] {strides = array<i32>} : memref<320xf32, #tpu.memory_space<vmem>>, vector<16xf32>,
    %get3A_140 = arith.constant 80 : index
    %get3A_141 = tpu.vector_load %arg15[%get3A_140] {strides = array<i32>} : memref<320xf32, #tpu.memory_space<vmem>>, vector<16xf32>,
    %sub3A_142 = arith.subf %get3A_139, %get3A_141 : vector<16xf32>
    %get3A_143 = arith.constant 80 : index
    %get3A_144 = tpu.vector_load %arg18[%get3A_143] {strides = array<i32>} : memref<320xf32, #tpu.memory_space<vmem>>, vector<16xf32>,
    %get3A_145 = arith.constant 80 : index
    %get3A_146 = tpu.vector_load %arg16[%get3A_145] {strides = array<i32>} : memref<320xf32, #tpu.memory_space<vmem>>, vector<16xf32>,
    %sub3A_147 = arith.subf %get3A_144, %get3A_146 : vector<16xf32>
    %ge3A_148 = arith.constant 1.000000e-03 : f32
    %ge3A_149 = vector.broadcast %ge3A_148 : f32 to vector<16xf32>
    %ge3A_150 = arith.cmpf oge, %get3A_137, %ge3A_149 : vector<16xf32>
    %ge3A_151 = arith.constant 1.000000e+02 : f32
    %ge3A_152 = vector.broadcast %ge3A_151 : f32 to vector<16xf32>
    %ge3A_153 = arith.cmpf oge, %sub3A_142, %ge3A_152 : vector<16xf32>
    %and3A_154 = arith.andi %ge3A_150, %ge3A_153 : vector<16xi1>
    %ge3A_155 = arith.constant 1.000000e+02 : f32
    %ge3A_156 = vector.broadcast %ge3A_155 : f32 to vector<16xf32>
    %ge3A_157 = arith.cmpf oge, %sub3A_147, %ge3A_156 : vector<16xf32>
    %and3A_158 = arith.andi %and3A_154, %ge3A_157 : vector<16xi1>
    %jit3A_159 = arith.constant -1.000000e+30 : f32
    %broadcast_in_dim3A_160 = vector.broadcast %jit3A_159 : f32 to vector<16xf32>
    %select_n3A_161 = arith.select %and3A_158, %get3A_137, %broadcast_in_dim3A_160 : vector<16xi1>, vector<16xf32>
    %swap3A_162 = arith.constant 80 : index
    %swap3A_163 = tpu.vector_load %arg19[%swap3A_162] {strides = array<i32>} : memref<320xf32, #tpu.memory_space<vmem>>, vector<16xf32>,
    tpu.vector_store %arg19[%swap3A_162], %select_n3A_161 {strides = array<i32>} : memref<320xf32, #tpu.memory_space<vmem>>, vector<16xf32>,
    %get3A_164 = arith.constant 96 : index
    %get3A_165 = tpu.vector_load %arg19[%get3A_164] {strides = array<i32>} : memref<320xf32, #tpu.memory_space<vmem>>, vector<16xf32>,
    %get3A_166 = arith.constant 96 : index
    %get3A_167 = tpu.vector_load %arg17[%get3A_166] {strides = array<i32>} : memref<320xf32, #tpu.memory_space<vmem>>, vector<16xf32>,
    %get3A_168 = arith.constant 96 : index
    %get3A_169 = tpu.vector_load %arg15[%get3A_168] {strides = array<i32>} : memref<320xf32, #tpu.memory_space<vmem>>, vector<16xf32>,
    %sub3A_170 = arith.subf %get3A_167, %get3A_169 : vector<16xf32>
    %get3A_171 = arith.constant 96 : index
    %get3A_172 = tpu.vector_load %arg18[%get3A_171] {strides = array<i32>} : memref<320xf32, #tpu.memory_space<vmem>>, vector<16xf32>,
    %get3A_173 = arith.constant 96 : index
    %get3A_174 = tpu.vector_load %arg16[%get3A_173] {strides = array<i32>} : memref<320xf32, #tpu.memory_space<vmem>>, vector<16xf32>,
    %sub3A_175 = arith.subf %get3A_172, %get3A_174 : vector<16xf32>
    %ge3A_176 = arith.constant 1.000000e-03 : f32
    %ge3A_177 = vector.broadcast %ge3A_176 : f32 to vector<16xf32>
    %ge3A_178 = arith.cmpf oge, %get3A_165, %ge3A_177 : vector<16xf32>
    %ge3A_179 = arith.constant 1.000000e+02 : f32
    %ge3A_180 = vector.broadcast %ge3A_179 : f32 to vector<16xf32>
    %ge3A_181 = arith.cmpf oge, %sub3A_170, %ge3A_180 : vector<16xf32>
    %and3A_182 = arith.andi %ge3A_178, %ge3A_181 : vector<16xi1>
    %ge3A_183 = arith.constant 1.000000e+02 : f32
    %ge3A_184 = vector.broadcast %ge3A_183 : f32 to vector<16xf32>
    %ge3A_185 = arith.cmpf oge, %sub3A_175, %ge3A_184 : vector<16xf32>
    %and3A_186 = arith.andi %and3A_182, %ge3A_185 : vector<16xi1>
    %jit3A_187 = arith.constant -1.000000e+30 : f32
    %broadcast_in_dim3A_188 = vector.broadcast %jit3A_187 : f32 to vector<16xf32>
    %select_n3A_189 = arith.select %and3A_186, %get3A_165, %broadcast_in_dim3A_188 : vector<16xi1>, vector<16xf32>
    %swap3A_190 = arith.constant 96 : index
    %swap3A_191 = tpu.vector_load %arg19[%swap3A_190] {strides = array<i32>} : memref<320xf32, #tpu.memory_space<vmem>>, vector<16xf32>,
    tpu.vector_store %arg19[%swap3A_190], %select_n3A_189 {strides = array<i32>} : memref<320xf32, #tpu.memory_space<vmem>>, vector<16xf32>,
    %get3A_192 = arith.constant 112 : index
    %get3A_193 = tpu.vector_load %arg19[%get3A_192] {strides = array<i32>} : memref<320xf32, #tpu.memory_space<vmem>>, vector<16xf32>,
    %get3A_194 = arith.constant 112 : index
    %get3A_195 = tpu.vector_load %arg17[%get3A_194] {strides = array<i32>} : memref<320xf32, #tpu.memory_space<vmem>>, vector<16xf32>,
    %get3A_196 = arith.constant 112 : index
    %get3A_197 = tpu.vector_load %arg15[%get3A_196] {strides = array<i32>} : memref<320xf32, #tpu.memory_space<vmem>>, vector<16xf32>,
    %sub3A_198 = arith.subf %get3A_195, %get3A_197 : vector<16xf32>
    %get3A_199 = arith.constant 112 : index
    %get3A_200 = tpu.vector_load %arg18[%get3A_199] {strides = array<i32>} : memref<320xf32, #tpu.memory_space<vmem>>, vector<16xf32>,
    %get3A_201 = arith.constant 112 : index
    %get3A_202 = tpu.vector_load %arg16[%get3A_201] {strides = array<i32>} : memref<320xf32, #tpu.memory_space<vmem>>, vector<16xf32>,
    %sub3A_203 = arith.subf %get3A_200, %get3A_202 : vector<16xf32>
    %ge3A_204 = arith.constant 1.000000e-03 : f32
    %ge3A_205 = vector.broadcast %ge3A_204 : f32 to vector<16xf32>
    %ge3A_206 = arith.cmpf oge, %get3A_193, %ge3A_205 : vector<16xf32>
    %ge3A_207 = arith.constant 1.000000e+02 : f32
    %ge3A_208 = vector.broadcast %ge3A_207 : f32 to vector<16xf32>
    %ge3A_209 = arith.cmpf oge, %sub3A_198, %ge3A_208 : vector<16xf32>
    %and3A_210 = arith.andi %ge3A_206, %ge3A_209 : vector<16xi1>
    %ge3A_211 = arith.constant 1.000000e+02 : f32
    %ge3A_212 = vector.broadcast %ge3A_211 : f32 to vector<16xf32>
    %ge3A_213 = arith.cmpf oge, %sub3A_203, %ge3A_212 : vector<16xf32>
    %and3A_214 = arith.andi %and3A_210, %ge3A_213 : vector<16xi1>
    %jit3A_215 = arith.constant -1.000000e+30 : f32
    %broadcast_in_dim3A_216 = vector.broadcast %jit3A_215 : f32 to vector<16xf32>
    %select_n3A_217 = arith.select %and3A_214, %get3A_193, %broadcast_in_dim3A_216 : vector<16xi1>, vector<16xf32>
    %swap3A_218 = arith.constant 112 : index
    %swap3A_219 = tpu.vector_load %arg19[%swap3A_218] {strides = array<i32>} : memref<320xf32, #tpu.memory_space<vmem>>, vector<16xf32>,
    tpu.vector_store %arg19[%swap3A_218], %select_n3A_217 {strides = array<i32>} : memref<320xf32, #tpu.memory_space<vmem>>, vector<16xf32>,
    %get3A_220 = arith.constant 128 : index
    %get3A_221 = tpu.vector_load %arg19[%get3A_220] {strides = array<i32>} : memref<320xf32, #tpu.memory_space<vmem>>, vector<16xf32>,
    %get3A_222 = arith.constant 128 : index
    %get3A_223 = tpu.vector_load %arg17[%get3A_222] {strides = array<i32>} : memref<320xf32, #tpu.memory_space<vmem>>, vector<16xf32>,
    %get3A_224 = arith.constant 128 : index
    %get3A_225 = tpu.vector_load %arg15[%get3A_224] {strides = array<i32>} : memref<320xf32, #tpu.memory_space<vmem>>, vector<16xf32>,
    %sub3A_226 = arith.subf %get3A_223, %get3A_225 : vector<16xf32>
    %get3A_227 = arith.constant 128 : index
    %get3A_228 = tpu.vector_load %arg18[%get3A_227] {strides = array<i32>} : memref<320xf32, #tpu.memory_space<vmem>>, vector<16xf32>,
    %get3A_229 = arith.constant 128 : index
    %get3A_230 = tpu.vector_load %arg16[%get3A_229] {strides = array<i32>} : memref<320xf32, #tpu.memory_space<vmem>>, vector<16xf32>,
    %sub3A_231 = arith.subf %get3A_228, %get3A_230 : vector<16xf32>
    %ge3A_232 = arith.constant 1.000000e-03 : f32
    %ge3A_233 = vector.broadcast %ge3A_232 : f32 to vector<16xf32>
    %ge3A_234 = arith.cmpf oge, %get3A_221, %ge3A_233 : vector<16xf32>
    %ge3A_235 = arith.constant 1.000000e+02 : f32
    %ge3A_236 = vector.broadcast %ge3A_235 : f32 to vector<16xf32>
    %ge3A_237 = arith.cmpf oge, %sub3A_226, %ge3A_236 : vector<16xf32>
    %and3A_238 = arith.andi %ge3A_234, %ge3A_237 : vector<16xi1>
    %ge3A_239 = arith.constant 1.000000e+02 : f32
    %ge3A_240 = vector.broadcast %ge3A_239 : f32 to vector<16xf32>
    %ge3A_241 = arith.cmpf oge, %sub3A_231, %ge3A_240 : vector<16xf32>
    %and3A_242 = arith.andi %and3A_238, %ge3A_241 : vector<16xi1>
    %jit3A_243 = arith.constant -1.000000e+30 : f32
    %broadcast_in_dim3A_244 = vector.broadcast %jit3A_243 : f32 to vector<16xf32>
    %select_n3A_245 = arith.select %and3A_242, %get3A_221, %broadcast_in_dim3A_244 : vector<16xi1>, vector<16xf32>
    %swap3A_246 = arith.constant 128 : index
    %swap3A_247 = tpu.vector_load %arg19[%swap3A_246] {strides = array<i32>} : memref<320xf32, #tpu.memory_space<vmem>>, vector<16xf32>,
    tpu.vector_store %arg19[%swap3A_246], %select_n3A_245 {strides = array<i32>} : memref<320xf32, #tpu.memory_space<vmem>>, vector<16xf32>,
    %get3A_248 = arith.constant 144 : index
    %get3A_249 = tpu.vector_load %arg19[%get3A_248] {strides = array<i32>} : memref<320xf32, #tpu.memory_space<vmem>>, vector<16xf32>,
    %get3A_250 = arith.constant 144 : index
    %get3A_251 = tpu.vector_load %arg17[%get3A_250] {strides = array<i32>} : memref<320xf32, #tpu.memory_space<vmem>>, vector<16xf32>,
    %get3A_252 = arith.constant 144 : index
    %get3A_253 = tpu.vector_load %arg15[%get3A_252] {strides = array<i32>} : memref<320xf32, #tpu.memory_space<vmem>>, vector<16xf32>,
    %sub3A_254 = arith.subf %get3A_251, %get3A_253 : vector<16xf32>
    %get3A_255 = arith.constant 144 : index
    %get3A_256 = tpu.vector_load %arg18[%get3A_255] {strides = array<i32>} : memref<320xf32, #tpu.memory_space<vmem>>, vector<16xf32>,
    %get3A_257 = arith.constant 144 : index
    %get3A_258 = tpu.vector_load %arg16[%get3A_257] {strides = array<i32>} : memref<320xf32, #tpu.memory_space<vmem>>, vector<16xf32>,
    %sub3A_259 = arith.subf %get3A_256, %get3A_258 : vector<16xf32>
    %ge3A_260 = arith.constant 1.000000e-03 : f32
    %ge3A_261 = vector.broadcast %ge3A_260 : f32 to vector<16xf32>
    %ge3A_262 = arith.cmpf oge, %get3A_249, %ge3A_261 : vector<16xf32>
    %ge3A_263 = arith.constant 1.000000e+02 : f32
    %ge3A_264 = vector.broadcast %ge3A_263 : f32 to vector<16xf32>
    %ge3A_265 = arith.cmpf oge, %sub3A_254, %ge3A_264 : vector<16xf32>
    %and3A_266 = arith.andi %ge3A_262, %ge3A_265 : vector<16xi1>
    %ge3A_267 = arith.constant 1.000000e+02 : f32
    %ge3A_268 = vector.broadcast %ge3A_267 : f32 to vector<16xf32>
    %ge3A_269 = arith.cmpf oge, %sub3A_259, %ge3A_268 : vector<16xf32>
    %and3A_270 = arith.andi %and3A_266, %ge3A_269 : vector<16xi1>
    %jit3A_271 = arith.constant -1.000000e+30 : f32
    %broadcast_in_dim3A_272 = vector.broadcast %jit3A_271 : f32 to vector<16xf32>
    %select_n3A_273 = arith.select %and3A_270, %get3A_249, %broadcast_in_dim3A_272 : vector<16xi1>, vector<16xf32>
    %swap3A_274 = arith.constant 144 : index
    %swap3A_275 = tpu.vector_load %arg19[%swap3A_274] {strides = array<i32>} : memref<320xf32, #tpu.memory_space<vmem>>, vector<16xf32>,
    tpu.vector_store %arg19[%swap3A_274], %select_n3A_273 {strides = array<i32>} : memref<320xf32, #tpu.memory_space<vmem>>, vector<16xf32>,
    %get3A_276 = arith.constant 160 : index
    %get3A_277 = tpu.vector_load %arg19[%get3A_276] {strides = array<i32>} : memref<320xf32, #tpu.memory_space<vmem>>, vector<16xf32>,
    %get3A_278 = arith.constant 160 : index
    %get3A_279 = tpu.vector_load %arg17[%get3A_278] {strides = array<i32>} : memref<320xf32, #tpu.memory_space<vmem>>, vector<16xf32>,
    %get3A_280 = arith.constant 160 : index
    %get3A_281 = tpu.vector_load %arg15[%get3A_280] {strides = array<i32>} : memref<320xf32, #tpu.memory_space<vmem>>, vector<16xf32>,
    %sub3A_282 = arith.subf %get3A_279, %get3A_281 : vector<16xf32>
    %get3A_283 = arith.constant 160 : index
    %get3A_284 = tpu.vector_load %arg18[%get3A_283] {strides = array<i32>} : memref<320xf32, #tpu.memory_space<vmem>>, vector<16xf32>,
    %get3A_285 = arith.constant 160 : index
    %get3A_286 = tpu.vector_load %arg16[%get3A_285] {strides = array<i32>} : memref<320xf32, #tpu.memory_space<vmem>>, vector<16xf32>,
    %sub3A_287 = arith.subf %get3A_284, %get3A_286 : vector<16xf32>
    %ge3A_288 = arith.constant 1.000000e-03 : f32
    %ge3A_289 = vector.broadcast %ge3A_288 : f32 to vector<16xf32>
    %ge3A_290 = arith.cmpf oge, %get3A_277, %ge3A_289 : vector<16xf32>
    %ge3A_291 = arith.constant 1.000000e+02 : f32
    %ge3A_292 = vector.broadcast %ge3A_291 : f32 to vector<16xf32>
    %ge3A_293 = arith.cmpf oge, %sub3A_282, %ge3A_292 : vector<16xf32>
    %and3A_294 = arith.andi %ge3A_290, %ge3A_293 : vector<16xi1>
    %ge3A_295 = arith.constant 1.000000e+02 : f32
    %ge3A_296 = vector.broadcast %ge3A_295 : f32 to vector<16xf32>
    %ge3A_297 = arith.cmpf oge, %sub3A_287, %ge3A_296 : vector<16xf32>
    %and3A_298 = arith.andi %and3A_294, %ge3A_297 : vector<16xi1>
    %jit3A_299 = arith.constant -1.000000e+30 : f32
    %broadcast_in_dim3A_300 = vector.broadcast %jit3A_299 : f32 to vector<16xf32>
    %select_n3A_301 = arith.select %and3A_298, %get3A_277, %broadcast_in_dim3A_300 : vector<16xi1>, vector<16xf32>
    %swap3A_302 = arith.constant 160 : index
    %swap3A_303 = tpu.vector_load %arg19[%swap3A_302] {strides = array<i32>} : memref<320xf32, #tpu.memory_space<vmem>>, vector<16xf32>,
    tpu.vector_store %arg19[%swap3A_302], %select_n3A_301 {strides = array<i32>} : memref<320xf32, #tpu.memory_space<vmem>>, vector<16xf32>,
    %get3A_304 = arith.constant 176 : index
    %get3A_305 = tpu.vector_load %arg19[%get3A_304] {strides = array<i32>} : memref<320xf32, #tpu.memory_space<vmem>>, vector<16xf32>,
    %get3A_306 = arith.constant 176 : index
    %get3A_307 = tpu.vector_load %arg17[%get3A_306] {strides = array<i32>} : memref<320xf32, #tpu.memory_space<vmem>>, vector<16xf32>,
    %get3A_308 = arith.constant 176 : index
    %get3A_309 = tpu.vector_load %arg15[%get3A_308] {strides = array<i32>} : memref<320xf32, #tpu.memory_space<vmem>>, vector<16xf32>,
    %sub3A_310 = arith.subf %get3A_307, %get3A_309 : vector<16xf32>
    %get3A_311 = arith.constant 176 : index
    %get3A_312 = tpu.vector_load %arg18[%get3A_311] {strides = array<i32>} : memref<320xf32, #tpu.memory_space<vmem>>, vector<16xf32>,
    %get3A_313 = arith.constant 176 : index
    %get3A_314 = tpu.vector_load %arg16[%get3A_313] {strides = array<i32>} : memref<320xf32, #tpu.memory_space<vmem>>, vector<16xf32>,
    %sub3A_315 = arith.subf %get3A_312, %get3A_314 : vector<16xf32>
    %ge3A_316 = arith.constant 1.000000e-03 : f32
    %ge3A_317 = vector.broadcast %ge3A_316 : f32 to vector<16xf32>
    %ge3A_318 = arith.cmpf oge, %get3A_305, %ge3A_317 : vector<16xf32>
    %ge3A_319 = arith.constant 1.000000e+02 : f32
    %ge3A_320 = vector.broadcast %ge3A_319 : f32 to vector<16xf32>
    %ge3A_321 = arith.cmpf oge, %sub3A_310, %ge3A_320 : vector<16xf32>
    %and3A_322 = arith.andi %ge3A_318, %ge3A_321 : vector<16xi1>
    %ge3A_323 = arith.constant 1.000000e+02 : f32
    %ge3A_324 = vector.broadcast %ge3A_323 : f32 to vector<16xf32>
    %ge3A_325 = arith.cmpf oge, %sub3A_315, %ge3A_324 : vector<16xf32>
    %and3A_326 = arith.andi %and3A_322, %ge3A_325 : vector<16xi1>
    %jit3A_327 = arith.constant -1.000000e+30 : f32
    %broadcast_in_dim3A_328 = vector.broadcast %jit3A_327 : f32 to vector<16xf32>
    %select_n3A_329 = arith.select %and3A_326, %get3A_305, %broadcast_in_dim3A_328 : vector<16xi1>, vector<16xf32>
    %swap3A_330 = arith.constant 176 : index
    %swap3A_331 = tpu.vector_load %arg19[%swap3A_330] {strides = array<i32>} : memref<320xf32, #tpu.memory_space<vmem>>, vector<16xf32>,
    tpu.vector_store %arg19[%swap3A_330], %select_n3A_329 {strides = array<i32>} : memref<320xf32, #tpu.memory_space<vmem>>, vector<16xf32>,
    %get3A_332 = arith.constant 192 : index
    %get3A_333 = tpu.vector_load %arg19[%get3A_332] {strides = array<i32>} : memref<320xf32, #tpu.memory_space<vmem>>, vector<16xf32>,
    %get3A_334 = arith.constant 192 : index
    %get3A_335 = tpu.vector_load %arg17[%get3A_334] {strides = array<i32>} : memref<320xf32, #tpu.memory_space<vmem>>, vector<16xf32>,
    %get3A_336 = arith.constant 192 : index
    %get3A_337 = tpu.vector_load %arg15[%get3A_336] {strides = array<i32>} : memref<320xf32, #tpu.memory_space<vmem>>, vector<16xf32>,
    %sub3A_338 = arith.subf %get3A_335, %get3A_337 : vector<16xf32>
    %get3A_339 = arith.constant 192 : index
    %get3A_340 = tpu.vector_load %arg18[%get3A_339] {strides = array<i32>} : memref<320xf32, #tpu.memory_space<vmem>>, vector<16xf32>,
    %get3A_341 = arith.constant 192 : index
    %get3A_342 = tpu.vector_load %arg16[%get3A_341] {strides = array<i32>} : memref<320xf32, #tpu.memory_space<vmem>>, vector<16xf32>,
    %sub3A_343 = arith.subf %get3A_340, %get3A_342 : vector<16xf32>
    %ge3A_344 = arith.constant 1.000000e-03 : f32
    %ge3A_345 = vector.broadcast %ge3A_344 : f32 to vector<16xf32>
    %ge3A_346 = arith.cmpf oge, %get3A_333, %ge3A_345 : vector<16xf32>
    %ge3A_347 = arith.constant 1.000000e+02 : f32
    %ge3A_348 = vector.broadcast %ge3A_347 : f32 to vector<16xf32>
    %ge3A_349 = arith.cmpf oge, %sub3A_338, %ge3A_348 : vector<16xf32>
    %and3A_350 = arith.andi %ge3A_346, %ge3A_349 : vector<16xi1>
    %ge3A_351 = arith.constant 1.000000e+02 : f32
    %ge3A_352 = vector.broadcast %ge3A_351 : f32 to vector<16xf32>
    %ge3A_353 = arith.cmpf oge, %sub3A_343, %ge3A_352 : vector<16xf32>
    %and3A_354 = arith.andi %and3A_350, %ge3A_353 : vector<16xi1>
    %jit3A_355 = arith.constant -1.000000e+30 : f32
    %broadcast_in_dim3A_356 = vector.broadcast %jit3A_355 : f32 to vector<16xf32>
    %select_n3A_357 = arith.select %and3A_354, %get3A_333, %broadcast_in_dim3A_356 : vector<16xi1>, vector<16xf32>
    %swap3A_358 = arith.constant 192 : index
    %swap3A_359 = tpu.vector_load %arg19[%swap3A_358] {strides = array<i32>} : memref<320xf32, #tpu.memory_space<vmem>>, vector<16xf32>,
    tpu.vector_store %arg19[%swap3A_358], %select_n3A_357 {strides = array<i32>} : memref<320xf32, #tpu.memory_space<vmem>>, vector<16xf32>,
    %get3A_360 = arith.constant 208 : index
    %get3A_361 = tpu.vector_load %arg19[%get3A_360] {strides = array<i32>} : memref<320xf32, #tpu.memory_space<vmem>>, vector<16xf32>,
    %get3A_362 = arith.constant 208 : index
    %get3A_363 = tpu.vector_load %arg17[%get3A_362] {strides = array<i32>} : memref<320xf32, #tpu.memory_space<vmem>>, vector<16xf32>,
    %get3A_364 = arith.constant 208 : index
    %get3A_365 = tpu.vector_load %arg15[%get3A_364] {strides = array<i32>} : memref<320xf32, #tpu.memory_space<vmem>>, vector<16xf32>,
    %sub3A_366 = arith.subf %get3A_363, %get3A_365 : vector<16xf32>
    %get3A_367 = arith.constant 208 : index
    %get3A_368 = tpu.vector_load %arg18[%get3A_367] {strides = array<i32>} : memref<320xf32, #tpu.memory_space<vmem>>, vector<16xf32>,
    %get3A_369 = arith.constant 208 : index
    %get3A_370 = tpu.vector_load %arg16[%get3A_369] {strides = array<i32>} : memref<320xf32, #tpu.memory_space<vmem>>, vector<16xf32>,
    %sub3A_371 = arith.subf %get3A_368, %get3A_370 : vector<16xf32>
    %ge3A_372 = arith.constant 1.000000e-03 : f32
    %ge3A_373 = vector.broadcast %ge3A_372 : f32 to vector<16xf32>
    %ge3A_374 = arith.cmpf oge, %get3A_361, %ge3A_373 : vector<16xf32>
    %ge3A_375 = arith.constant 1.000000e+02 : f32
    %ge3A_376 = vector.broadcast %ge3A_375 : f32 to vector<16xf32>
    %ge3A_377 = arith.cmpf oge, %sub3A_366, %ge3A_376 : vector<16xf32>
    %and3A_378 = arith.andi %ge3A_374, %ge3A_377 : vector<16xi1>
    %ge3A_379 = arith.constant 1.000000e+02 : f32
    %ge3A_380 = vector.broadcast %ge3A_379 : f32 to vector<16xf32>
    %ge3A_381 = arith.cmpf oge, %sub3A_371, %ge3A_380 : vector<16xf32>
    %and3A_382 = arith.andi %and3A_378, %ge3A_381 : vector<16xi1>
    %jit3A_383 = arith.constant -1.000000e+30 : f32
    %broadcast_in_dim3A_384 = vector.broadcast %jit3A_383 : f32 to vector<16xf32>
    %select_n3A_385 = arith.select %and3A_382, %get3A_361, %broadcast_in_dim3A_384 : vector<16xi1>, vector<16xf32>
    %swap3A_386 = arith.constant 208 : index
    %swap3A_387 = tpu.vector_load %arg19[%swap3A_386] {strides = array<i32>} : memref<320xf32, #tpu.memory_space<vmem>>, vector<16xf32>,
    tpu.vector_store %arg19[%swap3A_386], %select_n3A_385 {strides = array<i32>} : memref<320xf32, #tpu.memory_space<vmem>>, vector<16xf32>,
    %get3A_388 = arith.constant 224 : index
    %get3A_389 = tpu.vector_load %arg19[%get3A_388] {strides = array<i32>} : memref<320xf32, #tpu.memory_space<vmem>>, vector<16xf32>,
    %get3A_390 = arith.constant 224 : index
    %get3A_391 = tpu.vector_load %arg17[%get3A_390] {strides = array<i32>} : memref<320xf32, #tpu.memory_space<vmem>>, vector<16xf32>,
    %get3A_392 = arith.constant 224 : index
    %get3A_393 = tpu.vector_load %arg15[%get3A_392] {strides = array<i32>} : memref<320xf32, #tpu.memory_space<vmem>>, vector<16xf32>,
    %sub3A_394 = arith.subf %get3A_391, %get3A_393 : vector<16xf32>
    %get3A_395 = arith.constant 224 : index
    %get3A_396 = tpu.vector_load %arg18[%get3A_395] {strides = array<i32>} : memref<320xf32, #tpu.memory_space<vmem>>, vector<16xf32>,
    %get3A_397 = arith.constant 224 : index
    %get3A_398 = tpu.vector_load %arg16[%get3A_397] {strides = array<i32>} : memref<320xf32, #tpu.memory_space<vmem>>, vector<16xf32>,
    %sub3A_399 = arith.subf %get3A_396, %get3A_398 : vector<16xf32>
    %ge3A_400 = arith.constant 1.000000e-03 : f32
    %ge3A_401 = vector.broadcast %ge3A_400 : f32 to vector<16xf32>
    %ge3A_402 = arith.cmpf oge, %get3A_389, %ge3A_401 : vector<16xf32>
    %ge3A_403 = arith.constant 1.000000e+02 : f32
    %ge3A_404 = vector.broadcast %ge3A_403 : f32 to vector<16xf32>
    %ge3A_405 = arith.cmpf oge, %sub3A_394, %ge3A_404 : vector<16xf32>
    %and3A_406 = arith.andi %ge3A_402, %ge3A_405 : vector<16xi1>
    %ge3A_407 = arith.constant 1.000000e+02 : f32
    %ge3A_408 = vector.broadcast %ge3A_407 : f32 to vector<16xf32>
    %ge3A_409 = arith.cmpf oge, %sub3A_399, %ge3A_408 : vector<16xf32>
    %and3A_410 = arith.andi %and3A_406, %ge3A_409 : vector<16xi1>
    %jit3A_411 = arith.constant -1.000000e+30 : f32
    %broadcast_in_dim3A_412 = vector.broadcast %jit3A_411 : f32 to vector<16xf32>
    %select_n3A_413 = arith.select %and3A_410, %get3A_389, %broadcast_in_dim3A_412 : vector<16xi1>, vector<16xf32>
    %swap3A_414 = arith.constant 224 : index
    %swap3A_415 = tpu.vector_load %arg19[%swap3A_414] {strides = array<i32>} : memref<320xf32, #tpu.memory_space<vmem>>, vector<16xf32>,
    tpu.vector_store %arg19[%swap3A_414], %select_n3A_413 {strides = array<i32>} : memref<320xf32, #tpu.memory_space<vmem>>, vector<16xf32>,
    %get3A_416 = arith.constant 240 : index
    %get3A_417 = tpu.vector_load %arg19[%get3A_416] {strides = array<i32>} : memref<320xf32, #tpu.memory_space<vmem>>, vector<16xf32>,
    %get3A_418 = arith.constant 240 : index
    %get3A_419 = tpu.vector_load %arg17[%get3A_418] {strides = array<i32>} : memref<320xf32, #tpu.memory_space<vmem>>, vector<16xf32>,
    %get3A_420 = arith.constant 240 : index
    %get3A_421 = tpu.vector_load %arg15[%get3A_420] {strides = array<i32>} : memref<320xf32, #tpu.memory_space<vmem>>, vector<16xf32>,
    %sub3A_422 = arith.subf %get3A_419, %get3A_421 : vector<16xf32>
    %get3A_423 = arith.constant 240 : index
    %get3A_424 = tpu.vector_load %arg18[%get3A_423] {strides = array<i32>} : memref<320xf32, #tpu.memory_space<vmem>>, vector<16xf32>,
    %get3A_425 = arith.constant 240 : index
    %get3A_426 = tpu.vector_load %arg16[%get3A_425] {strides = array<i32>} : memref<320xf32, #tpu.memory_space<vmem>>, vector<16xf32>,
    %sub3A_427 = arith.subf %get3A_424, %get3A_426 : vector<16xf32>
    %ge3A_428 = arith.constant 1.000000e-03 : f32
    %ge3A_429 = vector.broadcast %ge3A_428 : f32 to vector<16xf32>
    %ge3A_430 = arith.cmpf oge, %get3A_417, %ge3A_429 : vector<16xf32>
    %ge3A_431 = arith.constant 1.000000e+02 : f32
    %ge3A_432 = vector.broadcast %ge3A_431 : f32 to vector<16xf32>
    %ge3A_433 = arith.cmpf oge, %sub3A_422, %ge3A_432 : vector<16xf32>
    %and3A_434 = arith.andi %ge3A_430, %ge3A_433 : vector<16xi1>
    %ge3A_435 = arith.constant 1.000000e+02 : f32
    %ge3A_436 = vector.broadcast %ge3A_435 : f32 to vector<16xf32>
    %ge3A_437 = arith.cmpf oge, %sub3A_427, %ge3A_436 : vector<16xf32>
    %and3A_438 = arith.andi %and3A_434, %ge3A_437 : vector<16xi1>
    %jit3A_439 = arith.constant -1.000000e+30 : f32
    %broadcast_in_dim3A_440 = vector.broadcast %jit3A_439 : f32 to vector<16xf32>
    %select_n3A_441 = arith.select %and3A_438, %get3A_417, %broadcast_in_dim3A_440 : vector<16xi1>, vector<16xf32>
    %swap3A_442 = arith.constant 240 : index
    %swap3A_443 = tpu.vector_load %arg19[%swap3A_442] {strides = array<i32>} : memref<320xf32, #tpu.memory_space<vmem>>, vector<16xf32>,
    tpu.vector_store %arg19[%swap3A_442], %select_n3A_441 {strides = array<i32>} : memref<320xf32, #tpu.memory_space<vmem>>, vector<16xf32>,
    %get3A_444 = arith.constant 256 : index
    %get3A_445 = tpu.vector_load %arg19[%get3A_444] {strides = array<i32>} : memref<320xf32, #tpu.memory_space<vmem>>, vector<16xf32>,
    %get3A_446 = arith.constant 256 : index
    %get3A_447 = tpu.vector_load %arg17[%get3A_446] {strides = array<i32>} : memref<320xf32, #tpu.memory_space<vmem>>, vector<16xf32>,
    %get3A_448 = arith.constant 256 : index
    %get3A_449 = tpu.vector_load %arg15[%get3A_448] {strides = array<i32>} : memref<320xf32, #tpu.memory_space<vmem>>, vector<16xf32>,
    %sub3A_450 = arith.subf %get3A_447, %get3A_449 : vector<16xf32>
    %get3A_451 = arith.constant 256 : index
    %get3A_452 = tpu.vector_load %arg18[%get3A_451] {strides = array<i32>} : memref<320xf32, #tpu.memory_space<vmem>>, vector<16xf32>,
    %get3A_453 = arith.constant 256 : index
    %get3A_454 = tpu.vector_load %arg16[%get3A_453] {strides = array<i32>} : memref<320xf32, #tpu.memory_space<vmem>>, vector<16xf32>,
    %sub3A_455 = arith.subf %get3A_452, %get3A_454 : vector<16xf32>
    %ge3A_456 = arith.constant 1.000000e-03 : f32
    %ge3A_457 = vector.broadcast %ge3A_456 : f32 to vector<16xf32>
    %ge3A_458 = arith.cmpf oge, %get3A_445, %ge3A_457 : vector<16xf32>
    %ge3A_459 = arith.constant 1.000000e+02 : f32
    %ge3A_460 = vector.broadcast %ge3A_459 : f32 to vector<16xf32>
    %ge3A_461 = arith.cmpf oge, %sub3A_450, %ge3A_460 : vector<16xf32>
    %and3A_462 = arith.andi %ge3A_458, %ge3A_461 : vector<16xi1>
    %ge3A_463 = arith.constant 1.000000e+02 : f32
    %ge3A_464 = vector.broadcast %ge3A_463 : f32 to vector<16xf32>
    %ge3A_465 = arith.cmpf oge, %sub3A_455, %ge3A_464 : vector<16xf32>
    %and3A_466 = arith.andi %and3A_462, %ge3A_465 : vector<16xi1>
    %jit3A_467 = arith.constant -1.000000e+30 : f32
    %broadcast_in_dim3A_468 = vector.broadcast %jit3A_467 : f32 to vector<16xf32>
    %select_n3A_469 = arith.select %and3A_466, %get3A_445, %broadcast_in_dim3A_468 : vector<16xi1>, vector<16xf32>
    %swap3A_470 = arith.constant 256 : index
    %swap3A_471 = tpu.vector_load %arg19[%swap3A_470] {strides = array<i32>} : memref<320xf32, #tpu.memory_space<vmem>>, vector<16xf32>,
    tpu.vector_store %arg19[%swap3A_470], %select_n3A_469 {strides = array<i32>} : memref<320xf32, #tpu.memory_space<vmem>>, vector<16xf32>,
    %get3A_472 = arith.constant 272 : index
    %get3A_473 = tpu.vector_load %arg19[%get3A_472] {strides = array<i32>} : memref<320xf32, #tpu.memory_space<vmem>>, vector<16xf32>,
    %get3A_474 = arith.constant 272 : index
    %get3A_475 = tpu.vector_load %arg17[%get3A_474] {strides = array<i32>} : memref<320xf32, #tpu.memory_space<vmem>>, vector<16xf32>,
    %get3A_476 = arith.constant 272 : index
    %get3A_477 = tpu.vector_load %arg15[%get3A_476] {strides = array<i32>} : memref<320xf32, #tpu.memory_space<vmem>>, vector<16xf32>,
    %sub3A_478 = arith.subf %get3A_475, %get3A_477 : vector<16xf32>
    %get3A_479 = arith.constant 272 : index
    %get3A_480 = tpu.vector_load %arg18[%get3A_479] {strides = array<i32>} : memref<320xf32, #tpu.memory_space<vmem>>, vector<16xf32>,
    %get3A_481 = arith.constant 272 : index
    %get3A_482 = tpu.vector_load %arg16[%get3A_481] {strides = array<i32>} : memref<320xf32, #tpu.memory_space<vmem>>, vector<16xf32>,
    %sub3A_483 = arith.subf %get3A_480, %get3A_482 : vector<16xf32>
    %ge3A_484 = arith.constant 1.000000e-03 : f32
    %ge3A_485 = vector.broadcast %ge3A_484 : f32 to vector<16xf32>
    %ge3A_486 = arith.cmpf oge, %get3A_473, %ge3A_485 : vector<16xf32>
    %ge3A_487 = arith.constant 1.000000e+02 : f32
    %ge3A_488 = vector.broadcast %ge3A_487 : f32 to vector<16xf32>
    %ge3A_489 = arith.cmpf oge, %sub3A_478, %ge3A_488 : vector<16xf32>
    %and3A_490 = arith.andi %ge3A_486, %ge3A_489 : vector<16xi1>
    %ge3A_491 = arith.constant 1.000000e+02 : f32
    %ge3A_492 = vector.broadcast %ge3A_491 : f32 to vector<16xf32>
    %ge3A_493 = arith.cmpf oge, %sub3A_483, %ge3A_492 : vector<16xf32>
    %and3A_494 = arith.andi %and3A_490, %ge3A_493 : vector<16xi1>
    %jit3A_495 = arith.constant -1.000000e+30 : f32
    %broadcast_in_dim3A_496 = vector.broadcast %jit3A_495 : f32 to vector<16xf32>
    %select_n3A_497 = arith.select %and3A_494, %get3A_473, %broadcast_in_dim3A_496 : vector<16xi1>, vector<16xf32>
    %swap3A_498 = arith.constant 272 : index
    %swap3A_499 = tpu.vector_load %arg19[%swap3A_498] {strides = array<i32>} : memref<320xf32, #tpu.memory_space<vmem>>, vector<16xf32>,
    tpu.vector_store %arg19[%swap3A_498], %select_n3A_497 {strides = array<i32>} : memref<320xf32, #tpu.memory_space<vmem>>, vector<16xf32>,
    %get3A_500 = arith.constant 288 : index
    %get3A_501 = tpu.vector_load %arg19[%get3A_500] {strides = array<i32>} : memref<320xf32, #tpu.memory_space<vmem>>, vector<16xf32>,
    %get3A_502 = arith.constant 288 : index
    %get3A_503 = tpu.vector_load %arg17[%get3A_502] {strides = array<i32>} : memref<320xf32, #tpu.memory_space<vmem>>, vector<16xf32>,
    %get3A_504 = arith.constant 288 : index
    %get3A_505 = tpu.vector_load %arg15[%get3A_504] {strides = array<i32>} : memref<320xf32, #tpu.memory_space<vmem>>, vector<16xf32>,
    %sub3A_506 = arith.subf %get3A_503, %get3A_505 : vector<16xf32>
    %get3A_507 = arith.constant 288 : index
    %get3A_508 = tpu.vector_load %arg18[%get3A_507] {strides = array<i32>} : memref<320xf32, #tpu.memory_space<vmem>>, vector<16xf32>,
    %get3A_509 = arith.constant 288 : index
    %get3A_510 = tpu.vector_load %arg16[%get3A_509] {strides = array<i32>} : memref<320xf32, #tpu.memory_space<vmem>>, vector<16xf32>,
    %sub3A_511 = arith.subf %get3A_508, %get3A_510 : vector<16xf32>
    %ge3A_512 = arith.constant 1.000000e-03 : f32
    %ge3A_513 = vector.broadcast %ge3A_512 : f32 to vector<16xf32>
    %ge3A_514 = arith.cmpf oge, %get3A_501, %ge3A_513 : vector<16xf32>
    %ge3A_515 = arith.constant 1.000000e+02 : f32
    %ge3A_516 = vector.broadcast %ge3A_515 : f32 to vector<16xf32>
    %ge3A_517 = arith.cmpf oge, %sub3A_506, %ge3A_516 : vector<16xf32>
    %and3A_518 = arith.andi %ge3A_514, %ge3A_517 : vector<16xi1>
    %ge3A_519 = arith.constant 1.000000e+02 : f32
    %ge3A_520 = vector.broadcast %ge3A_519 : f32 to vector<16xf32>
    %ge3A_521 = arith.cmpf oge, %sub3A_511, %ge3A_520 : vector<16xf32>
    %and3A_522 = arith.andi %and3A_518, %ge3A_521 : vector<16xi1>
    %jit3A_523 = arith.constant -1.000000e+30 : f32
    %broadcast_in_dim3A_524 = vector.broadcast %jit3A_523 : f32 to vector<16xf32>
    %select_n3A_525 = arith.select %and3A_522, %get3A_501, %broadcast_in_dim3A_524 : vector<16xi1>, vector<16xf32>
    %swap3A_526 = arith.constant 288 : index
    %swap3A_527 = tpu.vector_load %arg19[%swap3A_526] {strides = array<i32>} : memref<320xf32, #tpu.memory_space<vmem>>, vector<16xf32>,
    tpu.vector_store %arg19[%swap3A_526], %select_n3A_525 {strides = array<i32>} : memref<320xf32, #tpu.memory_space<vmem>>, vector<16xf32>,
    %get3A_528 = arith.constant 304 : index
    %get3A_529 = tpu.vector_load %arg19[%get3A_528] {strides = array<i32>} : memref<320xf32, #tpu.memory_space<vmem>>, vector<16xf32>,
    %get3A_530 = arith.constant 304 : index
    %get3A_531 = tpu.vector_load %arg17[%get3A_530] {strides = array<i32>} : memref<320xf32, #tpu.memory_space<vmem>>, vector<16xf32>,
    %get3A_532 = arith.constant 304 : index
    %get3A_533 = tpu.vector_load %arg15[%get3A_532] {strides = array<i32>} : memref<320xf32, #tpu.memory_space<vmem>>, vector<16xf32>,
    %sub3A_534 = arith.subf %get3A_531, %get3A_533 : vector<16xf32>
    %get3A_535 = arith.constant 304 : index
    %get3A_536 = tpu.vector_load %arg18[%get3A_535] {strides = array<i32>} : memref<320xf32, #tpu.memory_space<vmem>>, vector<16xf32>,
    %get3A_537 = arith.constant 304 : index
    %get3A_538 = tpu.vector_load %arg16[%get3A_537] {strides = array<i32>} : memref<320xf32, #tpu.memory_space<vmem>>, vector<16xf32>,
    %sub3A_539 = arith.subf %get3A_536, %get3A_538 : vector<16xf32>
    %ge3A_540 = arith.constant 1.000000e-03 : f32
    %ge3A_541 = vector.broadcast %ge3A_540 : f32 to vector<16xf32>
    %ge3A_542 = arith.cmpf oge, %get3A_529, %ge3A_541 : vector<16xf32>
    %ge3A_543 = arith.constant 1.000000e+02 : f32
    %ge3A_544 = vector.broadcast %ge3A_543 : f32 to vector<16xf32>
    %ge3A_545 = arith.cmpf oge, %sub3A_534, %ge3A_544 : vector<16xf32>
    %and3A_546 = arith.andi %ge3A_542, %ge3A_545 : vector<16xi1>
    %ge3A_547 = arith.constant 1.000000e+02 : f32
    %ge3A_548 = vector.broadcast %ge3A_547 : f32 to vector<16xf32>
    %ge3A_549 = arith.cmpf oge, %sub3A_539, %ge3A_548 : vector<16xf32>
    %and3A_550 = arith.andi %and3A_546, %ge3A_549 : vector<16xi1>
    %jit3A_551 = arith.constant -1.000000e+30 : f32
    %broadcast_in_dim3A_552 = vector.broadcast %jit3A_551 : f32 to vector<16xf32>
    %select_n3A_553 = arith.select %and3A_550, %get3A_529, %broadcast_in_dim3A_552 : vector<16xi1>, vector<16xf32>
    %swap3A_554 = arith.constant 304 : index
    %swap3A_555 = tpu.vector_load %arg19[%swap3A_554] {strides = array<i32>} : memref<320xf32, #tpu.memory_space<vmem>>, vector<16xf32>,
    tpu.vector_store %arg19[%swap3A_554], %select_n3A_553 {strides = array<i32>} : memref<320xf32, #tpu.memory_space<vmem>>, vector<16xf32>,
    %broadcast_in_dim3A_556 = arith.constant 0.000000e+00 : f32
    %broadcast_in_dim3A_557 = vector.broadcast %broadcast_in_dim3A_556 : f32 to vector<16xf32>
    %broadcast_in_dim3A_558 = arith.constant 0 : i32
    %broadcast_in_dim3A_559 = vector.broadcast %broadcast_in_dim3A_558 : i32 to vector<16xi32>
    %swap3A_560 = arith.constant 0 : index
    %swap3A_561 = tpu.vector_load %arg21[%swap3A_560] {strides = array<i32>} : memref<128xf32, #tpu.memory_space<vmem>>, vector<16xf32>,
    tpu.vector_store %arg21[%swap3A_560], %broadcast_in_dim3A_557 {strides = array<i32>} : memref<128xf32, #tpu.memory_space<vmem>>, vector<16xf32>,
    %swap3A_562 = arith.constant 0 : index
    %swap3A_563 = tpu.vector_load %arg20[%swap3A_562] {strides = array<i32>} : memref<128xi32, #tpu.memory_space<vmem>>, vector<16xi32>,
    tpu.vector_store %arg20[%swap3A_562], %broadcast_in_dim3A_559 {strides = array<i32>} : memref<128xi32, #tpu.memory_space<vmem>>, vector<16xi32>,
    %swap3A_564 = arith.constant 16 : index
    %swap3A_565 = tpu.vector_load %arg21[%swap3A_564] {strides = array<i32>} : memref<128xf32, #tpu.memory_space<vmem>>, vector<16xf32>,
    tpu.vector_store %arg21[%swap3A_564], %broadcast_in_dim3A_557 {strides = array<i32>} : memref<128xf32, #tpu.memory_space<vmem>>, vector<16xf32>,
    %swap3A_566 = arith.constant 16 : index
    %swap3A_567 = tpu.vector_load %arg20[%swap3A_566] {strides = array<i32>} : memref<128xi32, #tpu.memory_space<vmem>>, vector<16xi32>,
    tpu.vector_store %arg20[%swap3A_566], %broadcast_in_dim3A_559 {strides = array<i32>} : memref<128xi32, #tpu.memory_space<vmem>>, vector<16xi32>,
    %swap3A_568 = arith.constant 32 : index
    %swap3A_569 = tpu.vector_load %arg21[%swap3A_568] {strides = array<i32>} : memref<128xf32, #tpu.memory_space<vmem>>, vector<16xf32>,
    tpu.vector_store %arg21[%swap3A_568], %broadcast_in_dim3A_557 {strides = array<i32>} : memref<128xf32, #tpu.memory_space<vmem>>, vector<16xf32>,
    %swap3A_570 = arith.constant 32 : index
    %swap3A_571 = tpu.vector_load %arg20[%swap3A_570] {strides = array<i32>} : memref<128xi32, #tpu.memory_space<vmem>>, vector<16xi32>,
    tpu.vector_store %arg20[%swap3A_570], %broadcast_in_dim3A_559 {strides = array<i32>} : memref<128xi32, #tpu.memory_space<vmem>>, vector<16xi32>,
    %swap3A_572 = arith.constant 48 : index
    %swap3A_573 = tpu.vector_load %arg21[%swap3A_572] {strides = array<i32>} : memref<128xf32, #tpu.memory_space<vmem>>, vector<16xf32>,
    tpu.vector_store %arg21[%swap3A_572], %broadcast_in_dim3A_557 {strides = array<i32>} : memref<128xf32, #tpu.memory_space<vmem>>, vector<16xf32>,
    %swap3A_574 = arith.constant 48 : index
    %swap3A_575 = tpu.vector_load %arg20[%swap3A_574] {strides = array<i32>} : memref<128xi32, #tpu.memory_space<vmem>>, vector<16xi32>,
    tpu.vector_store %arg20[%swap3A_574], %broadcast_in_dim3A_559 {strides = array<i32>} : memref<128xi32, #tpu.memory_space<vmem>>, vector<16xi32>,
    %swap3A_576 = arith.constant 64 : index
    %swap3A_577 = tpu.vector_load %arg21[%swap3A_576] {strides = array<i32>} : memref<128xf32, #tpu.memory_space<vmem>>, vector<16xf32>,
    tpu.vector_store %arg21[%swap3A_576], %broadcast_in_dim3A_557 {strides = array<i32>} : memref<128xf32, #tpu.memory_space<vmem>>, vector<16xf32>,
    %swap3A_578 = arith.constant 64 : index
    %swap3A_579 = tpu.vector_load %arg20[%swap3A_578] {strides = array<i32>} : memref<128xi32, #tpu.memory_space<vmem>>, vector<16xi32>,
    tpu.vector_store %arg20[%swap3A_578], %broadcast_in_dim3A_559 {strides = array<i32>} : memref<128xi32, #tpu.memory_space<vmem>>, vector<16xi32>,
    %swap3A_580 = arith.constant 80 : index
    %swap3A_581 = tpu.vector_load %arg21[%swap3A_580] {strides = array<i32>} : memref<128xf32, #tpu.memory_space<vmem>>, vector<16xf32>,
    tpu.vector_store %arg21[%swap3A_580], %broadcast_in_dim3A_557 {strides = array<i32>} : memref<128xf32, #tpu.memory_space<vmem>>, vector<16xf32>,
    %swap3A_582 = arith.constant 80 : index
    %swap3A_583 = tpu.vector_load %arg20[%swap3A_582] {strides = array<i32>} : memref<128xi32, #tpu.memory_space<vmem>>, vector<16xi32>,
    tpu.vector_store %arg20[%swap3A_582], %broadcast_in_dim3A_559 {strides = array<i32>} : memref<128xi32, #tpu.memory_space<vmem>>, vector<16xi32>,
    %swap3A_584 = arith.constant 96 : index
    %swap3A_585 = tpu.vector_load %arg21[%swap3A_584] {strides = array<i32>} : memref<128xf32, #tpu.memory_space<vmem>>, vector<16xf32>,
    tpu.vector_store %arg21[%swap3A_584], %broadcast_in_dim3A_557 {strides = array<i32>} : memref<128xf32, #tpu.memory_space<vmem>>, vector<16xf32>,
    %swap3A_586 = arith.constant 96 : index
    %swap3A_587 = tpu.vector_load %arg20[%swap3A_586] {strides = array<i32>} : memref<128xi32, #tpu.memory_space<vmem>>, vector<16xi32>,
    tpu.vector_store %arg20[%swap3A_586], %broadcast_in_dim3A_559 {strides = array<i32>} : memref<128xi32, #tpu.memory_space<vmem>>, vector<16xi32>,
    %swap3A_588 = arith.constant 112 : index
    %swap3A_589 = tpu.vector_load %arg21[%swap3A_588] {strides = array<i32>} : memref<128xf32, #tpu.memory_space<vmem>>, vector<16xf32>,
    tpu.vector_store %arg21[%swap3A_588], %broadcast_in_dim3A_557 {strides = array<i32>} : memref<128xf32, #tpu.memory_space<vmem>>, vector<16xf32>,
    %swap3A_590 = arith.constant 112 : index
    %swap3A_591 = tpu.vector_load %arg20[%swap3A_590] {strides = array<i32>} : memref<128xi32, #tpu.memory_space<vmem>>, vector<16xi32>,
    tpu.vector_store %arg20[%swap3A_590], %broadcast_in_dim3A_559 {strides = array<i32>} : memref<128xi32, #tpu.memory_space<vmem>>, vector<16xi32>,
    %swap3A_592 = arith.constant 0 : index
    %swap3A_593 = tpu.vector_load %arg22[%swap3A_592] {strides = array<i32>} : memref<512xf32, #tpu.memory_space<vmem>>, vector<16xf32>,
    tpu.vector_store %arg22[%swap3A_592], %broadcast_in_dim3A_557 {strides = array<i32>} : memref<512xf32, #tpu.memory_space<vmem>>, vector<16xf32>,
    %swap3A_594 = arith.constant 16 : index
    %swap3A_595 = tpu.vector_load %arg22[%swap3A_594] {strides = array<i32>} : memref<512xf32, #tpu.memory_space<vmem>>, vector<16xf32>,
    tpu.vector_store %arg22[%swap3A_594], %broadcast_in_dim3A_557 {strides = array<i32>} : memref<512xf32, #tpu.memory_space<vmem>>, vector<16xf32>,
    %swap3A_596 = arith.constant 32 : index
    %swap3A_597 = tpu.vector_load %arg22[%swap3A_596] {strides = array<i32>} : memref<512xf32, #tpu.memory_space<vmem>>, vector<16xf32>,
    tpu.vector_store %arg22[%swap3A_596], %broadcast_in_dim3A_557 {strides = array<i32>} : memref<512xf32, #tpu.memory_space<vmem>>, vector<16xf32>,
    %swap3A_598 = arith.constant 48 : index
    %swap3A_599 = tpu.vector_load %arg22[%swap3A_598] {strides = array<i32>} : memref<512xf32, #tpu.memory_space<vmem>>, vector<16xf32>,
    tpu.vector_store %arg22[%swap3A_598], %broadcast_in_dim3A_557 {strides = array<i32>} : memref<512xf32, #tpu.memory_space<vmem>>, vector<16xf32>,
    %swap3A_600 = arith.constant 64 : index
    %swap3A_601 = tpu.vector_load %arg22[%swap3A_600] {strides = array<i32>} : memref<512xf32, #tpu.memory_space<vmem>>, vector<16xf32>,
    tpu.vector_store %arg22[%swap3A_600], %broadcast_in_dim3A_557 {strides = array<i32>} : memref<512xf32, #tpu.memory_space<vmem>>, vector<16xf32>,
    %swap3A_602 = arith.constant 80 : index
    %swap3A_603 = tpu.vector_load %arg22[%swap3A_602] {strides = array<i32>} : memref<512xf32, #tpu.memory_space<vmem>>, vector<16xf32>,
    tpu.vector_store %arg22[%swap3A_602], %broadcast_in_dim3A_557 {strides = array<i32>} : memref<512xf32, #tpu.memory_space<vmem>>, vector<16xf32>,
    %swap3A_604 = arith.constant 96 : index
    %swap3A_605 = tpu.vector_load %arg22[%swap3A_604] {strides = array<i32>} : memref<512xf32, #tpu.memory_space<vmem>>, vector<16xf32>,
    tpu.vector_store %arg22[%swap3A_604], %broadcast_in_dim3A_557 {strides = array<i32>} : memref<512xf32, #tpu.memory_space<vmem>>, vector<16xf32>,
    %swap3A_606 = arith.constant 112 : index
    %swap3A_607 = tpu.vector_load %arg22[%swap3A_606] {strides = array<i32>} : memref<512xf32, #tpu.memory_space<vmem>>, vector<16xf32>,
    tpu.vector_store %arg22[%swap3A_606], %broadcast_in_dim3A_557 {strides = array<i32>} : memref<512xf32, #tpu.memory_space<vmem>>, vector<16xf32>,
    %swap3A_608 = arith.constant 128 : index
    %swap3A_609 = tpu.vector_load %arg22[%swap3A_608] {strides = array<i32>} : memref<512xf32, #tpu.memory_space<vmem>>, vector<16xf32>,
    tpu.vector_store %arg22[%swap3A_608], %broadcast_in_dim3A_557 {strides = array<i32>} : memref<512xf32, #tpu.memory_space<vmem>>, vector<16xf32>,
    %swap3A_610 = arith.constant 144 : index
    %swap3A_611 = tpu.vector_load %arg22[%swap3A_610] {strides = array<i32>} : memref<512xf32, #tpu.memory_space<vmem>>, vector<16xf32>,
    tpu.vector_store %arg22[%swap3A_610], %broadcast_in_dim3A_557 {strides = array<i32>} : memref<512xf32, #tpu.memory_space<vmem>>, vector<16xf32>,
    %swap3A_612 = arith.constant 160 : index
    %swap3A_613 = tpu.vector_load %arg22[%swap3A_612] {strides = array<i32>} : memref<512xf32, #tpu.memory_space<vmem>>, vector<16xf32>,
    tpu.vector_store %arg22[%swap3A_612], %broadcast_in_dim3A_557 {strides = array<i32>} : memref<512xf32, #tpu.memory_space<vmem>>, vector<16xf32>,
    %swap3A_614 = arith.constant 176 : index
    %swap3A_615 = tpu.vector_load %arg22[%swap3A_614] {strides = array<i32>} : memref<512xf32, #tpu.memory_space<vmem>>, vector<16xf32>,
    tpu.vector_store %arg22[%swap3A_614], %broadcast_in_dim3A_557 {strides = array<i32>} : memref<512xf32, #tpu.memory_space<vmem>>, vector<16xf32>,
    %swap3A_616 = arith.constant 192 : index
    %swap3A_617 = tpu.vector_load %arg22[%swap3A_616] {strides = array<i32>} : memref<512xf32, #tpu.memory_space<vmem>>, vector<16xf32>,
    tpu.vector_store %arg22[%swap3A_616], %broadcast_in_dim3A_557 {strides = array<i32>} : memref<512xf32, #tpu.memory_space<vmem>>, vector<16xf32>,
    %swap3A_618 = arith.constant 208 : index
    %swap3A_619 = tpu.vector_load %arg22[%swap3A_618] {strides = array<i32>} : memref<512xf32, #tpu.memory_space<vmem>>, vector<16xf32>,
    tpu.vector_store %arg22[%swap3A_618], %broadcast_in_dim3A_557 {strides = array<i32>} : memref<512xf32, #tpu.memory_space<vmem>>, vector<16xf32>,
    %swap3A_620 = arith.constant 224 : index
    %swap3A_621 = tpu.vector_load %arg22[%swap3A_620] {strides = array<i32>} : memref<512xf32, #tpu.memory_space<vmem>>, vector<16xf32>,
    tpu.vector_store %arg22[%swap3A_620], %broadcast_in_dim3A_557 {strides = array<i32>} : memref<512xf32, #tpu.memory_space<vmem>>, vector<16xf32>,
    %swap3A_622 = arith.constant 240 : index
    %swap3A_623 = tpu.vector_load %arg22[%swap3A_622] {strides = array<i32>} : memref<512xf32, #tpu.memory_space<vmem>>, vector<16xf32>,
    tpu.vector_store %arg22[%swap3A_622], %broadcast_in_dim3A_557 {strides = array<i32>} : memref<512xf32, #tpu.memory_space<vmem>>, vector<16xf32>,
    %swap3A_624 = arith.constant 256 : index
    %swap3A_625 = tpu.vector_load %arg22[%swap3A_624] {strides = array<i32>} : memref<512xf32, #tpu.memory_space<vmem>>, vector<16xf32>,
    tpu.vector_store %arg22[%swap3A_624], %broadcast_in_dim3A_557 {strides = array<i32>} : memref<512xf32, #tpu.memory_space<vmem>>, vector<16xf32>,
    %swap3A_626 = arith.constant 272 : index
    %swap3A_627 = tpu.vector_load %arg22[%swap3A_626] {strides = array<i32>} : memref<512xf32, #tpu.memory_space<vmem>>, vector<16xf32>,
    tpu.vector_store %arg22[%swap3A_626], %broadcast_in_dim3A_557 {strides = array<i32>} : memref<512xf32, #tpu.memory_space<vmem>>, vector<16xf32>,
    %swap3A_628 = arith.constant 288 : index
    %swap3A_629 = tpu.vector_load %arg22[%swap3A_628] {strides = array<i32>} : memref<512xf32, #tpu.memory_space<vmem>>, vector<16xf32>,
    tpu.vector_store %arg22[%swap3A_628], %broadcast_in_dim3A_557 {strides = array<i32>} : memref<512xf32, #tpu.memory_space<vmem>>, vector<16xf32>,
    %swap3A_630 = arith.constant 304 : index
    %swap3A_631 = tpu.vector_load %arg22[%swap3A_630] {strides = array<i32>} : memref<512xf32, #tpu.memory_space<vmem>>, vector<16xf32>,
    tpu.vector_store %arg22[%swap3A_630], %broadcast_in_dim3A_557 {strides = array<i32>} : memref<512xf32, #tpu.memory_space<vmem>>, vector<16xf32>,
    %swap3A_632 = arith.constant 320 : index
    %swap3A_633 = tpu.vector_load %arg22[%swap3A_632] {strides = array<i32>} : memref<512xf32, #tpu.memory_space<vmem>>, vector<16xf32>,
    tpu.vector_store %arg22[%swap3A_632], %broadcast_in_dim3A_557 {strides = array<i32>} : memref<512xf32, #tpu.memory_space<vmem>>, vector<16xf32>,
    %swap3A_634 = arith.constant 336 : index
    %swap3A_635 = tpu.vector_load %arg22[%swap3A_634] {strides = array<i32>} : memref<512xf32, #tpu.memory_space<vmem>>, vector<16xf32>,
    tpu.vector_store %arg22[%swap3A_634], %broadcast_in_dim3A_557 {strides = array<i32>} : memref<512xf32, #tpu.memory_space<vmem>>, vector<16xf32>,
    %swap3A_636 = arith.constant 352 : index
    %swap3A_637 = tpu.vector_load %arg22[%swap3A_636] {strides = array<i32>} : memref<512xf32, #tpu.memory_space<vmem>>, vector<16xf32>,
    tpu.vector_store %arg22[%swap3A_636], %broadcast_in_dim3A_557 {strides = array<i32>} : memref<512xf32, #tpu.memory_space<vmem>>, vector<16xf32>,
    %swap3A_638 = arith.constant 368 : index
    %swap3A_639 = tpu.vector_load %arg22[%swap3A_638] {strides = array<i32>} : memref<512xf32, #tpu.memory_space<vmem>>, vector<16xf32>,
    tpu.vector_store %arg22[%swap3A_638], %broadcast_in_dim3A_557 {strides = array<i32>} : memref<512xf32, #tpu.memory_space<vmem>>, vector<16xf32>,
    %swap3A_640 = arith.constant 384 : index
    %swap3A_641 = tpu.vector_load %arg22[%swap3A_640] {strides = array<i32>} : memref<512xf32, #tpu.memory_space<vmem>>, vector<16xf32>,
    tpu.vector_store %arg22[%swap3A_640], %broadcast_in_dim3A_557 {strides = array<i32>} : memref<512xf32, #tpu.memory_space<vmem>>, vector<16xf32>,
    %swap3A_642 = arith.constant 400 : index
    %swap3A_643 = tpu.vector_load %arg22[%swap3A_642] {strides = array<i32>} : memref<512xf32, #tpu.memory_space<vmem>>, vector<16xf32>,
    tpu.vector_store %arg22[%swap3A_642], %broadcast_in_dim3A_557 {strides = array<i32>} : memref<512xf32, #tpu.memory_space<vmem>>, vector<16xf32>,
    %swap3A_644 = arith.constant 416 : index
    %swap3A_645 = tpu.vector_load %arg22[%swap3A_644] {strides = array<i32>} : memref<512xf32, #tpu.memory_space<vmem>>, vector<16xf32>,
    tpu.vector_store %arg22[%swap3A_644], %broadcast_in_dim3A_557 {strides = array<i32>} : memref<512xf32, #tpu.memory_space<vmem>>, vector<16xf32>,
    %swap3A_646 = arith.constant 432 : index
    %swap3A_647 = tpu.vector_load %arg22[%swap3A_646] {strides = array<i32>} : memref<512xf32, #tpu.memory_space<vmem>>, vector<16xf32>,
    tpu.vector_store %arg22[%swap3A_646], %broadcast_in_dim3A_557 {strides = array<i32>} : memref<512xf32, #tpu.memory_space<vmem>>, vector<16xf32>,
    %swap3A_648 = arith.constant 448 : index
    %swap3A_649 = tpu.vector_load %arg22[%swap3A_648] {strides = array<i32>} : memref<512xf32, #tpu.memory_space<vmem>>, vector<16xf32>,
    tpu.vector_store %arg22[%swap3A_648], %broadcast_in_dim3A_557 {strides = array<i32>} : memref<512xf32, #tpu.memory_space<vmem>>, vector<16xf32>,
    %swap3A_650 = arith.constant 464 : index
    %swap3A_651 = tpu.vector_load %arg22[%swap3A_650] {strides = array<i32>} : memref<512xf32, #tpu.memory_space<vmem>>, vector<16xf32>,
    tpu.vector_store %arg22[%swap3A_650], %broadcast_in_dim3A_557 {strides = array<i32>} : memref<512xf32, #tpu.memory_space<vmem>>, vector<16xf32>,
    %swap3A_652 = arith.constant 480 : index
    %swap3A_653 = tpu.vector_load %arg22[%swap3A_652] {strides = array<i32>} : memref<512xf32, #tpu.memory_space<vmem>>, vector<16xf32>,
    tpu.vector_store %arg22[%swap3A_652], %broadcast_in_dim3A_557 {strides = array<i32>} : memref<512xf32, #tpu.memory_space<vmem>>, vector<16xf32>,
    %swap3A_654 = arith.constant 496 : index
    %swap3A_655 = tpu.vector_load %arg22[%swap3A_654] {strides = array<i32>} : memref<512xf32, #tpu.memory_space<vmem>>, vector<16xf32>,
    tpu.vector_store %arg22[%swap3A_654], %broadcast_in_dim3A_557 {strides = array<i32>} : memref<512xf32, #tpu.memory_space<vmem>>, vector<16xf32>,
    %scan3A = arith.constant 0 : i32
    %scan3A_656 = arith.constant 0 : i32
    %scan3A_657 = arith.constant 50 : i32
    %scan3A_658 = arith.addi %scan3A_656, %scan3A_657 : i32
    %scan3A_659 = arith.constant 1 : i32
    scf.for %scan3A_673 = %scan3A_656 to %scan3A_658 step %scan3A_659  : i32 {
      %mul3A_674 = arith.constant 2 : i32
      %mul3A_675 = arith.muli %scan3A_673, %mul3A_674 : i32
      %broadcast_in_dim3A_676 = arith.constant -3.000000e+38 : f32
      %broadcast_in_dim3A_677 = vector.broadcast %broadcast_in_dim3A_676 : f32 to vector<16xf32>
      %get3A_678 = arith.constant 0 : index
      %get3A_679 = tpu.vector_load %arg19[%get3A_678] {strides = array<i32>} : memref<320xf32, #tpu.memory_space<vmem>>, vector<16xf32>,
      %gt3A = arith.cmpf ogt, %get3A_679, %broadcast_in_dim3A_677 : vector<16xf32>
      %select_n3A_680 = arith.select %gt3A, %get3A_679, %broadcast_in_dim3A_677 : vector<16xi1>, vector<16xf32>
      %broadcast_in_dim3A_681 = arith.constant 0.000000e+00 : f32
      %broadcast_in_dim3A_682 = vector.broadcast %broadcast_in_dim3A_681 : f32 to vector<16xf32>
      %select_n3A_683 = arith.select %gt3A, %broadcast_in_dim3A_682, %broadcast_in_dim3A_557 : vector<16xi1>, vector<16xf32>
      %get3A_684 = arith.constant 16 : index
      %get3A_685 = tpu.vector_load %arg19[%get3A_684] {strides = array<i32>} : memref<320xf32, #tpu.memory_space<vmem>>, vector<16xf32>,
      %gt3A_686 = arith.cmpf ogt, %get3A_685, %select_n3A_680 : vector<16xf32>
      %select_n3A_687 = arith.select %gt3A_686, %get3A_685, %select_n3A_680 : vector<16xi1>, vector<16xf32>
      %broadcast_in_dim3A_688 = arith.constant 1.000000e+00 : f32
      %broadcast_in_dim3A_689 = vector.broadcast %broadcast_in_dim3A_688 : f32 to vector<16xf32>
      %select_n3A_690 = arith.select %gt3A_686, %broadcast_in_dim3A_689, %select_n3A_683 : vector<16xi1>, vector<16xf32>
      %get3A_691 = arith.constant 32 : index
      %get3A_692 = tpu.vector_load %arg19[%get3A_691] {strides = array<i32>} : memref<320xf32, #tpu.memory_space<vmem>>, vector<16xf32>,
      %gt3A_693 = arith.cmpf ogt, %get3A_692, %select_n3A_687 : vector<16xf32>
      %select_n3A_694 = arith.select %gt3A_693, %get3A_692, %select_n3A_687 : vector<16xi1>, vector<16xf32>
      %broadcast_in_dim3A_695 = arith.constant 2.000000e+00 : f32
      %broadcast_in_dim3A_696 = vector.broadcast %broadcast_in_dim3A_695 : f32 to vector<16xf32>
      %select_n3A_697 = arith.select %gt3A_693, %broadcast_in_dim3A_696, %select_n3A_690 : vector<16xi1>, vector<16xf32>
      %get3A_698 = arith.constant 48 : index
      %get3A_699 = tpu.vector_load %arg19[%get3A_698] {strides = array<i32>} : memref<320xf32, #tpu.memory_space<vmem>>, vector<16xf32>,
      %gt3A_700 = arith.cmpf ogt, %get3A_699, %select_n3A_694 : vector<16xf32>
      %select_n3A_701 = arith.select %gt3A_700, %get3A_699, %select_n3A_694 : vector<16xi1>, vector<16xf32>
      %broadcast_in_dim3A_702 = arith.constant 3.000000e+00 : f32
      %broadcast_in_dim3A_703 = vector.broadcast %broadcast_in_dim3A_702 : f32 to vector<16xf32>
      %select_n3A_704 = arith.select %gt3A_700, %broadcast_in_dim3A_703, %select_n3A_697 : vector<16xi1>, vector<16xf32>
      %get3A_705 = arith.constant 64 : index
      %get3A_706 = tpu.vector_load %arg19[%get3A_705] {strides = array<i32>} : memref<320xf32, #tpu.memory_space<vmem>>, vector<16xf32>,
      %gt3A_707 = arith.cmpf ogt, %get3A_706, %select_n3A_701 : vector<16xf32>
      %select_n3A_708 = arith.select %gt3A_707, %get3A_706, %select_n3A_701 : vector<16xi1>, vector<16xf32>
      %broadcast_in_dim3A_709 = arith.constant 4.000000e+00 : f32
      %broadcast_in_dim3A_710 = vector.broadcast %broadcast_in_dim3A_709 : f32 to vector<16xf32>
      %select_n3A_711 = arith.select %gt3A_707, %broadcast_in_dim3A_710, %select_n3A_704 : vector<16xi1>, vector<16xf32>
      %get3A_712 = arith.constant 80 : index
      %get3A_713 = tpu.vector_load %arg19[%get3A_712] {strides = array<i32>} : memref<320xf32, #tpu.memory_space<vmem>>, vector<16xf32>,
      %gt3A_714 = arith.cmpf ogt, %get3A_713, %select_n3A_708 : vector<16xf32>
      %select_n3A_715 = arith.select %gt3A_714, %get3A_713, %select_n3A_708 : vector<16xi1>, vector<16xf32>
      %broadcast_in_dim3A_716 = arith.constant 5.000000e+00 : f32
      %broadcast_in_dim3A_717 = vector.broadcast %broadcast_in_dim3A_716 : f32 to vector<16xf32>
      %select_n3A_718 = arith.select %gt3A_714, %broadcast_in_dim3A_717, %select_n3A_711 : vector<16xi1>, vector<16xf32>
      %get3A_719 = arith.constant 96 : index
      %get3A_720 = tpu.vector_load %arg19[%get3A_719] {strides = array<i32>} : memref<320xf32, #tpu.memory_space<vmem>>, vector<16xf32>,
      %gt3A_721 = arith.cmpf ogt, %get3A_720, %select_n3A_715 : vector<16xf32>
      %select_n3A_722 = arith.select %gt3A_721, %get3A_720, %select_n3A_715 : vector<16xi1>, vector<16xf32>
      %broadcast_in_dim3A_723 = arith.constant 6.000000e+00 : f32
      %broadcast_in_dim3A_724 = vector.broadcast %broadcast_in_dim3A_723 : f32 to vector<16xf32>
      %select_n3A_725 = arith.select %gt3A_721, %broadcast_in_dim3A_724, %select_n3A_718 : vector<16xi1>, vector<16xf32>
      %get3A_726 = arith.constant 112 : index
      %get3A_727 = tpu.vector_load %arg19[%get3A_726] {strides = array<i32>} : memref<320xf32, #tpu.memory_space<vmem>>, vector<16xf32>,
      %gt3A_728 = arith.cmpf ogt, %get3A_727, %select_n3A_722 : vector<16xf32>
      %select_n3A_729 = arith.select %gt3A_728, %get3A_727, %select_n3A_722 : vector<16xi1>, vector<16xf32>
      %broadcast_in_dim3A_730 = arith.constant 7.000000e+00 : f32
      %broadcast_in_dim3A_731 = vector.broadcast %broadcast_in_dim3A_730 : f32 to vector<16xf32>
      %select_n3A_732 = arith.select %gt3A_728, %broadcast_in_dim3A_731, %select_n3A_725 : vector<16xi1>, vector<16xf32>
      %get3A_733 = arith.constant 128 : index
      %get3A_734 = tpu.vector_load %arg19[%get3A_733] {strides = array<i32>} : memref<320xf32, #tpu.memory_space<vmem>>, vector<16xf32>,
      %gt3A_735 = arith.cmpf ogt, %get3A_734, %select_n3A_729 : vector<16xf32>
      %select_n3A_736 = arith.select %gt3A_735, %get3A_734, %select_n3A_729 : vector<16xi1>, vector<16xf32>
      %broadcast_in_dim3A_737 = arith.constant 8.000000e+00 : f32
      %broadcast_in_dim3A_738 = vector.broadcast %broadcast_in_dim3A_737 : f32 to vector<16xf32>
      %select_n3A_739 = arith.select %gt3A_735, %broadcast_in_dim3A_738, %select_n3A_732 : vector<16xi1>, vector<16xf32>
      %get3A_740 = arith.constant 144 : index
      %get3A_741 = tpu.vector_load %arg19[%get3A_740] {strides = array<i32>} : memref<320xf32, #tpu.memory_space<vmem>>, vector<16xf32>,
      %gt3A_742 = arith.cmpf ogt, %get3A_741, %select_n3A_736 : vector<16xf32>
      %select_n3A_743 = arith.select %gt3A_742, %get3A_741, %select_n3A_736 : vector<16xi1>, vector<16xf32>
      %broadcast_in_dim3A_744 = arith.constant 9.000000e+00 : f32
      %broadcast_in_dim3A_745 = vector.broadcast %broadcast_in_dim3A_744 : f32 to vector<16xf32>
      %select_n3A_746 = arith.select %gt3A_742, %broadcast_in_dim3A_745, %select_n3A_739 : vector<16xi1>, vector<16xf32>
      %get3A_747 = arith.constant 160 : index
      %get3A_748 = tpu.vector_load %arg19[%get3A_747] {strides = array<i32>} : memref<320xf32, #tpu.memory_space<vmem>>, vector<16xf32>,
      %gt3A_749 = arith.cmpf ogt, %get3A_748, %select_n3A_743 : vector<16xf32>
      %select_n3A_750 = arith.select %gt3A_749, %get3A_748, %select_n3A_743 : vector<16xi1>, vector<16xf32>
      %broadcast_in_dim3A_751 = arith.constant 1.000000e+01 : f32
      %broadcast_in_dim3A_752 = vector.broadcast %broadcast_in_dim3A_751 : f32 to vector<16xf32>
      %select_n3A_753 = arith.select %gt3A_749, %broadcast_in_dim3A_752, %select_n3A_746 : vector<16xi1>, vector<16xf32>
      %get3A_754 = arith.constant 176 : index
      %get3A_755 = tpu.vector_load %arg19[%get3A_754] {strides = array<i32>} : memref<320xf32, #tpu.memory_space<vmem>>, vector<16xf32>,
      %gt3A_756 = arith.cmpf ogt, %get3A_755, %select_n3A_750 : vector<16xf32>
      %select_n3A_757 = arith.select %gt3A_756, %get3A_755, %select_n3A_750 : vector<16xi1>, vector<16xf32>
      %broadcast_in_dim3A_758 = arith.constant 1.100000e+01 : f32
      %broadcast_in_dim3A_759 = vector.broadcast %broadcast_in_dim3A_758 : f32 to vector<16xf32>
      %select_n3A_760 = arith.select %gt3A_756, %broadcast_in_dim3A_759, %select_n3A_753 : vector<16xi1>, vector<16xf32>
      %get3A_761 = arith.constant 192 : index
      %get3A_762 = tpu.vector_load %arg19[%get3A_761] {strides = array<i32>} : memref<320xf32, #tpu.memory_space<vmem>>, vector<16xf32>,
      %gt3A_763 = arith.cmpf ogt, %get3A_762, %select_n3A_757 : vector<16xf32>
      %select_n3A_764 = arith.select %gt3A_763, %get3A_762, %select_n3A_757 : vector<16xi1>, vector<16xf32>
      %broadcast_in_dim3A_765 = arith.constant 1.200000e+01 : f32
      %broadcast_in_dim3A_766 = vector.broadcast %broadcast_in_dim3A_765 : f32 to vector<16xf32>
      %select_n3A_767 = arith.select %gt3A_763, %broadcast_in_dim3A_766, %select_n3A_760 : vector<16xi1>, vector<16xf32>
      %get3A_768 = arith.constant 208 : index
      %get3A_769 = tpu.vector_load %arg19[%get3A_768] {strides = array<i32>} : memref<320xf32, #tpu.memory_space<vmem>>, vector<16xf32>,
      %gt3A_770 = arith.cmpf ogt, %get3A_769, %select_n3A_764 : vector<16xf32>
      %select_n3A_771 = arith.select %gt3A_770, %get3A_769, %select_n3A_764 : vector<16xi1>, vector<16xf32>
      %broadcast_in_dim3A_772 = arith.constant 1.300000e+01 : f32
      %broadcast_in_dim3A_773 = vector.broadcast %broadcast_in_dim3A_772 : f32 to vector<16xf32>
      %select_n3A_774 = arith.select %gt3A_770, %broadcast_in_dim3A_773, %select_n3A_767 : vector<16xi1>, vector<16xf32>
      %get3A_775 = arith.constant 224 : index
      %get3A_776 = tpu.vector_load %arg19[%get3A_775] {strides = array<i32>} : memref<320xf32, #tpu.memory_space<vmem>>, vector<16xf32>,
      %gt3A_777 = arith.cmpf ogt, %get3A_776, %select_n3A_771 : vector<16xf32>
      %select_n3A_778 = arith.select %gt3A_777, %get3A_776, %select_n3A_771 : vector<16xi1>, vector<16xf32>
      %broadcast_in_dim3A_779 = arith.constant 1.400000e+01 : f32
      %broadcast_in_dim3A_780 = vector.broadcast %broadcast_in_dim3A_779 : f32 to vector<16xf32>
      %select_n3A_781 = arith.select %gt3A_777, %broadcast_in_dim3A_780, %select_n3A_774 : vector<16xi1>, vector<16xf32>
      %get3A_782 = arith.constant 240 : index
      %get3A_783 = tpu.vector_load %arg19[%get3A_782] {strides = array<i32>} : memref<320xf32, #tpu.memory_space<vmem>>, vector<16xf32>,
      %gt3A_784 = arith.cmpf ogt, %get3A_783, %select_n3A_778 : vector<16xf32>
      %select_n3A_785 = arith.select %gt3A_784, %get3A_783, %select_n3A_778 : vector<16xi1>, vector<16xf32>
      %broadcast_in_dim3A_786 = arith.constant 1.500000e+01 : f32
      %broadcast_in_dim3A_787 = vector.broadcast %broadcast_in_dim3A_786 : f32 to vector<16xf32>
      %select_n3A_788 = arith.select %gt3A_784, %broadcast_in_dim3A_787, %select_n3A_781 : vector<16xi1>, vector<16xf32>
      %get3A_789 = arith.constant 256 : index
      %get3A_790 = tpu.vector_load %arg19[%get3A_789] {strides = array<i32>} : memref<320xf32, #tpu.memory_space<vmem>>, vector<16xf32>,
      %gt3A_791 = arith.cmpf ogt, %get3A_790, %select_n3A_785 : vector<16xf32>
      %select_n3A_792 = arith.select %gt3A_791, %get3A_790, %select_n3A_785 : vector<16xi1>, vector<16xf32>
      %broadcast_in_dim3A_793 = arith.constant 1.600000e+01 : f32
      %broadcast_in_dim3A_794 = vector.broadcast %broadcast_in_dim3A_793 : f32 to vector<16xf32>
      %select_n3A_795 = arith.select %gt3A_791, %broadcast_in_dim3A_794, %select_n3A_788 : vector<16xi1>, vector<16xf32>
      %get3A_796 = arith.constant 272 : index
      %get3A_797 = tpu.vector_load %arg19[%get3A_796] {strides = array<i32>} : memref<320xf32, #tpu.memory_space<vmem>>, vector<16xf32>,
      %gt3A_798 = arith.cmpf ogt, %get3A_797, %select_n3A_792 : vector<16xf32>
      %select_n3A_799 = arith.select %gt3A_798, %get3A_797, %select_n3A_792 : vector<16xi1>, vector<16xf32>
      %broadcast_in_dim3A_800 = arith.constant 1.700000e+01 : f32
      %broadcast_in_dim3A_801 = vector.broadcast %broadcast_in_dim3A_800 : f32 to vector<16xf32>
      %select_n3A_802 = arith.select %gt3A_798, %broadcast_in_dim3A_801, %select_n3A_795 : vector<16xi1>, vector<16xf32>
      %get3A_803 = arith.constant 288 : index
      %get3A_804 = tpu.vector_load %arg19[%get3A_803] {strides = array<i32>} : memref<320xf32, #tpu.memory_space<vmem>>, vector<16xf32>,
      %gt3A_805 = arith.cmpf ogt, %get3A_804, %select_n3A_799 : vector<16xf32>
      %select_n3A_806 = arith.select %gt3A_805, %get3A_804, %select_n3A_799 : vector<16xi1>, vector<16xf32>
      %broadcast_in_dim3A_807 = arith.constant 1.800000e+01 : f32
      %broadcast_in_dim3A_808 = vector.broadcast %broadcast_in_dim3A_807 : f32 to vector<16xf32>
      %select_n3A_809 = arith.select %gt3A_805, %broadcast_in_dim3A_808, %select_n3A_802 : vector<16xi1>, vector<16xf32>
      %get3A_810 = arith.constant 304 : index
      %get3A_811 = tpu.vector_load %arg19[%get3A_810] {strides = array<i32>} : memref<320xf32, #tpu.memory_space<vmem>>, vector<16xf32>,
      %gt3A_812 = arith.cmpf ogt, %get3A_811, %select_n3A_806 : vector<16xf32>
      %select_n3A_813 = arith.select %gt3A_812, %get3A_811, %select_n3A_806 : vector<16xi1>, vector<16xf32>
      %broadcast_in_dim3A_814 = arith.constant 1.900000e+01 : f32
      %broadcast_in_dim3A_815 = vector.broadcast %broadcast_in_dim3A_814 : f32 to vector<16xf32>
      %select_n3A_816 = arith.select %gt3A_812, %broadcast_in_dim3A_815, %select_n3A_809 : vector<16xi1>, vector<16xf32>
      %reduce_max3A = arith.constant true
      %reduce_max3A_817 = vector.broadcast %reduce_max3A : i1 to vector<16xi1>
      %reduce_max3A_818 = tpu.scan <max>, %select_n3A_813 masked %reduce_max3A_817 : vector<16xf32>, vector<16xi1> -> vector<16xf32>
      %reduce_max3A_819 = vector.extract %reduce_max3A_818[15] : f32 from vector<16xf32>
      %mul3A_820 = arith.constant 1.600000e+01 : f32
      %mul3A_821 = vector.broadcast %mul3A_820 : f32 to vector<16xf32>
      %mul3A_822 = arith.mulf %select_n3A_816, %mul3A_821 : vector<16xf32>
      %add3A = vector.broadcast %convert_element_type3A_2 : f32 to vector<16xf32>
      %add3A_823 = arith.addf %add3A, %mul3A_822 : vector<16xf32>
      %add3A_824 = arith.addf %add3A_823, %convert_element_type3A : vector<16xf32>
      %eq3A_825 = vector.broadcast %reduce_max3A_819 : f32 to vector<16xf32>
      %eq3A_826 = arith.cmpf oeq, %select_n3A_813, %eq3A_825 : vector<16xf32>
      %jit3A_827 = arith.constant 3.000000e+38 : f32
      %broadcast_in_dim3A_828 = vector.broadcast %jit3A_827 : f32 to vector<16xf32>
      %select_n3A_829 = arith.select %eq3A_826, %add3A_824, %broadcast_in_dim3A_828 : vector<16xi1>, vector<16xf32>
      %reduce_min3A = arith.constant true
      %reduce_min3A_830 = vector.broadcast %reduce_min3A : i1 to vector<16xi1>
      %reduce_min3A_831 = tpu.scan <min>, %select_n3A_829 masked %reduce_min3A_830 : vector<16xf32>, vector<16xi1> -> vector<16xf32>
      %reduce_min3A_832 = vector.extract %reduce_min3A_831[15] : f32 from vector<16xf32>
      %lt3A = arith.constant 8 : i32
      %lt3A_833 = vector.broadcast %lt3A : i32 to vector<16xi32>
      %lt3A_834 = arith.cmpi slt, %iota3A, %lt3A_833 : vector<16xi32>
      %broadcast_in_dim3A_835 = vector.broadcast %reduce_max3A_819 : f32 to vector<16xf32>
      %broadcast_in_dim3A_836 = vector.broadcast %reduce_min3A_832 : f32 to vector<16xf32>
      %select_n3A_837 = arith.select %lt3A_834, %broadcast_in_dim3A_835, %broadcast_in_dim3A_836 : vector<16xi1>, vector<16xf32>
      %swap3A_838 = arith.constant 0 : index
      %swap3A_839 = tpu.vector_load %arg25[%swap3A_838] {strides = array<i32>} : memref<16xf32, #tpu.memory_space<vmem>>, vector<16xf32>,
      tpu.vector_store %arg25[%swap3A_838], %select_n3A_837 {strides = array<i32>} : memref<16xf32, #tpu.memory_space<vmem>>, vector<16xf32>,
      %mul3A_840 = arith.constant 16 : i32
      %mul3A_841 = arith.muli %arg1, %mul3A_840 : i32
      %multiple_of3A_842 = tpu.assume_multiple %mul3A_841, 16 : i32
      "tpu.region"() ({
        %run_scoped3A = tpu.sem_alloc : memref<!tpu.dma_semaphore, #tpu.memory_space<semaphore_mem>>
        %dma_start3A_2993 = tpu.memref_slice %arg23[%multiple_of3A_842] : memref<256xf32, #tpu.memory_space<vmem_shared>> -> memref<16xf32, #tpu.memory_space<vmem_shared>>
        %dma_start3A_2994 = tpu.memref_slice %arg23[%multiple_of3A_842] : memref<256xf32, #tpu.memory_space<vmem_shared>> -> memref<16xf32, #tpu.memory_space<vmem_shared>>
        tpu.enqueue_dma source(%arg25 : memref<16xf32, #tpu.memory_space<vmem>>) target(%dma_start3A_2994 : memref<16xf32, #tpu.memory_space<vmem_shared>>) target_semaphore(%run_scoped3A : memref<!tpu.dma_semaphore, #tpu.memory_space<semaphore_mem>>)
        %dma_wait3A_2995 = tpu.memref_slice %arg23[%multiple_of3A_842] : memref<256xf32, #tpu.memory_space<vmem_shared>> -> memref<16xf32, #tpu.memory_space<vmem_shared>>
        %dma_wait3A_2996 = tpu.memref_slice %arg23[%multiple_of3A_842] : memref<256xf32, #tpu.memory_space<vmem_shared>> -> memref<16xf32, #tpu.memory_space<vmem_shared>>
        tpu.wait_dma2 semaphore(%run_scoped3A : memref<!tpu.dma_semaphore, #tpu.memory_space<semaphore_mem>>) src(%arg25 : memref<16xf32, #tpu.memory_space<vmem>>) dst(%dma_wait3A_2996 : memref<16xf32, #tpu.memory_space<vmem_shared>>)
        tpu.yield
      }) : () -> ()
      %barrier3A = arith.constant 0 : index
      tpu.barrier barrier_id(%barrier3A)
      "tpu.region"() ({
        %run_scoped3A = tpu.sem_alloc : memref<!tpu.dma_semaphore, #tpu.memory_space<semaphore_mem>>
        tpu.enqueue_dma source(%arg23 : memref<256xf32, #tpu.memory_space<vmem_shared>>) target(%arg26 : memref<256xf32, #tpu.memory_space<vmem>>) target_semaphore(%run_scoped3A : memref<!tpu.dma_semaphore, #tpu.memory_space<semaphore_mem>>)
        tpu.wait_dma2 semaphore(%run_scoped3A : memref<!tpu.dma_semaphore, #tpu.memory_space<semaphore_mem>>) src(%arg23 : memref<256xf32, #tpu.memory_space<vmem_shared>>) dst(%arg26 : memref<256xf32, #tpu.memory_space<vmem>>)
        tpu.yield
      }) : () -> ()
      %mul3A_843 = arith.constant 16 : i32
      %mul3A_844 = vector.broadcast %mul3A_843 : i32 to vector<16xi32>
      %mul3A_845 = arith.muli %iota3A, %mul3A_844 : vector<16xi32>
      %gather3A = tpu.vector_load_idx %arg26[%mul3A_845] : memref<256xf32, #tpu.memory_space<vmem>>[vector<16xi32>], vector<16xf32>,
      %mul3A_846 = arith.constant 16 : i32
      %mul3A_847 = vector.broadcast %mul3A_846 : i32 to vector<16xi32>
      %mul3A_848 = arith.muli %iota3A, %mul3A_847 : vector<16xi32>
      %add3A_849 = arith.constant 8 : i32
      %add3A_850 = vector.broadcast %add3A_849 : i32 to vector<16xi32>
      %add3A_851 = arith.addi %mul3A_848, %add3A_850 : vector<16xi32>
      %gather3A_852 = tpu.vector_load_idx %arg26[%add3A_851] : memref<256xf32, #tpu.memory_space<vmem>>[vector<16xi32>], vector<16xf32>,
      %reduce_max3A_853 = arith.constant true
      %reduce_max3A_854 = vector.broadcast %reduce_max3A_853 : i1 to vector<16xi1>
      %reduce_max3A_855 = tpu.scan <max>, %gather3A masked %reduce_max3A_854 : vector<16xf32>, vector<16xi1> -> vector<16xf32>
      %reduce_max3A_856 = vector.extract %reduce_max3A_855[15] : f32 from vector<16xf32>
      %eq3A_857 = vector.broadcast %reduce_max3A_856 : f32 to vector<16xf32>
      %eq3A_858 = arith.cmpf oeq, %gather3A, %eq3A_857 : vector<16xf32>
      %jit3A_859 = arith.constant 3.000000e+38 : f32
      %broadcast_in_dim3A_860 = vector.broadcast %jit3A_859 : f32 to vector<16xf32>
      %select_n3A_861 = arith.select %eq3A_858, %gather3A_852, %broadcast_in_dim3A_860 : vector<16xi1>, vector<16xf32>
      %reduce_min3A_862 = arith.constant true
      %reduce_min3A_863 = vector.broadcast %reduce_min3A_862 : i1 to vector<16xi1>
      %reduce_min3A_864 = tpu.scan <min>, %select_n3A_861 masked %reduce_min3A_863 : vector<16xf32>, vector<16xi1> -> vector<16xf32>
      %reduce_min3A_865 = vector.extract %reduce_min3A_864[15] : f32 from vector<16xf32>
      %convert_element_type3A_866 = arith.fptosi %reduce_min3A_865 : f32 to i32
      %min3A = arith.constant 5119 : i32
      %min3A_867 = arith.minsi %convert_element_type3A_866, %min3A : i32
      %max3A = arith.constant 0 : i32
      %max3A_868 = arith.maxsi %max3A, %min3A_867 : i32
      %broadcast_in_dim3A_869 = vector.broadcast %max3A_868 : i32 to vector<16xi32>
      %gather3A_870 = tpu.vector_load_idx %arg11[%broadcast_in_dim3A_869] : memref<5120xf32, #tpu.memory_space<vmem>>[vector<16xi32>], vector<16xf32>,
      %gather3A_871 = tpu.vector_load_idx %arg12[%broadcast_in_dim3A_869] : memref<5120xf32, #tpu.memory_space<vmem>>[vector<16xi32>], vector<16xf32>,
      %gather3A_872 = tpu.vector_load_idx %arg13[%broadcast_in_dim3A_869] : memref<5120xf32, #tpu.memory_space<vmem>>[vector<16xi32>], vector<16xf32>,
      %gather3A_873 = tpu.vector_load_idx %arg14[%broadcast_in_dim3A_869] : memref<5120xf32, #tpu.memory_space<vmem>>[vector<16xi32>], vector<16xf32>,
      %gt3A_874 = arith.constant -5.000000e+29 : f32
      %gt3A_875 = arith.cmpf ogt, %reduce_max3A_856, %gt3A_874 : f32
      %jit3A_876 = arith.constant 1.000000e+00 : f32
      %jit3A_877 = arith.constant 0.000000e+00 : f32
      %select_n3A_878 = arith.select %gt3A_875, %jit3A_876, %jit3A_877 : f32
      %broadcast_in_dim3A_879 = vector.broadcast %mul3A_675 : i32 to vector<16xi32>
      %broadcast_in_dim3A_880 = vector.broadcast %select_n3A_878 : f32 to vector<16xf32>
      %eq3A_881 = arith.constant 0 : i32
      %eq3A_882 = vector.broadcast %eq3A_881 : i32 to vector<16xi32>
      %eq3A_883 = arith.cmpi eq, %iota3A, %eq3A_882 : vector<16xi32>
      tpu.vector_store_idx %arg21[%broadcast_in_dim3A_879], %broadcast_in_dim3A_880 masked %eq3A_883 : memref<128xf32, #tpu.memory_space<vmem>>[vector<16xi32>], vector<16xf32>, vector<16xi1>
      %eq3A_884 = arith.constant 0 : i32
      %eq3A_885 = vector.broadcast %eq3A_884 : i32 to vector<16xi32>
      %eq3A_886 = arith.cmpi eq, %iota3A, %eq3A_885 : vector<16xi32>
      tpu.vector_store_idx %arg20[%broadcast_in_dim3A_879], %broadcast_in_dim3A_869 masked %eq3A_886 : memref<128xi32, #tpu.memory_space<vmem>>[vector<16xi32>], vector<16xi32>, vector<16xi1>
      %eq3A_887 = arith.constant 0 : i32
      %eq3A_888 = vector.broadcast %eq3A_887 : i32 to vector<16xi32>
      %eq3A_889 = arith.cmpi eq, %iota3A, %eq3A_888 : vector<16xi32>
      %eq3A_890 = arith.constant 1 : i32
      %eq3A_891 = vector.broadcast %eq3A_890 : i32 to vector<16xi32>
      %eq3A_892 = arith.cmpi eq, %iota3A, %eq3A_891 : vector<16xi32>
      %eq3A_893 = arith.constant 2 : i32
      %eq3A_894 = vector.broadcast %eq3A_893 : i32 to vector<16xi32>
      %eq3A_895 = arith.cmpi eq, %iota3A, %eq3A_894 : vector<16xi32>
      %select_n3A_896 = arith.select %eq3A_895, %gather3A_872, %gather3A_873 : vector<16xi1>, vector<16xf32>
      %select_n3A_897 = arith.select %eq3A_892, %gather3A_871, %select_n3A_896 : vector<16xi1>, vector<16xf32>
      %select_n3A_898 = arith.select %eq3A_889, %gather3A_870, %select_n3A_897 : vector<16xi1>, vector<16xf32>
      %mul3A_899 = arith.constant 4 : i32
      %mul3A_900 = vector.broadcast %mul3A_899 : i32 to vector<16xi32>
      %mul3A_901 = arith.muli %broadcast_in_dim3A_879, %mul3A_900 : vector<16xi32>
      %add3A_902 = arith.addi %mul3A_901, %iota3A : vector<16xi32>
      %lt3A_903 = arith.constant 4 : i32
      %lt3A_904 = vector.broadcast %lt3A_903 : i32 to vector<16xi32>
      %lt3A_905 = arith.cmpi slt, %iota3A, %lt3A_904 : vector<16xi32>
      tpu.vector_store_idx %arg22[%add3A_902], %select_n3A_898 masked %lt3A_905 : memref<512xf32, #tpu.memory_space<vmem>>[vector<16xi32>], vector<16xf32>, vector<16xi1>
      %sub3A_906 = arith.subf %gather3A_872, %gather3A_870 : vector<16xf32>
      %sub3A_907 = arith.subf %gather3A_873, %gather3A_871 : vector<16xf32>
      %mul3A_908 = arith.mulf %sub3A_906, %sub3A_907 : vector<16xf32>
      %get3A_909 = arith.constant 0 : index
      %get3A_910 = tpu.vector_load %arg15[%get3A_909] {strides = array<i32>} : memref<320xf32, #tpu.memory_space<vmem>>, vector<16xf32>,
      %get3A_911 = arith.constant 0 : index
      %get3A_912 = tpu.vector_load %arg16[%get3A_911] {strides = array<i32>} : memref<320xf32, #tpu.memory_space<vmem>>, vector<16xf32>,
      %get3A_913 = arith.constant 0 : index
      %get3A_914 = tpu.vector_load %arg17[%get3A_913] {strides = array<i32>} : memref<320xf32, #tpu.memory_space<vmem>>, vector<16xf32>,
      %get3A_915 = arith.constant 0 : index
      %get3A_916 = tpu.vector_load %arg18[%get3A_915] {strides = array<i32>} : memref<320xf32, #tpu.memory_space<vmem>>, vector<16xf32>,
      %get3A_917 = arith.constant 0 : index
      %get3A_918 = tpu.vector_load %arg19[%get3A_917] {strides = array<i32>} : memref<320xf32, #tpu.memory_space<vmem>>, vector<16xf32>,
      %max3A_919 = arith.maximumf %gather3A_870, %get3A_910 : vector<16xf32>
      %max3A_920 = arith.maximumf %gather3A_871, %get3A_912 : vector<16xf32>
      %min3A_921 = arith.minimumf %gather3A_872, %get3A_914 : vector<16xf32>
      %min3A_922 = arith.minimumf %gather3A_873, %get3A_916 : vector<16xf32>
      %sub3A_923 = arith.subf %min3A_921, %max3A_919 : vector<16xf32>
      %max3A_924 = arith.constant 0.000000e+00 : f32
      %max3A_925 = vector.broadcast %max3A_924 : f32 to vector<16xf32>
      %max3A_926 = arith.maximumf %sub3A_923, %max3A_925 : vector<16xf32>
      %sub3A_927 = arith.subf %min3A_922, %max3A_920 : vector<16xf32>
      %max3A_928 = arith.constant 0.000000e+00 : f32
      %max3A_929 = vector.broadcast %max3A_928 : f32 to vector<16xf32>
      %max3A_930 = arith.maximumf %sub3A_927, %max3A_929 : vector<16xf32>
      %mul3A_931 = arith.mulf %max3A_926, %max3A_930 : vector<16xf32>
      %sub3A_932 = arith.subf %get3A_914, %get3A_910 : vector<16xf32>
      %sub3A_933 = arith.subf %get3A_916, %get3A_912 : vector<16xf32>
      %mul3A_934 = arith.mulf %sub3A_932, %sub3A_933 : vector<16xf32>
      %add3A_935 = arith.addf %mul3A_908, %mul3A_934 : vector<16xf32>
      %sub3A_936 = arith.subf %add3A_935, %mul3A_931 : vector<16xf32>
      %add3A_937 = arith.constant 9.99999971E-10 : f32
      %add3A_938 = vector.broadcast %add3A_937 : f32 to vector<16xf32>
      %add3A_939 = arith.addf %sub3A_936, %add3A_938 : vector<16xf32>
      %div3A = arith.divf %mul3A_931, %add3A_939 : vector<16xf32>
      %add3A_940 = arith.constant 0 : i32
      %add3A_941 = arith.addi %multiple_of3A, %add3A_940 : i32
      %add3A_942 = vector.broadcast %add3A_941 : i32 to vector<16xi32>
      %add3A_943 = arith.addi %iota3A, %add3A_942 : vector<16xi32>
      %gt3A_944 = arith.constant 3.000000e-01 : f32
      %gt3A_945 = vector.broadcast %gt3A_944 : f32 to vector<16xf32>
      %gt3A_946 = arith.cmpf ogt, %div3A, %gt3A_945 : vector<16xf32>
      %eq3A_947 = arith.cmpi eq, %add3A_943, %broadcast_in_dim3A_869 : vector<16xi32>
      %or3A = arith.ori %gt3A_946, %eq3A_947 : vector<16xi1>
      %jit3A_948 = arith.constant -1.000000e+30 : f32
      %broadcast_in_dim3A_949 = vector.broadcast %jit3A_948 : f32 to vector<16xf32>
      %select_n3A_950 = arith.select %or3A, %broadcast_in_dim3A_949, %get3A_918 : vector<16xi1>, vector<16xf32>
      %swap3A_951 = arith.constant 0 : index
      %swap3A_952 = tpu.vector_load %arg19[%swap3A_951] {strides = array<i32>} : memref<320xf32, #tpu.memory_space<vmem>>, vector<16xf32>,
      tpu.vector_store %arg19[%swap3A_951], %select_n3A_950 {strides = array<i32>} : memref<320xf32, #tpu.memory_space<vmem>>, vector<16xf32>,
      %get3A_953 = arith.constant 16 : index
      %get3A_954 = tpu.vector_load %arg15[%get3A_953] {strides = array<i32>} : memref<320xf32, #tpu.memory_space<vmem>>, vector<16xf32>,
      %get3A_955 = arith.constant 16 : index
      %get3A_956 = tpu.vector_load %arg16[%get3A_955] {strides = array<i32>} : memref<320xf32, #tpu.memory_space<vmem>>, vector<16xf32>,
      %get3A_957 = arith.constant 16 : index
      %get3A_958 = tpu.vector_load %arg17[%get3A_957] {strides = array<i32>} : memref<320xf32, #tpu.memory_space<vmem>>, vector<16xf32>,
      %get3A_959 = arith.constant 16 : index
      %get3A_960 = tpu.vector_load %arg18[%get3A_959] {strides = array<i32>} : memref<320xf32, #tpu.memory_space<vmem>>, vector<16xf32>,
      %get3A_961 = arith.constant 16 : index
      %get3A_962 = tpu.vector_load %arg19[%get3A_961] {strides = array<i32>} : memref<320xf32, #tpu.memory_space<vmem>>, vector<16xf32>,
      %max3A_963 = arith.maximumf %gather3A_870, %get3A_954 : vector<16xf32>
      %max3A_964 = arith.maximumf %gather3A_871, %get3A_956 : vector<16xf32>
      %min3A_965 = arith.minimumf %gather3A_872, %get3A_958 : vector<16xf32>
      %min3A_966 = arith.minimumf %gather3A_873, %get3A_960 : vector<16xf32>
      %sub3A_967 = arith.subf %min3A_965, %max3A_963 : vector<16xf32>
      %max3A_968 = arith.constant 0.000000e+00 : f32
      %max3A_969 = vector.broadcast %max3A_968 : f32 to vector<16xf32>
      %max3A_970 = arith.maximumf %sub3A_967, %max3A_969 : vector<16xf32>
      %sub3A_971 = arith.subf %min3A_966, %max3A_964 : vector<16xf32>
      %max3A_972 = arith.constant 0.000000e+00 : f32
      %max3A_973 = vector.broadcast %max3A_972 : f32 to vector<16xf32>
      %max3A_974 = arith.maximumf %sub3A_971, %max3A_973 : vector<16xf32>
      %mul3A_975 = arith.mulf %max3A_970, %max3A_974 : vector<16xf32>
      %sub3A_976 = arith.subf %get3A_958, %get3A_954 : vector<16xf32>
      %sub3A_977 = arith.subf %get3A_960, %get3A_956 : vector<16xf32>
      %mul3A_978 = arith.mulf %sub3A_976, %sub3A_977 : vector<16xf32>
      %add3A_979 = arith.addf %mul3A_908, %mul3A_978 : vector<16xf32>
      %sub3A_980 = arith.subf %add3A_979, %mul3A_975 : vector<16xf32>
      %add3A_981 = arith.constant 9.99999971E-10 : f32
      %add3A_982 = vector.broadcast %add3A_981 : f32 to vector<16xf32>
      %add3A_983 = arith.addf %sub3A_980, %add3A_982 : vector<16xf32>
      %div3A_984 = arith.divf %mul3A_975, %add3A_983 : vector<16xf32>
      %add3A_985 = arith.constant 16 : i32
      %add3A_986 = arith.addi %multiple_of3A, %add3A_985 : i32
      %add3A_987 = vector.broadcast %add3A_986 : i32 to vector<16xi32>
      %add3A_988 = arith.addi %iota3A, %add3A_987 : vector<16xi32>
      %gt3A_989 = arith.constant 3.000000e-01 : f32
      %gt3A_990 = vector.broadcast %gt3A_989 : f32 to vector<16xf32>
      %gt3A_991 = arith.cmpf ogt, %div3A_984, %gt3A_990 : vector<16xf32>
      %eq3A_992 = arith.cmpi eq, %add3A_988, %broadcast_in_dim3A_869 : vector<16xi32>
      %or3A_993 = arith.ori %gt3A_991, %eq3A_992 : vector<16xi1>
      %jit3A_994 = arith.constant -1.000000e+30 : f32
      %broadcast_in_dim3A_995 = vector.broadcast %jit3A_994 : f32 to vector<16xf32>
      %select_n3A_996 = arith.select %or3A_993, %broadcast_in_dim3A_995, %get3A_962 : vector<16xi1>, vector<16xf32>
      %swap3A_997 = arith.constant 16 : index
      %swap3A_998 = tpu.vector_load %arg19[%swap3A_997] {strides = array<i32>} : memref<320xf32, #tpu.memory_space<vmem>>, vector<16xf32>,
      tpu.vector_store %arg19[%swap3A_997], %select_n3A_996 {strides = array<i32>} : memref<320xf32, #tpu.memory_space<vmem>>, vector<16xf32>,
      %get3A_999 = arith.constant 32 : index
      %get3A_1000 = tpu.vector_load %arg15[%get3A_999] {strides = array<i32>} : memref<320xf32, #tpu.memory_space<vmem>>, vector<16xf32>,
      %get3A_1001 = arith.constant 32 : index
      %get3A_1002 = tpu.vector_load %arg16[%get3A_1001] {strides = array<i32>} : memref<320xf32, #tpu.memory_space<vmem>>, vector<16xf32>,
      %get3A_1003 = arith.constant 32 : index
      %get3A_1004 = tpu.vector_load %arg17[%get3A_1003] {strides = array<i32>} : memref<320xf32, #tpu.memory_space<vmem>>, vector<16xf32>,
      %get3A_1005 = arith.constant 32 : index
      %get3A_1006 = tpu.vector_load %arg18[%get3A_1005] {strides = array<i32>} : memref<320xf32, #tpu.memory_space<vmem>>, vector<16xf32>,
      %get3A_1007 = arith.constant 32 : index
      %get3A_1008 = tpu.vector_load %arg19[%get3A_1007] {strides = array<i32>} : memref<320xf32, #tpu.memory_space<vmem>>, vector<16xf32>,
      %max3A_1009 = arith.maximumf %gather3A_870, %get3A_1000 : vector<16xf32>
      %max3A_1010 = arith.maximumf %gather3A_871, %get3A_1002 : vector<16xf32>
      %min3A_1011 = arith.minimumf %gather3A_872, %get3A_1004 : vector<16xf32>
      %min3A_1012 = arith.minimumf %gather3A_873, %get3A_1006 : vector<16xf32>
      %sub3A_1013 = arith.subf %min3A_1011, %max3A_1009 : vector<16xf32>
      %max3A_1014 = arith.constant 0.000000e+00 : f32
      %max3A_1015 = vector.broadcast %max3A_1014 : f32 to vector<16xf32>
      %max3A_1016 = arith.maximumf %sub3A_1013, %max3A_1015 : vector<16xf32>
      %sub3A_1017 = arith.subf %min3A_1012, %max3A_1010 : vector<16xf32>
      %max3A_1018 = arith.constant 0.000000e+00 : f32
      %max3A_1019 = vector.broadcast %max3A_1018 : f32 to vector<16xf32>
      %max3A_1020 = arith.maximumf %sub3A_1017, %max3A_1019 : vector<16xf32>
      %mul3A_1021 = arith.mulf %max3A_1016, %max3A_1020 : vector<16xf32>
      %sub3A_1022 = arith.subf %get3A_1004, %get3A_1000 : vector<16xf32>
      %sub3A_1023 = arith.subf %get3A_1006, %get3A_1002 : vector<16xf32>
      %mul3A_1024 = arith.mulf %sub3A_1022, %sub3A_1023 : vector<16xf32>
      %add3A_1025 = arith.addf %mul3A_908, %mul3A_1024 : vector<16xf32>
      %sub3A_1026 = arith.subf %add3A_1025, %mul3A_1021 : vector<16xf32>
      %add3A_1027 = arith.constant 9.99999971E-10 : f32
      %add3A_1028 = vector.broadcast %add3A_1027 : f32 to vector<16xf32>
      %add3A_1029 = arith.addf %sub3A_1026, %add3A_1028 : vector<16xf32>
      %div3A_1030 = arith.divf %mul3A_1021, %add3A_1029 : vector<16xf32>
      %add3A_1031 = arith.constant 32 : i32
      %add3A_1032 = arith.addi %multiple_of3A, %add3A_1031 : i32
      %add3A_1033 = vector.broadcast %add3A_1032 : i32 to vector<16xi32>
      %add3A_1034 = arith.addi %iota3A, %add3A_1033 : vector<16xi32>
      %gt3A_1035 = arith.constant 3.000000e-01 : f32
      %gt3A_1036 = vector.broadcast %gt3A_1035 : f32 to vector<16xf32>
      %gt3A_1037 = arith.cmpf ogt, %div3A_1030, %gt3A_1036 : vector<16xf32>
      %eq3A_1038 = arith.cmpi eq, %add3A_1034, %broadcast_in_dim3A_869 : vector<16xi32>
      %or3A_1039 = arith.ori %gt3A_1037, %eq3A_1038 : vector<16xi1>
      %jit3A_1040 = arith.constant -1.000000e+30 : f32
      %broadcast_in_dim3A_1041 = vector.broadcast %jit3A_1040 : f32 to vector<16xf32>
      %select_n3A_1042 = arith.select %or3A_1039, %broadcast_in_dim3A_1041, %get3A_1008 : vector<16xi1>, vector<16xf32>
      %swap3A_1043 = arith.constant 32 : index
      %swap3A_1044 = tpu.vector_load %arg19[%swap3A_1043] {strides = array<i32>} : memref<320xf32, #tpu.memory_space<vmem>>, vector<16xf32>,
      tpu.vector_store %arg19[%swap3A_1043], %select_n3A_1042 {strides = array<i32>} : memref<320xf32, #tpu.memory_space<vmem>>, vector<16xf32>,
      %get3A_1045 = arith.constant 48 : index
      %get3A_1046 = tpu.vector_load %arg15[%get3A_1045] {strides = array<i32>} : memref<320xf32, #tpu.memory_space<vmem>>, vector<16xf32>,
      %get3A_1047 = arith.constant 48 : index
      %get3A_1048 = tpu.vector_load %arg16[%get3A_1047] {strides = array<i32>} : memref<320xf32, #tpu.memory_space<vmem>>, vector<16xf32>,
      %get3A_1049 = arith.constant 48 : index
      %get3A_1050 = tpu.vector_load %arg17[%get3A_1049] {strides = array<i32>} : memref<320xf32, #tpu.memory_space<vmem>>, vector<16xf32>,
      %get3A_1051 = arith.constant 48 : index
      %get3A_1052 = tpu.vector_load %arg18[%get3A_1051] {strides = array<i32>} : memref<320xf32, #tpu.memory_space<vmem>>, vector<16xf32>,
      %get3A_1053 = arith.constant 48 : index
      %get3A_1054 = tpu.vector_load %arg19[%get3A_1053] {strides = array<i32>} : memref<320xf32, #tpu.memory_space<vmem>>, vector<16xf32>,
      %max3A_1055 = arith.maximumf %gather3A_870, %get3A_1046 : vector<16xf32>
      %max3A_1056 = arith.maximumf %gather3A_871, %get3A_1048 : vector<16xf32>
      %min3A_1057 = arith.minimumf %gather3A_872, %get3A_1050 : vector<16xf32>
      %min3A_1058 = arith.minimumf %gather3A_873, %get3A_1052 : vector<16xf32>
      %sub3A_1059 = arith.subf %min3A_1057, %max3A_1055 : vector<16xf32>
      %max3A_1060 = arith.constant 0.000000e+00 : f32
      %max3A_1061 = vector.broadcast %max3A_1060 : f32 to vector<16xf32>
      %max3A_1062 = arith.maximumf %sub3A_1059, %max3A_1061 : vector<16xf32>
      %sub3A_1063 = arith.subf %min3A_1058, %max3A_1056 : vector<16xf32>
      %max3A_1064 = arith.constant 0.000000e+00 : f32
      %max3A_1065 = vector.broadcast %max3A_1064 : f32 to vector<16xf32>
      %max3A_1066 = arith.maximumf %sub3A_1063, %max3A_1065 : vector<16xf32>
      %mul3A_1067 = arith.mulf %max3A_1062, %max3A_1066 : vector<16xf32>
      %sub3A_1068 = arith.subf %get3A_1050, %get3A_1046 : vector<16xf32>
      %sub3A_1069 = arith.subf %get3A_1052, %get3A_1048 : vector<16xf32>
      %mul3A_1070 = arith.mulf %sub3A_1068, %sub3A_1069 : vector<16xf32>
      %add3A_1071 = arith.addf %mul3A_908, %mul3A_1070 : vector<16xf32>
      %sub3A_1072 = arith.subf %add3A_1071, %mul3A_1067 : vector<16xf32>
      %add3A_1073 = arith.constant 9.99999971E-10 : f32
      %add3A_1074 = vector.broadcast %add3A_1073 : f32 to vector<16xf32>
      %add3A_1075 = arith.addf %sub3A_1072, %add3A_1074 : vector<16xf32>
      %div3A_1076 = arith.divf %mul3A_1067, %add3A_1075 : vector<16xf32>
      %add3A_1077 = arith.constant 48 : i32
      %add3A_1078 = arith.addi %multiple_of3A, %add3A_1077 : i32
      %add3A_1079 = vector.broadcast %add3A_1078 : i32 to vector<16xi32>
      %add3A_1080 = arith.addi %iota3A, %add3A_1079 : vector<16xi32>
      %gt3A_1081 = arith.constant 3.000000e-01 : f32
      %gt3A_1082 = vector.broadcast %gt3A_1081 : f32 to vector<16xf32>
      %gt3A_1083 = arith.cmpf ogt, %div3A_1076, %gt3A_1082 : vector<16xf32>
      %eq3A_1084 = arith.cmpi eq, %add3A_1080, %broadcast_in_dim3A_869 : vector<16xi32>
      %or3A_1085 = arith.ori %gt3A_1083, %eq3A_1084 : vector<16xi1>
      %jit3A_1086 = arith.constant -1.000000e+30 : f32
      %broadcast_in_dim3A_1087 = vector.broadcast %jit3A_1086 : f32 to vector<16xf32>
      %select_n3A_1088 = arith.select %or3A_1085, %broadcast_in_dim3A_1087, %get3A_1054 : vector<16xi1>, vector<16xf32>
      %swap3A_1089 = arith.constant 48 : index
      %swap3A_1090 = tpu.vector_load %arg19[%swap3A_1089] {strides = array<i32>} : memref<320xf32, #tpu.memory_space<vmem>>, vector<16xf32>,
      tpu.vector_store %arg19[%swap3A_1089], %select_n3A_1088 {strides = array<i32>} : memref<320xf32, #tpu.memory_space<vmem>>, vector<16xf32>,
      %get3A_1091 = arith.constant 64 : index
      %get3A_1092 = tpu.vector_load %arg15[%get3A_1091] {strides = array<i32>} : memref<320xf32, #tpu.memory_space<vmem>>, vector<16xf32>,
      %get3A_1093 = arith.constant 64 : index
      %get3A_1094 = tpu.vector_load %arg16[%get3A_1093] {strides = array<i32>} : memref<320xf32, #tpu.memory_space<vmem>>, vector<16xf32>,
      %get3A_1095 = arith.constant 64 : index
      %get3A_1096 = tpu.vector_load %arg17[%get3A_1095] {strides = array<i32>} : memref<320xf32, #tpu.memory_space<vmem>>, vector<16xf32>,
      %get3A_1097 = arith.constant 64 : index
      %get3A_1098 = tpu.vector_load %arg18[%get3A_1097] {strides = array<i32>} : memref<320xf32, #tpu.memory_space<vmem>>, vector<16xf32>,
      %get3A_1099 = arith.constant 64 : index
      %get3A_1100 = tpu.vector_load %arg19[%get3A_1099] {strides = array<i32>} : memref<320xf32, #tpu.memory_space<vmem>>, vector<16xf32>,
      %max3A_1101 = arith.maximumf %gather3A_870, %get3A_1092 : vector<16xf32>
      %max3A_1102 = arith.maximumf %gather3A_871, %get3A_1094 : vector<16xf32>
      %min3A_1103 = arith.minimumf %gather3A_872, %get3A_1096 : vector<16xf32>
      %min3A_1104 = arith.minimumf %gather3A_873, %get3A_1098 : vector<16xf32>
      %sub3A_1105 = arith.subf %min3A_1103, %max3A_1101 : vector<16xf32>
      %max3A_1106 = arith.constant 0.000000e+00 : f32
      %max3A_1107 = vector.broadcast %max3A_1106 : f32 to vector<16xf32>
      %max3A_1108 = arith.maximumf %sub3A_1105, %max3A_1107 : vector<16xf32>
      %sub3A_1109 = arith.subf %min3A_1104, %max3A_1102 : vector<16xf32>
      %max3A_1110 = arith.constant 0.000000e+00 : f32
      %max3A_1111 = vector.broadcast %max3A_1110 : f32 to vector<16xf32>
      %max3A_1112 = arith.maximumf %sub3A_1109, %max3A_1111 : vector<16xf32>
      %mul3A_1113 = arith.mulf %max3A_1108, %max3A_1112 : vector<16xf32>
      %sub3A_1114 = arith.subf %get3A_1096, %get3A_1092 : vector<16xf32>
      %sub3A_1115 = arith.subf %get3A_1098, %get3A_1094 : vector<16xf32>
      %mul3A_1116 = arith.mulf %sub3A_1114, %sub3A_1115 : vector<16xf32>
      %add3A_1117 = arith.addf %mul3A_908, %mul3A_1116 : vector<16xf32>
      %sub3A_1118 = arith.subf %add3A_1117, %mul3A_1113 : vector<16xf32>
      %add3A_1119 = arith.constant 9.99999971E-10 : f32
      %add3A_1120 = vector.broadcast %add3A_1119 : f32 to vector<16xf32>
      %add3A_1121 = arith.addf %sub3A_1118, %add3A_1120 : vector<16xf32>
      %div3A_1122 = arith.divf %mul3A_1113, %add3A_1121 : vector<16xf32>
      %add3A_1123 = arith.constant 64 : i32
      %add3A_1124 = arith.addi %multiple_of3A, %add3A_1123 : i32
      %add3A_1125 = vector.broadcast %add3A_1124 : i32 to vector<16xi32>
      %add3A_1126 = arith.addi %iota3A, %add3A_1125 : vector<16xi32>
      %gt3A_1127 = arith.constant 3.000000e-01 : f32
      %gt3A_1128 = vector.broadcast %gt3A_1127 : f32 to vector<16xf32>
      %gt3A_1129 = arith.cmpf ogt, %div3A_1122, %gt3A_1128 : vector<16xf32>
      %eq3A_1130 = arith.cmpi eq, %add3A_1126, %broadcast_in_dim3A_869 : vector<16xi32>
      %or3A_1131 = arith.ori %gt3A_1129, %eq3A_1130 : vector<16xi1>
      %jit3A_1132 = arith.constant -1.000000e+30 : f32
      %broadcast_in_dim3A_1133 = vector.broadcast %jit3A_1132 : f32 to vector<16xf32>
      %select_n3A_1134 = arith.select %or3A_1131, %broadcast_in_dim3A_1133, %get3A_1100 : vector<16xi1>, vector<16xf32>
      %swap3A_1135 = arith.constant 64 : index
      %swap3A_1136 = tpu.vector_load %arg19[%swap3A_1135] {strides = array<i32>} : memref<320xf32, #tpu.memory_space<vmem>>, vector<16xf32>,
      tpu.vector_store %arg19[%swap3A_1135], %select_n3A_1134 {strides = array<i32>} : memref<320xf32, #tpu.memory_space<vmem>>, vector<16xf32>,
      %get3A_1137 = arith.constant 80 : index
      %get3A_1138 = tpu.vector_load %arg15[%get3A_1137] {strides = array<i32>} : memref<320xf32, #tpu.memory_space<vmem>>, vector<16xf32>,
      %get3A_1139 = arith.constant 80 : index
      %get3A_1140 = tpu.vector_load %arg16[%get3A_1139] {strides = array<i32>} : memref<320xf32, #tpu.memory_space<vmem>>, vector<16xf32>,
      %get3A_1141 = arith.constant 80 : index
      %get3A_1142 = tpu.vector_load %arg17[%get3A_1141] {strides = array<i32>} : memref<320xf32, #tpu.memory_space<vmem>>, vector<16xf32>,
      %get3A_1143 = arith.constant 80 : index
      %get3A_1144 = tpu.vector_load %arg18[%get3A_1143] {strides = array<i32>} : memref<320xf32, #tpu.memory_space<vmem>>, vector<16xf32>,
      %get3A_1145 = arith.constant 80 : index
      %get3A_1146 = tpu.vector_load %arg19[%get3A_1145] {strides = array<i32>} : memref<320xf32, #tpu.memory_space<vmem>>, vector<16xf32>,
      %max3A_1147 = arith.maximumf %gather3A_870, %get3A_1138 : vector<16xf32>
      %max3A_1148 = arith.maximumf %gather3A_871, %get3A_1140 : vector<16xf32>
      %min3A_1149 = arith.minimumf %gather3A_872, %get3A_1142 : vector<16xf32>
      %min3A_1150 = arith.minimumf %gather3A_873, %get3A_1144 : vector<16xf32>
      %sub3A_1151 = arith.subf %min3A_1149, %max3A_1147 : vector<16xf32>
      %max3A_1152 = arith.constant 0.000000e+00 : f32
      %max3A_1153 = vector.broadcast %max3A_1152 : f32 to vector<16xf32>
      %max3A_1154 = arith.maximumf %sub3A_1151, %max3A_1153 : vector<16xf32>
      %sub3A_1155 = arith.subf %min3A_1150, %max3A_1148 : vector<16xf32>
      %max3A_1156 = arith.constant 0.000000e+00 : f32
      %max3A_1157 = vector.broadcast %max3A_1156 : f32 to vector<16xf32>
      %max3A_1158 = arith.maximumf %sub3A_1155, %max3A_1157 : vector<16xf32>
      %mul3A_1159 = arith.mulf %max3A_1154, %max3A_1158 : vector<16xf32>
      %sub3A_1160 = arith.subf %get3A_1142, %get3A_1138 : vector<16xf32>
      %sub3A_1161 = arith.subf %get3A_1144, %get3A_1140 : vector<16xf32>
      %mul3A_1162 = arith.mulf %sub3A_1160, %sub3A_1161 : vector<16xf32>
      %add3A_1163 = arith.addf %mul3A_908, %mul3A_1162 : vector<16xf32>
      %sub3A_1164 = arith.subf %add3A_1163, %mul3A_1159 : vector<16xf32>
      %add3A_1165 = arith.constant 9.99999971E-10 : f32
      %add3A_1166 = vector.broadcast %add3A_1165 : f32 to vector<16xf32>
      %add3A_1167 = arith.addf %sub3A_1164, %add3A_1166 : vector<16xf32>
      %div3A_1168 = arith.divf %mul3A_1159, %add3A_1167 : vector<16xf32>
      %add3A_1169 = arith.constant 80 : i32
      %add3A_1170 = arith.addi %multiple_of3A, %add3A_1169 : i32
      %add3A_1171 = vector.broadcast %add3A_1170 : i32 to vector<16xi32>
      %add3A_1172 = arith.addi %iota3A, %add3A_1171 : vector<16xi32>
      %gt3A_1173 = arith.constant 3.000000e-01 : f32
      %gt3A_1174 = vector.broadcast %gt3A_1173 : f32 to vector<16xf32>
      %gt3A_1175 = arith.cmpf ogt, %div3A_1168, %gt3A_1174 : vector<16xf32>
      %eq3A_1176 = arith.cmpi eq, %add3A_1172, %broadcast_in_dim3A_869 : vector<16xi32>
      %or3A_1177 = arith.ori %gt3A_1175, %eq3A_1176 : vector<16xi1>
      %jit3A_1178 = arith.constant -1.000000e+30 : f32
      %broadcast_in_dim3A_1179 = vector.broadcast %jit3A_1178 : f32 to vector<16xf32>
      %select_n3A_1180 = arith.select %or3A_1177, %broadcast_in_dim3A_1179, %get3A_1146 : vector<16xi1>, vector<16xf32>
      %swap3A_1181 = arith.constant 80 : index
      %swap3A_1182 = tpu.vector_load %arg19[%swap3A_1181] {strides = array<i32>} : memref<320xf32, #tpu.memory_space<vmem>>, vector<16xf32>,
      tpu.vector_store %arg19[%swap3A_1181], %select_n3A_1180 {strides = array<i32>} : memref<320xf32, #tpu.memory_space<vmem>>, vector<16xf32>,
      %get3A_1183 = arith.constant 96 : index
      %get3A_1184 = tpu.vector_load %arg15[%get3A_1183] {strides = array<i32>} : memref<320xf32, #tpu.memory_space<vmem>>, vector<16xf32>,
      %get3A_1185 = arith.constant 96 : index
      %get3A_1186 = tpu.vector_load %arg16[%get3A_1185] {strides = array<i32>} : memref<320xf32, #tpu.memory_space<vmem>>, vector<16xf32>,
      %get3A_1187 = arith.constant 96 : index
      %get3A_1188 = tpu.vector_load %arg17[%get3A_1187] {strides = array<i32>} : memref<320xf32, #tpu.memory_space<vmem>>, vector<16xf32>,
      %get3A_1189 = arith.constant 96 : index
      %get3A_1190 = tpu.vector_load %arg18[%get3A_1189] {strides = array<i32>} : memref<320xf32, #tpu.memory_space<vmem>>, vector<16xf32>,
      %get3A_1191 = arith.constant 96 : index
      %get3A_1192 = tpu.vector_load %arg19[%get3A_1191] {strides = array<i32>} : memref<320xf32, #tpu.memory_space<vmem>>, vector<16xf32>,
      %max3A_1193 = arith.maximumf %gather3A_870, %get3A_1184 : vector<16xf32>
      %max3A_1194 = arith.maximumf %gather3A_871, %get3A_1186 : vector<16xf32>
      %min3A_1195 = arith.minimumf %gather3A_872, %get3A_1188 : vector<16xf32>
      %min3A_1196 = arith.minimumf %gather3A_873, %get3A_1190 : vector<16xf32>
      %sub3A_1197 = arith.subf %min3A_1195, %max3A_1193 : vector<16xf32>
      %max3A_1198 = arith.constant 0.000000e+00 : f32
      %max3A_1199 = vector.broadcast %max3A_1198 : f32 to vector<16xf32>
      %max3A_1200 = arith.maximumf %sub3A_1197, %max3A_1199 : vector<16xf32>
      %sub3A_1201 = arith.subf %min3A_1196, %max3A_1194 : vector<16xf32>
      %max3A_1202 = arith.constant 0.000000e+00 : f32
      %max3A_1203 = vector.broadcast %max3A_1202 : f32 to vector<16xf32>
      %max3A_1204 = arith.maximumf %sub3A_1201, %max3A_1203 : vector<16xf32>
      %mul3A_1205 = arith.mulf %max3A_1200, %max3A_1204 : vector<16xf32>
      %sub3A_1206 = arith.subf %get3A_1188, %get3A_1184 : vector<16xf32>
      %sub3A_1207 = arith.subf %get3A_1190, %get3A_1186 : vector<16xf32>
      %mul3A_1208 = arith.mulf %sub3A_1206, %sub3A_1207 : vector<16xf32>
      %add3A_1209 = arith.addf %mul3A_908, %mul3A_1208 : vector<16xf32>
      %sub3A_1210 = arith.subf %add3A_1209, %mul3A_1205 : vector<16xf32>
      %add3A_1211 = arith.constant 9.99999971E-10 : f32
      %add3A_1212 = vector.broadcast %add3A_1211 : f32 to vector<16xf32>
      %add3A_1213 = arith.addf %sub3A_1210, %add3A_1212 : vector<16xf32>
      %div3A_1214 = arith.divf %mul3A_1205, %add3A_1213 : vector<16xf32>
      %add3A_1215 = arith.constant 96 : i32
      %add3A_1216 = arith.addi %multiple_of3A, %add3A_1215 : i32
      %add3A_1217 = vector.broadcast %add3A_1216 : i32 to vector<16xi32>
      %add3A_1218 = arith.addi %iota3A, %add3A_1217 : vector<16xi32>
      %gt3A_1219 = arith.constant 3.000000e-01 : f32
      %gt3A_1220 = vector.broadcast %gt3A_1219 : f32 to vector<16xf32>
      %gt3A_1221 = arith.cmpf ogt, %div3A_1214, %gt3A_1220 : vector<16xf32>
      %eq3A_1222 = arith.cmpi eq, %add3A_1218, %broadcast_in_dim3A_869 : vector<16xi32>
      %or3A_1223 = arith.ori %gt3A_1221, %eq3A_1222 : vector<16xi1>
      %jit3A_1224 = arith.constant -1.000000e+30 : f32
      %broadcast_in_dim3A_1225 = vector.broadcast %jit3A_1224 : f32 to vector<16xf32>
      %select_n3A_1226 = arith.select %or3A_1223, %broadcast_in_dim3A_1225, %get3A_1192 : vector<16xi1>, vector<16xf32>
      %swap3A_1227 = arith.constant 96 : index
      %swap3A_1228 = tpu.vector_load %arg19[%swap3A_1227] {strides = array<i32>} : memref<320xf32, #tpu.memory_space<vmem>>, vector<16xf32>,
      tpu.vector_store %arg19[%swap3A_1227], %select_n3A_1226 {strides = array<i32>} : memref<320xf32, #tpu.memory_space<vmem>>, vector<16xf32>,
      %get3A_1229 = arith.constant 112 : index
      %get3A_1230 = tpu.vector_load %arg15[%get3A_1229] {strides = array<i32>} : memref<320xf32, #tpu.memory_space<vmem>>, vector<16xf32>,
      %get3A_1231 = arith.constant 112 : index
      %get3A_1232 = tpu.vector_load %arg16[%get3A_1231] {strides = array<i32>} : memref<320xf32, #tpu.memory_space<vmem>>, vector<16xf32>,
      %get3A_1233 = arith.constant 112 : index
      %get3A_1234 = tpu.vector_load %arg17[%get3A_1233] {strides = array<i32>} : memref<320xf32, #tpu.memory_space<vmem>>, vector<16xf32>,
      %get3A_1235 = arith.constant 112 : index
      %get3A_1236 = tpu.vector_load %arg18[%get3A_1235] {strides = array<i32>} : memref<320xf32, #tpu.memory_space<vmem>>, vector<16xf32>,
      %get3A_1237 = arith.constant 112 : index
      %get3A_1238 = tpu.vector_load %arg19[%get3A_1237] {strides = array<i32>} : memref<320xf32, #tpu.memory_space<vmem>>, vector<16xf32>,
      %max3A_1239 = arith.maximumf %gather3A_870, %get3A_1230 : vector<16xf32>
      %max3A_1240 = arith.maximumf %gather3A_871, %get3A_1232 : vector<16xf32>
      %min3A_1241 = arith.minimumf %gather3A_872, %get3A_1234 : vector<16xf32>
      %min3A_1242 = arith.minimumf %gather3A_873, %get3A_1236 : vector<16xf32>
      %sub3A_1243 = arith.subf %min3A_1241, %max3A_1239 : vector<16xf32>
      %max3A_1244 = arith.constant 0.000000e+00 : f32
      %max3A_1245 = vector.broadcast %max3A_1244 : f32 to vector<16xf32>
      %max3A_1246 = arith.maximumf %sub3A_1243, %max3A_1245 : vector<16xf32>
      %sub3A_1247 = arith.subf %min3A_1242, %max3A_1240 : vector<16xf32>
      %max3A_1248 = arith.constant 0.000000e+00 : f32
      %max3A_1249 = vector.broadcast %max3A_1248 : f32 to vector<16xf32>
      %max3A_1250 = arith.maximumf %sub3A_1247, %max3A_1249 : vector<16xf32>
      %mul3A_1251 = arith.mulf %max3A_1246, %max3A_1250 : vector<16xf32>
      %sub3A_1252 = arith.subf %get3A_1234, %get3A_1230 : vector<16xf32>
      %sub3A_1253 = arith.subf %get3A_1236, %get3A_1232 : vector<16xf32>
      %mul3A_1254 = arith.mulf %sub3A_1252, %sub3A_1253 : vector<16xf32>
      %add3A_1255 = arith.addf %mul3A_908, %mul3A_1254 : vector<16xf32>
      %sub3A_1256 = arith.subf %add3A_1255, %mul3A_1251 : vector<16xf32>
      %add3A_1257 = arith.constant 9.99999971E-10 : f32
      %add3A_1258 = vector.broadcast %add3A_1257 : f32 to vector<16xf32>
      %add3A_1259 = arith.addf %sub3A_1256, %add3A_1258 : vector<16xf32>
      %div3A_1260 = arith.divf %mul3A_1251, %add3A_1259 : vector<16xf32>
      %add3A_1261 = arith.constant 112 : i32
      %add3A_1262 = arith.addi %multiple_of3A, %add3A_1261 : i32
      %add3A_1263 = vector.broadcast %add3A_1262 : i32 to vector<16xi32>
      %add3A_1264 = arith.addi %iota3A, %add3A_1263 : vector<16xi32>
      %gt3A_1265 = arith.constant 3.000000e-01 : f32
      %gt3A_1266 = vector.broadcast %gt3A_1265 : f32 to vector<16xf32>
      %gt3A_1267 = arith.cmpf ogt, %div3A_1260, %gt3A_1266 : vector<16xf32>
      %eq3A_1268 = arith.cmpi eq, %add3A_1264, %broadcast_in_dim3A_869 : vector<16xi32>
      %or3A_1269 = arith.ori %gt3A_1267, %eq3A_1268 : vector<16xi1>
      %jit3A_1270 = arith.constant -1.000000e+30 : f32
      %broadcast_in_dim3A_1271 = vector.broadcast %jit3A_1270 : f32 to vector<16xf32>
      %select_n3A_1272 = arith.select %or3A_1269, %broadcast_in_dim3A_1271, %get3A_1238 : vector<16xi1>, vector<16xf32>
      %swap3A_1273 = arith.constant 112 : index
      %swap3A_1274 = tpu.vector_load %arg19[%swap3A_1273] {strides = array<i32>} : memref<320xf32, #tpu.memory_space<vmem>>, vector<16xf32>,
      tpu.vector_store %arg19[%swap3A_1273], %select_n3A_1272 {strides = array<i32>} : memref<320xf32, #tpu.memory_space<vmem>>, vector<16xf32>,
      %get3A_1275 = arith.constant 128 : index
      %get3A_1276 = tpu.vector_load %arg15[%get3A_1275] {strides = array<i32>} : memref<320xf32, #tpu.memory_space<vmem>>, vector<16xf32>,
      %get3A_1277 = arith.constant 128 : index
      %get3A_1278 = tpu.vector_load %arg16[%get3A_1277] {strides = array<i32>} : memref<320xf32, #tpu.memory_space<vmem>>, vector<16xf32>,
      %get3A_1279 = arith.constant 128 : index
      %get3A_1280 = tpu.vector_load %arg17[%get3A_1279] {strides = array<i32>} : memref<320xf32, #tpu.memory_space<vmem>>, vector<16xf32>,
      %get3A_1281 = arith.constant 128 : index
      %get3A_1282 = tpu.vector_load %arg18[%get3A_1281] {strides = array<i32>} : memref<320xf32, #tpu.memory_space<vmem>>, vector<16xf32>,
      %get3A_1283 = arith.constant 128 : index
      %get3A_1284 = tpu.vector_load %arg19[%get3A_1283] {strides = array<i32>} : memref<320xf32, #tpu.memory_space<vmem>>, vector<16xf32>,
      %max3A_1285 = arith.maximumf %gather3A_870, %get3A_1276 : vector<16xf32>
      %max3A_1286 = arith.maximumf %gather3A_871, %get3A_1278 : vector<16xf32>
      %min3A_1287 = arith.minimumf %gather3A_872, %get3A_1280 : vector<16xf32>
      %min3A_1288 = arith.minimumf %gather3A_873, %get3A_1282 : vector<16xf32>
      %sub3A_1289 = arith.subf %min3A_1287, %max3A_1285 : vector<16xf32>
      %max3A_1290 = arith.constant 0.000000e+00 : f32
      %max3A_1291 = vector.broadcast %max3A_1290 : f32 to vector<16xf32>
      %max3A_1292 = arith.maximumf %sub3A_1289, %max3A_1291 : vector<16xf32>
      %sub3A_1293 = arith.subf %min3A_1288, %max3A_1286 : vector<16xf32>
      %max3A_1294 = arith.constant 0.000000e+00 : f32
      %max3A_1295 = vector.broadcast %max3A_1294 : f32 to vector<16xf32>
      %max3A_1296 = arith.maximumf %sub3A_1293, %max3A_1295 : vector<16xf32>
      %mul3A_1297 = arith.mulf %max3A_1292, %max3A_1296 : vector<16xf32>
      %sub3A_1298 = arith.subf %get3A_1280, %get3A_1276 : vector<16xf32>
      %sub3A_1299 = arith.subf %get3A_1282, %get3A_1278 : vector<16xf32>
      %mul3A_1300 = arith.mulf %sub3A_1298, %sub3A_1299 : vector<16xf32>
      %add3A_1301 = arith.addf %mul3A_908, %mul3A_1300 : vector<16xf32>
      %sub3A_1302 = arith.subf %add3A_1301, %mul3A_1297 : vector<16xf32>
      %add3A_1303 = arith.constant 9.99999971E-10 : f32
      %add3A_1304 = vector.broadcast %add3A_1303 : f32 to vector<16xf32>
      %add3A_1305 = arith.addf %sub3A_1302, %add3A_1304 : vector<16xf32>
      %div3A_1306 = arith.divf %mul3A_1297, %add3A_1305 : vector<16xf32>
      %add3A_1307 = arith.constant 128 : i32
      %add3A_1308 = arith.addi %multiple_of3A, %add3A_1307 : i32
      %add3A_1309 = vector.broadcast %add3A_1308 : i32 to vector<16xi32>
      %add3A_1310 = arith.addi %iota3A, %add3A_1309 : vector<16xi32>
      %gt3A_1311 = arith.constant 3.000000e-01 : f32
      %gt3A_1312 = vector.broadcast %gt3A_1311 : f32 to vector<16xf32>
      %gt3A_1313 = arith.cmpf ogt, %div3A_1306, %gt3A_1312 : vector<16xf32>
      %eq3A_1314 = arith.cmpi eq, %add3A_1310, %broadcast_in_dim3A_869 : vector<16xi32>
      %or3A_1315 = arith.ori %gt3A_1313, %eq3A_1314 : vector<16xi1>
      %jit3A_1316 = arith.constant -1.000000e+30 : f32
      %broadcast_in_dim3A_1317 = vector.broadcast %jit3A_1316 : f32 to vector<16xf32>
      %select_n3A_1318 = arith.select %or3A_1315, %broadcast_in_dim3A_1317, %get3A_1284 : vector<16xi1>, vector<16xf32>
      %swap3A_1319 = arith.constant 128 : index
      %swap3A_1320 = tpu.vector_load %arg19[%swap3A_1319] {strides = array<i32>} : memref<320xf32, #tpu.memory_space<vmem>>, vector<16xf32>,
      tpu.vector_store %arg19[%swap3A_1319], %select_n3A_1318 {strides = array<i32>} : memref<320xf32, #tpu.memory_space<vmem>>, vector<16xf32>,
      %get3A_1321 = arith.constant 144 : index
      %get3A_1322 = tpu.vector_load %arg15[%get3A_1321] {strides = array<i32>} : memref<320xf32, #tpu.memory_space<vmem>>, vector<16xf32>,
      %get3A_1323 = arith.constant 144 : index
      %get3A_1324 = tpu.vector_load %arg16[%get3A_1323] {strides = array<i32>} : memref<320xf32, #tpu.memory_space<vmem>>, vector<16xf32>,
      %get3A_1325 = arith.constant 144 : index
      %get3A_1326 = tpu.vector_load %arg17[%get3A_1325] {strides = array<i32>} : memref<320xf32, #tpu.memory_space<vmem>>, vector<16xf32>,
      %get3A_1327 = arith.constant 144 : index
      %get3A_1328 = tpu.vector_load %arg18[%get3A_1327] {strides = array<i32>} : memref<320xf32, #tpu.memory_space<vmem>>, vector<16xf32>,
      %get3A_1329 = arith.constant 144 : index
      %get3A_1330 = tpu.vector_load %arg19[%get3A_1329] {strides = array<i32>} : memref<320xf32, #tpu.memory_space<vmem>>, vector<16xf32>,
      %max3A_1331 = arith.maximumf %gather3A_870, %get3A_1322 : vector<16xf32>
      %max3A_1332 = arith.maximumf %gather3A_871, %get3A_1324 : vector<16xf32>
      %min3A_1333 = arith.minimumf %gather3A_872, %get3A_1326 : vector<16xf32>
      %min3A_1334 = arith.minimumf %gather3A_873, %get3A_1328 : vector<16xf32>
      %sub3A_1335 = arith.subf %min3A_1333, %max3A_1331 : vector<16xf32>
      %max3A_1336 = arith.constant 0.000000e+00 : f32
      %max3A_1337 = vector.broadcast %max3A_1336 : f32 to vector<16xf32>
      %max3A_1338 = arith.maximumf %sub3A_1335, %max3A_1337 : vector<16xf32>
      %sub3A_1339 = arith.subf %min3A_1334, %max3A_1332 : vector<16xf32>
      %max3A_1340 = arith.constant 0.000000e+00 : f32
      %max3A_1341 = vector.broadcast %max3A_1340 : f32 to vector<16xf32>
      %max3A_1342 = arith.maximumf %sub3A_1339, %max3A_1341 : vector<16xf32>
      %mul3A_1343 = arith.mulf %max3A_1338, %max3A_1342 : vector<16xf32>
      %sub3A_1344 = arith.subf %get3A_1326, %get3A_1322 : vector<16xf32>
      %sub3A_1345 = arith.subf %get3A_1328, %get3A_1324 : vector<16xf32>
      %mul3A_1346 = arith.mulf %sub3A_1344, %sub3A_1345 : vector<16xf32>
      %add3A_1347 = arith.addf %mul3A_908, %mul3A_1346 : vector<16xf32>
      %sub3A_1348 = arith.subf %add3A_1347, %mul3A_1343 : vector<16xf32>
      %add3A_1349 = arith.constant 9.99999971E-10 : f32
      %add3A_1350 = vector.broadcast %add3A_1349 : f32 to vector<16xf32>
      %add3A_1351 = arith.addf %sub3A_1348, %add3A_1350 : vector<16xf32>
      %div3A_1352 = arith.divf %mul3A_1343, %add3A_1351 : vector<16xf32>
      %add3A_1353 = arith.constant 144 : i32
      %add3A_1354 = arith.addi %multiple_of3A, %add3A_1353 : i32
      %add3A_1355 = vector.broadcast %add3A_1354 : i32 to vector<16xi32>
      %add3A_1356 = arith.addi %iota3A, %add3A_1355 : vector<16xi32>
      %gt3A_1357 = arith.constant 3.000000e-01 : f32
      %gt3A_1358 = vector.broadcast %gt3A_1357 : f32 to vector<16xf32>
      %gt3A_1359 = arith.cmpf ogt, %div3A_1352, %gt3A_1358 : vector<16xf32>
      %eq3A_1360 = arith.cmpi eq, %add3A_1356, %broadcast_in_dim3A_869 : vector<16xi32>
      %or3A_1361 = arith.ori %gt3A_1359, %eq3A_1360 : vector<16xi1>
      %jit3A_1362 = arith.constant -1.000000e+30 : f32
      %broadcast_in_dim3A_1363 = vector.broadcast %jit3A_1362 : f32 to vector<16xf32>
      %select_n3A_1364 = arith.select %or3A_1361, %broadcast_in_dim3A_1363, %get3A_1330 : vector<16xi1>, vector<16xf32>
      %swap3A_1365 = arith.constant 144 : index
      %swap3A_1366 = tpu.vector_load %arg19[%swap3A_1365] {strides = array<i32>} : memref<320xf32, #tpu.memory_space<vmem>>, vector<16xf32>,
      tpu.vector_store %arg19[%swap3A_1365], %select_n3A_1364 {strides = array<i32>} : memref<320xf32, #tpu.memory_space<vmem>>, vector<16xf32>,
      %get3A_1367 = arith.constant 160 : index
      %get3A_1368 = tpu.vector_load %arg15[%get3A_1367] {strides = array<i32>} : memref<320xf32, #tpu.memory_space<vmem>>, vector<16xf32>,
      %get3A_1369 = arith.constant 160 : index
      %get3A_1370 = tpu.vector_load %arg16[%get3A_1369] {strides = array<i32>} : memref<320xf32, #tpu.memory_space<vmem>>, vector<16xf32>,
      %get3A_1371 = arith.constant 160 : index
      %get3A_1372 = tpu.vector_load %arg17[%get3A_1371] {strides = array<i32>} : memref<320xf32, #tpu.memory_space<vmem>>, vector<16xf32>,
      %get3A_1373 = arith.constant 160 : index
      %get3A_1374 = tpu.vector_load %arg18[%get3A_1373] {strides = array<i32>} : memref<320xf32, #tpu.memory_space<vmem>>, vector<16xf32>,
      %get3A_1375 = arith.constant 160 : index
      %get3A_1376 = tpu.vector_load %arg19[%get3A_1375] {strides = array<i32>} : memref<320xf32, #tpu.memory_space<vmem>>, vector<16xf32>,
      %max3A_1377 = arith.maximumf %gather3A_870, %get3A_1368 : vector<16xf32>
      %max3A_1378 = arith.maximumf %gather3A_871, %get3A_1370 : vector<16xf32>
      %min3A_1379 = arith.minimumf %gather3A_872, %get3A_1372 : vector<16xf32>
      %min3A_1380 = arith.minimumf %gather3A_873, %get3A_1374 : vector<16xf32>
      %sub3A_1381 = arith.subf %min3A_1379, %max3A_1377 : vector<16xf32>
      %max3A_1382 = arith.constant 0.000000e+00 : f32
      %max3A_1383 = vector.broadcast %max3A_1382 : f32 to vector<16xf32>
      %max3A_1384 = arith.maximumf %sub3A_1381, %max3A_1383 : vector<16xf32>
      %sub3A_1385 = arith.subf %min3A_1380, %max3A_1378 : vector<16xf32>
      %max3A_1386 = arith.constant 0.000000e+00 : f32
      %max3A_1387 = vector.broadcast %max3A_1386 : f32 to vector<16xf32>
      %max3A_1388 = arith.maximumf %sub3A_1385, %max3A_1387 : vector<16xf32>
      %mul3A_1389 = arith.mulf %max3A_1384, %max3A_1388 : vector<16xf32>
      %sub3A_1390 = arith.subf %get3A_1372, %get3A_1368 : vector<16xf32>
      %sub3A_1391 = arith.subf %get3A_1374, %get3A_1370 : vector<16xf32>
      %mul3A_1392 = arith.mulf %sub3A_1390, %sub3A_1391 : vector<16xf32>
      %add3A_1393 = arith.addf %mul3A_908, %mul3A_1392 : vector<16xf32>
      %sub3A_1394 = arith.subf %add3A_1393, %mul3A_1389 : vector<16xf32>
      %add3A_1395 = arith.constant 9.99999971E-10 : f32
      %add3A_1396 = vector.broadcast %add3A_1395 : f32 to vector<16xf32>
      %add3A_1397 = arith.addf %sub3A_1394, %add3A_1396 : vector<16xf32>
      %div3A_1398 = arith.divf %mul3A_1389, %add3A_1397 : vector<16xf32>
      %add3A_1399 = arith.constant 160 : i32
      %add3A_1400 = arith.addi %multiple_of3A, %add3A_1399 : i32
      %add3A_1401 = vector.broadcast %add3A_1400 : i32 to vector<16xi32>
      %add3A_1402 = arith.addi %iota3A, %add3A_1401 : vector<16xi32>
      %gt3A_1403 = arith.constant 3.000000e-01 : f32
      %gt3A_1404 = vector.broadcast %gt3A_1403 : f32 to vector<16xf32>
      %gt3A_1405 = arith.cmpf ogt, %div3A_1398, %gt3A_1404 : vector<16xf32>
      %eq3A_1406 = arith.cmpi eq, %add3A_1402, %broadcast_in_dim3A_869 : vector<16xi32>
      %or3A_1407 = arith.ori %gt3A_1405, %eq3A_1406 : vector<16xi1>
      %jit3A_1408 = arith.constant -1.000000e+30 : f32
      %broadcast_in_dim3A_1409 = vector.broadcast %jit3A_1408 : f32 to vector<16xf32>
      %select_n3A_1410 = arith.select %or3A_1407, %broadcast_in_dim3A_1409, %get3A_1376 : vector<16xi1>, vector<16xf32>
      %swap3A_1411 = arith.constant 160 : index
      %swap3A_1412 = tpu.vector_load %arg19[%swap3A_1411] {strides = array<i32>} : memref<320xf32, #tpu.memory_space<vmem>>, vector<16xf32>,
      tpu.vector_store %arg19[%swap3A_1411], %select_n3A_1410 {strides = array<i32>} : memref<320xf32, #tpu.memory_space<vmem>>, vector<16xf32>,
      %get3A_1413 = arith.constant 176 : index
      %get3A_1414 = tpu.vector_load %arg15[%get3A_1413] {strides = array<i32>} : memref<320xf32, #tpu.memory_space<vmem>>, vector<16xf32>,
      %get3A_1415 = arith.constant 176 : index
      %get3A_1416 = tpu.vector_load %arg16[%get3A_1415] {strides = array<i32>} : memref<320xf32, #tpu.memory_space<vmem>>, vector<16xf32>,
      %get3A_1417 = arith.constant 176 : index
      %get3A_1418 = tpu.vector_load %arg17[%get3A_1417] {strides = array<i32>} : memref<320xf32, #tpu.memory_space<vmem>>, vector<16xf32>,
      %get3A_1419 = arith.constant 176 : index
      %get3A_1420 = tpu.vector_load %arg18[%get3A_1419] {strides = array<i32>} : memref<320xf32, #tpu.memory_space<vmem>>, vector<16xf32>,
      %get3A_1421 = arith.constant 176 : index
      %get3A_1422 = tpu.vector_load %arg19[%get3A_1421] {strides = array<i32>} : memref<320xf32, #tpu.memory_space<vmem>>, vector<16xf32>,
      %max3A_1423 = arith.maximumf %gather3A_870, %get3A_1414 : vector<16xf32>
      %max3A_1424 = arith.maximumf %gather3A_871, %get3A_1416 : vector<16xf32>
      %min3A_1425 = arith.minimumf %gather3A_872, %get3A_1418 : vector<16xf32>
      %min3A_1426 = arith.minimumf %gather3A_873, %get3A_1420 : vector<16xf32>
      %sub3A_1427 = arith.subf %min3A_1425, %max3A_1423 : vector<16xf32>
      %max3A_1428 = arith.constant 0.000000e+00 : f32
      %max3A_1429 = vector.broadcast %max3A_1428 : f32 to vector<16xf32>
      %max3A_1430 = arith.maximumf %sub3A_1427, %max3A_1429 : vector<16xf32>
      %sub3A_1431 = arith.subf %min3A_1426, %max3A_1424 : vector<16xf32>
      %max3A_1432 = arith.constant 0.000000e+00 : f32
      %max3A_1433 = vector.broadcast %max3A_1432 : f32 to vector<16xf32>
      %max3A_1434 = arith.maximumf %sub3A_1431, %max3A_1433 : vector<16xf32>
      %mul3A_1435 = arith.mulf %max3A_1430, %max3A_1434 : vector<16xf32>
      %sub3A_1436 = arith.subf %get3A_1418, %get3A_1414 : vector<16xf32>
      %sub3A_1437 = arith.subf %get3A_1420, %get3A_1416 : vector<16xf32>
      %mul3A_1438 = arith.mulf %sub3A_1436, %sub3A_1437 : vector<16xf32>
      %add3A_1439 = arith.addf %mul3A_908, %mul3A_1438 : vector<16xf32>
      %sub3A_1440 = arith.subf %add3A_1439, %mul3A_1435 : vector<16xf32>
      %add3A_1441 = arith.constant 9.99999971E-10 : f32
      %add3A_1442 = vector.broadcast %add3A_1441 : f32 to vector<16xf32>
      %add3A_1443 = arith.addf %sub3A_1440, %add3A_1442 : vector<16xf32>
      %div3A_1444 = arith.divf %mul3A_1435, %add3A_1443 : vector<16xf32>
      %add3A_1445 = arith.constant 176 : i32
      %add3A_1446 = arith.addi %multiple_of3A, %add3A_1445 : i32
      %add3A_1447 = vector.broadcast %add3A_1446 : i32 to vector<16xi32>
      %add3A_1448 = arith.addi %iota3A, %add3A_1447 : vector<16xi32>
      %gt3A_1449 = arith.constant 3.000000e-01 : f32
      %gt3A_1450 = vector.broadcast %gt3A_1449 : f32 to vector<16xf32>
      %gt3A_1451 = arith.cmpf ogt, %div3A_1444, %gt3A_1450 : vector<16xf32>
      %eq3A_1452 = arith.cmpi eq, %add3A_1448, %broadcast_in_dim3A_869 : vector<16xi32>
      %or3A_1453 = arith.ori %gt3A_1451, %eq3A_1452 : vector<16xi1>
      %jit3A_1454 = arith.constant -1.000000e+30 : f32
      %broadcast_in_dim3A_1455 = vector.broadcast %jit3A_1454 : f32 to vector<16xf32>
      %select_n3A_1456 = arith.select %or3A_1453, %broadcast_in_dim3A_1455, %get3A_1422 : vector<16xi1>, vector<16xf32>
      %swap3A_1457 = arith.constant 176 : index
      %swap3A_1458 = tpu.vector_load %arg19[%swap3A_1457] {strides = array<i32>} : memref<320xf32, #tpu.memory_space<vmem>>, vector<16xf32>,
      tpu.vector_store %arg19[%swap3A_1457], %select_n3A_1456 {strides = array<i32>} : memref<320xf32, #tpu.memory_space<vmem>>, vector<16xf32>,
      %get3A_1459 = arith.constant 192 : index
      %get3A_1460 = tpu.vector_load %arg15[%get3A_1459] {strides = array<i32>} : memref<320xf32, #tpu.memory_space<vmem>>, vector<16xf32>,
      %get3A_1461 = arith.constant 192 : index
      %get3A_1462 = tpu.vector_load %arg16[%get3A_1461] {strides = array<i32>} : memref<320xf32, #tpu.memory_space<vmem>>, vector<16xf32>,
      %get3A_1463 = arith.constant 192 : index
      %get3A_1464 = tpu.vector_load %arg17[%get3A_1463] {strides = array<i32>} : memref<320xf32, #tpu.memory_space<vmem>>, vector<16xf32>,
      %get3A_1465 = arith.constant 192 : index
      %get3A_1466 = tpu.vector_load %arg18[%get3A_1465] {strides = array<i32>} : memref<320xf32, #tpu.memory_space<vmem>>, vector<16xf32>,
      %get3A_1467 = arith.constant 192 : index
      %get3A_1468 = tpu.vector_load %arg19[%get3A_1467] {strides = array<i32>} : memref<320xf32, #tpu.memory_space<vmem>>, vector<16xf32>,
      %max3A_1469 = arith.maximumf %gather3A_870, %get3A_1460 : vector<16xf32>
      %max3A_1470 = arith.maximumf %gather3A_871, %get3A_1462 : vector<16xf32>
      %min3A_1471 = arith.minimumf %gather3A_872, %get3A_1464 : vector<16xf32>
      %min3A_1472 = arith.minimumf %gather3A_873, %get3A_1466 : vector<16xf32>
      %sub3A_1473 = arith.subf %min3A_1471, %max3A_1469 : vector<16xf32>
      %max3A_1474 = arith.constant 0.000000e+00 : f32
      %max3A_1475 = vector.broadcast %max3A_1474 : f32 to vector<16xf32>
      %max3A_1476 = arith.maximumf %sub3A_1473, %max3A_1475 : vector<16xf32>
      %sub3A_1477 = arith.subf %min3A_1472, %max3A_1470 : vector<16xf32>
      %max3A_1478 = arith.constant 0.000000e+00 : f32
      %max3A_1479 = vector.broadcast %max3A_1478 : f32 to vector<16xf32>
      %max3A_1480 = arith.maximumf %sub3A_1477, %max3A_1479 : vector<16xf32>
      %mul3A_1481 = arith.mulf %max3A_1476, %max3A_1480 : vector<16xf32>
      %sub3A_1482 = arith.subf %get3A_1464, %get3A_1460 : vector<16xf32>
      %sub3A_1483 = arith.subf %get3A_1466, %get3A_1462 : vector<16xf32>
      %mul3A_1484 = arith.mulf %sub3A_1482, %sub3A_1483 : vector<16xf32>
      %add3A_1485 = arith.addf %mul3A_908, %mul3A_1484 : vector<16xf32>
      %sub3A_1486 = arith.subf %add3A_1485, %mul3A_1481 : vector<16xf32>
      %add3A_1487 = arith.constant 9.99999971E-10 : f32
      %add3A_1488 = vector.broadcast %add3A_1487 : f32 to vector<16xf32>
      %add3A_1489 = arith.addf %sub3A_1486, %add3A_1488 : vector<16xf32>
      %div3A_1490 = arith.divf %mul3A_1481, %add3A_1489 : vector<16xf32>
      %add3A_1491 = arith.constant 192 : i32
      %add3A_1492 = arith.addi %multiple_of3A, %add3A_1491 : i32
      %add3A_1493 = vector.broadcast %add3A_1492 : i32 to vector<16xi32>
      %add3A_1494 = arith.addi %iota3A, %add3A_1493 : vector<16xi32>
      %gt3A_1495 = arith.constant 3.000000e-01 : f32
      %gt3A_1496 = vector.broadcast %gt3A_1495 : f32 to vector<16xf32>
      %gt3A_1497 = arith.cmpf ogt, %div3A_1490, %gt3A_1496 : vector<16xf32>
      %eq3A_1498 = arith.cmpi eq, %add3A_1494, %broadcast_in_dim3A_869 : vector<16xi32>
      %or3A_1499 = arith.ori %gt3A_1497, %eq3A_1498 : vector<16xi1>
      %jit3A_1500 = arith.constant -1.000000e+30 : f32
      %broadcast_in_dim3A_1501 = vector.broadcast %jit3A_1500 : f32 to vector<16xf32>
      %select_n3A_1502 = arith.select %or3A_1499, %broadcast_in_dim3A_1501, %get3A_1468 : vector<16xi1>, vector<16xf32>
      %swap3A_1503 = arith.constant 192 : index
      %swap3A_1504 = tpu.vector_load %arg19[%swap3A_1503] {strides = array<i32>} : memref<320xf32, #tpu.memory_space<vmem>>, vector<16xf32>,
      tpu.vector_store %arg19[%swap3A_1503], %select_n3A_1502 {strides = array<i32>} : memref<320xf32, #tpu.memory_space<vmem>>, vector<16xf32>,
      %get3A_1505 = arith.constant 208 : index
      %get3A_1506 = tpu.vector_load %arg15[%get3A_1505] {strides = array<i32>} : memref<320xf32, #tpu.memory_space<vmem>>, vector<16xf32>,
      %get3A_1507 = arith.constant 208 : index
      %get3A_1508 = tpu.vector_load %arg16[%get3A_1507] {strides = array<i32>} : memref<320xf32, #tpu.memory_space<vmem>>, vector<16xf32>,
      %get3A_1509 = arith.constant 208 : index
      %get3A_1510 = tpu.vector_load %arg17[%get3A_1509] {strides = array<i32>} : memref<320xf32, #tpu.memory_space<vmem>>, vector<16xf32>,
      %get3A_1511 = arith.constant 208 : index
      %get3A_1512 = tpu.vector_load %arg18[%get3A_1511] {strides = array<i32>} : memref<320xf32, #tpu.memory_space<vmem>>, vector<16xf32>,
      %get3A_1513 = arith.constant 208 : index
      %get3A_1514 = tpu.vector_load %arg19[%get3A_1513] {strides = array<i32>} : memref<320xf32, #tpu.memory_space<vmem>>, vector<16xf32>,
      %max3A_1515 = arith.maximumf %gather3A_870, %get3A_1506 : vector<16xf32>
      %max3A_1516 = arith.maximumf %gather3A_871, %get3A_1508 : vector<16xf32>
      %min3A_1517 = arith.minimumf %gather3A_872, %get3A_1510 : vector<16xf32>
      %min3A_1518 = arith.minimumf %gather3A_873, %get3A_1512 : vector<16xf32>
      %sub3A_1519 = arith.subf %min3A_1517, %max3A_1515 : vector<16xf32>
      %max3A_1520 = arith.constant 0.000000e+00 : f32
      %max3A_1521 = vector.broadcast %max3A_1520 : f32 to vector<16xf32>
      %max3A_1522 = arith.maximumf %sub3A_1519, %max3A_1521 : vector<16xf32>
      %sub3A_1523 = arith.subf %min3A_1518, %max3A_1516 : vector<16xf32>
      %max3A_1524 = arith.constant 0.000000e+00 : f32
      %max3A_1525 = vector.broadcast %max3A_1524 : f32 to vector<16xf32>
      %max3A_1526 = arith.maximumf %sub3A_1523, %max3A_1525 : vector<16xf32>
      %mul3A_1527 = arith.mulf %max3A_1522, %max3A_1526 : vector<16xf32>
      %sub3A_1528 = arith.subf %get3A_1510, %get3A_1506 : vector<16xf32>
      %sub3A_1529 = arith.subf %get3A_1512, %get3A_1508 : vector<16xf32>
      %mul3A_1530 = arith.mulf %sub3A_1528, %sub3A_1529 : vector<16xf32>
      %add3A_1531 = arith.addf %mul3A_908, %mul3A_1530 : vector<16xf32>
      %sub3A_1532 = arith.subf %add3A_1531, %mul3A_1527 : vector<16xf32>
      %add3A_1533 = arith.constant 9.99999971E-10 : f32
      %add3A_1534 = vector.broadcast %add3A_1533 : f32 to vector<16xf32>
      %add3A_1535 = arith.addf %sub3A_1532, %add3A_1534 : vector<16xf32>
      %div3A_1536 = arith.divf %mul3A_1527, %add3A_1535 : vector<16xf32>
      %add3A_1537 = arith.constant 208 : i32
      %add3A_1538 = arith.addi %multiple_of3A, %add3A_1537 : i32
      %add3A_1539 = vector.broadcast %add3A_1538 : i32 to vector<16xi32>
      %add3A_1540 = arith.addi %iota3A, %add3A_1539 : vector<16xi32>
      %gt3A_1541 = arith.constant 3.000000e-01 : f32
      %gt3A_1542 = vector.broadcast %gt3A_1541 : f32 to vector<16xf32>
      %gt3A_1543 = arith.cmpf ogt, %div3A_1536, %gt3A_1542 : vector<16xf32>
      %eq3A_1544 = arith.cmpi eq, %add3A_1540, %broadcast_in_dim3A_869 : vector<16xi32>
      %or3A_1545 = arith.ori %gt3A_1543, %eq3A_1544 : vector<16xi1>
      %jit3A_1546 = arith.constant -1.000000e+30 : f32
      %broadcast_in_dim3A_1547 = vector.broadcast %jit3A_1546 : f32 to vector<16xf32>
      %select_n3A_1548 = arith.select %or3A_1545, %broadcast_in_dim3A_1547, %get3A_1514 : vector<16xi1>, vector<16xf32>
      %swap3A_1549 = arith.constant 208 : index
      %swap3A_1550 = tpu.vector_load %arg19[%swap3A_1549] {strides = array<i32>} : memref<320xf32, #tpu.memory_space<vmem>>, vector<16xf32>,
      tpu.vector_store %arg19[%swap3A_1549], %select_n3A_1548 {strides = array<i32>} : memref<320xf32, #tpu.memory_space<vmem>>, vector<16xf32>,
      %get3A_1551 = arith.constant 224 : index
      %get3A_1552 = tpu.vector_load %arg15[%get3A_1551] {strides = array<i32>} : memref<320xf32, #tpu.memory_space<vmem>>, vector<16xf32>,
      %get3A_1553 = arith.constant 224 : index
      %get3A_1554 = tpu.vector_load %arg16[%get3A_1553] {strides = array<i32>} : memref<320xf32, #tpu.memory_space<vmem>>, vector<16xf32>,
      %get3A_1555 = arith.constant 224 : index
      %get3A_1556 = tpu.vector_load %arg17[%get3A_1555] {strides = array<i32>} : memref<320xf32, #tpu.memory_space<vmem>>, vector<16xf32>,
      %get3A_1557 = arith.constant 224 : index
      %get3A_1558 = tpu.vector_load %arg18[%get3A_1557] {strides = array<i32>} : memref<320xf32, #tpu.memory_space<vmem>>, vector<16xf32>,
      %get3A_1559 = arith.constant 224 : index
      %get3A_1560 = tpu.vector_load %arg19[%get3A_1559] {strides = array<i32>} : memref<320xf32, #tpu.memory_space<vmem>>, vector<16xf32>,
      %max3A_1561 = arith.maximumf %gather3A_870, %get3A_1552 : vector<16xf32>
      %max3A_1562 = arith.maximumf %gather3A_871, %get3A_1554 : vector<16xf32>
      %min3A_1563 = arith.minimumf %gather3A_872, %get3A_1556 : vector<16xf32>
      %min3A_1564 = arith.minimumf %gather3A_873, %get3A_1558 : vector<16xf32>
      %sub3A_1565 = arith.subf %min3A_1563, %max3A_1561 : vector<16xf32>
      %max3A_1566 = arith.constant 0.000000e+00 : f32
      %max3A_1567 = vector.broadcast %max3A_1566 : f32 to vector<16xf32>
      %max3A_1568 = arith.maximumf %sub3A_1565, %max3A_1567 : vector<16xf32>
      %sub3A_1569 = arith.subf %min3A_1564, %max3A_1562 : vector<16xf32>
      %max3A_1570 = arith.constant 0.000000e+00 : f32
      %max3A_1571 = vector.broadcast %max3A_1570 : f32 to vector<16xf32>
      %max3A_1572 = arith.maximumf %sub3A_1569, %max3A_1571 : vector<16xf32>
      %mul3A_1573 = arith.mulf %max3A_1568, %max3A_1572 : vector<16xf32>
      %sub3A_1574 = arith.subf %get3A_1556, %get3A_1552 : vector<16xf32>
      %sub3A_1575 = arith.subf %get3A_1558, %get3A_1554 : vector<16xf32>
      %mul3A_1576 = arith.mulf %sub3A_1574, %sub3A_1575 : vector<16xf32>
      %add3A_1577 = arith.addf %mul3A_908, %mul3A_1576 : vector<16xf32>
      %sub3A_1578 = arith.subf %add3A_1577, %mul3A_1573 : vector<16xf32>
      %add3A_1579 = arith.constant 9.99999971E-10 : f32
      %add3A_1580 = vector.broadcast %add3A_1579 : f32 to vector<16xf32>
      %add3A_1581 = arith.addf %sub3A_1578, %add3A_1580 : vector<16xf32>
      %div3A_1582 = arith.divf %mul3A_1573, %add3A_1581 : vector<16xf32>
      %add3A_1583 = arith.constant 224 : i32
      %add3A_1584 = arith.addi %multiple_of3A, %add3A_1583 : i32
      %add3A_1585 = vector.broadcast %add3A_1584 : i32 to vector<16xi32>
      %add3A_1586 = arith.addi %iota3A, %add3A_1585 : vector<16xi32>
      %gt3A_1587 = arith.constant 3.000000e-01 : f32
      %gt3A_1588 = vector.broadcast %gt3A_1587 : f32 to vector<16xf32>
      %gt3A_1589 = arith.cmpf ogt, %div3A_1582, %gt3A_1588 : vector<16xf32>
      %eq3A_1590 = arith.cmpi eq, %add3A_1586, %broadcast_in_dim3A_869 : vector<16xi32>
      %or3A_1591 = arith.ori %gt3A_1589, %eq3A_1590 : vector<16xi1>
      %jit3A_1592 = arith.constant -1.000000e+30 : f32
      %broadcast_in_dim3A_1593 = vector.broadcast %jit3A_1592 : f32 to vector<16xf32>
      %select_n3A_1594 = arith.select %or3A_1591, %broadcast_in_dim3A_1593, %get3A_1560 : vector<16xi1>, vector<16xf32>
      %swap3A_1595 = arith.constant 224 : index
      %swap3A_1596 = tpu.vector_load %arg19[%swap3A_1595] {strides = array<i32>} : memref<320xf32, #tpu.memory_space<vmem>>, vector<16xf32>,
      tpu.vector_store %arg19[%swap3A_1595], %select_n3A_1594 {strides = array<i32>} : memref<320xf32, #tpu.memory_space<vmem>>, vector<16xf32>,
      %get3A_1597 = arith.constant 240 : index
      %get3A_1598 = tpu.vector_load %arg15[%get3A_1597] {strides = array<i32>} : memref<320xf32, #tpu.memory_space<vmem>>, vector<16xf32>,
      %get3A_1599 = arith.constant 240 : index
      %get3A_1600 = tpu.vector_load %arg16[%get3A_1599] {strides = array<i32>} : memref<320xf32, #tpu.memory_space<vmem>>, vector<16xf32>,
      %get3A_1601 = arith.constant 240 : index
      %get3A_1602 = tpu.vector_load %arg17[%get3A_1601] {strides = array<i32>} : memref<320xf32, #tpu.memory_space<vmem>>, vector<16xf32>,
      %get3A_1603 = arith.constant 240 : index
      %get3A_1604 = tpu.vector_load %arg18[%get3A_1603] {strides = array<i32>} : memref<320xf32, #tpu.memory_space<vmem>>, vector<16xf32>,
      %get3A_1605 = arith.constant 240 : index
      %get3A_1606 = tpu.vector_load %arg19[%get3A_1605] {strides = array<i32>} : memref<320xf32, #tpu.memory_space<vmem>>, vector<16xf32>,
      %max3A_1607 = arith.maximumf %gather3A_870, %get3A_1598 : vector<16xf32>
      %max3A_1608 = arith.maximumf %gather3A_871, %get3A_1600 : vector<16xf32>
      %min3A_1609 = arith.minimumf %gather3A_872, %get3A_1602 : vector<16xf32>
      %min3A_1610 = arith.minimumf %gather3A_873, %get3A_1604 : vector<16xf32>
      %sub3A_1611 = arith.subf %min3A_1609, %max3A_1607 : vector<16xf32>
      %max3A_1612 = arith.constant 0.000000e+00 : f32
      %max3A_1613 = vector.broadcast %max3A_1612 : f32 to vector<16xf32>
      %max3A_1614 = arith.maximumf %sub3A_1611, %max3A_1613 : vector<16xf32>
      %sub3A_1615 = arith.subf %min3A_1610, %max3A_1608 : vector<16xf32>
      %max3A_1616 = arith.constant 0.000000e+00 : f32
      %max3A_1617 = vector.broadcast %max3A_1616 : f32 to vector<16xf32>
      %max3A_1618 = arith.maximumf %sub3A_1615, %max3A_1617 : vector<16xf32>
      %mul3A_1619 = arith.mulf %max3A_1614, %max3A_1618 : vector<16xf32>
      %sub3A_1620 = arith.subf %get3A_1602, %get3A_1598 : vector<16xf32>
      %sub3A_1621 = arith.subf %get3A_1604, %get3A_1600 : vector<16xf32>
      %mul3A_1622 = arith.mulf %sub3A_1620, %sub3A_1621 : vector<16xf32>
      %add3A_1623 = arith.addf %mul3A_908, %mul3A_1622 : vector<16xf32>
      %sub3A_1624 = arith.subf %add3A_1623, %mul3A_1619 : vector<16xf32>
      %add3A_1625 = arith.constant 9.99999971E-10 : f32
      %add3A_1626 = vector.broadcast %add3A_1625 : f32 to vector<16xf32>
      %add3A_1627 = arith.addf %sub3A_1624, %add3A_1626 : vector<16xf32>
      %div3A_1628 = arith.divf %mul3A_1619, %add3A_1627 : vector<16xf32>
      %add3A_1629 = arith.constant 240 : i32
      %add3A_1630 = arith.addi %multiple_of3A, %add3A_1629 : i32
      %add3A_1631 = vector.broadcast %add3A_1630 : i32 to vector<16xi32>
      %add3A_1632 = arith.addi %iota3A, %add3A_1631 : vector<16xi32>
      %gt3A_1633 = arith.constant 3.000000e-01 : f32
      %gt3A_1634 = vector.broadcast %gt3A_1633 : f32 to vector<16xf32>
      %gt3A_1635 = arith.cmpf ogt, %div3A_1628, %gt3A_1634 : vector<16xf32>
      %eq3A_1636 = arith.cmpi eq, %add3A_1632, %broadcast_in_dim3A_869 : vector<16xi32>
      %or3A_1637 = arith.ori %gt3A_1635, %eq3A_1636 : vector<16xi1>
      %jit3A_1638 = arith.constant -1.000000e+30 : f32
      %broadcast_in_dim3A_1639 = vector.broadcast %jit3A_1638 : f32 to vector<16xf32>
      %select_n3A_1640 = arith.select %or3A_1637, %broadcast_in_dim3A_1639, %get3A_1606 : vector<16xi1>, vector<16xf32>
      %swap3A_1641 = arith.constant 240 : index
      %swap3A_1642 = tpu.vector_load %arg19[%swap3A_1641] {strides = array<i32>} : memref<320xf32, #tpu.memory_space<vmem>>, vector<16xf32>,
      tpu.vector_store %arg19[%swap3A_1641], %select_n3A_1640 {strides = array<i32>} : memref<320xf32, #tpu.memory_space<vmem>>, vector<16xf32>,
      %get3A_1643 = arith.constant 256 : index
      %get3A_1644 = tpu.vector_load %arg15[%get3A_1643] {strides = array<i32>} : memref<320xf32, #tpu.memory_space<vmem>>, vector<16xf32>,
      %get3A_1645 = arith.constant 256 : index
      %get3A_1646 = tpu.vector_load %arg16[%get3A_1645] {strides = array<i32>} : memref<320xf32, #tpu.memory_space<vmem>>, vector<16xf32>,
      %get3A_1647 = arith.constant 256 : index
      %get3A_1648 = tpu.vector_load %arg17[%get3A_1647] {strides = array<i32>} : memref<320xf32, #tpu.memory_space<vmem>>, vector<16xf32>,
      %get3A_1649 = arith.constant 256 : index
      %get3A_1650 = tpu.vector_load %arg18[%get3A_1649] {strides = array<i32>} : memref<320xf32, #tpu.memory_space<vmem>>, vector<16xf32>,
      %get3A_1651 = arith.constant 256 : index
      %get3A_1652 = tpu.vector_load %arg19[%get3A_1651] {strides = array<i32>} : memref<320xf32, #tpu.memory_space<vmem>>, vector<16xf32>,
      %max3A_1653 = arith.maximumf %gather3A_870, %get3A_1644 : vector<16xf32>
      %max3A_1654 = arith.maximumf %gather3A_871, %get3A_1646 : vector<16xf32>
      %min3A_1655 = arith.minimumf %gather3A_872, %get3A_1648 : vector<16xf32>
      %min3A_1656 = arith.minimumf %gather3A_873, %get3A_1650 : vector<16xf32>
      %sub3A_1657 = arith.subf %min3A_1655, %max3A_1653 : vector<16xf32>
      %max3A_1658 = arith.constant 0.000000e+00 : f32
      %max3A_1659 = vector.broadcast %max3A_1658 : f32 to vector<16xf32>
      %max3A_1660 = arith.maximumf %sub3A_1657, %max3A_1659 : vector<16xf32>
      %sub3A_1661 = arith.subf %min3A_1656, %max3A_1654 : vector<16xf32>
      %max3A_1662 = arith.constant 0.000000e+00 : f32
      %max3A_1663 = vector.broadcast %max3A_1662 : f32 to vector<16xf32>
      %max3A_1664 = arith.maximumf %sub3A_1661, %max3A_1663 : vector<16xf32>
      %mul3A_1665 = arith.mulf %max3A_1660, %max3A_1664 : vector<16xf32>
      %sub3A_1666 = arith.subf %get3A_1648, %get3A_1644 : vector<16xf32>
      %sub3A_1667 = arith.subf %get3A_1650, %get3A_1646 : vector<16xf32>
      %mul3A_1668 = arith.mulf %sub3A_1666, %sub3A_1667 : vector<16xf32>
      %add3A_1669 = arith.addf %mul3A_908, %mul3A_1668 : vector<16xf32>
      %sub3A_1670 = arith.subf %add3A_1669, %mul3A_1665 : vector<16xf32>
      %add3A_1671 = arith.constant 9.99999971E-10 : f32
      %add3A_1672 = vector.broadcast %add3A_1671 : f32 to vector<16xf32>
      %add3A_1673 = arith.addf %sub3A_1670, %add3A_1672 : vector<16xf32>
      %div3A_1674 = arith.divf %mul3A_1665, %add3A_1673 : vector<16xf32>
      %add3A_1675 = arith.constant 256 : i32
      %add3A_1676 = arith.addi %multiple_of3A, %add3A_1675 : i32
      %add3A_1677 = vector.broadcast %add3A_1676 : i32 to vector<16xi32>
      %add3A_1678 = arith.addi %iota3A, %add3A_1677 : vector<16xi32>
      %gt3A_1679 = arith.constant 3.000000e-01 : f32
      %gt3A_1680 = vector.broadcast %gt3A_1679 : f32 to vector<16xf32>
      %gt3A_1681 = arith.cmpf ogt, %div3A_1674, %gt3A_1680 : vector<16xf32>
      %eq3A_1682 = arith.cmpi eq, %add3A_1678, %broadcast_in_dim3A_869 : vector<16xi32>
      %or3A_1683 = arith.ori %gt3A_1681, %eq3A_1682 : vector<16xi1>
      %jit3A_1684 = arith.constant -1.000000e+30 : f32
      %broadcast_in_dim3A_1685 = vector.broadcast %jit3A_1684 : f32 to vector<16xf32>
      %select_n3A_1686 = arith.select %or3A_1683, %broadcast_in_dim3A_1685, %get3A_1652 : vector<16xi1>, vector<16xf32>
      %swap3A_1687 = arith.constant 256 : index
      %swap3A_1688 = tpu.vector_load %arg19[%swap3A_1687] {strides = array<i32>} : memref<320xf32, #tpu.memory_space<vmem>>, vector<16xf32>,
      tpu.vector_store %arg19[%swap3A_1687], %select_n3A_1686 {strides = array<i32>} : memref<320xf32, #tpu.memory_space<vmem>>, vector<16xf32>,
      %get3A_1689 = arith.constant 272 : index
      %get3A_1690 = tpu.vector_load %arg15[%get3A_1689] {strides = array<i32>} : memref<320xf32, #tpu.memory_space<vmem>>, vector<16xf32>,
      %get3A_1691 = arith.constant 272 : index
      %get3A_1692 = tpu.vector_load %arg16[%get3A_1691] {strides = array<i32>} : memref<320xf32, #tpu.memory_space<vmem>>, vector<16xf32>,
      %get3A_1693 = arith.constant 272 : index
      %get3A_1694 = tpu.vector_load %arg17[%get3A_1693] {strides = array<i32>} : memref<320xf32, #tpu.memory_space<vmem>>, vector<16xf32>,
      %get3A_1695 = arith.constant 272 : index
      %get3A_1696 = tpu.vector_load %arg18[%get3A_1695] {strides = array<i32>} : memref<320xf32, #tpu.memory_space<vmem>>, vector<16xf32>,
      %get3A_1697 = arith.constant 272 : index
      %get3A_1698 = tpu.vector_load %arg19[%get3A_1697] {strides = array<i32>} : memref<320xf32, #tpu.memory_space<vmem>>, vector<16xf32>,
      %max3A_1699 = arith.maximumf %gather3A_870, %get3A_1690 : vector<16xf32>
      %max3A_1700 = arith.maximumf %gather3A_871, %get3A_1692 : vector<16xf32>
      %min3A_1701 = arith.minimumf %gather3A_872, %get3A_1694 : vector<16xf32>
      %min3A_1702 = arith.minimumf %gather3A_873, %get3A_1696 : vector<16xf32>
      %sub3A_1703 = arith.subf %min3A_1701, %max3A_1699 : vector<16xf32>
      %max3A_1704 = arith.constant 0.000000e+00 : f32
      %max3A_1705 = vector.broadcast %max3A_1704 : f32 to vector<16xf32>
      %max3A_1706 = arith.maximumf %sub3A_1703, %max3A_1705 : vector<16xf32>
      %sub3A_1707 = arith.subf %min3A_1702, %max3A_1700 : vector<16xf32>
      %max3A_1708 = arith.constant 0.000000e+00 : f32
      %max3A_1709 = vector.broadcast %max3A_1708 : f32 to vector<16xf32>
      %max3A_1710 = arith.maximumf %sub3A_1707, %max3A_1709 : vector<16xf32>
      %mul3A_1711 = arith.mulf %max3A_1706, %max3A_1710 : vector<16xf32>
      %sub3A_1712 = arith.subf %get3A_1694, %get3A_1690 : vector<16xf32>
      %sub3A_1713 = arith.subf %get3A_1696, %get3A_1692 : vector<16xf32>
      %mul3A_1714 = arith.mulf %sub3A_1712, %sub3A_1713 : vector<16xf32>
      %add3A_1715 = arith.addf %mul3A_908, %mul3A_1714 : vector<16xf32>
      %sub3A_1716 = arith.subf %add3A_1715, %mul3A_1711 : vector<16xf32>
      %add3A_1717 = arith.constant 9.99999971E-10 : f32
      %add3A_1718 = vector.broadcast %add3A_1717 : f32 to vector<16xf32>
      %add3A_1719 = arith.addf %sub3A_1716, %add3A_1718 : vector<16xf32>
      %div3A_1720 = arith.divf %mul3A_1711, %add3A_1719 : vector<16xf32>
      %add3A_1721 = arith.constant 272 : i32
      %add3A_1722 = arith.addi %multiple_of3A, %add3A_1721 : i32
      %add3A_1723 = vector.broadcast %add3A_1722 : i32 to vector<16xi32>
      %add3A_1724 = arith.addi %iota3A, %add3A_1723 : vector<16xi32>
      %gt3A_1725 = arith.constant 3.000000e-01 : f32
      %gt3A_1726 = vector.broadcast %gt3A_1725 : f32 to vector<16xf32>
      %gt3A_1727 = arith.cmpf ogt, %div3A_1720, %gt3A_1726 : vector<16xf32>
      %eq3A_1728 = arith.cmpi eq, %add3A_1724, %broadcast_in_dim3A_869 : vector<16xi32>
      %or3A_1729 = arith.ori %gt3A_1727, %eq3A_1728 : vector<16xi1>
      %jit3A_1730 = arith.constant -1.000000e+30 : f32
      %broadcast_in_dim3A_1731 = vector.broadcast %jit3A_1730 : f32 to vector<16xf32>
      %select_n3A_1732 = arith.select %or3A_1729, %broadcast_in_dim3A_1731, %get3A_1698 : vector<16xi1>, vector<16xf32>
      %swap3A_1733 = arith.constant 272 : index
      %swap3A_1734 = tpu.vector_load %arg19[%swap3A_1733] {strides = array<i32>} : memref<320xf32, #tpu.memory_space<vmem>>, vector<16xf32>,
      tpu.vector_store %arg19[%swap3A_1733], %select_n3A_1732 {strides = array<i32>} : memref<320xf32, #tpu.memory_space<vmem>>, vector<16xf32>,
      %get3A_1735 = arith.constant 288 : index
      %get3A_1736 = tpu.vector_load %arg15[%get3A_1735] {strides = array<i32>} : memref<320xf32, #tpu.memory_space<vmem>>, vector<16xf32>,
      %get3A_1737 = arith.constant 288 : index
      %get3A_1738 = tpu.vector_load %arg16[%get3A_1737] {strides = array<i32>} : memref<320xf32, #tpu.memory_space<vmem>>, vector<16xf32>,
      %get3A_1739 = arith.constant 288 : index
      %get3A_1740 = tpu.vector_load %arg17[%get3A_1739] {strides = array<i32>} : memref<320xf32, #tpu.memory_space<vmem>>, vector<16xf32>,
      %get3A_1741 = arith.constant 288 : index
      %get3A_1742 = tpu.vector_load %arg18[%get3A_1741] {strides = array<i32>} : memref<320xf32, #tpu.memory_space<vmem>>, vector<16xf32>,
      %get3A_1743 = arith.constant 288 : index
      %get3A_1744 = tpu.vector_load %arg19[%get3A_1743] {strides = array<i32>} : memref<320xf32, #tpu.memory_space<vmem>>, vector<16xf32>,
      %max3A_1745 = arith.maximumf %gather3A_870, %get3A_1736 : vector<16xf32>
      %max3A_1746 = arith.maximumf %gather3A_871, %get3A_1738 : vector<16xf32>
      %min3A_1747 = arith.minimumf %gather3A_872, %get3A_1740 : vector<16xf32>
      %min3A_1748 = arith.minimumf %gather3A_873, %get3A_1742 : vector<16xf32>
      %sub3A_1749 = arith.subf %min3A_1747, %max3A_1745 : vector<16xf32>
      %max3A_1750 = arith.constant 0.000000e+00 : f32
      %max3A_1751 = vector.broadcast %max3A_1750 : f32 to vector<16xf32>
      %max3A_1752 = arith.maximumf %sub3A_1749, %max3A_1751 : vector<16xf32>
      %sub3A_1753 = arith.subf %min3A_1748, %max3A_1746 : vector<16xf32>
      %max3A_1754 = arith.constant 0.000000e+00 : f32
      %max3A_1755 = vector.broadcast %max3A_1754 : f32 to vector<16xf32>
      %max3A_1756 = arith.maximumf %sub3A_1753, %max3A_1755 : vector<16xf32>
      %mul3A_1757 = arith.mulf %max3A_1752, %max3A_1756 : vector<16xf32>
      %sub3A_1758 = arith.subf %get3A_1740, %get3A_1736 : vector<16xf32>
      %sub3A_1759 = arith.subf %get3A_1742, %get3A_1738 : vector<16xf32>
      %mul3A_1760 = arith.mulf %sub3A_1758, %sub3A_1759 : vector<16xf32>
      %add3A_1761 = arith.addf %mul3A_908, %mul3A_1760 : vector<16xf32>
      %sub3A_1762 = arith.subf %add3A_1761, %mul3A_1757 : vector<16xf32>
      %add3A_1763 = arith.constant 9.99999971E-10 : f32
      %add3A_1764 = vector.broadcast %add3A_1763 : f32 to vector<16xf32>
      %add3A_1765 = arith.addf %sub3A_1762, %add3A_1764 : vector<16xf32>
      %div3A_1766 = arith.divf %mul3A_1757, %add3A_1765 : vector<16xf32>
      %add3A_1767 = arith.constant 288 : i32
      %add3A_1768 = arith.addi %multiple_of3A, %add3A_1767 : i32
      %add3A_1769 = vector.broadcast %add3A_1768 : i32 to vector<16xi32>
      %add3A_1770 = arith.addi %iota3A, %add3A_1769 : vector<16xi32>
      %gt3A_1771 = arith.constant 3.000000e-01 : f32
      %gt3A_1772 = vector.broadcast %gt3A_1771 : f32 to vector<16xf32>
      %gt3A_1773 = arith.cmpf ogt, %div3A_1766, %gt3A_1772 : vector<16xf32>
      %eq3A_1774 = arith.cmpi eq, %add3A_1770, %broadcast_in_dim3A_869 : vector<16xi32>
      %or3A_1775 = arith.ori %gt3A_1773, %eq3A_1774 : vector<16xi1>
      %jit3A_1776 = arith.constant -1.000000e+30 : f32
      %broadcast_in_dim3A_1777 = vector.broadcast %jit3A_1776 : f32 to vector<16xf32>
      %select_n3A_1778 = arith.select %or3A_1775, %broadcast_in_dim3A_1777, %get3A_1744 : vector<16xi1>, vector<16xf32>
      %swap3A_1779 = arith.constant 288 : index
      %swap3A_1780 = tpu.vector_load %arg19[%swap3A_1779] {strides = array<i32>} : memref<320xf32, #tpu.memory_space<vmem>>, vector<16xf32>,
      tpu.vector_store %arg19[%swap3A_1779], %select_n3A_1778 {strides = array<i32>} : memref<320xf32, #tpu.memory_space<vmem>>, vector<16xf32>,
      %get3A_1781 = arith.constant 304 : index
      %get3A_1782 = tpu.vector_load %arg15[%get3A_1781] {strides = array<i32>} : memref<320xf32, #tpu.memory_space<vmem>>, vector<16xf32>,
      %get3A_1783 = arith.constant 304 : index
      %get3A_1784 = tpu.vector_load %arg16[%get3A_1783] {strides = array<i32>} : memref<320xf32, #tpu.memory_space<vmem>>, vector<16xf32>,
      %get3A_1785 = arith.constant 304 : index
      %get3A_1786 = tpu.vector_load %arg17[%get3A_1785] {strides = array<i32>} : memref<320xf32, #tpu.memory_space<vmem>>, vector<16xf32>,
      %get3A_1787 = arith.constant 304 : index
      %get3A_1788 = tpu.vector_load %arg18[%get3A_1787] {strides = array<i32>} : memref<320xf32, #tpu.memory_space<vmem>>, vector<16xf32>,
      %get3A_1789 = arith.constant 304 : index
      %get3A_1790 = tpu.vector_load %arg19[%get3A_1789] {strides = array<i32>} : memref<320xf32, #tpu.memory_space<vmem>>, vector<16xf32>,
      %max3A_1791 = arith.maximumf %gather3A_870, %get3A_1782 : vector<16xf32>
      %max3A_1792 = arith.maximumf %gather3A_871, %get3A_1784 : vector<16xf32>
      %min3A_1793 = arith.minimumf %gather3A_872, %get3A_1786 : vector<16xf32>
      %min3A_1794 = arith.minimumf %gather3A_873, %get3A_1788 : vector<16xf32>
      %sub3A_1795 = arith.subf %min3A_1793, %max3A_1791 : vector<16xf32>
      %max3A_1796 = arith.constant 0.000000e+00 : f32
      %max3A_1797 = vector.broadcast %max3A_1796 : f32 to vector<16xf32>
      %max3A_1798 = arith.maximumf %sub3A_1795, %max3A_1797 : vector<16xf32>
      %sub3A_1799 = arith.subf %min3A_1794, %max3A_1792 : vector<16xf32>
      %max3A_1800 = arith.constant 0.000000e+00 : f32
      %max3A_1801 = vector.broadcast %max3A_1800 : f32 to vector<16xf32>
      %max3A_1802 = arith.maximumf %sub3A_1799, %max3A_1801 : vector<16xf32>
      %mul3A_1803 = arith.mulf %max3A_1798, %max3A_1802 : vector<16xf32>
      %sub3A_1804 = arith.subf %get3A_1786, %get3A_1782 : vector<16xf32>
      %sub3A_1805 = arith.subf %get3A_1788, %get3A_1784 : vector<16xf32>
      %mul3A_1806 = arith.mulf %sub3A_1804, %sub3A_1805 : vector<16xf32>
      %add3A_1807 = arith.addf %mul3A_908, %mul3A_1806 : vector<16xf32>
      %sub3A_1808 = arith.subf %add3A_1807, %mul3A_1803 : vector<16xf32>
      %add3A_1809 = arith.constant 9.99999971E-10 : f32
      %add3A_1810 = vector.broadcast %add3A_1809 : f32 to vector<16xf32>
      %add3A_1811 = arith.addf %sub3A_1808, %add3A_1810 : vector<16xf32>
      %div3A_1812 = arith.divf %mul3A_1803, %add3A_1811 : vector<16xf32>
      %add3A_1813 = arith.constant 304 : i32
      %add3A_1814 = arith.addi %multiple_of3A, %add3A_1813 : i32
      %add3A_1815 = vector.broadcast %add3A_1814 : i32 to vector<16xi32>
      %add3A_1816 = arith.addi %iota3A, %add3A_1815 : vector<16xi32>
      %gt3A_1817 = arith.constant 3.000000e-01 : f32
      %gt3A_1818 = vector.broadcast %gt3A_1817 : f32 to vector<16xf32>
      %gt3A_1819 = arith.cmpf ogt, %div3A_1812, %gt3A_1818 : vector<16xf32>
      %eq3A_1820 = arith.cmpi eq, %add3A_1816, %broadcast_in_dim3A_869 : vector<16xi32>
      %or3A_1821 = arith.ori %gt3A_1819, %eq3A_1820 : vector<16xi1>
      %jit3A_1822 = arith.constant -1.000000e+30 : f32
      %broadcast_in_dim3A_1823 = vector.broadcast %jit3A_1822 : f32 to vector<16xf32>
      %select_n3A_1824 = arith.select %or3A_1821, %broadcast_in_dim3A_1823, %get3A_1790 : vector<16xi1>, vector<16xf32>
      %swap3A_1825 = arith.constant 304 : index
      %swap3A_1826 = tpu.vector_load %arg19[%swap3A_1825] {strides = array<i32>} : memref<320xf32, #tpu.memory_space<vmem>>, vector<16xf32>,
      tpu.vector_store %arg19[%swap3A_1825], %select_n3A_1824 {strides = array<i32>} : memref<320xf32, #tpu.memory_space<vmem>>, vector<16xf32>,
      %mul3A_1827 = arith.constant 2 : i32
      %mul3A_1828 = arith.muli %scan3A_673, %mul3A_1827 : i32
      %add3A_1829 = arith.constant 1 : i32
      %add3A_1830 = arith.addi %mul3A_1828, %add3A_1829 : i32
      %broadcast_in_dim3A_1831 = arith.constant -3.000000e+38 : f32
      %broadcast_in_dim3A_1832 = vector.broadcast %broadcast_in_dim3A_1831 : f32 to vector<16xf32>
      %get3A_1833 = arith.constant 0 : index
      %get3A_1834 = tpu.vector_load %arg19[%get3A_1833] {strides = array<i32>} : memref<320xf32, #tpu.memory_space<vmem>>, vector<16xf32>,
      %gt3A_1835 = arith.cmpf ogt, %get3A_1834, %broadcast_in_dim3A_1832 : vector<16xf32>
      %select_n3A_1836 = arith.select %gt3A_1835, %get3A_1834, %broadcast_in_dim3A_1832 : vector<16xi1>, vector<16xf32>
      %broadcast_in_dim3A_1837 = arith.constant 0.000000e+00 : f32
      %broadcast_in_dim3A_1838 = vector.broadcast %broadcast_in_dim3A_1837 : f32 to vector<16xf32>
      %select_n3A_1839 = arith.select %gt3A_1835, %broadcast_in_dim3A_1838, %broadcast_in_dim3A_557 : vector<16xi1>, vector<16xf32>
      %get3A_1840 = arith.constant 16 : index
      %get3A_1841 = tpu.vector_load %arg19[%get3A_1840] {strides = array<i32>} : memref<320xf32, #tpu.memory_space<vmem>>, vector<16xf32>,
      %gt3A_1842 = arith.cmpf ogt, %get3A_1841, %select_n3A_1836 : vector<16xf32>
      %select_n3A_1843 = arith.select %gt3A_1842, %get3A_1841, %select_n3A_1836 : vector<16xi1>, vector<16xf32>
      %broadcast_in_dim3A_1844 = arith.constant 1.000000e+00 : f32
      %broadcast_in_dim3A_1845 = vector.broadcast %broadcast_in_dim3A_1844 : f32 to vector<16xf32>
      %select_n3A_1846 = arith.select %gt3A_1842, %broadcast_in_dim3A_1845, %select_n3A_1839 : vector<16xi1>, vector<16xf32>
      %get3A_1847 = arith.constant 32 : index
      %get3A_1848 = tpu.vector_load %arg19[%get3A_1847] {strides = array<i32>} : memref<320xf32, #tpu.memory_space<vmem>>, vector<16xf32>,
      %gt3A_1849 = arith.cmpf ogt, %get3A_1848, %select_n3A_1843 : vector<16xf32>
      %select_n3A_1850 = arith.select %gt3A_1849, %get3A_1848, %select_n3A_1843 : vector<16xi1>, vector<16xf32>
      %broadcast_in_dim3A_1851 = arith.constant 2.000000e+00 : f32
      %broadcast_in_dim3A_1852 = vector.broadcast %broadcast_in_dim3A_1851 : f32 to vector<16xf32>
      %select_n3A_1853 = arith.select %gt3A_1849, %broadcast_in_dim3A_1852, %select_n3A_1846 : vector<16xi1>, vector<16xf32>
      %get3A_1854 = arith.constant 48 : index
      %get3A_1855 = tpu.vector_load %arg19[%get3A_1854] {strides = array<i32>} : memref<320xf32, #tpu.memory_space<vmem>>, vector<16xf32>,
      %gt3A_1856 = arith.cmpf ogt, %get3A_1855, %select_n3A_1850 : vector<16xf32>
      %select_n3A_1857 = arith.select %gt3A_1856, %get3A_1855, %select_n3A_1850 : vector<16xi1>, vector<16xf32>
      %broadcast_in_dim3A_1858 = arith.constant 3.000000e+00 : f32
      %broadcast_in_dim3A_1859 = vector.broadcast %broadcast_in_dim3A_1858 : f32 to vector<16xf32>
      %select_n3A_1860 = arith.select %gt3A_1856, %broadcast_in_dim3A_1859, %select_n3A_1853 : vector<16xi1>, vector<16xf32>
      %get3A_1861 = arith.constant 64 : index
      %get3A_1862 = tpu.vector_load %arg19[%get3A_1861] {strides = array<i32>} : memref<320xf32, #tpu.memory_space<vmem>>, vector<16xf32>,
      %gt3A_1863 = arith.cmpf ogt, %get3A_1862, %select_n3A_1857 : vector<16xf32>
      %select_n3A_1864 = arith.select %gt3A_1863, %get3A_1862, %select_n3A_1857 : vector<16xi1>, vector<16xf32>
      %broadcast_in_dim3A_1865 = arith.constant 4.000000e+00 : f32
      %broadcast_in_dim3A_1866 = vector.broadcast %broadcast_in_dim3A_1865 : f32 to vector<16xf32>
      %select_n3A_1867 = arith.select %gt3A_1863, %broadcast_in_dim3A_1866, %select_n3A_1860 : vector<16xi1>, vector<16xf32>
      %get3A_1868 = arith.constant 80 : index
      %get3A_1869 = tpu.vector_load %arg19[%get3A_1868] {strides = array<i32>} : memref<320xf32, #tpu.memory_space<vmem>>, vector<16xf32>,
      %gt3A_1870 = arith.cmpf ogt, %get3A_1869, %select_n3A_1864 : vector<16xf32>
      %select_n3A_1871 = arith.select %gt3A_1870, %get3A_1869, %select_n3A_1864 : vector<16xi1>, vector<16xf32>
      %broadcast_in_dim3A_1872 = arith.constant 5.000000e+00 : f32
      %broadcast_in_dim3A_1873 = vector.broadcast %broadcast_in_dim3A_1872 : f32 to vector<16xf32>
      %select_n3A_1874 = arith.select %gt3A_1870, %broadcast_in_dim3A_1873, %select_n3A_1867 : vector<16xi1>, vector<16xf32>
      %get3A_1875 = arith.constant 96 : index
      %get3A_1876 = tpu.vector_load %arg19[%get3A_1875] {strides = array<i32>} : memref<320xf32, #tpu.memory_space<vmem>>, vector<16xf32>,
      %gt3A_1877 = arith.cmpf ogt, %get3A_1876, %select_n3A_1871 : vector<16xf32>
      %select_n3A_1878 = arith.select %gt3A_1877, %get3A_1876, %select_n3A_1871 : vector<16xi1>, vector<16xf32>
      %broadcast_in_dim3A_1879 = arith.constant 6.000000e+00 : f32
      %broadcast_in_dim3A_1880 = vector.broadcast %broadcast_in_dim3A_1879 : f32 to vector<16xf32>
      %select_n3A_1881 = arith.select %gt3A_1877, %broadcast_in_dim3A_1880, %select_n3A_1874 : vector<16xi1>, vector<16xf32>
      %get3A_1882 = arith.constant 112 : index
      %get3A_1883 = tpu.vector_load %arg19[%get3A_1882] {strides = array<i32>} : memref<320xf32, #tpu.memory_space<vmem>>, vector<16xf32>,
      %gt3A_1884 = arith.cmpf ogt, %get3A_1883, %select_n3A_1878 : vector<16xf32>
      %select_n3A_1885 = arith.select %gt3A_1884, %get3A_1883, %select_n3A_1878 : vector<16xi1>, vector<16xf32>
      %broadcast_in_dim3A_1886 = arith.constant 7.000000e+00 : f32
      %broadcast_in_dim3A_1887 = vector.broadcast %broadcast_in_dim3A_1886 : f32 to vector<16xf32>
      %select_n3A_1888 = arith.select %gt3A_1884, %broadcast_in_dim3A_1887, %select_n3A_1881 : vector<16xi1>, vector<16xf32>
      %get3A_1889 = arith.constant 128 : index
      %get3A_1890 = tpu.vector_load %arg19[%get3A_1889] {strides = array<i32>} : memref<320xf32, #tpu.memory_space<vmem>>, vector<16xf32>,
      %gt3A_1891 = arith.cmpf ogt, %get3A_1890, %select_n3A_1885 : vector<16xf32>
      %select_n3A_1892 = arith.select %gt3A_1891, %get3A_1890, %select_n3A_1885 : vector<16xi1>, vector<16xf32>
      %broadcast_in_dim3A_1893 = arith.constant 8.000000e+00 : f32
      %broadcast_in_dim3A_1894 = vector.broadcast %broadcast_in_dim3A_1893 : f32 to vector<16xf32>
      %select_n3A_1895 = arith.select %gt3A_1891, %broadcast_in_dim3A_1894, %select_n3A_1888 : vector<16xi1>, vector<16xf32>
      %get3A_1896 = arith.constant 144 : index
      %get3A_1897 = tpu.vector_load %arg19[%get3A_1896] {strides = array<i32>} : memref<320xf32, #tpu.memory_space<vmem>>, vector<16xf32>,
      %gt3A_1898 = arith.cmpf ogt, %get3A_1897, %select_n3A_1892 : vector<16xf32>
      %select_n3A_1899 = arith.select %gt3A_1898, %get3A_1897, %select_n3A_1892 : vector<16xi1>, vector<16xf32>
      %broadcast_in_dim3A_1900 = arith.constant 9.000000e+00 : f32
      %broadcast_in_dim3A_1901 = vector.broadcast %broadcast_in_dim3A_1900 : f32 to vector<16xf32>
      %select_n3A_1902 = arith.select %gt3A_1898, %broadcast_in_dim3A_1901, %select_n3A_1895 : vector<16xi1>, vector<16xf32>
      %get3A_1903 = arith.constant 160 : index
      %get3A_1904 = tpu.vector_load %arg19[%get3A_1903] {strides = array<i32>} : memref<320xf32, #tpu.memory_space<vmem>>, vector<16xf32>,
      %gt3A_1905 = arith.cmpf ogt, %get3A_1904, %select_n3A_1899 : vector<16xf32>
      %select_n3A_1906 = arith.select %gt3A_1905, %get3A_1904, %select_n3A_1899 : vector<16xi1>, vector<16xf32>
      %broadcast_in_dim3A_1907 = arith.constant 1.000000e+01 : f32
      %broadcast_in_dim3A_1908 = vector.broadcast %broadcast_in_dim3A_1907 : f32 to vector<16xf32>
      %select_n3A_1909 = arith.select %gt3A_1905, %broadcast_in_dim3A_1908, %select_n3A_1902 : vector<16xi1>, vector<16xf32>
      %get3A_1910 = arith.constant 176 : index
      %get3A_1911 = tpu.vector_load %arg19[%get3A_1910] {strides = array<i32>} : memref<320xf32, #tpu.memory_space<vmem>>, vector<16xf32>,
      %gt3A_1912 = arith.cmpf ogt, %get3A_1911, %select_n3A_1906 : vector<16xf32>
      %select_n3A_1913 = arith.select %gt3A_1912, %get3A_1911, %select_n3A_1906 : vector<16xi1>, vector<16xf32>
      %broadcast_in_dim3A_1914 = arith.constant 1.100000e+01 : f32
      %broadcast_in_dim3A_1915 = vector.broadcast %broadcast_in_dim3A_1914 : f32 to vector<16xf32>
      %select_n3A_1916 = arith.select %gt3A_1912, %broadcast_in_dim3A_1915, %select_n3A_1909 : vector<16xi1>, vector<16xf32>
      %get3A_1917 = arith.constant 192 : index
      %get3A_1918 = tpu.vector_load %arg19[%get3A_1917] {strides = array<i32>} : memref<320xf32, #tpu.memory_space<vmem>>, vector<16xf32>,
      %gt3A_1919 = arith.cmpf ogt, %get3A_1918, %select_n3A_1913 : vector<16xf32>
      %select_n3A_1920 = arith.select %gt3A_1919, %get3A_1918, %select_n3A_1913 : vector<16xi1>, vector<16xf32>
      %broadcast_in_dim3A_1921 = arith.constant 1.200000e+01 : f32
      %broadcast_in_dim3A_1922 = vector.broadcast %broadcast_in_dim3A_1921 : f32 to vector<16xf32>
      %select_n3A_1923 = arith.select %gt3A_1919, %broadcast_in_dim3A_1922, %select_n3A_1916 : vector<16xi1>, vector<16xf32>
      %get3A_1924 = arith.constant 208 : index
      %get3A_1925 = tpu.vector_load %arg19[%get3A_1924] {strides = array<i32>} : memref<320xf32, #tpu.memory_space<vmem>>, vector<16xf32>,
      %gt3A_1926 = arith.cmpf ogt, %get3A_1925, %select_n3A_1920 : vector<16xf32>
      %select_n3A_1927 = arith.select %gt3A_1926, %get3A_1925, %select_n3A_1920 : vector<16xi1>, vector<16xf32>
      %broadcast_in_dim3A_1928 = arith.constant 1.300000e+01 : f32
      %broadcast_in_dim3A_1929 = vector.broadcast %broadcast_in_dim3A_1928 : f32 to vector<16xf32>
      %select_n3A_1930 = arith.select %gt3A_1926, %broadcast_in_dim3A_1929, %select_n3A_1923 : vector<16xi1>, vector<16xf32>
      %get3A_1931 = arith.constant 224 : index
      %get3A_1932 = tpu.vector_load %arg19[%get3A_1931] {strides = array<i32>} : memref<320xf32, #tpu.memory_space<vmem>>, vector<16xf32>,
      %gt3A_1933 = arith.cmpf ogt, %get3A_1932, %select_n3A_1927 : vector<16xf32>
      %select_n3A_1934 = arith.select %gt3A_1933, %get3A_1932, %select_n3A_1927 : vector<16xi1>, vector<16xf32>
      %broadcast_in_dim3A_1935 = arith.constant 1.400000e+01 : f32
      %broadcast_in_dim3A_1936 = vector.broadcast %broadcast_in_dim3A_1935 : f32 to vector<16xf32>
      %select_n3A_1937 = arith.select %gt3A_1933, %broadcast_in_dim3A_1936, %select_n3A_1930 : vector<16xi1>, vector<16xf32>
      %get3A_1938 = arith.constant 240 : index
      %get3A_1939 = tpu.vector_load %arg19[%get3A_1938] {strides = array<i32>} : memref<320xf32, #tpu.memory_space<vmem>>, vector<16xf32>,
      %gt3A_1940 = arith.cmpf ogt, %get3A_1939, %select_n3A_1934 : vector<16xf32>
      %select_n3A_1941 = arith.select %gt3A_1940, %get3A_1939, %select_n3A_1934 : vector<16xi1>, vector<16xf32>
      %broadcast_in_dim3A_1942 = arith.constant 1.500000e+01 : f32
      %broadcast_in_dim3A_1943 = vector.broadcast %broadcast_in_dim3A_1942 : f32 to vector<16xf32>
      %select_n3A_1944 = arith.select %gt3A_1940, %broadcast_in_dim3A_1943, %select_n3A_1937 : vector<16xi1>, vector<16xf32>
      %get3A_1945 = arith.constant 256 : index
      %get3A_1946 = tpu.vector_load %arg19[%get3A_1945] {strides = array<i32>} : memref<320xf32, #tpu.memory_space<vmem>>, vector<16xf32>,
      %gt3A_1947 = arith.cmpf ogt, %get3A_1946, %select_n3A_1941 : vector<16xf32>
      %select_n3A_1948 = arith.select %gt3A_1947, %get3A_1946, %select_n3A_1941 : vector<16xi1>, vector<16xf32>
      %broadcast_in_dim3A_1949 = arith.constant 1.600000e+01 : f32
      %broadcast_in_dim3A_1950 = vector.broadcast %broadcast_in_dim3A_1949 : f32 to vector<16xf32>
      %select_n3A_1951 = arith.select %gt3A_1947, %broadcast_in_dim3A_1950, %select_n3A_1944 : vector<16xi1>, vector<16xf32>
      %get3A_1952 = arith.constant 272 : index
      %get3A_1953 = tpu.vector_load %arg19[%get3A_1952] {strides = array<i32>} : memref<320xf32, #tpu.memory_space<vmem>>, vector<16xf32>,
      %gt3A_1954 = arith.cmpf ogt, %get3A_1953, %select_n3A_1948 : vector<16xf32>
      %select_n3A_1955 = arith.select %gt3A_1954, %get3A_1953, %select_n3A_1948 : vector<16xi1>, vector<16xf32>
      %broadcast_in_dim3A_1956 = arith.constant 1.700000e+01 : f32
      %broadcast_in_dim3A_1957 = vector.broadcast %broadcast_in_dim3A_1956 : f32 to vector<16xf32>
      %select_n3A_1958 = arith.select %gt3A_1954, %broadcast_in_dim3A_1957, %select_n3A_1951 : vector<16xi1>, vector<16xf32>
      %get3A_1959 = arith.constant 288 : index
      %get3A_1960 = tpu.vector_load %arg19[%get3A_1959] {strides = array<i32>} : memref<320xf32, #tpu.memory_space<vmem>>, vector<16xf32>,
      %gt3A_1961 = arith.cmpf ogt, %get3A_1960, %select_n3A_1955 : vector<16xf32>
      %select_n3A_1962 = arith.select %gt3A_1961, %get3A_1960, %select_n3A_1955 : vector<16xi1>, vector<16xf32>
      %broadcast_in_dim3A_1963 = arith.constant 1.800000e+01 : f32
      %broadcast_in_dim3A_1964 = vector.broadcast %broadcast_in_dim3A_1963 : f32 to vector<16xf32>
      %select_n3A_1965 = arith.select %gt3A_1961, %broadcast_in_dim3A_1964, %select_n3A_1958 : vector<16xi1>, vector<16xf32>
      %get3A_1966 = arith.constant 304 : index
      %get3A_1967 = tpu.vector_load %arg19[%get3A_1966] {strides = array<i32>} : memref<320xf32, #tpu.memory_space<vmem>>, vector<16xf32>,
      %gt3A_1968 = arith.cmpf ogt, %get3A_1967, %select_n3A_1962 : vector<16xf32>
      %select_n3A_1969 = arith.select %gt3A_1968, %get3A_1967, %select_n3A_1962 : vector<16xi1>, vector<16xf32>
      %broadcast_in_dim3A_1970 = arith.constant 1.900000e+01 : f32
      %broadcast_in_dim3A_1971 = vector.broadcast %broadcast_in_dim3A_1970 : f32 to vector<16xf32>
      %select_n3A_1972 = arith.select %gt3A_1968, %broadcast_in_dim3A_1971, %select_n3A_1965 : vector<16xi1>, vector<16xf32>
      %reduce_max3A_1973 = arith.constant true
      %reduce_max3A_1974 = vector.broadcast %reduce_max3A_1973 : i1 to vector<16xi1>
      %reduce_max3A_1975 = tpu.scan <max>, %select_n3A_1969 masked %reduce_max3A_1974 : vector<16xf32>, vector<16xi1> -> vector<16xf32>
      %reduce_max3A_1976 = vector.extract %reduce_max3A_1975[15] : f32 from vector<16xf32>
      %mul3A_1977 = arith.constant 1.600000e+01 : f32
      %mul3A_1978 = vector.broadcast %mul3A_1977 : f32 to vector<16xf32>
      %mul3A_1979 = arith.mulf %select_n3A_1972, %mul3A_1978 : vector<16xf32>
      %add3A_1980 = vector.broadcast %convert_element_type3A_2 : f32 to vector<16xf32>
      %add3A_1981 = arith.addf %add3A_1980, %mul3A_1979 : vector<16xf32>
      %add3A_1982 = arith.addf %add3A_1981, %convert_element_type3A : vector<16xf32>
      %eq3A_1983 = vector.broadcast %reduce_max3A_1976 : f32 to vector<16xf32>
      %eq3A_1984 = arith.cmpf oeq, %select_n3A_1969, %eq3A_1983 : vector<16xf32>
      %jit3A_1985 = arith.constant 3.000000e+38 : f32
      %broadcast_in_dim3A_1986 = vector.broadcast %jit3A_1985 : f32 to vector<16xf32>
      %select_n3A_1987 = arith.select %eq3A_1984, %add3A_1982, %broadcast_in_dim3A_1986 : vector<16xi1>, vector<16xf32>
      %reduce_min3A_1988 = arith.constant true
      %reduce_min3A_1989 = vector.broadcast %reduce_min3A_1988 : i1 to vector<16xi1>
      %reduce_min3A_1990 = tpu.scan <min>, %select_n3A_1987 masked %reduce_min3A_1989 : vector<16xf32>, vector<16xi1> -> vector<16xf32>
      %reduce_min3A_1991 = vector.extract %reduce_min3A_1990[15] : f32 from vector<16xf32>
      %lt3A_1992 = arith.constant 8 : i32
      %lt3A_1993 = vector.broadcast %lt3A_1992 : i32 to vector<16xi32>
      %lt3A_1994 = arith.cmpi slt, %iota3A, %lt3A_1993 : vector<16xi32>
      %broadcast_in_dim3A_1995 = vector.broadcast %reduce_max3A_1976 : f32 to vector<16xf32>
      %broadcast_in_dim3A_1996 = vector.broadcast %reduce_min3A_1991 : f32 to vector<16xf32>
      %select_n3A_1997 = arith.select %lt3A_1994, %broadcast_in_dim3A_1995, %broadcast_in_dim3A_1996 : vector<16xi1>, vector<16xf32>
      %swap3A_1998 = arith.constant 0 : index
      %swap3A_1999 = tpu.vector_load %arg25[%swap3A_1998] {strides = array<i32>} : memref<16xf32, #tpu.memory_space<vmem>>, vector<16xf32>,
      tpu.vector_store %arg25[%swap3A_1998], %select_n3A_1997 {strides = array<i32>} : memref<16xf32, #tpu.memory_space<vmem>>, vector<16xf32>,
      %mul3A_2000 = arith.constant 16 : i32
      %mul3A_2001 = arith.muli %arg1, %mul3A_2000 : i32
      %multiple_of3A_2002 = tpu.assume_multiple %mul3A_2001, 16 : i32
      "tpu.region"() ({
        %run_scoped3A = tpu.sem_alloc : memref<!tpu.dma_semaphore, #tpu.memory_space<semaphore_mem>>
        %dma_start3A_2993 = tpu.memref_slice %arg24[%multiple_of3A_2002] : memref<256xf32, #tpu.memory_space<vmem_shared>> -> memref<16xf32, #tpu.memory_space<vmem_shared>>
        %dma_start3A_2994 = tpu.memref_slice %arg24[%multiple_of3A_2002] : memref<256xf32, #tpu.memory_space<vmem_shared>> -> memref<16xf32, #tpu.memory_space<vmem_shared>>
        tpu.enqueue_dma source(%arg25 : memref<16xf32, #tpu.memory_space<vmem>>) target(%dma_start3A_2994 : memref<16xf32, #tpu.memory_space<vmem_shared>>) target_semaphore(%run_scoped3A : memref<!tpu.dma_semaphore, #tpu.memory_space<semaphore_mem>>)
        %dma_wait3A_2995 = tpu.memref_slice %arg24[%multiple_of3A_2002] : memref<256xf32, #tpu.memory_space<vmem_shared>> -> memref<16xf32, #tpu.memory_space<vmem_shared>>
        %dma_wait3A_2996 = tpu.memref_slice %arg24[%multiple_of3A_2002] : memref<256xf32, #tpu.memory_space<vmem_shared>> -> memref<16xf32, #tpu.memory_space<vmem_shared>>
        tpu.wait_dma2 semaphore(%run_scoped3A : memref<!tpu.dma_semaphore, #tpu.memory_space<semaphore_mem>>) src(%arg25 : memref<16xf32, #tpu.memory_space<vmem>>) dst(%dma_wait3A_2996 : memref<16xf32, #tpu.memory_space<vmem_shared>>)
        tpu.yield
      }) : () -> ()
      %barrier3A_2003 = arith.constant 0 : index
      tpu.barrier barrier_id(%barrier3A_2003)
      "tpu.region"() ({
        %run_scoped3A = tpu.sem_alloc : memref<!tpu.dma_semaphore, #tpu.memory_space<semaphore_mem>>
        tpu.enqueue_dma source(%arg24 : memref<256xf32, #tpu.memory_space<vmem_shared>>) target(%arg26 : memref<256xf32, #tpu.memory_space<vmem>>) target_semaphore(%run_scoped3A : memref<!tpu.dma_semaphore, #tpu.memory_space<semaphore_mem>>)
        tpu.wait_dma2 semaphore(%run_scoped3A : memref<!tpu.dma_semaphore, #tpu.memory_space<semaphore_mem>>) src(%arg24 : memref<256xf32, #tpu.memory_space<vmem_shared>>) dst(%arg26 : memref<256xf32, #tpu.memory_space<vmem>>)
        tpu.yield
      }) : () -> ()
      %mul3A_2004 = arith.constant 16 : i32
      %mul3A_2005 = vector.broadcast %mul3A_2004 : i32 to vector<16xi32>
      %mul3A_2006 = arith.muli %iota3A, %mul3A_2005 : vector<16xi32>
      %gather3A_2007 = tpu.vector_load_idx %arg26[%mul3A_2006] : memref<256xf32, #tpu.memory_space<vmem>>[vector<16xi32>], vector<16xf32>,
      %mul3A_2008 = arith.constant 16 : i32
      %mul3A_2009 = vector.broadcast %mul3A_2008 : i32 to vector<16xi32>
      %mul3A_2010 = arith.muli %iota3A, %mul3A_2009 : vector<16xi32>
      %add3A_2011 = arith.constant 8 : i32
      %add3A_2012 = vector.broadcast %add3A_2011 : i32 to vector<16xi32>
      %add3A_2013 = arith.addi %mul3A_2010, %add3A_2012 : vector<16xi32>
      %gather3A_2014 = tpu.vector_load_idx %arg26[%add3A_2013] : memref<256xf32, #tpu.memory_space<vmem>>[vector<16xi32>], vector<16xf32>,
      %reduce_max3A_2015 = arith.constant true
      %reduce_max3A_2016 = vector.broadcast %reduce_max3A_2015 : i1 to vector<16xi1>
      %reduce_max3A_2017 = tpu.scan <max>, %gather3A_2007 masked %reduce_max3A_2016 : vector<16xf32>, vector<16xi1> -> vector<16xf32>
      %reduce_max3A_2018 = vector.extract %reduce_max3A_2017[15] : f32 from vector<16xf32>
      %eq3A_2019 = vector.broadcast %reduce_max3A_2018 : f32 to vector<16xf32>
      %eq3A_2020 = arith.cmpf oeq, %gather3A_2007, %eq3A_2019 : vector<16xf32>
      %jit3A_2021 = arith.constant 3.000000e+38 : f32
      %broadcast_in_dim3A_2022 = vector.broadcast %jit3A_2021 : f32 to vector<16xf32>
      %select_n3A_2023 = arith.select %eq3A_2020, %gather3A_2014, %broadcast_in_dim3A_2022 : vector<16xi1>, vector<16xf32>
      %reduce_min3A_2024 = arith.constant true
      %reduce_min3A_2025 = vector.broadcast %reduce_min3A_2024 : i1 to vector<16xi1>
      %reduce_min3A_2026 = tpu.scan <min>, %select_n3A_2023 masked %reduce_min3A_2025 : vector<16xf32>, vector<16xi1> -> vector<16xf32>
      %reduce_min3A_2027 = vector.extract %reduce_min3A_2026[15] : f32 from vector<16xf32>
      %convert_element_type3A_2028 = arith.fptosi %reduce_min3A_2027 : f32 to i32
      %min3A_2029 = arith.constant 5119 : i32
      %min3A_2030 = arith.minsi %convert_element_type3A_2028, %min3A_2029 : i32
      %max3A_2031 = arith.constant 0 : i32
      %max3A_2032 = arith.maxsi %max3A_2031, %min3A_2030 : i32
      %broadcast_in_dim3A_2033 = vector.broadcast %max3A_2032 : i32 to vector<16xi32>
      %gather3A_2034 = tpu.vector_load_idx %arg11[%broadcast_in_dim3A_2033] : memref<5120xf32, #tpu.memory_space<vmem>>[vector<16xi32>], vector<16xf32>,
      %gather3A_2035 = tpu.vector_load_idx %arg12[%broadcast_in_dim3A_2033] : memref<5120xf32, #tpu.memory_space<vmem>>[vector<16xi32>], vector<16xf32>,
      %gather3A_2036 = tpu.vector_load_idx %arg13[%broadcast_in_dim3A_2033] : memref<5120xf32, #tpu.memory_space<vmem>>[vector<16xi32>], vector<16xf32>,
      %gather3A_2037 = tpu.vector_load_idx %arg14[%broadcast_in_dim3A_2033] : memref<5120xf32, #tpu.memory_space<vmem>>[vector<16xi32>], vector<16xf32>,
      %gt3A_2038 = arith.constant -5.000000e+29 : f32
      %gt3A_2039 = arith.cmpf ogt, %reduce_max3A_2018, %gt3A_2038 : f32
      %jit3A_2040 = arith.constant 1.000000e+00 : f32
      %jit3A_2041 = arith.constant 0.000000e+00 : f32
      %select_n3A_2042 = arith.select %gt3A_2039, %jit3A_2040, %jit3A_2041 : f32
      %broadcast_in_dim3A_2043 = vector.broadcast %add3A_1830 : i32 to vector<16xi32>
      %broadcast_in_dim3A_2044 = vector.broadcast %select_n3A_2042 : f32 to vector<16xf32>
      %eq3A_2045 = arith.constant 0 : i32
      %eq3A_2046 = vector.broadcast %eq3A_2045 : i32 to vector<16xi32>
      %eq3A_2047 = arith.cmpi eq, %iota3A, %eq3A_2046 : vector<16xi32>
      tpu.vector_store_idx %arg21[%broadcast_in_dim3A_2043], %broadcast_in_dim3A_2044 masked %eq3A_2047 : memref<128xf32, #tpu.memory_space<vmem>>[vector<16xi32>], vector<16xf32>, vector<16xi1>
      %eq3A_2048 = arith.constant 0 : i32
      %eq3A_2049 = vector.broadcast %eq3A_2048 : i32 to vector<16xi32>
      %eq3A_2050 = arith.cmpi eq, %iota3A, %eq3A_2049 : vector<16xi32>
      tpu.vector_store_idx %arg20[%broadcast_in_dim3A_2043], %broadcast_in_dim3A_2033 masked %eq3A_2050 : memref<128xi32, #tpu.memory_space<vmem>>[vector<16xi32>], vector<16xi32>, vector<16xi1>
      %eq3A_2051 = arith.constant 0 : i32
      %eq3A_2052 = vector.broadcast %eq3A_2051 : i32 to vector<16xi32>
      %eq3A_2053 = arith.cmpi eq, %iota3A, %eq3A_2052 : vector<16xi32>
      %eq3A_2054 = arith.constant 1 : i32
      %eq3A_2055 = vector.broadcast %eq3A_2054 : i32 to vector<16xi32>
      %eq3A_2056 = arith.cmpi eq, %iota3A, %eq3A_2055 : vector<16xi32>
      %eq3A_2057 = arith.constant 2 : i32
      %eq3A_2058 = vector.broadcast %eq3A_2057 : i32 to vector<16xi32>
      %eq3A_2059 = arith.cmpi eq, %iota3A, %eq3A_2058 : vector<16xi32>
      %select_n3A_2060 = arith.select %eq3A_2059, %gather3A_2036, %gather3A_2037 : vector<16xi1>, vector<16xf32>
      %select_n3A_2061 = arith.select %eq3A_2056, %gather3A_2035, %select_n3A_2060 : vector<16xi1>, vector<16xf32>
      %select_n3A_2062 = arith.select %eq3A_2053, %gather3A_2034, %select_n3A_2061 : vector<16xi1>, vector<16xf32>
      %mul3A_2063 = arith.constant 4 : i32
      %mul3A_2064 = vector.broadcast %mul3A_2063 : i32 to vector<16xi32>
      %mul3A_2065 = arith.muli %broadcast_in_dim3A_2043, %mul3A_2064 : vector<16xi32>
      %add3A_2066 = arith.addi %mul3A_2065, %iota3A : vector<16xi32>
      %lt3A_2067 = arith.constant 4 : i32
      %lt3A_2068 = vector.broadcast %lt3A_2067 : i32 to vector<16xi32>
      %lt3A_2069 = arith.cmpi slt, %iota3A, %lt3A_2068 : vector<16xi32>
      tpu.vector_store_idx %arg22[%add3A_2066], %select_n3A_2062 masked %lt3A_2069 : memref<512xf32, #tpu.memory_space<vmem>>[vector<16xi32>], vector<16xf32>, vector<16xi1>
      %sub3A_2070 = arith.subf %gather3A_2036, %gather3A_2034 : vector<16xf32>
      %sub3A_2071 = arith.subf %gather3A_2037, %gather3A_2035 : vector<16xf32>
      %mul3A_2072 = arith.mulf %sub3A_2070, %sub3A_2071 : vector<16xf32>
      %get3A_2073 = arith.constant 0 : index
      %get3A_2074 = tpu.vector_load %arg15[%get3A_2073] {strides = array<i32>} : memref<320xf32, #tpu.memory_space<vmem>>, vector<16xf32>,
      %get3A_2075 = arith.constant 0 : index
      %get3A_2076 = tpu.vector_load %arg16[%get3A_2075] {strides = array<i32>} : memref<320xf32, #tpu.memory_space<vmem>>, vector<16xf32>,
      %get3A_2077 = arith.constant 0 : index
      %get3A_2078 = tpu.vector_load %arg17[%get3A_2077] {strides = array<i32>} : memref<320xf32, #tpu.memory_space<vmem>>, vector<16xf32>,
      %get3A_2079 = arith.constant 0 : index
      %get3A_2080 = tpu.vector_load %arg18[%get3A_2079] {strides = array<i32>} : memref<320xf32, #tpu.memory_space<vmem>>, vector<16xf32>,
      %get3A_2081 = arith.constant 0 : index
      %get3A_2082 = tpu.vector_load %arg19[%get3A_2081] {strides = array<i32>} : memref<320xf32, #tpu.memory_space<vmem>>, vector<16xf32>,
      %max3A_2083 = arith.maximumf %gather3A_2034, %get3A_2074 : vector<16xf32>
      %max3A_2084 = arith.maximumf %gather3A_2035, %get3A_2076 : vector<16xf32>
      %min3A_2085 = arith.minimumf %gather3A_2036, %get3A_2078 : vector<16xf32>
      %min3A_2086 = arith.minimumf %gather3A_2037, %get3A_2080 : vector<16xf32>
      %sub3A_2087 = arith.subf %min3A_2085, %max3A_2083 : vector<16xf32>
      %max3A_2088 = arith.constant 0.000000e+00 : f32
      %max3A_2089 = vector.broadcast %max3A_2088 : f32 to vector<16xf32>
      %max3A_2090 = arith.maximumf %sub3A_2087, %max3A_2089 : vector<16xf32>
      %sub3A_2091 = arith.subf %min3A_2086, %max3A_2084 : vector<16xf32>
      %max3A_2092 = arith.constant 0.000000e+00 : f32
      %max3A_2093 = vector.broadcast %max3A_2092 : f32 to vector<16xf32>
      %max3A_2094 = arith.maximumf %sub3A_2091, %max3A_2093 : vector<16xf32>
      %mul3A_2095 = arith.mulf %max3A_2090, %max3A_2094 : vector<16xf32>
      %sub3A_2096 = arith.subf %get3A_2078, %get3A_2074 : vector<16xf32>
      %sub3A_2097 = arith.subf %get3A_2080, %get3A_2076 : vector<16xf32>
      %mul3A_2098 = arith.mulf %sub3A_2096, %sub3A_2097 : vector<16xf32>
      %add3A_2099 = arith.addf %mul3A_2072, %mul3A_2098 : vector<16xf32>
      %sub3A_2100 = arith.subf %add3A_2099, %mul3A_2095 : vector<16xf32>
      %add3A_2101 = arith.constant 9.99999971E-10 : f32
      %add3A_2102 = vector.broadcast %add3A_2101 : f32 to vector<16xf32>
      %add3A_2103 = arith.addf %sub3A_2100, %add3A_2102 : vector<16xf32>
      %div3A_2104 = arith.divf %mul3A_2095, %add3A_2103 : vector<16xf32>
      %add3A_2105 = arith.constant 0 : i32
      %add3A_2106 = arith.addi %multiple_of3A, %add3A_2105 : i32
      %add3A_2107 = vector.broadcast %add3A_2106 : i32 to vector<16xi32>
      %add3A_2108 = arith.addi %iota3A, %add3A_2107 : vector<16xi32>
      %gt3A_2109 = arith.constant 3.000000e-01 : f32
      %gt3A_2110 = vector.broadcast %gt3A_2109 : f32 to vector<16xf32>
      %gt3A_2111 = arith.cmpf ogt, %div3A_2104, %gt3A_2110 : vector<16xf32>
      %eq3A_2112 = arith.cmpi eq, %add3A_2108, %broadcast_in_dim3A_2033 : vector<16xi32>
      %or3A_2113 = arith.ori %gt3A_2111, %eq3A_2112 : vector<16xi1>
      %jit3A_2114 = arith.constant -1.000000e+30 : f32
      %broadcast_in_dim3A_2115 = vector.broadcast %jit3A_2114 : f32 to vector<16xf32>
      %select_n3A_2116 = arith.select %or3A_2113, %broadcast_in_dim3A_2115, %get3A_2082 : vector<16xi1>, vector<16xf32>
      %swap3A_2117 = arith.constant 0 : index
      %swap3A_2118 = tpu.vector_load %arg19[%swap3A_2117] {strides = array<i32>} : memref<320xf32, #tpu.memory_space<vmem>>, vector<16xf32>,
      tpu.vector_store %arg19[%swap3A_2117], %select_n3A_2116 {strides = array<i32>} : memref<320xf32, #tpu.memory_space<vmem>>, vector<16xf32>,
      %get3A_2119 = arith.constant 16 : index
      %get3A_2120 = tpu.vector_load %arg15[%get3A_2119] {strides = array<i32>} : memref<320xf32, #tpu.memory_space<vmem>>, vector<16xf32>,
      %get3A_2121 = arith.constant 16 : index
      %get3A_2122 = tpu.vector_load %arg16[%get3A_2121] {strides = array<i32>} : memref<320xf32, #tpu.memory_space<vmem>>, vector<16xf32>,
      %get3A_2123 = arith.constant 16 : index
      %get3A_2124 = tpu.vector_load %arg17[%get3A_2123] {strides = array<i32>} : memref<320xf32, #tpu.memory_space<vmem>>, vector<16xf32>,
      %get3A_2125 = arith.constant 16 : index
      %get3A_2126 = tpu.vector_load %arg18[%get3A_2125] {strides = array<i32>} : memref<320xf32, #tpu.memory_space<vmem>>, vector<16xf32>,
      %get3A_2127 = arith.constant 16 : index
      %get3A_2128 = tpu.vector_load %arg19[%get3A_2127] {strides = array<i32>} : memref<320xf32, #tpu.memory_space<vmem>>, vector<16xf32>,
      %max3A_2129 = arith.maximumf %gather3A_2034, %get3A_2120 : vector<16xf32>
      %max3A_2130 = arith.maximumf %gather3A_2035, %get3A_2122 : vector<16xf32>
      %min3A_2131 = arith.minimumf %gather3A_2036, %get3A_2124 : vector<16xf32>
      %min3A_2132 = arith.minimumf %gather3A_2037, %get3A_2126 : vector<16xf32>
      %sub3A_2133 = arith.subf %min3A_2131, %max3A_2129 : vector<16xf32>
      %max3A_2134 = arith.constant 0.000000e+00 : f32
      %max3A_2135 = vector.broadcast %max3A_2134 : f32 to vector<16xf32>
      %max3A_2136 = arith.maximumf %sub3A_2133, %max3A_2135 : vector<16xf32>
      %sub3A_2137 = arith.subf %min3A_2132, %max3A_2130 : vector<16xf32>
      %max3A_2138 = arith.constant 0.000000e+00 : f32
      %max3A_2139 = vector.broadcast %max3A_2138 : f32 to vector<16xf32>
      %max3A_2140 = arith.maximumf %sub3A_2137, %max3A_2139 : vector<16xf32>
      %mul3A_2141 = arith.mulf %max3A_2136, %max3A_2140 : vector<16xf32>
      %sub3A_2142 = arith.subf %get3A_2124, %get3A_2120 : vector<16xf32>
      %sub3A_2143 = arith.subf %get3A_2126, %get3A_2122 : vector<16xf32>
      %mul3A_2144 = arith.mulf %sub3A_2142, %sub3A_2143 : vector<16xf32>
      %add3A_2145 = arith.addf %mul3A_2072, %mul3A_2144 : vector<16xf32>
      %sub3A_2146 = arith.subf %add3A_2145, %mul3A_2141 : vector<16xf32>
      %add3A_2147 = arith.constant 9.99999971E-10 : f32
      %add3A_2148 = vector.broadcast %add3A_2147 : f32 to vector<16xf32>
      %add3A_2149 = arith.addf %sub3A_2146, %add3A_2148 : vector<16xf32>
      %div3A_2150 = arith.divf %mul3A_2141, %add3A_2149 : vector<16xf32>
      %add3A_2151 = arith.constant 16 : i32
      %add3A_2152 = arith.addi %multiple_of3A, %add3A_2151 : i32
      %add3A_2153 = vector.broadcast %add3A_2152 : i32 to vector<16xi32>
      %add3A_2154 = arith.addi %iota3A, %add3A_2153 : vector<16xi32>
      %gt3A_2155 = arith.constant 3.000000e-01 : f32
      %gt3A_2156 = vector.broadcast %gt3A_2155 : f32 to vector<16xf32>
      %gt3A_2157 = arith.cmpf ogt, %div3A_2150, %gt3A_2156 : vector<16xf32>
      %eq3A_2158 = arith.cmpi eq, %add3A_2154, %broadcast_in_dim3A_2033 : vector<16xi32>
      %or3A_2159 = arith.ori %gt3A_2157, %eq3A_2158 : vector<16xi1>
      %jit3A_2160 = arith.constant -1.000000e+30 : f32
      %broadcast_in_dim3A_2161 = vector.broadcast %jit3A_2160 : f32 to vector<16xf32>
      %select_n3A_2162 = arith.select %or3A_2159, %broadcast_in_dim3A_2161, %get3A_2128 : vector<16xi1>, vector<16xf32>
      %swap3A_2163 = arith.constant 16 : index
      %swap3A_2164 = tpu.vector_load %arg19[%swap3A_2163] {strides = array<i32>} : memref<320xf32, #tpu.memory_space<vmem>>, vector<16xf32>,
      tpu.vector_store %arg19[%swap3A_2163], %select_n3A_2162 {strides = array<i32>} : memref<320xf32, #tpu.memory_space<vmem>>, vector<16xf32>,
      %get3A_2165 = arith.constant 32 : index
      %get3A_2166 = tpu.vector_load %arg15[%get3A_2165] {strides = array<i32>} : memref<320xf32, #tpu.memory_space<vmem>>, vector<16xf32>,
      %get3A_2167 = arith.constant 32 : index
      %get3A_2168 = tpu.vector_load %arg16[%get3A_2167] {strides = array<i32>} : memref<320xf32, #tpu.memory_space<vmem>>, vector<16xf32>,
      %get3A_2169 = arith.constant 32 : index
      %get3A_2170 = tpu.vector_load %arg17[%get3A_2169] {strides = array<i32>} : memref<320xf32, #tpu.memory_space<vmem>>, vector<16xf32>,
      %get3A_2171 = arith.constant 32 : index
      %get3A_2172 = tpu.vector_load %arg18[%get3A_2171] {strides = array<i32>} : memref<320xf32, #tpu.memory_space<vmem>>, vector<16xf32>,
      %get3A_2173 = arith.constant 32 : index
      %get3A_2174 = tpu.vector_load %arg19[%get3A_2173] {strides = array<i32>} : memref<320xf32, #tpu.memory_space<vmem>>, vector<16xf32>,
      %max3A_2175 = arith.maximumf %gather3A_2034, %get3A_2166 : vector<16xf32>
      %max3A_2176 = arith.maximumf %gather3A_2035, %get3A_2168 : vector<16xf32>
      %min3A_2177 = arith.minimumf %gather3A_2036, %get3A_2170 : vector<16xf32>
      %min3A_2178 = arith.minimumf %gather3A_2037, %get3A_2172 : vector<16xf32>
      %sub3A_2179 = arith.subf %min3A_2177, %max3A_2175 : vector<16xf32>
      %max3A_2180 = arith.constant 0.000000e+00 : f32
      %max3A_2181 = vector.broadcast %max3A_2180 : f32 to vector<16xf32>
      %max3A_2182 = arith.maximumf %sub3A_2179, %max3A_2181 : vector<16xf32>
      %sub3A_2183 = arith.subf %min3A_2178, %max3A_2176 : vector<16xf32>
      %max3A_2184 = arith.constant 0.000000e+00 : f32
      %max3A_2185 = vector.broadcast %max3A_2184 : f32 to vector<16xf32>
      %max3A_2186 = arith.maximumf %sub3A_2183, %max3A_2185 : vector<16xf32>
      %mul3A_2187 = arith.mulf %max3A_2182, %max3A_2186 : vector<16xf32>
      %sub3A_2188 = arith.subf %get3A_2170, %get3A_2166 : vector<16xf32>
      %sub3A_2189 = arith.subf %get3A_2172, %get3A_2168 : vector<16xf32>
      %mul3A_2190 = arith.mulf %sub3A_2188, %sub3A_2189 : vector<16xf32>
      %add3A_2191 = arith.addf %mul3A_2072, %mul3A_2190 : vector<16xf32>
      %sub3A_2192 = arith.subf %add3A_2191, %mul3A_2187 : vector<16xf32>
      %add3A_2193 = arith.constant 9.99999971E-10 : f32
      %add3A_2194 = vector.broadcast %add3A_2193 : f32 to vector<16xf32>
      %add3A_2195 = arith.addf %sub3A_2192, %add3A_2194 : vector<16xf32>
      %div3A_2196 = arith.divf %mul3A_2187, %add3A_2195 : vector<16xf32>
      %add3A_2197 = arith.constant 32 : i32
      %add3A_2198 = arith.addi %multiple_of3A, %add3A_2197 : i32
      %add3A_2199 = vector.broadcast %add3A_2198 : i32 to vector<16xi32>
      %add3A_2200 = arith.addi %iota3A, %add3A_2199 : vector<16xi32>
      %gt3A_2201 = arith.constant 3.000000e-01 : f32
      %gt3A_2202 = vector.broadcast %gt3A_2201 : f32 to vector<16xf32>
      %gt3A_2203 = arith.cmpf ogt, %div3A_2196, %gt3A_2202 : vector<16xf32>
      %eq3A_2204 = arith.cmpi eq, %add3A_2200, %broadcast_in_dim3A_2033 : vector<16xi32>
      %or3A_2205 = arith.ori %gt3A_2203, %eq3A_2204 : vector<16xi1>
      %jit3A_2206 = arith.constant -1.000000e+30 : f32
      %broadcast_in_dim3A_2207 = vector.broadcast %jit3A_2206 : f32 to vector<16xf32>
      %select_n3A_2208 = arith.select %or3A_2205, %broadcast_in_dim3A_2207, %get3A_2174 : vector<16xi1>, vector<16xf32>
      %swap3A_2209 = arith.constant 32 : index
      %swap3A_2210 = tpu.vector_load %arg19[%swap3A_2209] {strides = array<i32>} : memref<320xf32, #tpu.memory_space<vmem>>, vector<16xf32>,
      tpu.vector_store %arg19[%swap3A_2209], %select_n3A_2208 {strides = array<i32>} : memref<320xf32, #tpu.memory_space<vmem>>, vector<16xf32>,
      %get3A_2211 = arith.constant 48 : index
      %get3A_2212 = tpu.vector_load %arg15[%get3A_2211] {strides = array<i32>} : memref<320xf32, #tpu.memory_space<vmem>>, vector<16xf32>,
      %get3A_2213 = arith.constant 48 : index
      %get3A_2214 = tpu.vector_load %arg16[%get3A_2213] {strides = array<i32>} : memref<320xf32, #tpu.memory_space<vmem>>, vector<16xf32>,
      %get3A_2215 = arith.constant 48 : index
      %get3A_2216 = tpu.vector_load %arg17[%get3A_2215] {strides = array<i32>} : memref<320xf32, #tpu.memory_space<vmem>>, vector<16xf32>,
      %get3A_2217 = arith.constant 48 : index
      %get3A_2218 = tpu.vector_load %arg18[%get3A_2217] {strides = array<i32>} : memref<320xf32, #tpu.memory_space<vmem>>, vector<16xf32>,
      %get3A_2219 = arith.constant 48 : index
      %get3A_2220 = tpu.vector_load %arg19[%get3A_2219] {strides = array<i32>} : memref<320xf32, #tpu.memory_space<vmem>>, vector<16xf32>,
      %max3A_2221 = arith.maximumf %gather3A_2034, %get3A_2212 : vector<16xf32>
      %max3A_2222 = arith.maximumf %gather3A_2035, %get3A_2214 : vector<16xf32>
      %min3A_2223 = arith.minimumf %gather3A_2036, %get3A_2216 : vector<16xf32>
      %min3A_2224 = arith.minimumf %gather3A_2037, %get3A_2218 : vector<16xf32>
      %sub3A_2225 = arith.subf %min3A_2223, %max3A_2221 : vector<16xf32>
      %max3A_2226 = arith.constant 0.000000e+00 : f32
      %max3A_2227 = vector.broadcast %max3A_2226 : f32 to vector<16xf32>
      %max3A_2228 = arith.maximumf %sub3A_2225, %max3A_2227 : vector<16xf32>
      %sub3A_2229 = arith.subf %min3A_2224, %max3A_2222 : vector<16xf32>
      %max3A_2230 = arith.constant 0.000000e+00 : f32
      %max3A_2231 = vector.broadcast %max3A_2230 : f32 to vector<16xf32>
      %max3A_2232 = arith.maximumf %sub3A_2229, %max3A_2231 : vector<16xf32>
      %mul3A_2233 = arith.mulf %max3A_2228, %max3A_2232 : vector<16xf32>
      %sub3A_2234 = arith.subf %get3A_2216, %get3A_2212 : vector<16xf32>
      %sub3A_2235 = arith.subf %get3A_2218, %get3A_2214 : vector<16xf32>
      %mul3A_2236 = arith.mulf %sub3A_2234, %sub3A_2235 : vector<16xf32>
      %add3A_2237 = arith.addf %mul3A_2072, %mul3A_2236 : vector<16xf32>
      %sub3A_2238 = arith.subf %add3A_2237, %mul3A_2233 : vector<16xf32>
      %add3A_2239 = arith.constant 9.99999971E-10 : f32
      %add3A_2240 = vector.broadcast %add3A_2239 : f32 to vector<16xf32>
      %add3A_2241 = arith.addf %sub3A_2238, %add3A_2240 : vector<16xf32>
      %div3A_2242 = arith.divf %mul3A_2233, %add3A_2241 : vector<16xf32>
      %add3A_2243 = arith.constant 48 : i32
      %add3A_2244 = arith.addi %multiple_of3A, %add3A_2243 : i32
      %add3A_2245 = vector.broadcast %add3A_2244 : i32 to vector<16xi32>
      %add3A_2246 = arith.addi %iota3A, %add3A_2245 : vector<16xi32>
      %gt3A_2247 = arith.constant 3.000000e-01 : f32
      %gt3A_2248 = vector.broadcast %gt3A_2247 : f32 to vector<16xf32>
      %gt3A_2249 = arith.cmpf ogt, %div3A_2242, %gt3A_2248 : vector<16xf32>
      %eq3A_2250 = arith.cmpi eq, %add3A_2246, %broadcast_in_dim3A_2033 : vector<16xi32>
      %or3A_2251 = arith.ori %gt3A_2249, %eq3A_2250 : vector<16xi1>
      %jit3A_2252 = arith.constant -1.000000e+30 : f32
      %broadcast_in_dim3A_2253 = vector.broadcast %jit3A_2252 : f32 to vector<16xf32>
      %select_n3A_2254 = arith.select %or3A_2251, %broadcast_in_dim3A_2253, %get3A_2220 : vector<16xi1>, vector<16xf32>
      %swap3A_2255 = arith.constant 48 : index
      %swap3A_2256 = tpu.vector_load %arg19[%swap3A_2255] {strides = array<i32>} : memref<320xf32, #tpu.memory_space<vmem>>, vector<16xf32>,
      tpu.vector_store %arg19[%swap3A_2255], %select_n3A_2254 {strides = array<i32>} : memref<320xf32, #tpu.memory_space<vmem>>, vector<16xf32>,
      %get3A_2257 = arith.constant 64 : index
      %get3A_2258 = tpu.vector_load %arg15[%get3A_2257] {strides = array<i32>} : memref<320xf32, #tpu.memory_space<vmem>>, vector<16xf32>,
      %get3A_2259 = arith.constant 64 : index
      %get3A_2260 = tpu.vector_load %arg16[%get3A_2259] {strides = array<i32>} : memref<320xf32, #tpu.memory_space<vmem>>, vector<16xf32>,
      %get3A_2261 = arith.constant 64 : index
      %get3A_2262 = tpu.vector_load %arg17[%get3A_2261] {strides = array<i32>} : memref<320xf32, #tpu.memory_space<vmem>>, vector<16xf32>,
      %get3A_2263 = arith.constant 64 : index
      %get3A_2264 = tpu.vector_load %arg18[%get3A_2263] {strides = array<i32>} : memref<320xf32, #tpu.memory_space<vmem>>, vector<16xf32>,
      %get3A_2265 = arith.constant 64 : index
      %get3A_2266 = tpu.vector_load %arg19[%get3A_2265] {strides = array<i32>} : memref<320xf32, #tpu.memory_space<vmem>>, vector<16xf32>,
      %max3A_2267 = arith.maximumf %gather3A_2034, %get3A_2258 : vector<16xf32>
      %max3A_2268 = arith.maximumf %gather3A_2035, %get3A_2260 : vector<16xf32>
      %min3A_2269 = arith.minimumf %gather3A_2036, %get3A_2262 : vector<16xf32>
      %min3A_2270 = arith.minimumf %gather3A_2037, %get3A_2264 : vector<16xf32>
      %sub3A_2271 = arith.subf %min3A_2269, %max3A_2267 : vector<16xf32>
      %max3A_2272 = arith.constant 0.000000e+00 : f32
      %max3A_2273 = vector.broadcast %max3A_2272 : f32 to vector<16xf32>
      %max3A_2274 = arith.maximumf %sub3A_2271, %max3A_2273 : vector<16xf32>
      %sub3A_2275 = arith.subf %min3A_2270, %max3A_2268 : vector<16xf32>
      %max3A_2276 = arith.constant 0.000000e+00 : f32
      %max3A_2277 = vector.broadcast %max3A_2276 : f32 to vector<16xf32>
      %max3A_2278 = arith.maximumf %sub3A_2275, %max3A_2277 : vector<16xf32>
      %mul3A_2279 = arith.mulf %max3A_2274, %max3A_2278 : vector<16xf32>
      %sub3A_2280 = arith.subf %get3A_2262, %get3A_2258 : vector<16xf32>
      %sub3A_2281 = arith.subf %get3A_2264, %get3A_2260 : vector<16xf32>
      %mul3A_2282 = arith.mulf %sub3A_2280, %sub3A_2281 : vector<16xf32>
      %add3A_2283 = arith.addf %mul3A_2072, %mul3A_2282 : vector<16xf32>
      %sub3A_2284 = arith.subf %add3A_2283, %mul3A_2279 : vector<16xf32>
      %add3A_2285 = arith.constant 9.99999971E-10 : f32
      %add3A_2286 = vector.broadcast %add3A_2285 : f32 to vector<16xf32>
      %add3A_2287 = arith.addf %sub3A_2284, %add3A_2286 : vector<16xf32>
      %div3A_2288 = arith.divf %mul3A_2279, %add3A_2287 : vector<16xf32>
      %add3A_2289 = arith.constant 64 : i32
      %add3A_2290 = arith.addi %multiple_of3A, %add3A_2289 : i32
      %add3A_2291 = vector.broadcast %add3A_2290 : i32 to vector<16xi32>
      %add3A_2292 = arith.addi %iota3A, %add3A_2291 : vector<16xi32>
      %gt3A_2293 = arith.constant 3.000000e-01 : f32
      %gt3A_2294 = vector.broadcast %gt3A_2293 : f32 to vector<16xf32>
      %gt3A_2295 = arith.cmpf ogt, %div3A_2288, %gt3A_2294 : vector<16xf32>
      %eq3A_2296 = arith.cmpi eq, %add3A_2292, %broadcast_in_dim3A_2033 : vector<16xi32>
      %or3A_2297 = arith.ori %gt3A_2295, %eq3A_2296 : vector<16xi1>
      %jit3A_2298 = arith.constant -1.000000e+30 : f32
      %broadcast_in_dim3A_2299 = vector.broadcast %jit3A_2298 : f32 to vector<16xf32>
      %select_n3A_2300 = arith.select %or3A_2297, %broadcast_in_dim3A_2299, %get3A_2266 : vector<16xi1>, vector<16xf32>
      %swap3A_2301 = arith.constant 64 : index
      %swap3A_2302 = tpu.vector_load %arg19[%swap3A_2301] {strides = array<i32>} : memref<320xf32, #tpu.memory_space<vmem>>, vector<16xf32>,
      tpu.vector_store %arg19[%swap3A_2301], %select_n3A_2300 {strides = array<i32>} : memref<320xf32, #tpu.memory_space<vmem>>, vector<16xf32>,
      %get3A_2303 = arith.constant 80 : index
      %get3A_2304 = tpu.vector_load %arg15[%get3A_2303] {strides = array<i32>} : memref<320xf32, #tpu.memory_space<vmem>>, vector<16xf32>,
      %get3A_2305 = arith.constant 80 : index
      %get3A_2306 = tpu.vector_load %arg16[%get3A_2305] {strides = array<i32>} : memref<320xf32, #tpu.memory_space<vmem>>, vector<16xf32>,
      %get3A_2307 = arith.constant 80 : index
      %get3A_2308 = tpu.vector_load %arg17[%get3A_2307] {strides = array<i32>} : memref<320xf32, #tpu.memory_space<vmem>>, vector<16xf32>,
      %get3A_2309 = arith.constant 80 : index
      %get3A_2310 = tpu.vector_load %arg18[%get3A_2309] {strides = array<i32>} : memref<320xf32, #tpu.memory_space<vmem>>, vector<16xf32>,
      %get3A_2311 = arith.constant 80 : index
      %get3A_2312 = tpu.vector_load %arg19[%get3A_2311] {strides = array<i32>} : memref<320xf32, #tpu.memory_space<vmem>>, vector<16xf32>,
      %max3A_2313 = arith.maximumf %gather3A_2034, %get3A_2304 : vector<16xf32>
      %max3A_2314 = arith.maximumf %gather3A_2035, %get3A_2306 : vector<16xf32>
      %min3A_2315 = arith.minimumf %gather3A_2036, %get3A_2308 : vector<16xf32>
      %min3A_2316 = arith.minimumf %gather3A_2037, %get3A_2310 : vector<16xf32>
      %sub3A_2317 = arith.subf %min3A_2315, %max3A_2313 : vector<16xf32>
      %max3A_2318 = arith.constant 0.000000e+00 : f32
      %max3A_2319 = vector.broadcast %max3A_2318 : f32 to vector<16xf32>
      %max3A_2320 = arith.maximumf %sub3A_2317, %max3A_2319 : vector<16xf32>
      %sub3A_2321 = arith.subf %min3A_2316, %max3A_2314 : vector<16xf32>
      %max3A_2322 = arith.constant 0.000000e+00 : f32
      %max3A_2323 = vector.broadcast %max3A_2322 : f32 to vector<16xf32>
      %max3A_2324 = arith.maximumf %sub3A_2321, %max3A_2323 : vector<16xf32>
      %mul3A_2325 = arith.mulf %max3A_2320, %max3A_2324 : vector<16xf32>
      %sub3A_2326 = arith.subf %get3A_2308, %get3A_2304 : vector<16xf32>
      %sub3A_2327 = arith.subf %get3A_2310, %get3A_2306 : vector<16xf32>
      %mul3A_2328 = arith.mulf %sub3A_2326, %sub3A_2327 : vector<16xf32>
      %add3A_2329 = arith.addf %mul3A_2072, %mul3A_2328 : vector<16xf32>
      %sub3A_2330 = arith.subf %add3A_2329, %mul3A_2325 : vector<16xf32>
      %add3A_2331 = arith.constant 9.99999971E-10 : f32
      %add3A_2332 = vector.broadcast %add3A_2331 : f32 to vector<16xf32>
      %add3A_2333 = arith.addf %sub3A_2330, %add3A_2332 : vector<16xf32>
      %div3A_2334 = arith.divf %mul3A_2325, %add3A_2333 : vector<16xf32>
      %add3A_2335 = arith.constant 80 : i32
      %add3A_2336 = arith.addi %multiple_of3A, %add3A_2335 : i32
      %add3A_2337 = vector.broadcast %add3A_2336 : i32 to vector<16xi32>
      %add3A_2338 = arith.addi %iota3A, %add3A_2337 : vector<16xi32>
      %gt3A_2339 = arith.constant 3.000000e-01 : f32
      %gt3A_2340 = vector.broadcast %gt3A_2339 : f32 to vector<16xf32>
      %gt3A_2341 = arith.cmpf ogt, %div3A_2334, %gt3A_2340 : vector<16xf32>
      %eq3A_2342 = arith.cmpi eq, %add3A_2338, %broadcast_in_dim3A_2033 : vector<16xi32>
      %or3A_2343 = arith.ori %gt3A_2341, %eq3A_2342 : vector<16xi1>
      %jit3A_2344 = arith.constant -1.000000e+30 : f32
      %broadcast_in_dim3A_2345 = vector.broadcast %jit3A_2344 : f32 to vector<16xf32>
      %select_n3A_2346 = arith.select %or3A_2343, %broadcast_in_dim3A_2345, %get3A_2312 : vector<16xi1>, vector<16xf32>
      %swap3A_2347 = arith.constant 80 : index
      %swap3A_2348 = tpu.vector_load %arg19[%swap3A_2347] {strides = array<i32>} : memref<320xf32, #tpu.memory_space<vmem>>, vector<16xf32>,
      tpu.vector_store %arg19[%swap3A_2347], %select_n3A_2346 {strides = array<i32>} : memref<320xf32, #tpu.memory_space<vmem>>, vector<16xf32>,
      %get3A_2349 = arith.constant 96 : index
      %get3A_2350 = tpu.vector_load %arg15[%get3A_2349] {strides = array<i32>} : memref<320xf32, #tpu.memory_space<vmem>>, vector<16xf32>,
      %get3A_2351 = arith.constant 96 : index
      %get3A_2352 = tpu.vector_load %arg16[%get3A_2351] {strides = array<i32>} : memref<320xf32, #tpu.memory_space<vmem>>, vector<16xf32>,
      %get3A_2353 = arith.constant 96 : index
      %get3A_2354 = tpu.vector_load %arg17[%get3A_2353] {strides = array<i32>} : memref<320xf32, #tpu.memory_space<vmem>>, vector<16xf32>,
      %get3A_2355 = arith.constant 96 : index
      %get3A_2356 = tpu.vector_load %arg18[%get3A_2355] {strides = array<i32>} : memref<320xf32, #tpu.memory_space<vmem>>, vector<16xf32>,
      %get3A_2357 = arith.constant 96 : index
      %get3A_2358 = tpu.vector_load %arg19[%get3A_2357] {strides = array<i32>} : memref<320xf32, #tpu.memory_space<vmem>>, vector<16xf32>,
      %max3A_2359 = arith.maximumf %gather3A_2034, %get3A_2350 : vector<16xf32>
      %max3A_2360 = arith.maximumf %gather3A_2035, %get3A_2352 : vector<16xf32>
      %min3A_2361 = arith.minimumf %gather3A_2036, %get3A_2354 : vector<16xf32>
      %min3A_2362 = arith.minimumf %gather3A_2037, %get3A_2356 : vector<16xf32>
      %sub3A_2363 = arith.subf %min3A_2361, %max3A_2359 : vector<16xf32>
      %max3A_2364 = arith.constant 0.000000e+00 : f32
      %max3A_2365 = vector.broadcast %max3A_2364 : f32 to vector<16xf32>
      %max3A_2366 = arith.maximumf %sub3A_2363, %max3A_2365 : vector<16xf32>
      %sub3A_2367 = arith.subf %min3A_2362, %max3A_2360 : vector<16xf32>
      %max3A_2368 = arith.constant 0.000000e+00 : f32
      %max3A_2369 = vector.broadcast %max3A_2368 : f32 to vector<16xf32>
      %max3A_2370 = arith.maximumf %sub3A_2367, %max3A_2369 : vector<16xf32>
      %mul3A_2371 = arith.mulf %max3A_2366, %max3A_2370 : vector<16xf32>
      %sub3A_2372 = arith.subf %get3A_2354, %get3A_2350 : vector<16xf32>
      %sub3A_2373 = arith.subf %get3A_2356, %get3A_2352 : vector<16xf32>
      %mul3A_2374 = arith.mulf %sub3A_2372, %sub3A_2373 : vector<16xf32>
      %add3A_2375 = arith.addf %mul3A_2072, %mul3A_2374 : vector<16xf32>
      %sub3A_2376 = arith.subf %add3A_2375, %mul3A_2371 : vector<16xf32>
      %add3A_2377 = arith.constant 9.99999971E-10 : f32
      %add3A_2378 = vector.broadcast %add3A_2377 : f32 to vector<16xf32>
      %add3A_2379 = arith.addf %sub3A_2376, %add3A_2378 : vector<16xf32>
      %div3A_2380 = arith.divf %mul3A_2371, %add3A_2379 : vector<16xf32>
      %add3A_2381 = arith.constant 96 : i32
      %add3A_2382 = arith.addi %multiple_of3A, %add3A_2381 : i32
      %add3A_2383 = vector.broadcast %add3A_2382 : i32 to vector<16xi32>
      %add3A_2384 = arith.addi %iota3A, %add3A_2383 : vector<16xi32>
      %gt3A_2385 = arith.constant 3.000000e-01 : f32
      %gt3A_2386 = vector.broadcast %gt3A_2385 : f32 to vector<16xf32>
      %gt3A_2387 = arith.cmpf ogt, %div3A_2380, %gt3A_2386 : vector<16xf32>
      %eq3A_2388 = arith.cmpi eq, %add3A_2384, %broadcast_in_dim3A_2033 : vector<16xi32>
      %or3A_2389 = arith.ori %gt3A_2387, %eq3A_2388 : vector<16xi1>
      %jit3A_2390 = arith.constant -1.000000e+30 : f32
      %broadcast_in_dim3A_2391 = vector.broadcast %jit3A_2390 : f32 to vector<16xf32>
      %select_n3A_2392 = arith.select %or3A_2389, %broadcast_in_dim3A_2391, %get3A_2358 : vector<16xi1>, vector<16xf32>
      %swap3A_2393 = arith.constant 96 : index
      %swap3A_2394 = tpu.vector_load %arg19[%swap3A_2393] {strides = array<i32>} : memref<320xf32, #tpu.memory_space<vmem>>, vector<16xf32>,
      tpu.vector_store %arg19[%swap3A_2393], %select_n3A_2392 {strides = array<i32>} : memref<320xf32, #tpu.memory_space<vmem>>, vector<16xf32>,
      %get3A_2395 = arith.constant 112 : index
      %get3A_2396 = tpu.vector_load %arg15[%get3A_2395] {strides = array<i32>} : memref<320xf32, #tpu.memory_space<vmem>>, vector<16xf32>,
      %get3A_2397 = arith.constant 112 : index
      %get3A_2398 = tpu.vector_load %arg16[%get3A_2397] {strides = array<i32>} : memref<320xf32, #tpu.memory_space<vmem>>, vector<16xf32>,
      %get3A_2399 = arith.constant 112 : index
      %get3A_2400 = tpu.vector_load %arg17[%get3A_2399] {strides = array<i32>} : memref<320xf32, #tpu.memory_space<vmem>>, vector<16xf32>,
      %get3A_2401 = arith.constant 112 : index
      %get3A_2402 = tpu.vector_load %arg18[%get3A_2401] {strides = array<i32>} : memref<320xf32, #tpu.memory_space<vmem>>, vector<16xf32>,
      %get3A_2403 = arith.constant 112 : index
      %get3A_2404 = tpu.vector_load %arg19[%get3A_2403] {strides = array<i32>} : memref<320xf32, #tpu.memory_space<vmem>>, vector<16xf32>,
      %max3A_2405 = arith.maximumf %gather3A_2034, %get3A_2396 : vector<16xf32>
      %max3A_2406 = arith.maximumf %gather3A_2035, %get3A_2398 : vector<16xf32>
      %min3A_2407 = arith.minimumf %gather3A_2036, %get3A_2400 : vector<16xf32>
      %min3A_2408 = arith.minimumf %gather3A_2037, %get3A_2402 : vector<16xf32>
      %sub3A_2409 = arith.subf %min3A_2407, %max3A_2405 : vector<16xf32>
      %max3A_2410 = arith.constant 0.000000e+00 : f32
      %max3A_2411 = vector.broadcast %max3A_2410 : f32 to vector<16xf32>
      %max3A_2412 = arith.maximumf %sub3A_2409, %max3A_2411 : vector<16xf32>
      %sub3A_2413 = arith.subf %min3A_2408, %max3A_2406 : vector<16xf32>
      %max3A_2414 = arith.constant 0.000000e+00 : f32
      %max3A_2415 = vector.broadcast %max3A_2414 : f32 to vector<16xf32>
      %max3A_2416 = arith.maximumf %sub3A_2413, %max3A_2415 : vector<16xf32>
      %mul3A_2417 = arith.mulf %max3A_2412, %max3A_2416 : vector<16xf32>
      %sub3A_2418 = arith.subf %get3A_2400, %get3A_2396 : vector<16xf32>
      %sub3A_2419 = arith.subf %get3A_2402, %get3A_2398 : vector<16xf32>
      %mul3A_2420 = arith.mulf %sub3A_2418, %sub3A_2419 : vector<16xf32>
      %add3A_2421 = arith.addf %mul3A_2072, %mul3A_2420 : vector<16xf32>
      %sub3A_2422 = arith.subf %add3A_2421, %mul3A_2417 : vector<16xf32>
      %add3A_2423 = arith.constant 9.99999971E-10 : f32
      %add3A_2424 = vector.broadcast %add3A_2423 : f32 to vector<16xf32>
      %add3A_2425 = arith.addf %sub3A_2422, %add3A_2424 : vector<16xf32>
      %div3A_2426 = arith.divf %mul3A_2417, %add3A_2425 : vector<16xf32>
      %add3A_2427 = arith.constant 112 : i32
      %add3A_2428 = arith.addi %multiple_of3A, %add3A_2427 : i32
      %add3A_2429 = vector.broadcast %add3A_2428 : i32 to vector<16xi32>
      %add3A_2430 = arith.addi %iota3A, %add3A_2429 : vector<16xi32>
      %gt3A_2431 = arith.constant 3.000000e-01 : f32
      %gt3A_2432 = vector.broadcast %gt3A_2431 : f32 to vector<16xf32>
      %gt3A_2433 = arith.cmpf ogt, %div3A_2426, %gt3A_2432 : vector<16xf32>
      %eq3A_2434 = arith.cmpi eq, %add3A_2430, %broadcast_in_dim3A_2033 : vector<16xi32>
      %or3A_2435 = arith.ori %gt3A_2433, %eq3A_2434 : vector<16xi1>
      %jit3A_2436 = arith.constant -1.000000e+30 : f32
      %broadcast_in_dim3A_2437 = vector.broadcast %jit3A_2436 : f32 to vector<16xf32>
      %select_n3A_2438 = arith.select %or3A_2435, %broadcast_in_dim3A_2437, %get3A_2404 : vector<16xi1>, vector<16xf32>
      %swap3A_2439 = arith.constant 112 : index
      %swap3A_2440 = tpu.vector_load %arg19[%swap3A_2439] {strides = array<i32>} : memref<320xf32, #tpu.memory_space<vmem>>, vector<16xf32>,
      tpu.vector_store %arg19[%swap3A_2439], %select_n3A_2438 {strides = array<i32>} : memref<320xf32, #tpu.memory_space<vmem>>, vector<16xf32>,
      %get3A_2441 = arith.constant 128 : index
      %get3A_2442 = tpu.vector_load %arg15[%get3A_2441] {strides = array<i32>} : memref<320xf32, #tpu.memory_space<vmem>>, vector<16xf32>,
      %get3A_2443 = arith.constant 128 : index
      %get3A_2444 = tpu.vector_load %arg16[%get3A_2443] {strides = array<i32>} : memref<320xf32, #tpu.memory_space<vmem>>, vector<16xf32>,
      %get3A_2445 = arith.constant 128 : index
      %get3A_2446 = tpu.vector_load %arg17[%get3A_2445] {strides = array<i32>} : memref<320xf32, #tpu.memory_space<vmem>>, vector<16xf32>,
      %get3A_2447 = arith.constant 128 : index
      %get3A_2448 = tpu.vector_load %arg18[%get3A_2447] {strides = array<i32>} : memref<320xf32, #tpu.memory_space<vmem>>, vector<16xf32>,
      %get3A_2449 = arith.constant 128 : index
      %get3A_2450 = tpu.vector_load %arg19[%get3A_2449] {strides = array<i32>} : memref<320xf32, #tpu.memory_space<vmem>>, vector<16xf32>,
      %max3A_2451 = arith.maximumf %gather3A_2034, %get3A_2442 : vector<16xf32>
      %max3A_2452 = arith.maximumf %gather3A_2035, %get3A_2444 : vector<16xf32>
      %min3A_2453 = arith.minimumf %gather3A_2036, %get3A_2446 : vector<16xf32>
      %min3A_2454 = arith.minimumf %gather3A_2037, %get3A_2448 : vector<16xf32>
      %sub3A_2455 = arith.subf %min3A_2453, %max3A_2451 : vector<16xf32>
      %max3A_2456 = arith.constant 0.000000e+00 : f32
      %max3A_2457 = vector.broadcast %max3A_2456 : f32 to vector<16xf32>
      %max3A_2458 = arith.maximumf %sub3A_2455, %max3A_2457 : vector<16xf32>
      %sub3A_2459 = arith.subf %min3A_2454, %max3A_2452 : vector<16xf32>
      %max3A_2460 = arith.constant 0.000000e+00 : f32
      %max3A_2461 = vector.broadcast %max3A_2460 : f32 to vector<16xf32>
      %max3A_2462 = arith.maximumf %sub3A_2459, %max3A_2461 : vector<16xf32>
      %mul3A_2463 = arith.mulf %max3A_2458, %max3A_2462 : vector<16xf32>
      %sub3A_2464 = arith.subf %get3A_2446, %get3A_2442 : vector<16xf32>
      %sub3A_2465 = arith.subf %get3A_2448, %get3A_2444 : vector<16xf32>
      %mul3A_2466 = arith.mulf %sub3A_2464, %sub3A_2465 : vector<16xf32>
      %add3A_2467 = arith.addf %mul3A_2072, %mul3A_2466 : vector<16xf32>
      %sub3A_2468 = arith.subf %add3A_2467, %mul3A_2463 : vector<16xf32>
      %add3A_2469 = arith.constant 9.99999971E-10 : f32
      %add3A_2470 = vector.broadcast %add3A_2469 : f32 to vector<16xf32>
      %add3A_2471 = arith.addf %sub3A_2468, %add3A_2470 : vector<16xf32>
      %div3A_2472 = arith.divf %mul3A_2463, %add3A_2471 : vector<16xf32>
      %add3A_2473 = arith.constant 128 : i32
      %add3A_2474 = arith.addi %multiple_of3A, %add3A_2473 : i32
      %add3A_2475 = vector.broadcast %add3A_2474 : i32 to vector<16xi32>
      %add3A_2476 = arith.addi %iota3A, %add3A_2475 : vector<16xi32>
      %gt3A_2477 = arith.constant 3.000000e-01 : f32
      %gt3A_2478 = vector.broadcast %gt3A_2477 : f32 to vector<16xf32>
      %gt3A_2479 = arith.cmpf ogt, %div3A_2472, %gt3A_2478 : vector<16xf32>
      %eq3A_2480 = arith.cmpi eq, %add3A_2476, %broadcast_in_dim3A_2033 : vector<16xi32>
      %or3A_2481 = arith.ori %gt3A_2479, %eq3A_2480 : vector<16xi1>
      %jit3A_2482 = arith.constant -1.000000e+30 : f32
      %broadcast_in_dim3A_2483 = vector.broadcast %jit3A_2482 : f32 to vector<16xf32>
      %select_n3A_2484 = arith.select %or3A_2481, %broadcast_in_dim3A_2483, %get3A_2450 : vector<16xi1>, vector<16xf32>
      %swap3A_2485 = arith.constant 128 : index
      %swap3A_2486 = tpu.vector_load %arg19[%swap3A_2485] {strides = array<i32>} : memref<320xf32, #tpu.memory_space<vmem>>, vector<16xf32>,
      tpu.vector_store %arg19[%swap3A_2485], %select_n3A_2484 {strides = array<i32>} : memref<320xf32, #tpu.memory_space<vmem>>, vector<16xf32>,
      %get3A_2487 = arith.constant 144 : index
      %get3A_2488 = tpu.vector_load %arg15[%get3A_2487] {strides = array<i32>} : memref<320xf32, #tpu.memory_space<vmem>>, vector<16xf32>,
      %get3A_2489 = arith.constant 144 : index
      %get3A_2490 = tpu.vector_load %arg16[%get3A_2489] {strides = array<i32>} : memref<320xf32, #tpu.memory_space<vmem>>, vector<16xf32>,
      %get3A_2491 = arith.constant 144 : index
      %get3A_2492 = tpu.vector_load %arg17[%get3A_2491] {strides = array<i32>} : memref<320xf32, #tpu.memory_space<vmem>>, vector<16xf32>,
      %get3A_2493 = arith.constant 144 : index
      %get3A_2494 = tpu.vector_load %arg18[%get3A_2493] {strides = array<i32>} : memref<320xf32, #tpu.memory_space<vmem>>, vector<16xf32>,
      %get3A_2495 = arith.constant 144 : index
      %get3A_2496 = tpu.vector_load %arg19[%get3A_2495] {strides = array<i32>} : memref<320xf32, #tpu.memory_space<vmem>>, vector<16xf32>,
      %max3A_2497 = arith.maximumf %gather3A_2034, %get3A_2488 : vector<16xf32>
      %max3A_2498 = arith.maximumf %gather3A_2035, %get3A_2490 : vector<16xf32>
      %min3A_2499 = arith.minimumf %gather3A_2036, %get3A_2492 : vector<16xf32>
      %min3A_2500 = arith.minimumf %gather3A_2037, %get3A_2494 : vector<16xf32>
      %sub3A_2501 = arith.subf %min3A_2499, %max3A_2497 : vector<16xf32>
      %max3A_2502 = arith.constant 0.000000e+00 : f32
      %max3A_2503 = vector.broadcast %max3A_2502 : f32 to vector<16xf32>
      %max3A_2504 = arith.maximumf %sub3A_2501, %max3A_2503 : vector<16xf32>
      %sub3A_2505 = arith.subf %min3A_2500, %max3A_2498 : vector<16xf32>
      %max3A_2506 = arith.constant 0.000000e+00 : f32
      %max3A_2507 = vector.broadcast %max3A_2506 : f32 to vector<16xf32>
      %max3A_2508 = arith.maximumf %sub3A_2505, %max3A_2507 : vector<16xf32>
      %mul3A_2509 = arith.mulf %max3A_2504, %max3A_2508 : vector<16xf32>
      %sub3A_2510 = arith.subf %get3A_2492, %get3A_2488 : vector<16xf32>
      %sub3A_2511 = arith.subf %get3A_2494, %get3A_2490 : vector<16xf32>
      %mul3A_2512 = arith.mulf %sub3A_2510, %sub3A_2511 : vector<16xf32>
      %add3A_2513 = arith.addf %mul3A_2072, %mul3A_2512 : vector<16xf32>
      %sub3A_2514 = arith.subf %add3A_2513, %mul3A_2509 : vector<16xf32>
      %add3A_2515 = arith.constant 9.99999971E-10 : f32
      %add3A_2516 = vector.broadcast %add3A_2515 : f32 to vector<16xf32>
      %add3A_2517 = arith.addf %sub3A_2514, %add3A_2516 : vector<16xf32>
      %div3A_2518 = arith.divf %mul3A_2509, %add3A_2517 : vector<16xf32>
      %add3A_2519 = arith.constant 144 : i32
      %add3A_2520 = arith.addi %multiple_of3A, %add3A_2519 : i32
      %add3A_2521 = vector.broadcast %add3A_2520 : i32 to vector<16xi32>
      %add3A_2522 = arith.addi %iota3A, %add3A_2521 : vector<16xi32>
      %gt3A_2523 = arith.constant 3.000000e-01 : f32
      %gt3A_2524 = vector.broadcast %gt3A_2523 : f32 to vector<16xf32>
      %gt3A_2525 = arith.cmpf ogt, %div3A_2518, %gt3A_2524 : vector<16xf32>
      %eq3A_2526 = arith.cmpi eq, %add3A_2522, %broadcast_in_dim3A_2033 : vector<16xi32>
      %or3A_2527 = arith.ori %gt3A_2525, %eq3A_2526 : vector<16xi1>
      %jit3A_2528 = arith.constant -1.000000e+30 : f32
      %broadcast_in_dim3A_2529 = vector.broadcast %jit3A_2528 : f32 to vector<16xf32>
      %select_n3A_2530 = arith.select %or3A_2527, %broadcast_in_dim3A_2529, %get3A_2496 : vector<16xi1>, vector<16xf32>
      %swap3A_2531 = arith.constant 144 : index
      %swap3A_2532 = tpu.vector_load %arg19[%swap3A_2531] {strides = array<i32>} : memref<320xf32, #tpu.memory_space<vmem>>, vector<16xf32>,
      tpu.vector_store %arg19[%swap3A_2531], %select_n3A_2530 {strides = array<i32>} : memref<320xf32, #tpu.memory_space<vmem>>, vector<16xf32>,
      %get3A_2533 = arith.constant 160 : index
      %get3A_2534 = tpu.vector_load %arg15[%get3A_2533] {strides = array<i32>} : memref<320xf32, #tpu.memory_space<vmem>>, vector<16xf32>,
      %get3A_2535 = arith.constant 160 : index
      %get3A_2536 = tpu.vector_load %arg16[%get3A_2535] {strides = array<i32>} : memref<320xf32, #tpu.memory_space<vmem>>, vector<16xf32>,
      %get3A_2537 = arith.constant 160 : index
      %get3A_2538 = tpu.vector_load %arg17[%get3A_2537] {strides = array<i32>} : memref<320xf32, #tpu.memory_space<vmem>>, vector<16xf32>,
      %get3A_2539 = arith.constant 160 : index
      %get3A_2540 = tpu.vector_load %arg18[%get3A_2539] {strides = array<i32>} : memref<320xf32, #tpu.memory_space<vmem>>, vector<16xf32>,
      %get3A_2541 = arith.constant 160 : index
      %get3A_2542 = tpu.vector_load %arg19[%get3A_2541] {strides = array<i32>} : memref<320xf32, #tpu.memory_space<vmem>>, vector<16xf32>,
      %max3A_2543 = arith.maximumf %gather3A_2034, %get3A_2534 : vector<16xf32>
      %max3A_2544 = arith.maximumf %gather3A_2035, %get3A_2536 : vector<16xf32>
      %min3A_2545 = arith.minimumf %gather3A_2036, %get3A_2538 : vector<16xf32>
      %min3A_2546 = arith.minimumf %gather3A_2037, %get3A_2540 : vector<16xf32>
      %sub3A_2547 = arith.subf %min3A_2545, %max3A_2543 : vector<16xf32>
      %max3A_2548 = arith.constant 0.000000e+00 : f32
      %max3A_2549 = vector.broadcast %max3A_2548 : f32 to vector<16xf32>
      %max3A_2550 = arith.maximumf %sub3A_2547, %max3A_2549 : vector<16xf32>
      %sub3A_2551 = arith.subf %min3A_2546, %max3A_2544 : vector<16xf32>
      %max3A_2552 = arith.constant 0.000000e+00 : f32
      %max3A_2553 = vector.broadcast %max3A_2552 : f32 to vector<16xf32>
      %max3A_2554 = arith.maximumf %sub3A_2551, %max3A_2553 : vector<16xf32>
      %mul3A_2555 = arith.mulf %max3A_2550, %max3A_2554 : vector<16xf32>
      %sub3A_2556 = arith.subf %get3A_2538, %get3A_2534 : vector<16xf32>
      %sub3A_2557 = arith.subf %get3A_2540, %get3A_2536 : vector<16xf32>
      %mul3A_2558 = arith.mulf %sub3A_2556, %sub3A_2557 : vector<16xf32>
      %add3A_2559 = arith.addf %mul3A_2072, %mul3A_2558 : vector<16xf32>
      %sub3A_2560 = arith.subf %add3A_2559, %mul3A_2555 : vector<16xf32>
      %add3A_2561 = arith.constant 9.99999971E-10 : f32
      %add3A_2562 = vector.broadcast %add3A_2561 : f32 to vector<16xf32>
      %add3A_2563 = arith.addf %sub3A_2560, %add3A_2562 : vector<16xf32>
      %div3A_2564 = arith.divf %mul3A_2555, %add3A_2563 : vector<16xf32>
      %add3A_2565 = arith.constant 160 : i32
      %add3A_2566 = arith.addi %multiple_of3A, %add3A_2565 : i32
      %add3A_2567 = vector.broadcast %add3A_2566 : i32 to vector<16xi32>
      %add3A_2568 = arith.addi %iota3A, %add3A_2567 : vector<16xi32>
      %gt3A_2569 = arith.constant 3.000000e-01 : f32
      %gt3A_2570 = vector.broadcast %gt3A_2569 : f32 to vector<16xf32>
      %gt3A_2571 = arith.cmpf ogt, %div3A_2564, %gt3A_2570 : vector<16xf32>
      %eq3A_2572 = arith.cmpi eq, %add3A_2568, %broadcast_in_dim3A_2033 : vector<16xi32>
      %or3A_2573 = arith.ori %gt3A_2571, %eq3A_2572 : vector<16xi1>
      %jit3A_2574 = arith.constant -1.000000e+30 : f32
      %broadcast_in_dim3A_2575 = vector.broadcast %jit3A_2574 : f32 to vector<16xf32>
      %select_n3A_2576 = arith.select %or3A_2573, %broadcast_in_dim3A_2575, %get3A_2542 : vector<16xi1>, vector<16xf32>
      %swap3A_2577 = arith.constant 160 : index
      %swap3A_2578 = tpu.vector_load %arg19[%swap3A_2577] {strides = array<i32>} : memref<320xf32, #tpu.memory_space<vmem>>, vector<16xf32>,
      tpu.vector_store %arg19[%swap3A_2577], %select_n3A_2576 {strides = array<i32>} : memref<320xf32, #tpu.memory_space<vmem>>, vector<16xf32>,
      %get3A_2579 = arith.constant 176 : index
      %get3A_2580 = tpu.vector_load %arg15[%get3A_2579] {strides = array<i32>} : memref<320xf32, #tpu.memory_space<vmem>>, vector<16xf32>,
      %get3A_2581 = arith.constant 176 : index
      %get3A_2582 = tpu.vector_load %arg16[%get3A_2581] {strides = array<i32>} : memref<320xf32, #tpu.memory_space<vmem>>, vector<16xf32>,
      %get3A_2583 = arith.constant 176 : index
      %get3A_2584 = tpu.vector_load %arg17[%get3A_2583] {strides = array<i32>} : memref<320xf32, #tpu.memory_space<vmem>>, vector<16xf32>,
      %get3A_2585 = arith.constant 176 : index
      %get3A_2586 = tpu.vector_load %arg18[%get3A_2585] {strides = array<i32>} : memref<320xf32, #tpu.memory_space<vmem>>, vector<16xf32>,
      %get3A_2587 = arith.constant 176 : index
      %get3A_2588 = tpu.vector_load %arg19[%get3A_2587] {strides = array<i32>} : memref<320xf32, #tpu.memory_space<vmem>>, vector<16xf32>,
      %max3A_2589 = arith.maximumf %gather3A_2034, %get3A_2580 : vector<16xf32>
      %max3A_2590 = arith.maximumf %gather3A_2035, %get3A_2582 : vector<16xf32>
      %min3A_2591 = arith.minimumf %gather3A_2036, %get3A_2584 : vector<16xf32>
      %min3A_2592 = arith.minimumf %gather3A_2037, %get3A_2586 : vector<16xf32>
      %sub3A_2593 = arith.subf %min3A_2591, %max3A_2589 : vector<16xf32>
      %max3A_2594 = arith.constant 0.000000e+00 : f32
      %max3A_2595 = vector.broadcast %max3A_2594 : f32 to vector<16xf32>
      %max3A_2596 = arith.maximumf %sub3A_2593, %max3A_2595 : vector<16xf32>
      %sub3A_2597 = arith.subf %min3A_2592, %max3A_2590 : vector<16xf32>
      %max3A_2598 = arith.constant 0.000000e+00 : f32
      %max3A_2599 = vector.broadcast %max3A_2598 : f32 to vector<16xf32>
      %max3A_2600 = arith.maximumf %sub3A_2597, %max3A_2599 : vector<16xf32>
      %mul3A_2601 = arith.mulf %max3A_2596, %max3A_2600 : vector<16xf32>
      %sub3A_2602 = arith.subf %get3A_2584, %get3A_2580 : vector<16xf32>
      %sub3A_2603 = arith.subf %get3A_2586, %get3A_2582 : vector<16xf32>
      %mul3A_2604 = arith.mulf %sub3A_2602, %sub3A_2603 : vector<16xf32>
      %add3A_2605 = arith.addf %mul3A_2072, %mul3A_2604 : vector<16xf32>
      %sub3A_2606 = arith.subf %add3A_2605, %mul3A_2601 : vector<16xf32>
      %add3A_2607 = arith.constant 9.99999971E-10 : f32
      %add3A_2608 = vector.broadcast %add3A_2607 : f32 to vector<16xf32>
      %add3A_2609 = arith.addf %sub3A_2606, %add3A_2608 : vector<16xf32>
      %div3A_2610 = arith.divf %mul3A_2601, %add3A_2609 : vector<16xf32>
      %add3A_2611 = arith.constant 176 : i32
      %add3A_2612 = arith.addi %multiple_of3A, %add3A_2611 : i32
      %add3A_2613 = vector.broadcast %add3A_2612 : i32 to vector<16xi32>
      %add3A_2614 = arith.addi %iota3A, %add3A_2613 : vector<16xi32>
      %gt3A_2615 = arith.constant 3.000000e-01 : f32
      %gt3A_2616 = vector.broadcast %gt3A_2615 : f32 to vector<16xf32>
      %gt3A_2617 = arith.cmpf ogt, %div3A_2610, %gt3A_2616 : vector<16xf32>
      %eq3A_2618 = arith.cmpi eq, %add3A_2614, %broadcast_in_dim3A_2033 : vector<16xi32>
      %or3A_2619 = arith.ori %gt3A_2617, %eq3A_2618 : vector<16xi1>
      %jit3A_2620 = arith.constant -1.000000e+30 : f32
      %broadcast_in_dim3A_2621 = vector.broadcast %jit3A_2620 : f32 to vector<16xf32>
      %select_n3A_2622 = arith.select %or3A_2619, %broadcast_in_dim3A_2621, %get3A_2588 : vector<16xi1>, vector<16xf32>
      %swap3A_2623 = arith.constant 176 : index
      %swap3A_2624 = tpu.vector_load %arg19[%swap3A_2623] {strides = array<i32>} : memref<320xf32, #tpu.memory_space<vmem>>, vector<16xf32>,
      tpu.vector_store %arg19[%swap3A_2623], %select_n3A_2622 {strides = array<i32>} : memref<320xf32, #tpu.memory_space<vmem>>, vector<16xf32>,
      %get3A_2625 = arith.constant 192 : index
      %get3A_2626 = tpu.vector_load %arg15[%get3A_2625] {strides = array<i32>} : memref<320xf32, #tpu.memory_space<vmem>>, vector<16xf32>,
      %get3A_2627 = arith.constant 192 : index
      %get3A_2628 = tpu.vector_load %arg16[%get3A_2627] {strides = array<i32>} : memref<320xf32, #tpu.memory_space<vmem>>, vector<16xf32>,
      %get3A_2629 = arith.constant 192 : index
      %get3A_2630 = tpu.vector_load %arg17[%get3A_2629] {strides = array<i32>} : memref<320xf32, #tpu.memory_space<vmem>>, vector<16xf32>,
      %get3A_2631 = arith.constant 192 : index
      %get3A_2632 = tpu.vector_load %arg18[%get3A_2631] {strides = array<i32>} : memref<320xf32, #tpu.memory_space<vmem>>, vector<16xf32>,
      %get3A_2633 = arith.constant 192 : index
      %get3A_2634 = tpu.vector_load %arg19[%get3A_2633] {strides = array<i32>} : memref<320xf32, #tpu.memory_space<vmem>>, vector<16xf32>,
      %max3A_2635 = arith.maximumf %gather3A_2034, %get3A_2626 : vector<16xf32>
      %max3A_2636 = arith.maximumf %gather3A_2035, %get3A_2628 : vector<16xf32>
      %min3A_2637 = arith.minimumf %gather3A_2036, %get3A_2630 : vector<16xf32>
      %min3A_2638 = arith.minimumf %gather3A_2037, %get3A_2632 : vector<16xf32>
      %sub3A_2639 = arith.subf %min3A_2637, %max3A_2635 : vector<16xf32>
      %max3A_2640 = arith.constant 0.000000e+00 : f32
      %max3A_2641 = vector.broadcast %max3A_2640 : f32 to vector<16xf32>
      %max3A_2642 = arith.maximumf %sub3A_2639, %max3A_2641 : vector<16xf32>
      %sub3A_2643 = arith.subf %min3A_2638, %max3A_2636 : vector<16xf32>
      %max3A_2644 = arith.constant 0.000000e+00 : f32
      %max3A_2645 = vector.broadcast %max3A_2644 : f32 to vector<16xf32>
      %max3A_2646 = arith.maximumf %sub3A_2643, %max3A_2645 : vector<16xf32>
      %mul3A_2647 = arith.mulf %max3A_2642, %max3A_2646 : vector<16xf32>
      %sub3A_2648 = arith.subf %get3A_2630, %get3A_2626 : vector<16xf32>
      %sub3A_2649 = arith.subf %get3A_2632, %get3A_2628 : vector<16xf32>
      %mul3A_2650 = arith.mulf %sub3A_2648, %sub3A_2649 : vector<16xf32>
      %add3A_2651 = arith.addf %mul3A_2072, %mul3A_2650 : vector<16xf32>
      %sub3A_2652 = arith.subf %add3A_2651, %mul3A_2647 : vector<16xf32>
      %add3A_2653 = arith.constant 9.99999971E-10 : f32
      %add3A_2654 = vector.broadcast %add3A_2653 : f32 to vector<16xf32>
      %add3A_2655 = arith.addf %sub3A_2652, %add3A_2654 : vector<16xf32>
      %div3A_2656 = arith.divf %mul3A_2647, %add3A_2655 : vector<16xf32>
      %add3A_2657 = arith.constant 192 : i32
      %add3A_2658 = arith.addi %multiple_of3A, %add3A_2657 : i32
      %add3A_2659 = vector.broadcast %add3A_2658 : i32 to vector<16xi32>
      %add3A_2660 = arith.addi %iota3A, %add3A_2659 : vector<16xi32>
      %gt3A_2661 = arith.constant 3.000000e-01 : f32
      %gt3A_2662 = vector.broadcast %gt3A_2661 : f32 to vector<16xf32>
      %gt3A_2663 = arith.cmpf ogt, %div3A_2656, %gt3A_2662 : vector<16xf32>
      %eq3A_2664 = arith.cmpi eq, %add3A_2660, %broadcast_in_dim3A_2033 : vector<16xi32>
      %or3A_2665 = arith.ori %gt3A_2663, %eq3A_2664 : vector<16xi1>
      %jit3A_2666 = arith.constant -1.000000e+30 : f32
      %broadcast_in_dim3A_2667 = vector.broadcast %jit3A_2666 : f32 to vector<16xf32>
      %select_n3A_2668 = arith.select %or3A_2665, %broadcast_in_dim3A_2667, %get3A_2634 : vector<16xi1>, vector<16xf32>
      %swap3A_2669 = arith.constant 192 : index
      %swap3A_2670 = tpu.vector_load %arg19[%swap3A_2669] {strides = array<i32>} : memref<320xf32, #tpu.memory_space<vmem>>, vector<16xf32>,
      tpu.vector_store %arg19[%swap3A_2669], %select_n3A_2668 {strides = array<i32>} : memref<320xf32, #tpu.memory_space<vmem>>, vector<16xf32>,
      %get3A_2671 = arith.constant 208 : index
      %get3A_2672 = tpu.vector_load %arg15[%get3A_2671] {strides = array<i32>} : memref<320xf32, #tpu.memory_space<vmem>>, vector<16xf32>,
      %get3A_2673 = arith.constant 208 : index
      %get3A_2674 = tpu.vector_load %arg16[%get3A_2673] {strides = array<i32>} : memref<320xf32, #tpu.memory_space<vmem>>, vector<16xf32>,
      %get3A_2675 = arith.constant 208 : index
      %get3A_2676 = tpu.vector_load %arg17[%get3A_2675] {strides = array<i32>} : memref<320xf32, #tpu.memory_space<vmem>>, vector<16xf32>,
      %get3A_2677 = arith.constant 208 : index
      %get3A_2678 = tpu.vector_load %arg18[%get3A_2677] {strides = array<i32>} : memref<320xf32, #tpu.memory_space<vmem>>, vector<16xf32>,
      %get3A_2679 = arith.constant 208 : index
      %get3A_2680 = tpu.vector_load %arg19[%get3A_2679] {strides = array<i32>} : memref<320xf32, #tpu.memory_space<vmem>>, vector<16xf32>,
      %max3A_2681 = arith.maximumf %gather3A_2034, %get3A_2672 : vector<16xf32>
      %max3A_2682 = arith.maximumf %gather3A_2035, %get3A_2674 : vector<16xf32>
      %min3A_2683 = arith.minimumf %gather3A_2036, %get3A_2676 : vector<16xf32>
      %min3A_2684 = arith.minimumf %gather3A_2037, %get3A_2678 : vector<16xf32>
      %sub3A_2685 = arith.subf %min3A_2683, %max3A_2681 : vector<16xf32>
      %max3A_2686 = arith.constant 0.000000e+00 : f32
      %max3A_2687 = vector.broadcast %max3A_2686 : f32 to vector<16xf32>
      %max3A_2688 = arith.maximumf %sub3A_2685, %max3A_2687 : vector<16xf32>
      %sub3A_2689 = arith.subf %min3A_2684, %max3A_2682 : vector<16xf32>
      %max3A_2690 = arith.constant 0.000000e+00 : f32
      %max3A_2691 = vector.broadcast %max3A_2690 : f32 to vector<16xf32>
      %max3A_2692 = arith.maximumf %sub3A_2689, %max3A_2691 : vector<16xf32>
      %mul3A_2693 = arith.mulf %max3A_2688, %max3A_2692 : vector<16xf32>
      %sub3A_2694 = arith.subf %get3A_2676, %get3A_2672 : vector<16xf32>
      %sub3A_2695 = arith.subf %get3A_2678, %get3A_2674 : vector<16xf32>
      %mul3A_2696 = arith.mulf %sub3A_2694, %sub3A_2695 : vector<16xf32>
      %add3A_2697 = arith.addf %mul3A_2072, %mul3A_2696 : vector<16xf32>
      %sub3A_2698 = arith.subf %add3A_2697, %mul3A_2693 : vector<16xf32>
      %add3A_2699 = arith.constant 9.99999971E-10 : f32
      %add3A_2700 = vector.broadcast %add3A_2699 : f32 to vector<16xf32>
      %add3A_2701 = arith.addf %sub3A_2698, %add3A_2700 : vector<16xf32>
      %div3A_2702 = arith.divf %mul3A_2693, %add3A_2701 : vector<16xf32>
      %add3A_2703 = arith.constant 208 : i32
      %add3A_2704 = arith.addi %multiple_of3A, %add3A_2703 : i32
      %add3A_2705 = vector.broadcast %add3A_2704 : i32 to vector<16xi32>
      %add3A_2706 = arith.addi %iota3A, %add3A_2705 : vector<16xi32>
      %gt3A_2707 = arith.constant 3.000000e-01 : f32
      %gt3A_2708 = vector.broadcast %gt3A_2707 : f32 to vector<16xf32>
      %gt3A_2709 = arith.cmpf ogt, %div3A_2702, %gt3A_2708 : vector<16xf32>
      %eq3A_2710 = arith.cmpi eq, %add3A_2706, %broadcast_in_dim3A_2033 : vector<16xi32>
      %or3A_2711 = arith.ori %gt3A_2709, %eq3A_2710 : vector<16xi1>
      %jit3A_2712 = arith.constant -1.000000e+30 : f32
      %broadcast_in_dim3A_2713 = vector.broadcast %jit3A_2712 : f32 to vector<16xf32>
      %select_n3A_2714 = arith.select %or3A_2711, %broadcast_in_dim3A_2713, %get3A_2680 : vector<16xi1>, vector<16xf32>
      %swap3A_2715 = arith.constant 208 : index
      %swap3A_2716 = tpu.vector_load %arg19[%swap3A_2715] {strides = array<i32>} : memref<320xf32, #tpu.memory_space<vmem>>, vector<16xf32>,
      tpu.vector_store %arg19[%swap3A_2715], %select_n3A_2714 {strides = array<i32>} : memref<320xf32, #tpu.memory_space<vmem>>, vector<16xf32>,
      %get3A_2717 = arith.constant 224 : index
      %get3A_2718 = tpu.vector_load %arg15[%get3A_2717] {strides = array<i32>} : memref<320xf32, #tpu.memory_space<vmem>>, vector<16xf32>,
      %get3A_2719 = arith.constant 224 : index
      %get3A_2720 = tpu.vector_load %arg16[%get3A_2719] {strides = array<i32>} : memref<320xf32, #tpu.memory_space<vmem>>, vector<16xf32>,
      %get3A_2721 = arith.constant 224 : index
      %get3A_2722 = tpu.vector_load %arg17[%get3A_2721] {strides = array<i32>} : memref<320xf32, #tpu.memory_space<vmem>>, vector<16xf32>,
      %get3A_2723 = arith.constant 224 : index
      %get3A_2724 = tpu.vector_load %arg18[%get3A_2723] {strides = array<i32>} : memref<320xf32, #tpu.memory_space<vmem>>, vector<16xf32>,
      %get3A_2725 = arith.constant 224 : index
      %get3A_2726 = tpu.vector_load %arg19[%get3A_2725] {strides = array<i32>} : memref<320xf32, #tpu.memory_space<vmem>>, vector<16xf32>,
      %max3A_2727 = arith.maximumf %gather3A_2034, %get3A_2718 : vector<16xf32>
      %max3A_2728 = arith.maximumf %gather3A_2035, %get3A_2720 : vector<16xf32>
      %min3A_2729 = arith.minimumf %gather3A_2036, %get3A_2722 : vector<16xf32>
      %min3A_2730 = arith.minimumf %gather3A_2037, %get3A_2724 : vector<16xf32>
      %sub3A_2731 = arith.subf %min3A_2729, %max3A_2727 : vector<16xf32>
      %max3A_2732 = arith.constant 0.000000e+00 : f32
      %max3A_2733 = vector.broadcast %max3A_2732 : f32 to vector<16xf32>
      %max3A_2734 = arith.maximumf %sub3A_2731, %max3A_2733 : vector<16xf32>
      %sub3A_2735 = arith.subf %min3A_2730, %max3A_2728 : vector<16xf32>
      %max3A_2736 = arith.constant 0.000000e+00 : f32
      %max3A_2737 = vector.broadcast %max3A_2736 : f32 to vector<16xf32>
      %max3A_2738 = arith.maximumf %sub3A_2735, %max3A_2737 : vector<16xf32>
      %mul3A_2739 = arith.mulf %max3A_2734, %max3A_2738 : vector<16xf32>
      %sub3A_2740 = arith.subf %get3A_2722, %get3A_2718 : vector<16xf32>
      %sub3A_2741 = arith.subf %get3A_2724, %get3A_2720 : vector<16xf32>
      %mul3A_2742 = arith.mulf %sub3A_2740, %sub3A_2741 : vector<16xf32>
      %add3A_2743 = arith.addf %mul3A_2072, %mul3A_2742 : vector<16xf32>
      %sub3A_2744 = arith.subf %add3A_2743, %mul3A_2739 : vector<16xf32>
      %add3A_2745 = arith.constant 9.99999971E-10 : f32
      %add3A_2746 = vector.broadcast %add3A_2745 : f32 to vector<16xf32>
      %add3A_2747 = arith.addf %sub3A_2744, %add3A_2746 : vector<16xf32>
      %div3A_2748 = arith.divf %mul3A_2739, %add3A_2747 : vector<16xf32>
      %add3A_2749 = arith.constant 224 : i32
      %add3A_2750 = arith.addi %multiple_of3A, %add3A_2749 : i32
      %add3A_2751 = vector.broadcast %add3A_2750 : i32 to vector<16xi32>
      %add3A_2752 = arith.addi %iota3A, %add3A_2751 : vector<16xi32>
      %gt3A_2753 = arith.constant 3.000000e-01 : f32
      %gt3A_2754 = vector.broadcast %gt3A_2753 : f32 to vector<16xf32>
      %gt3A_2755 = arith.cmpf ogt, %div3A_2748, %gt3A_2754 : vector<16xf32>
      %eq3A_2756 = arith.cmpi eq, %add3A_2752, %broadcast_in_dim3A_2033 : vector<16xi32>
      %or3A_2757 = arith.ori %gt3A_2755, %eq3A_2756 : vector<16xi1>
      %jit3A_2758 = arith.constant -1.000000e+30 : f32
      %broadcast_in_dim3A_2759 = vector.broadcast %jit3A_2758 : f32 to vector<16xf32>
      %select_n3A_2760 = arith.select %or3A_2757, %broadcast_in_dim3A_2759, %get3A_2726 : vector<16xi1>, vector<16xf32>
      %swap3A_2761 = arith.constant 224 : index
      %swap3A_2762 = tpu.vector_load %arg19[%swap3A_2761] {strides = array<i32>} : memref<320xf32, #tpu.memory_space<vmem>>, vector<16xf32>,
      tpu.vector_store %arg19[%swap3A_2761], %select_n3A_2760 {strides = array<i32>} : memref<320xf32, #tpu.memory_space<vmem>>, vector<16xf32>,
      %get3A_2763 = arith.constant 240 : index
      %get3A_2764 = tpu.vector_load %arg15[%get3A_2763] {strides = array<i32>} : memref<320xf32, #tpu.memory_space<vmem>>, vector<16xf32>,
      %get3A_2765 = arith.constant 240 : index
      %get3A_2766 = tpu.vector_load %arg16[%get3A_2765] {strides = array<i32>} : memref<320xf32, #tpu.memory_space<vmem>>, vector<16xf32>,
      %get3A_2767 = arith.constant 240 : index
      %get3A_2768 = tpu.vector_load %arg17[%get3A_2767] {strides = array<i32>} : memref<320xf32, #tpu.memory_space<vmem>>, vector<16xf32>,
      %get3A_2769 = arith.constant 240 : index
      %get3A_2770 = tpu.vector_load %arg18[%get3A_2769] {strides = array<i32>} : memref<320xf32, #tpu.memory_space<vmem>>, vector<16xf32>,
      %get3A_2771 = arith.constant 240 : index
      %get3A_2772 = tpu.vector_load %arg19[%get3A_2771] {strides = array<i32>} : memref<320xf32, #tpu.memory_space<vmem>>, vector<16xf32>,
      %max3A_2773 = arith.maximumf %gather3A_2034, %get3A_2764 : vector<16xf32>
      %max3A_2774 = arith.maximumf %gather3A_2035, %get3A_2766 : vector<16xf32>
      %min3A_2775 = arith.minimumf %gather3A_2036, %get3A_2768 : vector<16xf32>
      %min3A_2776 = arith.minimumf %gather3A_2037, %get3A_2770 : vector<16xf32>
      %sub3A_2777 = arith.subf %min3A_2775, %max3A_2773 : vector<16xf32>
      %max3A_2778 = arith.constant 0.000000e+00 : f32
      %max3A_2779 = vector.broadcast %max3A_2778 : f32 to vector<16xf32>
      %max3A_2780 = arith.maximumf %sub3A_2777, %max3A_2779 : vector<16xf32>
      %sub3A_2781 = arith.subf %min3A_2776, %max3A_2774 : vector<16xf32>
      %max3A_2782 = arith.constant 0.000000e+00 : f32
      %max3A_2783 = vector.broadcast %max3A_2782 : f32 to vector<16xf32>
      %max3A_2784 = arith.maximumf %sub3A_2781, %max3A_2783 : vector<16xf32>
      %mul3A_2785 = arith.mulf %max3A_2780, %max3A_2784 : vector<16xf32>
      %sub3A_2786 = arith.subf %get3A_2768, %get3A_2764 : vector<16xf32>
      %sub3A_2787 = arith.subf %get3A_2770, %get3A_2766 : vector<16xf32>
      %mul3A_2788 = arith.mulf %sub3A_2786, %sub3A_2787 : vector<16xf32>
      %add3A_2789 = arith.addf %mul3A_2072, %mul3A_2788 : vector<16xf32>
      %sub3A_2790 = arith.subf %add3A_2789, %mul3A_2785 : vector<16xf32>
      %add3A_2791 = arith.constant 9.99999971E-10 : f32
      %add3A_2792 = vector.broadcast %add3A_2791 : f32 to vector<16xf32>
      %add3A_2793 = arith.addf %sub3A_2790, %add3A_2792 : vector<16xf32>
      %div3A_2794 = arith.divf %mul3A_2785, %add3A_2793 : vector<16xf32>
      %add3A_2795 = arith.constant 240 : i32
      %add3A_2796 = arith.addi %multiple_of3A, %add3A_2795 : i32
      %add3A_2797 = vector.broadcast %add3A_2796 : i32 to vector<16xi32>
      %add3A_2798 = arith.addi %iota3A, %add3A_2797 : vector<16xi32>
      %gt3A_2799 = arith.constant 3.000000e-01 : f32
      %gt3A_2800 = vector.broadcast %gt3A_2799 : f32 to vector<16xf32>
      %gt3A_2801 = arith.cmpf ogt, %div3A_2794, %gt3A_2800 : vector<16xf32>
      %eq3A_2802 = arith.cmpi eq, %add3A_2798, %broadcast_in_dim3A_2033 : vector<16xi32>
      %or3A_2803 = arith.ori %gt3A_2801, %eq3A_2802 : vector<16xi1>
      %jit3A_2804 = arith.constant -1.000000e+30 : f32
      %broadcast_in_dim3A_2805 = vector.broadcast %jit3A_2804 : f32 to vector<16xf32>
      %select_n3A_2806 = arith.select %or3A_2803, %broadcast_in_dim3A_2805, %get3A_2772 : vector<16xi1>, vector<16xf32>
      %swap3A_2807 = arith.constant 240 : index
      %swap3A_2808 = tpu.vector_load %arg19[%swap3A_2807] {strides = array<i32>} : memref<320xf32, #tpu.memory_space<vmem>>, vector<16xf32>,
      tpu.vector_store %arg19[%swap3A_2807], %select_n3A_2806 {strides = array<i32>} : memref<320xf32, #tpu.memory_space<vmem>>, vector<16xf32>,
      %get3A_2809 = arith.constant 256 : index
      %get3A_2810 = tpu.vector_load %arg15[%get3A_2809] {strides = array<i32>} : memref<320xf32, #tpu.memory_space<vmem>>, vector<16xf32>,
      %get3A_2811 = arith.constant 256 : index
      %get3A_2812 = tpu.vector_load %arg16[%get3A_2811] {strides = array<i32>} : memref<320xf32, #tpu.memory_space<vmem>>, vector<16xf32>,
      %get3A_2813 = arith.constant 256 : index
      %get3A_2814 = tpu.vector_load %arg17[%get3A_2813] {strides = array<i32>} : memref<320xf32, #tpu.memory_space<vmem>>, vector<16xf32>,
      %get3A_2815 = arith.constant 256 : index
      %get3A_2816 = tpu.vector_load %arg18[%get3A_2815] {strides = array<i32>} : memref<320xf32, #tpu.memory_space<vmem>>, vector<16xf32>,
      %get3A_2817 = arith.constant 256 : index
      %get3A_2818 = tpu.vector_load %arg19[%get3A_2817] {strides = array<i32>} : memref<320xf32, #tpu.memory_space<vmem>>, vector<16xf32>,
      %max3A_2819 = arith.maximumf %gather3A_2034, %get3A_2810 : vector<16xf32>
      %max3A_2820 = arith.maximumf %gather3A_2035, %get3A_2812 : vector<16xf32>
      %min3A_2821 = arith.minimumf %gather3A_2036, %get3A_2814 : vector<16xf32>
      %min3A_2822 = arith.minimumf %gather3A_2037, %get3A_2816 : vector<16xf32>
      %sub3A_2823 = arith.subf %min3A_2821, %max3A_2819 : vector<16xf32>
      %max3A_2824 = arith.constant 0.000000e+00 : f32
      %max3A_2825 = vector.broadcast %max3A_2824 : f32 to vector<16xf32>
      %max3A_2826 = arith.maximumf %sub3A_2823, %max3A_2825 : vector<16xf32>
      %sub3A_2827 = arith.subf %min3A_2822, %max3A_2820 : vector<16xf32>
      %max3A_2828 = arith.constant 0.000000e+00 : f32
      %max3A_2829 = vector.broadcast %max3A_2828 : f32 to vector<16xf32>
      %max3A_2830 = arith.maximumf %sub3A_2827, %max3A_2829 : vector<16xf32>
      %mul3A_2831 = arith.mulf %max3A_2826, %max3A_2830 : vector<16xf32>
      %sub3A_2832 = arith.subf %get3A_2814, %get3A_2810 : vector<16xf32>
      %sub3A_2833 = arith.subf %get3A_2816, %get3A_2812 : vector<16xf32>
      %mul3A_2834 = arith.mulf %sub3A_2832, %sub3A_2833 : vector<16xf32>
      %add3A_2835 = arith.addf %mul3A_2072, %mul3A_2834 : vector<16xf32>
      %sub3A_2836 = arith.subf %add3A_2835, %mul3A_2831 : vector<16xf32>
      %add3A_2837 = arith.constant 9.99999971E-10 : f32
      %add3A_2838 = vector.broadcast %add3A_2837 : f32 to vector<16xf32>
      %add3A_2839 = arith.addf %sub3A_2836, %add3A_2838 : vector<16xf32>
      %div3A_2840 = arith.divf %mul3A_2831, %add3A_2839 : vector<16xf32>
      %add3A_2841 = arith.constant 256 : i32
      %add3A_2842 = arith.addi %multiple_of3A, %add3A_2841 : i32
      %add3A_2843 = vector.broadcast %add3A_2842 : i32 to vector<16xi32>
      %add3A_2844 = arith.addi %iota3A, %add3A_2843 : vector<16xi32>
      %gt3A_2845 = arith.constant 3.000000e-01 : f32
      %gt3A_2846 = vector.broadcast %gt3A_2845 : f32 to vector<16xf32>
      %gt3A_2847 = arith.cmpf ogt, %div3A_2840, %gt3A_2846 : vector<16xf32>
      %eq3A_2848 = arith.cmpi eq, %add3A_2844, %broadcast_in_dim3A_2033 : vector<16xi32>
      %or3A_2849 = arith.ori %gt3A_2847, %eq3A_2848 : vector<16xi1>
      %jit3A_2850 = arith.constant -1.000000e+30 : f32
      %broadcast_in_dim3A_2851 = vector.broadcast %jit3A_2850 : f32 to vector<16xf32>
      %select_n3A_2852 = arith.select %or3A_2849, %broadcast_in_dim3A_2851, %get3A_2818 : vector<16xi1>, vector<16xf32>
      %swap3A_2853 = arith.constant 256 : index
      %swap3A_2854 = tpu.vector_load %arg19[%swap3A_2853] {strides = array<i32>} : memref<320xf32, #tpu.memory_space<vmem>>, vector<16xf32>,
      tpu.vector_store %arg19[%swap3A_2853], %select_n3A_2852 {strides = array<i32>} : memref<320xf32, #tpu.memory_space<vmem>>, vector<16xf32>,
      %get3A_2855 = arith.constant 272 : index
      %get3A_2856 = tpu.vector_load %arg15[%get3A_2855] {strides = array<i32>} : memref<320xf32, #tpu.memory_space<vmem>>, vector<16xf32>,
      %get3A_2857 = arith.constant 272 : index
      %get3A_2858 = tpu.vector_load %arg16[%get3A_2857] {strides = array<i32>} : memref<320xf32, #tpu.memory_space<vmem>>, vector<16xf32>,
      %get3A_2859 = arith.constant 272 : index
      %get3A_2860 = tpu.vector_load %arg17[%get3A_2859] {strides = array<i32>} : memref<320xf32, #tpu.memory_space<vmem>>, vector<16xf32>,
      %get3A_2861 = arith.constant 272 : index
      %get3A_2862 = tpu.vector_load %arg18[%get3A_2861] {strides = array<i32>} : memref<320xf32, #tpu.memory_space<vmem>>, vector<16xf32>,
      %get3A_2863 = arith.constant 272 : index
      %get3A_2864 = tpu.vector_load %arg19[%get3A_2863] {strides = array<i32>} : memref<320xf32, #tpu.memory_space<vmem>>, vector<16xf32>,
      %max3A_2865 = arith.maximumf %gather3A_2034, %get3A_2856 : vector<16xf32>
      %max3A_2866 = arith.maximumf %gather3A_2035, %get3A_2858 : vector<16xf32>
      %min3A_2867 = arith.minimumf %gather3A_2036, %get3A_2860 : vector<16xf32>
      %min3A_2868 = arith.minimumf %gather3A_2037, %get3A_2862 : vector<16xf32>
      %sub3A_2869 = arith.subf %min3A_2867, %max3A_2865 : vector<16xf32>
      %max3A_2870 = arith.constant 0.000000e+00 : f32
      %max3A_2871 = vector.broadcast %max3A_2870 : f32 to vector<16xf32>
      %max3A_2872 = arith.maximumf %sub3A_2869, %max3A_2871 : vector<16xf32>
      %sub3A_2873 = arith.subf %min3A_2868, %max3A_2866 : vector<16xf32>
      %max3A_2874 = arith.constant 0.000000e+00 : f32
      %max3A_2875 = vector.broadcast %max3A_2874 : f32 to vector<16xf32>
      %max3A_2876 = arith.maximumf %sub3A_2873, %max3A_2875 : vector<16xf32>
      %mul3A_2877 = arith.mulf %max3A_2872, %max3A_2876 : vector<16xf32>
      %sub3A_2878 = arith.subf %get3A_2860, %get3A_2856 : vector<16xf32>
      %sub3A_2879 = arith.subf %get3A_2862, %get3A_2858 : vector<16xf32>
      %mul3A_2880 = arith.mulf %sub3A_2878, %sub3A_2879 : vector<16xf32>
      %add3A_2881 = arith.addf %mul3A_2072, %mul3A_2880 : vector<16xf32>
      %sub3A_2882 = arith.subf %add3A_2881, %mul3A_2877 : vector<16xf32>
      %add3A_2883 = arith.constant 9.99999971E-10 : f32
      %add3A_2884 = vector.broadcast %add3A_2883 : f32 to vector<16xf32>
      %add3A_2885 = arith.addf %sub3A_2882, %add3A_2884 : vector<16xf32>
      %div3A_2886 = arith.divf %mul3A_2877, %add3A_2885 : vector<16xf32>
      %add3A_2887 = arith.constant 272 : i32
      %add3A_2888 = arith.addi %multiple_of3A, %add3A_2887 : i32
      %add3A_2889 = vector.broadcast %add3A_2888 : i32 to vector<16xi32>
      %add3A_2890 = arith.addi %iota3A, %add3A_2889 : vector<16xi32>
      %gt3A_2891 = arith.constant 3.000000e-01 : f32
      %gt3A_2892 = vector.broadcast %gt3A_2891 : f32 to vector<16xf32>
      %gt3A_2893 = arith.cmpf ogt, %div3A_2886, %gt3A_2892 : vector<16xf32>
      %eq3A_2894 = arith.cmpi eq, %add3A_2890, %broadcast_in_dim3A_2033 : vector<16xi32>
      %or3A_2895 = arith.ori %gt3A_2893, %eq3A_2894 : vector<16xi1>
      %jit3A_2896 = arith.constant -1.000000e+30 : f32
      %broadcast_in_dim3A_2897 = vector.broadcast %jit3A_2896 : f32 to vector<16xf32>
      %select_n3A_2898 = arith.select %or3A_2895, %broadcast_in_dim3A_2897, %get3A_2864 : vector<16xi1>, vector<16xf32>
      %swap3A_2899 = arith.constant 272 : index
      %swap3A_2900 = tpu.vector_load %arg19[%swap3A_2899] {strides = array<i32>} : memref<320xf32, #tpu.memory_space<vmem>>, vector<16xf32>,
      tpu.vector_store %arg19[%swap3A_2899], %select_n3A_2898 {strides = array<i32>} : memref<320xf32, #tpu.memory_space<vmem>>, vector<16xf32>,
      %get3A_2901 = arith.constant 288 : index
      %get3A_2902 = tpu.vector_load %arg15[%get3A_2901] {strides = array<i32>} : memref<320xf32, #tpu.memory_space<vmem>>, vector<16xf32>,
      %get3A_2903 = arith.constant 288 : index
      %get3A_2904 = tpu.vector_load %arg16[%get3A_2903] {strides = array<i32>} : memref<320xf32, #tpu.memory_space<vmem>>, vector<16xf32>,
      %get3A_2905 = arith.constant 288 : index
      %get3A_2906 = tpu.vector_load %arg17[%get3A_2905] {strides = array<i32>} : memref<320xf32, #tpu.memory_space<vmem>>, vector<16xf32>,
      %get3A_2907 = arith.constant 288 : index
      %get3A_2908 = tpu.vector_load %arg18[%get3A_2907] {strides = array<i32>} : memref<320xf32, #tpu.memory_space<vmem>>, vector<16xf32>,
      %get3A_2909 = arith.constant 288 : index
      %get3A_2910 = tpu.vector_load %arg19[%get3A_2909] {strides = array<i32>} : memref<320xf32, #tpu.memory_space<vmem>>, vector<16xf32>,
      %max3A_2911 = arith.maximumf %gather3A_2034, %get3A_2902 : vector<16xf32>
      %max3A_2912 = arith.maximumf %gather3A_2035, %get3A_2904 : vector<16xf32>
      %min3A_2913 = arith.minimumf %gather3A_2036, %get3A_2906 : vector<16xf32>
      %min3A_2914 = arith.minimumf %gather3A_2037, %get3A_2908 : vector<16xf32>
      %sub3A_2915 = arith.subf %min3A_2913, %max3A_2911 : vector<16xf32>
      %max3A_2916 = arith.constant 0.000000e+00 : f32
      %max3A_2917 = vector.broadcast %max3A_2916 : f32 to vector<16xf32>
      %max3A_2918 = arith.maximumf %sub3A_2915, %max3A_2917 : vector<16xf32>
      %sub3A_2919 = arith.subf %min3A_2914, %max3A_2912 : vector<16xf32>
      %max3A_2920 = arith.constant 0.000000e+00 : f32
      %max3A_2921 = vector.broadcast %max3A_2920 : f32 to vector<16xf32>
      %max3A_2922 = arith.maximumf %sub3A_2919, %max3A_2921 : vector<16xf32>
      %mul3A_2923 = arith.mulf %max3A_2918, %max3A_2922 : vector<16xf32>
      %sub3A_2924 = arith.subf %get3A_2906, %get3A_2902 : vector<16xf32>
      %sub3A_2925 = arith.subf %get3A_2908, %get3A_2904 : vector<16xf32>
      %mul3A_2926 = arith.mulf %sub3A_2924, %sub3A_2925 : vector<16xf32>
      %add3A_2927 = arith.addf %mul3A_2072, %mul3A_2926 : vector<16xf32>
      %sub3A_2928 = arith.subf %add3A_2927, %mul3A_2923 : vector<16xf32>
      %add3A_2929 = arith.constant 9.99999971E-10 : f32
      %add3A_2930 = vector.broadcast %add3A_2929 : f32 to vector<16xf32>
      %add3A_2931 = arith.addf %sub3A_2928, %add3A_2930 : vector<16xf32>
      %div3A_2932 = arith.divf %mul3A_2923, %add3A_2931 : vector<16xf32>
      %add3A_2933 = arith.constant 288 : i32
      %add3A_2934 = arith.addi %multiple_of3A, %add3A_2933 : i32
      %add3A_2935 = vector.broadcast %add3A_2934 : i32 to vector<16xi32>
      %add3A_2936 = arith.addi %iota3A, %add3A_2935 : vector<16xi32>
      %gt3A_2937 = arith.constant 3.000000e-01 : f32
      %gt3A_2938 = vector.broadcast %gt3A_2937 : f32 to vector<16xf32>
      %gt3A_2939 = arith.cmpf ogt, %div3A_2932, %gt3A_2938 : vector<16xf32>
      %eq3A_2940 = arith.cmpi eq, %add3A_2936, %broadcast_in_dim3A_2033 : vector<16xi32>
      %or3A_2941 = arith.ori %gt3A_2939, %eq3A_2940 : vector<16xi1>
      %jit3A_2942 = arith.constant -1.000000e+30 : f32
      %broadcast_in_dim3A_2943 = vector.broadcast %jit3A_2942 : f32 to vector<16xf32>
      %select_n3A_2944 = arith.select %or3A_2941, %broadcast_in_dim3A_2943, %get3A_2910 : vector<16xi1>, vector<16xf32>
      %swap3A_2945 = arith.constant 288 : index
      %swap3A_2946 = tpu.vector_load %arg19[%swap3A_2945] {strides = array<i32>} : memref<320xf32, #tpu.memory_space<vmem>>, vector<16xf32>,
      tpu.vector_store %arg19[%swap3A_2945], %select_n3A_2944 {strides = array<i32>} : memref<320xf32, #tpu.memory_space<vmem>>, vector<16xf32>,
      %get3A_2947 = arith.constant 304 : index
      %get3A_2948 = tpu.vector_load %arg15[%get3A_2947] {strides = array<i32>} : memref<320xf32, #tpu.memory_space<vmem>>, vector<16xf32>,
      %get3A_2949 = arith.constant 304 : index
      %get3A_2950 = tpu.vector_load %arg16[%get3A_2949] {strides = array<i32>} : memref<320xf32, #tpu.memory_space<vmem>>, vector<16xf32>,
      %get3A_2951 = arith.constant 304 : index
      %get3A_2952 = tpu.vector_load %arg17[%get3A_2951] {strides = array<i32>} : memref<320xf32, #tpu.memory_space<vmem>>, vector<16xf32>,
      %get3A_2953 = arith.constant 304 : index
      %get3A_2954 = tpu.vector_load %arg18[%get3A_2953] {strides = array<i32>} : memref<320xf32, #tpu.memory_space<vmem>>, vector<16xf32>,
      %get3A_2955 = arith.constant 304 : index
      %get3A_2956 = tpu.vector_load %arg19[%get3A_2955] {strides = array<i32>} : memref<320xf32, #tpu.memory_space<vmem>>, vector<16xf32>,
      %max3A_2957 = arith.maximumf %gather3A_2034, %get3A_2948 : vector<16xf32>
      %max3A_2958 = arith.maximumf %gather3A_2035, %get3A_2950 : vector<16xf32>
      %min3A_2959 = arith.minimumf %gather3A_2036, %get3A_2952 : vector<16xf32>
      %min3A_2960 = arith.minimumf %gather3A_2037, %get3A_2954 : vector<16xf32>
      %sub3A_2961 = arith.subf %min3A_2959, %max3A_2957 : vector<16xf32>
      %max3A_2962 = arith.constant 0.000000e+00 : f32
      %max3A_2963 = vector.broadcast %max3A_2962 : f32 to vector<16xf32>
      %max3A_2964 = arith.maximumf %sub3A_2961, %max3A_2963 : vector<16xf32>
      %sub3A_2965 = arith.subf %min3A_2960, %max3A_2958 : vector<16xf32>
      %max3A_2966 = arith.constant 0.000000e+00 : f32
      %max3A_2967 = vector.broadcast %max3A_2966 : f32 to vector<16xf32>
      %max3A_2968 = arith.maximumf %sub3A_2965, %max3A_2967 : vector<16xf32>
      %mul3A_2969 = arith.mulf %max3A_2964, %max3A_2968 : vector<16xf32>
      %sub3A_2970 = arith.subf %get3A_2952, %get3A_2948 : vector<16xf32>
      %sub3A_2971 = arith.subf %get3A_2954, %get3A_2950 : vector<16xf32>
      %mul3A_2972 = arith.mulf %sub3A_2970, %sub3A_2971 : vector<16xf32>
      %add3A_2973 = arith.addf %mul3A_2072, %mul3A_2972 : vector<16xf32>
      %sub3A_2974 = arith.subf %add3A_2973, %mul3A_2969 : vector<16xf32>
      %add3A_2975 = arith.constant 9.99999971E-10 : f32
      %add3A_2976 = vector.broadcast %add3A_2975 : f32 to vector<16xf32>
      %add3A_2977 = arith.addf %sub3A_2974, %add3A_2976 : vector<16xf32>
      %div3A_2978 = arith.divf %mul3A_2969, %add3A_2977 : vector<16xf32>
      %add3A_2979 = arith.constant 304 : i32
      %add3A_2980 = arith.addi %multiple_of3A, %add3A_2979 : i32
      %add3A_2981 = vector.broadcast %add3A_2980 : i32 to vector<16xi32>
      %add3A_2982 = arith.addi %iota3A, %add3A_2981 : vector<16xi32>
      %gt3A_2983 = arith.constant 3.000000e-01 : f32
      %gt3A_2984 = vector.broadcast %gt3A_2983 : f32 to vector<16xf32>
      %gt3A_2985 = arith.cmpf ogt, %div3A_2978, %gt3A_2984 : vector<16xf32>
      %eq3A_2986 = arith.cmpi eq, %add3A_2982, %broadcast_in_dim3A_2033 : vector<16xi32>
      %or3A_2987 = arith.ori %gt3A_2985, %eq3A_2986 : vector<16xi1>
      %jit3A_2988 = arith.constant -1.000000e+30 : f32
      %broadcast_in_dim3A_2989 = vector.broadcast %jit3A_2988 : f32 to vector<16xf32>
      %select_n3A_2990 = arith.select %or3A_2987, %broadcast_in_dim3A_2989, %get3A_2956 : vector<16xi1>, vector<16xf32>
      %swap3A_2991 = arith.constant 304 : index
      %swap3A_2992 = tpu.vector_load %arg19[%swap3A_2991] {strides = array<i32>} : memref<320xf32, #tpu.memory_space<vmem>>, vector<16xf32>,
      tpu.vector_store %arg19[%swap3A_2991], %select_n3A_2990 {strides = array<i32>} : memref<320xf32, #tpu.memory_space<vmem>>, vector<16xf32>,
    }
    %scan3A_660 = arith.constant 50 : i32
    %mul3A_661 = arith.constant 8 : i32
    %mul3A_662 = arith.muli %arg1, %mul3A_661 : i32
    %multiple_of3A_663 = tpu.assume_multiple %mul3A_662, 8 : i32
    %dma_start3A = tpu.memref_slice %arg20[%multiple_of3A_663] : memref<128xi32, #tpu.memory_space<vmem>> -> memref<8xi32, #tpu.memory_space<vmem>>
    %dma_start3A_664 = arith.constant 0 : i32
    %dma_start3A_665 = arith.constant 0 : i32
    %dma_start3A_666 = tpu.memref_slice %arg7[%dma_start3A_664, %dma_start3A_665] : memref<5000x4096xf32, #tpu.memory_space<hbm>> -> memref<5000x4096xf32, #tpu.memory_space<hbm>>
    tpu.enqueue_indirect_dma source(%dma_start3A_666 : memref<5000x4096xf32, #tpu.memory_space<hbm>>) target(%arg27 : memref<8x4096xf32, #tpu.memory_space<vmem>>) offsets(%dma_start3A : memref<8xi32, #tpu.memory_space<vmem>>) semaphore(%arg28 : memref<!tpu.dma_semaphore, #tpu.memory_space<semaphore_mem>>)
    %dma_wait3A = tpu.memref_slice %arg20[%multiple_of3A_663] : memref<128xi32, #tpu.memory_space<vmem>> -> memref<8xi32, #tpu.memory_space<vmem>>
    %dma_wait3A_667 = arith.constant 0 : i32
    %dma_wait3A_668 = arith.constant 0 : i32
    %dma_wait3A_669 = tpu.memref_slice %arg7[%dma_wait3A_667, %dma_wait3A_668] : memref<5000x4096xf32, #tpu.memory_space<hbm>> -> memref<5000x4096xf32, #tpu.memory_space<hbm>>
    tpu.wait_indirect_dma semaphore(%arg28 : memref<!tpu.dma_semaphore, #tpu.memory_space<semaphore_mem>>) src(%dma_wait3A_669 : memref<5000x4096xf32, #tpu.memory_space<hbm>>) dst(%arg27 : memref<8x4096xf32, #tpu.memory_space<vmem>>)
    "tpu.region"() ({
      %run_scoped3A = tpu.sem_alloc : memref<!tpu.dma_semaphore, #tpu.memory_space<semaphore_mem>>
      %dma_start3A_673 = arith.constant 0 : i32
      %dma_start3A_674 = tpu.memref_slice %arg8[%multiple_of3A_663, %dma_start3A_673] : memref<128x4096xf32, #tpu.memory_space<hbm>> -> memref<8x4096xf32, #tpu.memory_space<hbm>>
      %dma_start3A_675 = arith.constant 0 : i32
      %dma_start3A_676 = tpu.memref_slice %arg8[%multiple_of3A_663, %dma_start3A_675] : memref<128x4096xf32, #tpu.memory_space<hbm>> -> memref<8x4096xf32, #tpu.memory_space<hbm>>
      tpu.enqueue_dma source(%arg27 : memref<8x4096xf32, #tpu.memory_space<vmem>>) target(%dma_start3A_676 : memref<8x4096xf32, #tpu.memory_space<hbm>>) target_semaphore(%run_scoped3A : memref<!tpu.dma_semaphore, #tpu.memory_space<semaphore_mem>>)
      %dma_wait3A_677 = arith.constant 0 : i32
      %dma_wait3A_678 = tpu.memref_slice %arg8[%multiple_of3A_663, %dma_wait3A_677] : memref<128x4096xf32, #tpu.memory_space<hbm>> -> memref<8x4096xf32, #tpu.memory_space<hbm>>
      %dma_wait3A_679 = arith.constant 0 : i32
      %dma_wait3A_680 = tpu.memref_slice %arg8[%multiple_of3A_663, %dma_wait3A_679] : memref<128x4096xf32, #tpu.memory_space<hbm>> -> memref<8x4096xf32, #tpu.memory_space<hbm>>
      tpu.wait_dma2 semaphore(%run_scoped3A : memref<!tpu.dma_semaphore, #tpu.memory_space<semaphore_mem>>) src(%arg27 : memref<8x4096xf32, #tpu.memory_space<vmem>>) dst(%dma_wait3A_680 : memref<8x4096xf32, #tpu.memory_space<hbm>>)
      tpu.yield
    }) : () -> ()
    %eq3A = arith.constant 0 : i32
    %eq3A_670 = arith.cmpi eq, %arg1, %eq3A : i32
    %convert_element_type3A_671 = arith.extui %eq3A_670 : i1 to i32
    %cond3A = arith.constant 0 : i32
    %cond3A_672 = arith.cmpi ne, %convert_element_type3A_671, %cond3A : i32
    scf.if %cond3A_672 {
      "tpu.region"() ({
        %run_scoped3A = tpu.sem_alloc : memref<!tpu.dma_semaphore, #tpu.memory_space<semaphore_mem>>
        tpu.enqueue_dma source(%arg21 : memref<128xf32, #tpu.memory_space<vmem>>) target(%arg9 : memref<128xf32, #tpu.memory_space<hbm>>) target_semaphore(%run_scoped3A : memref<!tpu.dma_semaphore, #tpu.memory_space<semaphore_mem>>)
        tpu.wait_dma2 semaphore(%run_scoped3A : memref<!tpu.dma_semaphore, #tpu.memory_space<semaphore_mem>>) src(%arg21 : memref<128xf32, #tpu.memory_space<vmem>>) dst(%arg9 : memref<128xf32, #tpu.memory_space<hbm>>)
        tpu.yield
      }) : () -> ()
      "tpu.region"() ({
        %run_scoped3A = tpu.sem_alloc : memref<!tpu.dma_semaphore, #tpu.memory_space<semaphore_mem>>
        tpu.enqueue_dma source(%arg22 : memref<512xf32, #tpu.memory_space<vmem>>) target(%arg10 : memref<512xf32, #tpu.memory_space<hbm>>) target_semaphore(%run_scoped3A : memref<!tpu.dma_semaphore, #tpu.memory_space<semaphore_mem>>)
        tpu.wait_dma2 semaphore(%run_scoped3A : memref<!tpu.dma_semaphore, #tpu.memory_space<semaphore_mem>>) src(%arg22 : memref<512xf32, #tpu.memory_space<vmem>>) dst(%arg10 : memref<512xf32, #tpu.memory_space<hbm>>)
        tpu.yield
      }) : () -> ()
    } else {
    }
    return
  }
}

module attributes {stable_mosaic.version = 14 : i64} {
  func.func @_tc_body(%arg0: memref<128x4096xf32, #tpu.memory_space<vmem>>, %arg1: memref<1x4096xf32, #tpu.memory_space<vmem>>, %arg2: memref<4096x16xf32, #tpu.memory_space<vmem>>, %arg3: memref<16x40960xf32, #tpu.memory_space<vmem>>, %arg4: memref<128x1xf32, #tpu.memory_space<vmem>>, %arg5: memref<128x4xf32, #tpu.memory_space<vmem>>, %arg6: memref<1x1xf32, #tpu.memory_space<vmem>>, %arg7: memref<1x1xf32, #tpu.memory_space<vmem>>, %arg8: memref<128x4xf32, #tpu.memory_space<vmem>>, %arg9: memref<128x1xf32, #tpu.memory_space<vmem>>, %arg10: memref<1x1xf32, #tpu.memory_space<vmem>>) attributes {dimension_semantics = [], scalar_prefetch = 0 : i64, scratch_operands = 0 : i64, tpu.core_type = #tpu.core_type<tc>} {
    %get3A = arith.constant 0 : index
    %get3A_0 = arith.constant 0 : index
    %get3A_1 = vector.load %arg0[%get3A, %get3A_0] : memref<128x4096xf32, #tpu.memory_space<vmem>>, vector<128x4096xf32>
    %get3A_2 = arith.constant 0 : index
    %get3A_3 = arith.constant 0 : index
    %get3A_4 = vector.load %arg1[%get3A_2, %get3A_3] : memref<1x4096xf32, #tpu.memory_space<vmem>>, vector<1x4096xf32>
    %sub3A = vector.broadcast %get3A_4 : vector<1x4096xf32> to vector<128x4096xf32>
    %sub3A_5 = arith.subf %get3A_1, %sub3A : vector<128x4096xf32>
    %get3A_6 = arith.constant 0 : index
    %get3A_7 = arith.constant 0 : index
    %get3A_8 = vector.load %arg2[%get3A_6, %get3A_7] : memref<4096x16xf32, #tpu.memory_space<vmem>>, vector<4096x16xf32>
    %dot_general3A = arith.constant dense<0.000000e+00> : vector<128x16xf32>
    %dot_general3A_9 = tpu.matmul %sub3A_5, %get3A_8, %dot_general3A {dimension_numbers = #tpu.dot_dimension_numbers<[1], [0], [0], [1], [0, 0, 1, 1], [], []>, transpose_lhs_hint = false} : vector<128x4096xf32>, vector<4096x16xf32>, vector<128x16xf32> -> vector<128x16xf32>
    %get3A_10 = arith.constant 0 : index
    %get3A_11 = arith.constant 0 : index
    %get3A_12 = vector.load %arg6[%get3A_10, %get3A_11] : memref<1x1xf32, #tpu.memory_space<vmem>>, vector<1x1xf32>
    %get3A_13 = vector.extract %get3A_12[0, 0] : f32 from vector<1x1xf32>
    %div3A = vector.broadcast %get3A_13 : f32 to vector<128x16xf32>
    %div3A_14 = arith.divf %dot_general3A_9, %div3A : vector<128x16xf32>
    %get3A_15 = arith.constant 0 : index
    %get3A_16 = arith.constant 0 : index
    %get3A_17 = vector.load %arg7[%get3A_15, %get3A_16] : memref<1x1xf32, #tpu.memory_space<vmem>>, vector<1x1xf32>
    %get3A_18 = vector.extract %get3A_17[0, 0] : f32 from vector<1x1xf32>
    %get3A_19 = arith.constant 0 : index
    %get3A_20 = arith.constant 0 : index
    %get3A_21 = vector.load %arg7[%get3A_19, %get3A_20] : memref<1x1xf32, #tpu.memory_space<vmem>>, vector<1x1xf32>
    %get3A_22 = vector.extract %get3A_21[0, 0] : f32 from vector<1x1xf32>
    %mul3A = arith.mulf %get3A_18, %get3A_22 : f32
    %mul3A_23 = arith.mulf %div3A_14, %div3A_14 : vector<128x16xf32>
    %reduce_sum3A = arith.constant dense<0.000000e+00> : vector<128xf32>
    %reduce_sum3A_24 = vector.multi_reduction <add>, %mul3A_23, %reduce_sum3A [1] : vector<128x16xf32> to vector<128xf32>
    %broadcast_in_dim3A = vector.shape_cast %reduce_sum3A_24 : vector<128xf32> to vector<128x1xf32>
    %mul3A_25 = arith.constant 5.000000e-01 : f32
    %mul3A_26 = vector.broadcast %mul3A_25 : f32 to vector<128x1xf32>
    %mul3A_27 = arith.mulf %mul3A_26, %broadcast_in_dim3A : vector<128x1xf32>
    %broadcast_in_dim3A_28 = arith.constant -1.000000e+30 : f32
    %broadcast_in_dim3A_29 = vector.broadcast %broadcast_in_dim3A_28 : f32 to vector<128x1xf32>
    %broadcast_in_dim3A_30 = arith.constant 0.000000e+00 : f32
    %broadcast_in_dim3A_31 = vector.broadcast %broadcast_in_dim3A_30 : f32 to vector<128x1xf32>
    %scan3A = arith.constant 0 : i32
    %scan3A_32 = arith.constant 10 : i32
    %scan3A_33 = arith.addi %scan3A, %scan3A_32 : i32
    %scan3A_34 = arith.constant 1 : i32
    %scan3A_35:2 = scf.for %scan3A_88 = %scan3A to %scan3A_33 step %scan3A_34 iter_args(%scan3A_89 = %broadcast_in_dim3A_29, %scan3A_90 = %broadcast_in_dim3A_31) -> (vector<128x1xf32>, vector<128x1xf32>)  : i32 {
      %mul3A_91 = arith.constant 4096 : i32
      %mul3A_92 = arith.muli %scan3A_88, %mul3A_91 : i32
      %multiple_of3A = tpu.assume_multiple %mul3A_92, 4096 : i32
      %get3A_93 = arith.constant 0 : index
      %get3A_94 = arith.index_cast %multiple_of3A : i32 to index
      %get3A_95 = vector.load %arg3[%get3A_93, %get3A_94] : memref<16x40960xf32, #tpu.memory_space<vmem>>, vector<16x4096xf32>
      %dot_general3A_96 = arith.constant dense<0.000000e+00> : vector<128x4096xf32>
      %dot_general3A_97 = tpu.matmul %div3A_14, %get3A_95, %dot_general3A_96 {dimension_numbers = #tpu.dot_dimension_numbers<[1], [0], [0], [1], [0, 0, 1, 1], [], []>, transpose_lhs_hint = false} : vector<128x16xf32>, vector<16x4096xf32>, vector<128x4096xf32> -> vector<128x4096xf32>
      %mul3A_98 = arith.mulf %get3A_95, %get3A_95 : vector<16x4096xf32>
      %reduce_sum3A_99 = arith.constant dense<0.000000e+00> : vector<4096xf32>
      %reduce_sum3A_100 = vector.multi_reduction <add>, %mul3A_98, %reduce_sum3A_99 [0] : vector<16x4096xf32> to vector<4096xf32>
      %broadcast_in_dim3A_101 = vector.shape_cast %reduce_sum3A_100 : vector<4096xf32> to vector<1x4096xf32>
      %mul3A_102 = arith.constant 5.000000e-01 : f32
      %mul3A_103 = vector.broadcast %mul3A_102 : f32 to vector<1x4096xf32>
      %mul3A_104 = arith.mulf %mul3A_103, %broadcast_in_dim3A_101 : vector<1x4096xf32>
      %sub3A_105 = vector.broadcast %mul3A_104 : vector<1x4096xf32> to vector<128x4096xf32>
      %sub3A_106 = arith.subf %dot_general3A_97, %sub3A_105 : vector<128x4096xf32>
      %div3A_107 = vector.broadcast %mul3A : f32 to vector<128x4096xf32>
      %div3A_108 = arith.divf %sub3A_106, %div3A_107 : vector<128x4096xf32>
      %iota3A = tpu.iota {dimensions = array<i32: 1>} : vector<128x4096xi32>
      %mul3A_109 = arith.constant 4096 : i32
      %mul3A_110 = arith.muli %scan3A_88, %mul3A_109 : i32
      %add3A_111 = vector.broadcast %mul3A_110 : i32 to vector<128x4096xi32>
      %add3A_112 = arith.addi %iota3A, %add3A_111 : vector<128x4096xi32>
      %lt3A = arith.constant 40000 : i32
      %lt3A_113 = vector.broadcast %lt3A : i32 to vector<128x4096xi32>
      %lt3A_114 = arith.cmpi slt, %add3A_112, %lt3A_113 : vector<128x4096xi32>
      %jit3A_115 = arith.constant -1.000000e+30 : f32
      %broadcast_in_dim3A_116 = vector.broadcast %jit3A_115 : f32 to vector<128x4096xf32>
      %select_n3A_117 = arith.select %lt3A_114, %div3A_108, %broadcast_in_dim3A_116 : vector<128x4096xi1>, vector<128x4096xf32>
      %reduce_max3A_118 = arith.constant dense<0xFF800000> : vector<128xf32>
      %reduce_max3A_119 = vector.multi_reduction <maximumf>, %select_n3A_117, %reduce_max3A_118 [1] : vector<128x4096xf32> to vector<128xf32>
      %broadcast_in_dim3A_120 = vector.shape_cast %reduce_max3A_119 : vector<128xf32> to vector<128x1xf32>
      %max3A = arith.maximumf %scan3A_89, %broadcast_in_dim3A_120 : vector<128x1xf32>
      %sub3A_121 = arith.subf %scan3A_89, %max3A : vector<128x1xf32>
      %exp3A_122 = math.exp %sub3A_121 : vector<128x1xf32>
      %mul3A_123 = arith.mulf %scan3A_90, %exp3A_122 : vector<128x1xf32>
      %sub3A_124 = vector.broadcast %max3A : vector<128x1xf32> to vector<128x4096xf32>
      %sub3A_125 = arith.subf %select_n3A_117, %sub3A_124 : vector<128x4096xf32>
      %exp3A_126 = math.exp %sub3A_125 : vector<128x4096xf32>
      %reduce_sum3A_127 = arith.constant dense<0.000000e+00> : vector<128xf32>
      %reduce_sum3A_128 = vector.multi_reduction <add>, %exp3A_126, %reduce_sum3A_127 [1] : vector<128x4096xf32> to vector<128xf32>
      %broadcast_in_dim3A_129 = vector.shape_cast %reduce_sum3A_128 : vector<128xf32> to vector<128x1xf32>
      %add3A_130 = arith.addf %mul3A_123, %broadcast_in_dim3A_129 : vector<128x1xf32>
      scf.yield %max3A, %add3A_130 : vector<128x1xf32>, vector<128x1xf32>
    }
    %scan3A_36 = arith.constant 10 : i32
    %log3A = math.log %scan3A_35#1 : vector<128x1xf32>
    %add3A = arith.addf %scan3A_35#0, %log3A : vector<128x1xf32>
    %div3A_37 = vector.broadcast %mul3A : f32 to vector<128x1xf32>
    %div3A_38 = arith.divf %mul3A_27, %div3A_37 : vector<128x1xf32>
    %sub3A_39 = arith.subf %add3A, %div3A_38 : vector<128x1xf32>
    %sub3A_40 = arith.constant 10.5966349 : f32
    %sub3A_41 = vector.broadcast %sub3A_40 : f32 to vector<128x1xf32>
    %sub3A_42 = arith.subf %sub3A_39, %sub3A_41 : vector<128x1xf32>
    %mul3A_43 = arith.constant 6.28318548 : f32
    %mul3A_44 = arith.mulf %mul3A_43, %mul3A : f32
    %log3A_45 = math.log %mul3A_44 : f32
    %mul3A_46 = arith.constant 8.000000e+00 : f32
    %mul3A_47 = arith.mulf %mul3A_46, %log3A_45 : f32
    %sub3A_48 = vector.broadcast %mul3A_47 : f32 to vector<128x1xf32>
    %sub3A_49 = arith.subf %sub3A_42, %sub3A_48 : vector<128x1xf32>
    %sub3A_50 = arith.constant 1.200000e+01 : f32
    %sub3A_51 = vector.broadcast %sub3A_50 : f32 to vector<128x1xf32>
    %sub3A_52 = arith.subf %sub3A_49, %sub3A_51 : vector<128x1xf32>
    %mul3A_53 = arith.constant 5.000000e-02 : f32
    %mul3A_54 = vector.broadcast %mul3A_53 : f32 to vector<128x1xf32>
    %mul3A_55 = arith.mulf %mul3A_54, %sub3A_52 : vector<128x1xf32>
    %exp3A = math.exp %mul3A_55 : vector<128x1xf32>
    %add3A_56 = arith.constant 1.000000e+00 : f32
    %add3A_57 = vector.broadcast %add3A_56 : f32 to vector<128x1xf32>
    %add3A_58 = arith.addf %add3A_57, %exp3A : vector<128x1xf32>
    %div3A_59 = arith.constant 1.000000e+00 : f32
    %div3A_60 = vector.broadcast %div3A_59 : f32 to vector<128x1xf32>
    %div3A_61 = arith.divf %div3A_60, %add3A_58 : vector<128x1xf32>
    %get3A_62 = arith.constant 0 : index
    %get3A_63 = arith.constant 0 : index
    %get3A_64 = vector.load %arg4[%get3A_62, %get3A_63] : memref<128x1xf32, #tpu.memory_space<vmem>>, vector<128x1xf32>
    %gt3A = arith.constant 5.000000e-01 : f32
    %gt3A_65 = vector.broadcast %gt3A : f32 to vector<128x1xf32>
    %gt3A_66 = arith.cmpf ogt, %get3A_64, %gt3A_65 : vector<128x1xf32>
    %jit3A = arith.constant 0.000000e+00 : f32
    %broadcast_in_dim3A_67 = vector.broadcast %jit3A : f32 to vector<128x1xf32>
    %select_n3A = arith.select %gt3A_66, %div3A_61, %broadcast_in_dim3A_67 : vector<128x1xi1>, vector<128x1xf32>
    %swap3A = arith.constant 0 : index
    %swap3A_68 = arith.constant 0 : index
    %swap3A_69 = vector.load %arg9[%swap3A, %swap3A_68] : memref<128x1xf32, #tpu.memory_space<vmem>>, vector<128x1xf32>
    tpu.vector_store %arg9[%swap3A, %swap3A_68], %select_n3A {strides = array<i32>} : memref<128x1xf32, #tpu.memory_space<vmem>>, vector<128x1xf32>,
    %get3A_70 = arith.constant 0 : index
    %get3A_71 = arith.constant 0 : index
    %get3A_72 = vector.load %arg5[%get3A_70, %get3A_71] : memref<128x4xf32, #tpu.memory_space<vmem>>, vector<128x4xf32>
    %jit3A_73 = arith.constant 0.000000e+00 : f32
    %broadcast_in_dim3A_74 = vector.shape_cast %gt3A_66 : vector<128x1xi1> to vector<128x1xi1>
    %broadcast_in_dim3A_75 = vector.broadcast %broadcast_in_dim3A_74 : vector<128x1xi1> to vector<128x4xi1>
    %broadcast_in_dim3A_76 = vector.broadcast %jit3A_73 : f32 to vector<128x4xf32>
    %select_n3A_77 = arith.select %broadcast_in_dim3A_75, %get3A_72, %broadcast_in_dim3A_76 : vector<128x4xi1>, vector<128x4xf32>
    %swap3A_78 = arith.constant 0 : index
    %swap3A_79 = arith.constant 0 : index
    %swap3A_80 = vector.load %arg8[%swap3A_78, %swap3A_79] : memref<128x4xf32, #tpu.memory_space<vmem>>, vector<128x4xf32>
    tpu.vector_store %arg8[%swap3A_78, %swap3A_79], %select_n3A_77 {strides = array<i32>} : memref<128x4xf32, #tpu.memory_space<vmem>>, vector<128x4xf32>,
    %reduce_max3A = vector.shape_cast %select_n3A : vector<128x1xf32> to vector<1x128x1xf32>
    %reduce_max3A_81 = arith.constant dense<0xFF800000> : vector<1xf32>
    %reduce_max3A_82 = vector.multi_reduction <maximumf>, %reduce_max3A, %reduce_max3A_81 [1, 2] : vector<1x128x1xf32> to vector<1xf32>
    %reduce_max3A_83 = vector.shape_cast %reduce_max3A_82 : vector<1xf32> to vector<1x1x1xf32>
    %reduce_max3A_84 = vector.extract %reduce_max3A_83[0, 0, 0] : f32 from vector<1x1x1xf32>
    %reshape3A = vector.broadcast %reduce_max3A_84 : f32 to vector<1x1xf32>
    %swap3A_85 = arith.constant 0 : index
    %swap3A_86 = arith.constant 0 : index
    %swap3A_87 = vector.load %arg10[%swap3A_85, %swap3A_86] : memref<1x1xf32, #tpu.memory_space<vmem>>, vector<1x1xf32>
    tpu.vector_store %arg10[%swap3A_85, %swap3A_86], %reshape3A {strides = array<i32>} : memref<1x1xf32, #tpu.memory_space<vmem>>, vector<1x1xf32>,
    return
  }
}

</mosaic_0001>

<sc_bundles>
// kernel: kernel.4.cloned.1.call-start
scs
__scs_entry_jumppad:
0x0: {  	(pc) =	sbr.rel $0x88, $3  }
0x1: {  	(tag) =	ssettag $0x0;
	lr =	simm.s32 $0x1  }
0x2: {  	[smem:$0x3F99] =	sst lr;
	_ =	strace $0xD0000000  }
0x3: {  	_ = 	snop  }
0x4: {  	_ = 	snop  }
0x5: {  	_ = 	snop  }
0x6: {  	_ = 	snop  }
0x7: {  	_ = 	snop  }
__scs_overlays_trampoline_lowered:
0x8: {  	[smem:$0x3FA8] =	sst s0  }
0x9: {  	[smem:$0x3FA9] =	sst s1  }
0xa: {  	[smem:$0x3FAA] =	sst s2  }
0xb: {  	[smem:$0x3FAB] =	sst s3  }
0xc: {  	[smem:$0x3FAC] =	sst s4  }
0xd: {  	[smem:$0x3FAD] =	sst s5  }
0xe: {  	[smem:$0x3FAE] =	sst s6  }
0xf: {  	[smem:$0x3FAF] =	sst s7  }
0x10: {  	[smem:$0x3FB0] =	sst s8  }
0x11: {  	[smem:$0x3FB1] =	sst s9;
	s0 =	simm.s32 @!p0 $0x0  }
0x12: {  	s1 =	sld [smem:$0x3F97];
	s0 =	simm.s32 @p0 $0x1  }
0x13: {  	[smem:$0x3FB2] =	sst s0;
	s0 =	simm.s32 @!p1 $0x0  }
0x14: {  	s2 =	sld [smem:$0x3F96];
	s0 =	simm.s32 @p1 $0x1  }
0x15: {  	[smem:$0x3FB3] =	sst s0;
	s0 =	simm.s32 @!p2 $0x0  }
0x16: {  	s3 =	sld [smem:$0x3FDB];
	s0 =	simm.s32 @p2 $0x1  }
0x17: {  	s4 =	simm.s32 $0x1BF5;
	[smem:$0x3FB5] =	sst s0  }
0x18: {  	s0 =	sld [smem:$0x3F98];
	_ =	swait.ge [sflag:s4], $0x0  }
0x19: {  	s7 =	sld [smem:$0x3F99]  }
0x1a: {  	s8 =	sadd.s32 $0xFFFFE003, lr  }
0x1b: {  	s9 =	sadd.s32 $0xFFFFFEF7, lr;
	s5 =	simm.s32 $0xFFFFFFFF;
	p2 =	slt.u32 s8, $0xFFFFF086  }
0x1c: {  	p1 =	slt.u32 s9, $0xF7A;
	s5 =	simm.s32 @!p2 $0x0  }
0x1d: {  	s5 =	simm.s32 @p1 $0x1;
	p0 =	seq.s32 s7, s2  }
0x1e: {  	s7 =	smul.u32 @!p0 $0xF7A, s2;
	p2 =	seq.s32 @!p0 s5, $0x0  }
0x1f: {  	s9 =	smul.u32 $0xF7A, s1;
	s8 =	simm.s32 @!p0 $0x1BF5;
	p2 =	por !p2, p0  }
0x20: {  	[sflag:s8] =	ssyncset.s32 @!p0 $0xFFFFF086;
	s6 =	sadd.s32 @!p0 s3, s7;
	s7 =	simm.s32 @!p0 $0x108  }
0x21: {  	s3 =	sadd.s32 s3, s9;
	s6 =	sadd.s32 @!p0 $0x88, s6;
	s7 =	simm.s32 @p2 $0x1082  }
0x22: {  	[simem:s7], [sflag:s8] =	dma.local @!p0 [hbm:s6], $0xF7A  }
0x23: {  	s9 =	sor.u32 $0xD0000000, s2;
	s6 =	simm.s32 $0x108;
	_ =	swait.ge @!p0 [sflag:s8], $0x0  }
0x24: {  	s3 =	sadd.s32 $0x88, s3;
	s6 =	simm.s32 @!p1 $0x1082;
	[sflag:s4] =	ssyncset.s32 $0xFFFFF086  }
0x25: {  	[simem:s6], [sflag:s4] =	dma.local [hbm:s3], $0xF7A  }
0x26: {  	[smem:$0x3F99] =	sst s1;
	(tag) =	ssettag s2;
	_ =	strace s9  }
0x27: {  	s1 =	sld [smem:$0x3FA9]  }
0x28: {  	s2 =	sld [smem:$0x3FAA]  }
0x29: {  	s4 =	sld [smem:$0x3FAC]  }
0x2a: {  	p0 =	seq.s32 s5, $0x0;
	s5 =	sld [smem:$0x3FAD]  }
0x2b: {  	s6 =	sld [smem:$0x3FAE]  }
0x2c: {  	s7 =	sld [smem:$0x3FAF]  }
0x2d: {  	s3 =	simm.s32 $0x108;
	s8 =	sld [smem:$0x3FB0]  }
0x2e: {  	s3 =	simm.s32 @!p0 $0x1082;
	s9 =	sld [smem:$0x3FB1]  }
0x2f: {  	lr =	sadd.s32 s0, s3;
	s0 =	sld [smem:$0x3FA8]  }
0x30: {  	s3 =	sld [smem:$0x3FAB]  }
0x31: {  	[smem:$0x3FB4] =	sst s10  }
0x32: {  	s10 =	sld [smem:$0x3FB2];
	_ =	sdelay $0x3  }
0x33: {  	p0 =	seq.s32 s10, $0x1;
	s10 =	sld [smem:$0x3FB4];
	_ =	sdelay $0x3  }
0x34: {  	[smem:$0x3FB4] =	sst s10  }
0x35: {  	s10 =	sld [smem:$0x3FB3];
	_ =	sdelay $0x3  }
0x36: {  	p1 =	seq.s32 s10, $0x1;
	s10 =	sld [smem:$0x3FB4];
	_ =	sdelay $0x3  }
0x37: {  	[smem:$0x3FB4] =	sst s10  }
0x38: {  	s10 =	sld [smem:$0x3FB5]  }
0x39: {  	_ = 	snop;
	(pc) =	sbr.ind lr, $3  }
0x3a: {  	_ = 	snop  }
0x3b: {  	_ = 	snop  }
0x3c: {  	p2 =	seq.s32 s10, $0x1;
	s10 =	sld [smem:$0x3FB4]  }
0x3d: {  	_ =	shalt  }
0x3e: {  	_ =	shalt  }
0x3f: {  	_ =	shalt  }
0x40: {  	_ =	shalt  }
0x41: {  	_ =	shalt  }
0x42: {  	_ =	shalt  }
0x43: {  	_ =	shalt  }
0x44: {  	_ =	shalt  }
0x45: {  	_ =	shalt  }
0x46: {  	_ =	shalt  }
0x47: {  	_ =	shalt  }
0x48: {  	_ =	shalt  }
0x49: {  	_ =	shalt  }
0x4a: {  	_ =	shalt  }
0x4b: {  	_ =	shalt  }
0x4c: {  	_ =	shalt  }
0x4d: {  	_ =	shalt  }
0x4e: {  	_ =	shalt  }
0x4f: {  	_ =	shalt  }
0x50: {  	_ =	shalt  }
0x51: {  	_ =	shalt  }
0x52: {  	_ =	shalt  }
0x53: {  	_ =	shalt  }
0x54: {  	_ =	shalt  }
0x55: {  	_ =	shalt  }
0x56: {  	_ =	shalt  }
0x57: {  	_ =	shalt  }
0x58: {  	_ =	shalt  }
0x59: {  	_ =	shalt  }
0x5a: {  	_ =	shalt  }
0x5b: {  	_ =	shalt  }
0x5c: {  	_ =	shalt  }
0x5d: {  	_ =	shalt  }
0x5e: {  	_ =	shalt  }
0x5f: {  	_ =	shalt  }
0x60: {  	_ =	shalt  }
0x61: {  	_ =	shalt  }
0x62: {  	_ =	shalt  }
0x63: {  	_ =	shalt  }
0x64: {  	_ =	shalt  }
0x65: {  	_ =	shalt  }
0x66: {  	_ =	shalt  }
0x67: {  	_ =	shalt  }
0x68: {  	_ =	shalt  }
0x69: {  	_ =	shalt  }
0x6a: {  	_ =	shalt  }
0x6b: {  	_ =	shalt  }
0x6c: {  	_ =	shalt  }
0x6d: {  	_ =	shalt  }
0x6e: {  	_ =	shalt  }
0x6f: {  	_ =	shalt  }
0x70: {  	_ =	shalt  }
0x71: {  	_ =	shalt  }
0x72: {  	_ =	shalt  }
0x73: {  	_ =	shalt  }
0x74: {  	_ =	shalt  }
0x75: {  	_ =	shalt  }
0x76: {  	_ =	shalt  }
0x77: {  	_ =	shalt  }
0x78: {  	_ =	shalt  }
0x79: {  	_ =	shalt  }
0x7a: {  	_ =	shalt  }
0x7b: {  	_ =	shalt  }
0x7c: {  	_ =	shalt  }
0x7d: {  	_ =	shalt  }
0x7e: {  	_ =	shalt  }
0x7f: {  	_ =	shalt  }
0x80: {  	_ =	shalt  }
0x81: {  	_ =	shalt  }
0x82: {  	_ =	shalt  }
0x83: {  	_ =	shalt  }
0x84: {  	_ =	shalt  }
0x85: {  	_ =	shalt  }
0x86: {  	_ =	shalt  }
0x87: {  	_ =	shalt  }
.Lfunc_end0:
.L_simem_size_0:
called_computation_lowered:
.L_overlay_start_0:
0x88: {  	s0 =	sld [smem:$0x3FD9]  }
0x89: {  	s1 =	sld [smem:$0x3FFE];
	_ =	sdelay $0x3  }
0x8a: {  	s0 =	sadd.s32 s1, s0  }
0x8b: {  	[smem:$0x3FC0] =	sst s0  }
0x8c: {  	_ = 	snop  }
0x8d: {  	s0 =	sld [smem:$0x3FD0];
	_ =	sdelay $0x2  }
0x8e: {  	s2 =	simm.s32 $0xA;
	s3 =	simm.s32 $0x10;
	s13 =	sld [smem:$0x3FC7]  }
0x8f: {  	[smem:s3], [sflag:s2] =	dma.local [hbm:s0], $0x1  }
0x90: {  	_ =	swait.eq [sflag:s2], $0x1  }
0x91: {  	[sflag:s2] =	ssyncset.done $0x0  }
0x92: {  	s14 =	sld [smem:$0x10];
	[sflag:s2] =	ssyncadd.s32 $0xFFFFFFFF  }
0x93: {  	s15 =	sld [smem:$0x12];
	(tm) =	ssettm $0x1  }
0x94: {  	s16 =	sld [smem:$0x3FFB];
	_ =	sdelay $0x3  }
0x95: {  	_ =	strace s16  }
0x96: {  	s3 =	sld [smem:$0x3FFC];
	_ =	sdelay $0x3  }
0x97: {  	_ =	strace s3  }
0x98: {  	s3 =	sld [smem:$0x3FFD];
	_ =	sdelay $0x3  }
0x99: {  	_ =	strace s3  }
0x9a: {  	_ =	strace $0x8FFFFFFF  }
0x9b: {  	s17 =	sld [smem:$0x3FDB];
	_ =	sdelay $0x1  }
0x9c: {  	s4 =	simm.s32 $_scs_section_size  }
0x9d: {  	s5 =	simm.s32 $_size__tile_overlayer_lowered;
	s6 =	simm.s32 $_tile_overlayer_lowered  }
0x9e: {  	s20 =	simm.s32 $0x1BFF;
	s19 =	sshll.u32 s6, $0x1;
	s3 =	sadd.s32 s4, s17  }
0x9f: {  	s7 =	simm.s32 $0x0;
	s18 =	sshll.u32 s5, $0x1;
	s5 =	sadd.s32 s19, s3  }
0xa0: {  	[timem:s7], [sflag:s20] =	dma.local [hbm:s5], s18  }
0xa1: {  	_ =	swait.ge [sflag:s20], s18  }
0xa2: {  	s4 =	ssub.s32 $0x0, s18;
	[sflag:s20] =	ssyncset.done $0x0  }
0xa3: {  	[sflag:s20] =	ssyncadd.s32 s4;
	_ =	sdelay $0x1  }
0xa4: {  	s21 =	simm.s32 $0x1B8B  }
0xa5: {  	_ =	swait.ge [sflag:s21], $0x1  }
0xa6: {  	[sflag:s21] =	ssyncset.done $0x0  }
0xa7: {  	s23 =	simm.s32 $0x1B8E;
	s22 =	sld [smem:$0x3FFE];
	[sflag:s21] =	ssyncadd.s32 $0xFFFFFFFF  }
0xa8: {  	s24 =	simm.s32 $execute0_lowered;
	[smem:$0x3FD2] =	sst s23  }
0xa9: {  	s5 =	sshll.u32 s24, $0x1;
	_ =	strace $0x80000046;
	[dreg:$0x1] =	wrdreg $0xFFFFFFFF  }
0xaa: {  	s25 =	simm.s32 $_size_execute0_lowered;
	s3 =	sadd.s32 s3, s5;
	[dreg:$0x0] =	wrdreg $0x0  }
0xab: {  	s5 =	sshll.u32 s25, $0x1;
	[dreg:$0x2] =	wrdreg s3  }
0xac: {  	[dreg:$0x3] =	wrdreg s5  }
0xad: {  	[dreg:$0x4] =	wrdreg $0xC0  }
0xae: {  	_ =	task [dreg:s7], $0x5FFFF  }
0xaf: {  	[dreg:$0x1] =	wrdreg $0xFFFFFFFF  }
0xb0: {  	[dreg:$0x0] =	wrdreg $0x60  }
0xb1: {  	[dreg:$0x2] =	wrdreg s22  }
0xb2: {  	[dreg:$0x3] =	wrdreg s13  }
0xb3: {  	[dreg:$0x4] =	wrdreg s15  }
0xb4: {  	[dreg:$0x5] =	wrdreg s14  }
0xb5: {  	[dreg:$0x6] =	wrdreg $0x5A800  }
0xb6: {  	[dreg:$0x7] =	wrdreg $0x5A900  }
0xb7: {  	[dreg:$0x8] =	wrdreg $0x9  }
0xb8: {  	_ =	task.clear_ibuf [dreg:s7], $0x9FFFF;
	_ =	strace $0x90000046  }
0xb9: {  	s26 =	simm.s32 $0x9;
	_ =	strace $0x80000048  }
0xba: {  	_ =	swait.ge [sflag:s26], $0x1  }
0xbb: {  	[sflag:s26] =	ssyncadd.s32 $0xFFFFFFFF  }
0xbc: {  	_ =	strace $0x90000048  }
0xbd: {  	_ =	sfence  }
0xbe: {  	s28 =	sld [smem:$0x0];
	_ =	sdelay $0x1  }
0xbf: {  	s29 =	srdreg.scid  }
0xc0: {  	s30 =	sshll.u32 s29, $0xD;
	s31 =	sshrl.u32 s29, $0x2  }
0xc1: {  	s1 =	sand.u32 $0x1, s29;
	s2 =	sand.u32 $0x4000, s30;
	s0 =	sadd.s32 s31, s28  }
0xc2: {  	s1 =	sor.u32 s2, s1;
	s0 =	sshll.u32 s0, $0x11  }
0xc3: {  	s0 =	sor.u32 s0, s1  }
0xc4: {  	s0 =	sadd.s32 $0x8F2B, s0  }
0xc5: {  	[sflag:s0] =	ssyncadd.remote.s32 $0x1  }
0xc6: {  	_ =	sfence.sel $0xFFFF  }
0xc7: {  	[dreg:$0x0] =	wrdreg $0xFFFFFFFF;
	(pc) =	sbr.abs _section_cstart, $3  }
0xc8: {  	[dreg:$0x1] =	wrdreg $0xFFFFFFFF  }
0xc9: {  	_ =	task.clear_ibuf [dreg:s7], $0x2FFFF;
	_ =	strace $0x9FFFFFFF  }
0xca: {  	(tm) =	ssettm $0x7FFFFFFF  }
0xcb: {  	_ =	shalt  }
tec
execute0_lowered:
.L_overlay_start_1:
0x0: {  	(tag) =	ssettag $0x1  }
0x1: {  	s12 =	rddreg [dreg:$0x0]  }
0x2: {  	s3 =	rddreg [dreg:$0x1]  }
0x3: {  	s2 =	rddreg [dreg:$0x2]  }
0x4: {  	s1 =	rddreg [dreg:$0x3]  }
0x5: {  	s5 =	rddreg [dreg:$0x4]  }
0x6: {  	s6 =	rddreg [dreg:$0x5]  }
0x7: {  	s0 =	rddreg [dreg:$0x6];
	s7 =	simm.s32 $0x0  }
0x8: {  	[smem:$0x7FF] =	sst s7  }
0x9: {  	s8 =	simm.s32 $0x2;
	s14 =	sadd.s32 $0x1C00, s12;
	_ =	strace $0x80000047  }
0xa: {  	[tilespmem:s7], [sflag:$0x2] =	stream.linear.gather [hbm4b:s14+s7], $0x1400, $0x38;
	[tilespmem:$0xDC20] =	vst v63  }
0xb: {  	_ =	swait.ge [sflag:s8], $0x1400  }
0xc: {  	[sflag:s8] =	ssyncset.done $0x0  }
0xd: {  	s9 =	simm.s32 $0x1400;
	s15 =	sadd.s32 $0x1400, s12;
	[sflag:s8] =	ssyncadd.s32 $0xFFFFEC00  }
0xe: {  	[tilespmem:s9], [sflag:$0x2] =	stream.linear.gather [hbm4b:s15+s7], $0x1400, $0x38;
	[tilespmem:$0xDC20] =	vst v63  }
0xf: {  	_ =	swait.ge [sflag:s8], $0x1400  }
0x10: {  	[sflag:s8] =	ssyncset.done $0x0  }
0x11: {  	s10 =	simm.s32 $0x2800;
	s16 =	sadd.s32 $0x1800, s12;
	[sflag:s8] =	ssyncadd.s32 $0xFFFFEC00  }
0x12: {  	[tilespmem:s10], [sflag:$0x2] =	stream.linear.gather [hbm4b:s16+s7], $0x1400, $0x38;
	[tilespmem:$0xDC20] =	vst v63  }
0x13: {  	_ =	swait.ge [sflag:s8], $0x1400  }
0x14: {  	s4 =	stileid.u32;
	s11 =	simm.s32 $0x3C00;
	[sflag:s8] =	ssyncset.done $0x0  }
0x15: {  	s13 =	smul.u32 $0x140, s4;
	s17 =	sadd.s32 $0x1000, s12;
	[sflag:s8] =	ssyncadd.s32 $0xFFFFEC00  }
0x16: {  	[tilespmem:s11], [sflag:$0x2] =	stream.linear.gather [hbm4b:s17+s7], $0x1400, $0x38;
	[tilespmem:$0xDC20] =	vst v63  }
0x17: {  	s18 =	sshrl.u32 s13, $0x3;
	_ =	swait.ge [sflag:s8], $0x1400  }
0x18: {  	s19 =	sadd.s32 s18, s12;
	[sflag:s8] =	ssyncset.done $0x0  }
0x19: {  	s20 =	simm.s32 $0x5600;
	s19 =	sadd.s32 $0x2000, s19;
	[sflag:s8] =	ssyncadd.s32 $0xFFFFEC00  }
0x1a: {  	[tilespmem:s20], [sflag:$0x2] =	stream.linear.gather [hbm4b:s19+s7], $0x140, $0x38;
	[tilespmem:$0xDC20] =	vst v63  }
0x1b: {  	_ =	swait.ge [sflag:s8], $0x140  }
0x1c: {  	[sflag:s8] =	ssyncset.done $0x0  }
0x1d: {  	s31 =	simm.s32 $0x5000;
	s14 =	sadd.s32 s14, s18;
	[sflag:s8] =	ssyncadd.s32 $0xFFFFFEC0  }
0x1e: {  	[tilespmem:s31], [sflag:$0x2] =	stream.linear.gather [hbm4b:s14+s7], $0x140, $0x38;
	[tilespmem:$0xDC20] =	vst v63  }
0x1f: {  	_ =	swait.ge [sflag:s8], $0x140  }
0x20: {  	[sflag:s8] =	ssyncset.done $0x0  }
0x21: {  	s19 =	sadd.s32 s15, s18;
	s20 =	simm.s32 $0x5180;
	[sflag:s8] =	ssyncadd.s32 $0xFFFFFEC0  }
0x22: {  	[tilespmem:s20], [sflag:$0x2] =	stream.linear.gather [hbm4b:s19+s7], $0x140, $0x38;
	[tilespmem:$0xDC20] =	vst v63  }
0x23: {  	_ =	swait.ge [sflag:s8], $0x140  }
0x24: {  	[sflag:s8] =	ssyncset.done $0x0  }
0x25: {  	s22 =	simm.s32 $0x5300;
	s21 =	sadd.s32 s16, s18;
	[sflag:s8] =	ssyncadd.s32 $0xFFFFFEC0  }
0x26: {  	[tilespmem:s22], [sflag:$0x2] =	stream.linear.gather [hbm4b:s21+s7], $0x140, $0x38;
	[tilespmem:$0xDC20] =	vst v63  }
0x27: {  	_ =	swait.ge [sflag:s8], $0x140  }
0x28: {  	[sflag:s8] =	ssyncset.done $0x0  }
0x29: {  	s24 =	simm.s32 $0x5480;
	s23 =	sadd.s32 s17, s18;
	[sflag:s8] =	ssyncadd.s32 $0xFFFFFEC0  }
0x2a: {  	[tilespmem:s24], [sflag:$0x2] =	stream.linear.gather [hbm4b:s23+s7], $0x140, $0x38;
	[tilespmem:$0xDC20] =	vst v63  }
0x2b: {  	_ =	swait.ge [sflag:s8], $0x140  }
0x2c: {  	[sflag:s8] =	ssyncset.done $0x0  }
0x2d: {  	[sflag:s8] =	ssyncadd.s32 $0xFFFFFEC0  }
0x2e: {  	v1 =	vld [tilespmem:$0x5600]  }
0x2f: {  	v2 =	vld [tilespmem:$0x5300]  }
0x30: {  	v3 =	vld [tilespmem:$0x5000]  }
0x31: {  	v4 =	vld [tilespmem:$0x5480]  }
0x32: {  	v5 =	vld [tilespmem:$0x5180]  }
0x33: {  	v6 =	vld [tilespmem:$0x5610]  }
0x34: {  	v7 =	vld [tilespmem:$0x5310]  }
0x35: {  	v8 =	vld [tilespmem:$0x5010]  }
0x36: {  	v9 =	vld [tilespmem:$0x5490]  }
0x37: {  	v10 =	vld [tilespmem:$0x5190]  }
0x38: {  	v11 =	vld [tilespmem:$0x5620]  }
0x39: {  	v12 =	vld [tilespmem:$0x5320]  }
0x3a: {  	v13 =	vld [tilespmem:$0x5020]  }
0x3b: {  	v14 =	vld [tilespmem:$0x54A0]  }
0x3c: {  	v15 =	vld [tilespmem:$0x51A0]  }
0x3d: {  	v16 =	vld [tilespmem:$0x5630]  }
0x3e: {  	v17 =	vld [tilespmem:$0x5330]  }
0x3f: {  	v18 =	vld [tilespmem:$0x5030]  }
0x40: {  	v19 =	vld [tilespmem:$0x54B0]  }
0x41: {  	v20 =	vld [tilespmem:$0x51B0]  }
0x42: {  	v21 =	vld [tilespmem:$0x5640]  }
0x43: {  	v22 =	vld [tilespmem:$0x5340]  }
0x44: {  	v23 =	vld [tilespmem:$0x5040]  }
0x45: {  	v24 =	vld [tilespmem:$0x54C0]  }
0x46: {  	v25 =	vld [tilespmem:$0x51C0]  }
0x47: {  	v26 =	vld [tilespmem:$0x5650]  }
0x48: {  	v27 =	vld [tilespmem:$0x5350]  }
0x49: {  	v28 =	vld [tilespmem:$0x5050]  }
0x4a: {  	v29 =	vld [tilespmem:$0x54D0]  }
0x4b: {  	v30 =	vld [tilespmem:$0x51D0]  }
0x4c: {  	v31 =	vld [tilespmem:$0x5660]  }
0x4d: {  	v32 =	vld [tilespmem:$0x5360]  }
0x4e: {  	v33 =	vld [tilespmem:$0x5060]  }
0x4f: {  	v34 =	vld [tilespmem:$0x54E0]  }
0x50: {  	v35 =	vld [tilespmem:$0x51E0]  }
0x51: {  	v36 =	vld [tilespmem:$0x5670]  }
0x52: {  	v37 =	vld [tilespmem:$0x5370]  }
0x53: {  	v38 =	vld [tilespmem:$0x5070]  }
0x54: {  	v39 =	vld [tilespmem:$0x54F0]  }
0x55: {  	v40 =	vld [tilespmem:$0x51F0]  }
0x56: {  	v41 =	vld [tilespmem:$0x5680]  }
0x57: {  	v42 =	vld [tilespmem:$0x5380]  }
0x58: {  	v43 =	vld [tilespmem:$0x5080]  }
0x59: {  	v44 =	vld [tilespmem:$0x5500]  }
0x5a: {  	v45 =	vld [tilespmem:$0x5200]  }
0x5b: {  	v46 =	vld [tilespmem:$0x5690]  }
0x5c: {  	v47 =	vld [tilespmem:$0x5390]  }
0x5d: {  	v48 =	vld [tilespmem:$0x5090]  }
0x5e: {  	v49 =	vld [tilespmem:$0x5510]  }
0x5f: {  	v50 =	vld [tilespmem:$0x5210]  }
0x60: {  	v0 =	vld [tilespmem:$0x56A0]  }
0x61: {  	v51 =	vld [tilespmem:$0x53A0]  }
0x62: {  	v55 =	vld [tilespmem:$0x53E0]  }
0x63: {  	v56 =	vld [tilespmem:$0x50E0]  }
0x64: {  	v57 =	vld [tilespmem:$0x5560]  }
0x65: {  	v58 =	vld [tilespmem:$0x56F0];
	v2 =	vsub.f32 v2, v3  }
0x66: {  	v60 =	vld [tilespmem:$0x53F0];
	v4 =	vsub.f32 v4, v5;
	vm2 =	vge.f32 v1, $1.000000050e-03;
	vm9 =	vge.f32 v6, $1.000000050e-03  }
0x67: {  	v3 =	vld [tilespmem:$0x50A0];
	vm12 =	vge.f32 v11, $1.000000050e-03;
	vm0 =	vge.f32 v2, $1.000000000e+02;
	v2 =	vsub.f32 v7, v8  }
0x68: {  	v62 =	vld [tilespmem:$0x5570];
	vm6 =	vge.f32 v16, $1.000000050e-03;
	vm1 =	vge.f32 v4, $1.000000000e+02;
	v4 =	vsub.f32 v9, v10  }
0x69: {  	v5 =	vld [tilespmem:$0x5520];
	v59 =	vsub.f32 v49, v50;
	vm0 =	vmand vm2, vm0;
	vm3 =	vge.f32 v2, $1.000000000e+02  }
0x6a: {  	v7 =	vld [tilespmem:$0x5220];
	v2 =	vsub.f32 v12, v13;
	vm8 =	vge.f32 v4, $1.000000000e+02;
	vm0 =	vmand vm0, vm1  }
0x6b: {  	v8 =	vld [tilespmem:$0x56B0];
	v4 =	vsub.f32 v14, v15;
	v13 =	vsub.f32 v19, v20;
	v1 =	vnsel vm0, $0xF149F2CA, v1  }
0x6c: {  	v9 =	vld [tilespmem:$0x53B0];
	vm0 =	vmand vm9, vm3;
	vm9 =	vge.f32 v21, $1.000000050e-03;
	v3 =	vsub.f32 v51, v3  }
0x6d: {  	v10 =	vld [tilespmem:$0x50B0];
	vm10 =	vge.f32 v2, $1.000000000e+02;
	vm11 =	vge.f32 v4, $1.000000000e+02;
	v4 =	vsub.f32 v17, v18  }
0x6e: {  	v12 =	vld [tilespmem:$0x5230];
	vm0 =	vmand vm0, vm8;
	vm15 =	vge.f32 v13, $1.000000000e+02;
	v13 =	vsub.f32 v22, v23  }
0x6f: {  	v14 =	vld [tilespmem:$0x56C0];
	v17 =	vsub.f32 v24, v25;
	v23 =	vsub.f32 v34, v35;
	v6 =	vnsel vm0, $0xF149F2CA, v6  }
0x70: {  	v15 =	vld [tilespmem:$0x50C0];
	vm13 =	vmand vm12, vm10;
	vm12 =	vge.f32 v26, $1.000000050e-03;
	v5 =	vsub.f32 v5, v7  }
0x71: {  	v19 =	vld [tilespmem:$0x5240];
	vm14 =	vge.f32 v4, $1.000000000e+02;
	vm0 =	vmand vm13, vm11;
	vm7 =	vge.f32 v13, $1.000000000e+02  }
0x72: {  	v2 =	vld [tilespmem:$0x5530];
	v13 =	vsub.f32 v27, v28;
	vm8 =	vge.f32 v17, $1.000000000e+02;
	v17 =	vsub.f32 v29, v30  }
0x73: {  	v18 =	vld [tilespmem:$0x5540];
	v27 =	vsub.f32 v39, v40;
	v11 =	vnsel vm0, $0xF149F2CA, v11;
	vm0 =	vmand vm6, vm14  }
0x74: {  	v20 =	vld [tilespmem:$0x56D0];
	vm6 =	vge.f32 v31, $1.000000050e-03;
	vm0 =	vmand vm0, vm15;
	vm10 =	vge.f32 v13, $1.000000000e+02  }
0x75: {  	v22 =	vld [tilespmem:$0x50D0];
	vm11 =	vge.f32 v17, $1.000000000e+02;
	v17 =	vsub.f32 v32, v33;
	vm15 =	vge.f32 v23, $1.000000000e+02  }
0x76: {  	v7 =	vld [tilespmem:$0x5270];
	v23 =	vsub.f32 v37, v38;
	v16 =	vnsel vm0, $0xF149F2CA, v16;
	vm0 =	vmand vm9, vm7  }
0x77: {  	v24 =	vld [tilespmem:$0x5550];
	vm13 =	vmand vm12, vm10;
	vm9 =	vge.f32 v36, $1.000000050e-03;
	vm12 =	vge.f32 v41, $1.000000050e-03  }
0x78: {  	v25 =	vld [tilespmem:$0x56E0];
	v2 =	vsub.f32 v2, v12;
	v12 =	vsub.f32 v18, v19;
	vm0 =	vmand vm0, vm8  }
0x79: {  	[tilespmem:$0x5600] =	vst v1;
	v1 =	vld [tilespmem:$0x5290];
	vm7 =	vge.f32 v23, $1.000000000e+02;
	v23 =	vsub.f32 v42, v43;
	vm8 =	vge.f32 v27, $1.000000000e+02  }
0x7a: {  	v4 =	vld [tilespmem:$0x53C0];
	v27 =	vsub.f32 v44, v45;
	v21 =	vnsel vm0, $0xF149F2CA, v21;
	vm0 =	vmand vm13, vm11  }
0x7b: {  	v13 =	vld [tilespmem:$0x53D0];
	vm14 =	vge.f32 v17, $1.000000000e+02;
	v7 =	vsub.f32 v62, v7;
	v26 =	vnsel vm0, $0xF149F2CA, v26  }
0x7c: {  	v19 =	vld [tilespmem:$0x5590];
	vm0 =	vmand vm6, vm14;
	vm10 =	vge.f32 v23, $1.000000000e+02;
	vm11 =	vge.f32 v27, $1.000000000e+02  }
0x7d: {  	v17 =	vld [tilespmem:$0x5250];
	v27 =	vsub.f32 v47, v48;
	vm6 =	vge.f32 v46, $1.000000050e-03;
	vm4 =	vge.f32 v7, $1.000000000e+02  }
0x7e: {  	v18 =	vld [tilespmem:$0x5110];
	vm0 =	vmand vm0, vm15;
	vm13 =	vmand vm12, vm10;
	vm15 =	vge.f32 v59, $1.000000000e+02  }
0x7f: {  	v23 =	vld [tilespmem:$0x5260];
	vm12 =	vge.f32 v8, $1.000000050e-03;
	v31 =	vnsel vm0, $0xF149F2CA, v31;
	vm0 =	vmand vm9, vm7  }
0x80: {  	vm14 =	vge.f32 v27, $1.000000000e+02;
	v27 =	vld [tilespmem:$0x50F0];
	vm7 =	vge.f32 v3, $1.000000000e+02;
	v3 =	vsub.f32 v9, v10  }
0x81: {  	v9 =	vld [tilespmem:$0x5700];
	vm9 =	vge.f32 v0, $1.000000050e-03;
	v1 =	vsub.f32 v19, v1;
	vm0 =	vmand vm0, vm8  }
0x82: {  	vm8 =	vge.f32 v5, $1.000000000e+02;
	v5 =	vld [tilespmem:$0x5400];
	v17 =	vsub.f32 v24, v17;
	v61 =	vnsel vm0, $0xF149F2CA, v36  }
0x83: {  	vm0 =	vmand vm13, vm11;
	vm10 =	vge.f32 v3, $1.000000000e+02;
	v3 =	vld [tilespmem:$0x5100];
	vm11 =	vge.f32 v2, $1.000000000e+02  }
0x84: {  	v2 =	vsub.f32 v4, v15;
	v4 =	vld [tilespmem:$0x5580];
	v63 =	vnsel vm0, $0xF149F2CA, v41;
	vm0 =	vmand vm6, vm14  }
0x85: {  	[tilespmem:$0x5610] =	vst v6;
	v15 =	vld [tilespmem:$0x5280];
	vm13 =	vmand vm12, vm10;
	vm6 =	vge.f32 v14, $1.000000050e-03;
	v6 =	vsub.f32 v57, v23  }
0x86: {  	vm12 =	vge.f32 v25, $1.000000050e-03;
	vm0 =	vmand vm0, vm15;
	vm14 =	vge.f32 v2, $1.000000000e+02;
	v2 =	vld [tilespmem:$0x5710]  }
0x87: {  	vm15 =	vge.f32 v12, $1.000000000e+02;
	v12 =	vsub.f32 v13, v22;
	v13 =	vld [tilespmem:$0x5410];
	v10 =	vnsel vm0, $0xF149F2CA, v46  }
0x88: {  	vm0 =	vmand vm9, vm7;
	vm9 =	vge.f32 v17, $1.000000000e+02;
	v17 =	vld [tilespmem:$0x5420];
	vm5 =	vge.f32 v9, $1.000000050e-03  }
0x89: {  	vm7 =	vge.f32 v12, $1.000000000e+02;
	v12 =	vsub.f32 v55, v56;
	v3 =	vsub.f32 v5, v3;
	v5 =	vld [tilespmem:$0x5430]  }
0x8a: {  	vm0 =	vmand vm0, vm8;
	vm8 =	vge.f32 v20, $1.000000050e-03;
	v4 =	vsub.f32 v4, v15;
	v15 =	vld [tilespmem:$0x5130]  }
0x8b: {  	[tilespmem:$0x5620] =	vst v11;
	v0 =	vnsel vm0, $0xF149F2CA, v0;
	vm1 =	vmand vm8, vm7;
	vm10 =	vge.f32 v12, $1.000000000e+02;
	v12 =	vld [tilespmem:$0x5720]  }
0x8c: {  	vm0 =	vmand vm13, vm11;
	vm13 =	vge.f32 v58, $1.000000050e-03;
	vm11 =	vmand vm1, vm9;
	[tilespmem:$0x56A0] =	vst v0;
	v0 =	vld [tilespmem:$0x5730]  }
0x8d: {  	[tilespmem:$0x5630] =	vst v16;
	v8 =	vnsel vm0, $0xF149F2CA, v8;
	vm0 =	vmand vm6, vm14;
	v16 =	vnsel vm11, $0xF149F2CA, v20;
	v20 =	vld [tilespmem:$0x5120]  }
0x8e: {  	[tilespmem:$0x5640] =	vst v21;
	vm0 =	vmand vm0, vm15;
	vm15 =	vge.f32 v6, $1.000000000e+02;
	v6 =	vld [tilespmem:$0x52A0];
	vm6 =	vge.f32 v3, $1.000000000e+02  }
0x8f: {  	[tilespmem:$0x5650] =	vst v26;
	v3 =	vsub.f32 v13, v18;
	v13 =	vld [tilespmem:$0x55B0];
	v11 =	vnsel vm0, $0xF149F2CA, v14;
	v14 =	vsub.f32 v60, v27  }
0x90: {  	[tilespmem:$0x5660] =	vst v31;
	vm7 =	vge.f32 v4, $1.000000000e+02;
	v4 =	vld [tilespmem:$0x52B0];
	vm8 =	vge.f32 v2, $1.000000050e-03;
	vm0 =	vmand vm12, vm10  }
0x91: {  	[tilespmem:$0x5670] =	vst v61;
	vm10 =	vge.f32 v1, $1.000000000e+02;
	vm0 =	vmand vm0, vm15;
	vm14 =	vge.f32 v14, $1.000000000e+02;
	v14 =	vld [tilespmem:$0x55A0]  }
0x92: {  	[tilespmem:$0x5680] =	vst v63;
	vm9 =	vge.f32 v3, $1.000000000e+02;
	v7 =	vnsel vm0, $0xF149F2CA, v25;
	vm0 =	vmand vm5, vm6  }
0x93: {  	[tilespmem:$0x5690] =	vst v10;
	vm1 =	vmand vm13, vm14;
	vm0 =	vmand vm0, vm7;
	vm12 =	vge.f32 v12, $1.000000050e-03  }
0x94: {  	[tilespmem:$0x56B0] =	vst v8;
	vm6 =	vge.f32 v0, $1.000000050e-03;
	vm1 =	vmand vm1, vm4;
	v1 =	vsub.f32 v17, v20  }
0x95: {  	[tilespmem:$0x56D0] =	vst v16;
	v4 =	vsub.f32 v13, v4;
	v21 =	vnsel vm1, $0xF149F2CA, v58;
	vm1 =	vmand vm8, vm9  }
0x96: {  	[tilespmem:$0x56C0] =	vst v11;
	vm13 =	vge.f32 v1, $1.000000000e+02;
	v1 =	vsub.f32 v5, v15;
	v6 =	vsub.f32 v14, v6  }
0x97: {  	[tilespmem:$0x56E0] =	vst v7;
	v3 =	vnsel vm0, $0xF149F2CA, v9;
	vm11 =	vmand vm1, vm10;
	vm9 =	vge.f32 v4, $1.000000000e+02  }
0x98: {  	[tilespmem:$0x5700] =	vst v3;
	vm14 =	vmand vm12, vm13;
	vm7 =	vge.f32 v1, $1.000000000e+02;
	vm15 =	vge.f32 v6, $1.000000000e+02  }
0x99: {  	[tilespmem:$0x56F0] =	vst v21;
	v2 =	vnsel vm11, $0xF149F2CA, v2;
	vm8 =	vmand vm6, vm7;
	vm0 =	vmand vm14, vm15  }
0x9a: {  	[tilespmem:$0x5710] =	vst v2;
	vm10 =	vmand vm8, vm9;
	v1 =	vnsel vm0, $0xF149F2CA, v12  }
0x9b: {  	v0 =	vnsel vm10, $0xF149F2CA, v0;
	[tilespmem:$0x5720] =	vst v1  }
0x9c: {  	[tilespmem:$0x5730] =	vst v0;
	v0 =	vimm.f32 $0.0e+00  }
0x9d: {  	v1 =	vimm.s32 $0x0;
	[tilespmem:$0x5800] =	vst v0  }
0x9e: {  	[tilespmem:$0x5780] =	vst v1  }
0x9f: {  	[tilespmem:$0x5810] =	vst v0  }
0xa0: {  	[tilespmem:$0x5790] =	vst v1  }
0xa1: {  	[tilespmem:$0x5820] =	vst v0  }
0xa2: {  	[tilespmem:$0x57A0] =	vst v1  }
0xa3: {  	[tilespmem:$0x5830] =	vst v0  }
0xa4: {  	[tilespmem:$0x57B0] =	vst v1  }
0xa5: {  	[tilespmem:$0x5840] =	vst v0  }
0xa6: {  	[tilespmem:$0x57C0] =	vst v1  }
0xa7: {  	[tilespmem:$0x5850] =	vst v0  }
0xa8: {  	[tilespmem:$0x57D0] =	vst v1  }
0xa9: {  	[tilespmem:$0x5860] =	vst v0  }
0xaa: {  	[tilespmem:$0x57E0] =	vst v1  }
0xab: {  	[tilespmem:$0x5870] =	vst v0  }
0xac: {  	[tilespmem:$0x57F0] =	vst v1  }
0xad: {  	[tilespmem:$0x5880] =	vst v0  }
0xae: {  	[tilespmem:$0x5890] =	vst v0  }
0xaf: {  	[tilespmem:$0x58A0] =	vst v0  }
0xb0: {  	[tilespmem:$0x58B0] =	vst v0  }
0xb1: {  	[tilespmem:$0x58C0] =	vst v0  }
0xb2: {  	[tilespmem:$0x58D0] =	vst v0  }
0xb3: {  	[tilespmem:$0x58E0] =	vst v0  }
0xb4: {  	[tilespmem:$0x58F0] =	vst v0  }
0xb5: {  	[tilespmem:$0x5900] =	vst v0  }
0xb6: {  	[tilespmem:$0x5910] =	vst v0  }
0xb7: {  	[tilespmem:$0x5920] =	vst v0  }
0xb8: {  	[tilespmem:$0x5930] =	vst v0  }
0xb9: {  	[tilespmem:$0x5940] =	vst v0  }
0xba: {  	v26 =	vimm.s32 $0x0;
	[tilespmem:$0x5950] =	vst v0  }
0xbb: {  	v11 =	vimm.f32 $1.500000000e+01;
	vm5 =	vcmask $0x1B18;
	v25 =	vimm.s32 $0x0;
	[tilespmem:$0x5960] =	vst v0  }
0xbc: {  	vm4 =	vcmask $0x1714;
	vm11 =	vcmask $0x300;
	v2 =	vlaneseq.u32;
	[tilespmem:$0x5970] =	vst v0  }
0xbd: {  	s26 =	sor.u32 $0x10, s13;
	s28 =	sor.u32 $0x20, s13;
	s29 =	sor.u32 $0x30, s13;
	vm12 =	vcmask $0x704;
	vm13 =	vcmask $0xB08;
	v3 =	vor.u32 s13, v2;
	[tilespmem:$0x5980] =	vst v0  }
0xbe: {  	s30 =	sadd.s32 $0x40, s13;
	s16 =	sadd.s32 $0x60, s13;
	s31 =	sadd.s32 $0x50, s13;
	v4 =	vor.u32 s26, v2;
	v5 =	vor.u32 s28, v2;
	v6 =	vor.u32 s29, v2;
	[tilespmem:$0x5990] =	vst v0  }
0xbf: {  	s17 =	sadd.s32 $0x70, s13;
	v7 =	vor.u32 s30, v2;
	v8 =	vor.u32 s31, v2;
	v9 =	vor.u32 s16, v2;
	[tilespmem:$0x59A0] =	vst v0  }
0xc0: {  	v10 =	vor.u32 s17, v2;
	vm6 =	vcmask $0x1F1C;
	v12 =	vsel vm11, $0x0, v11;
	[tilespmem:$0x59B0] =	vst v0  }
0xc1: {  	vm7 =	vcmask $0x2320;
	vm14 =	vcmask $0xF0C;
	v13 =	vsel vm12, $0x3F800000, v12;
	[tilespmem:$0x59C0] =	vst v0  }
0xc2: {  	s31 =	sadd.s32 $0x130, s13;
	vm15 =	vcmask $0x1310;
	vm8 =	vcmask $0x2724;
	v14 =	vsel vm13, $0x40000000, v13;
	[tilespmem:$0x59D0] =	vst v0  }
0xc3: {  	s18 =	sadd.s32 $0x80, s13;
	vm9 =	vcmask $0x2B28;
	v23 =	vor.u32 s31, v2;
	[tilespmem:$0x59E0] =	vst v0;
	v15 =	vsel vm14, $0x40400000, v14  }
0xc4: {  	s25 =	scvt.s32.f32 s13;
	s19 =	sadd.s32 $0x90, s13;
	v11 =	vor.u32 s18, v2;
	vm10 =	vcmask $0x2F2C;
	[tilespmem:$0x59F0] =	vst v0;
	v16 =	vsel vm15, $0x40800000, v15  }
0xc5: {  	vm11 =	vcmask $0x3330;
	v12 =	vor.u32 s19, v2;
	[tilespmem:$0x5A00] =	vst v0;
	v17 =	vsel vm4, $0x40A00000, v16  }
0xc6: {  	s20 =	sadd.s32 $0xA0, s13;
	vm12 =	vcmask $0x3734;
	v1 =	vmov s25;
	[tilespmem:$0x5A10] =	vst v0;
	v18 =	vsel vm5, $0x40C00000, v17  }
0xc7: {  	s21 =	sadd.s32 $0xB0, s13;
	v13 =	vor.u32 s20, v2;
	[tilespmem:$0x5A20] =	vst v0;
	vm13 =	vcmask $0x3B38;
	v19 =	vsel vm6, $0x40E00000, v18  }
0xc8: {  	s22 =	sadd.s32 $0xC0, s13;
	[tilespmem:$0x5A30] =	vst v0;
	v14 =	vor.u32 s21, v2;
	vm14 =	vmmov $0xff;
	v20 =	vsel vm7, $0x41000000, v19  }
0xc9: {  	s23 =	sadd.s32 $0xD0, s13;
	[tilespmem:$0x5A40] =	vst v0;
	v15 =	vor.u32 s22, v2;
	v25 =	vsel vm14, $0xFFFFFFFF, v25;
	v21 =	vsel vm8, $0x41100000, v20  }
0xca: {  	s12 =	sadd.s32 $0x2400, s12;
	s15 =	simm.s32 $0x1;
	s24 =	sadd.s32 $0xE0, s13;
	[tilespmem:$0x5A50] =	vst v0;
	vm15 =	vmmov $0x1;
	v16 =	vor.u32 s23, v2;
	v22 =	vsel vm9, $0x41200000, v21  }
0xcb: {  	s26 =	sadd.s32 $0x100, s13;
	s28 =	sadd.s32 $0x110, s13;
	s25 =	sadd.s32 $0xF0, s13;
	[tilespmem:$0x5A60] =	vst v0;
	v26 =	vsel vm15, $0xFFFFFFFF, v26;
	v17 =	vor.u32 s24, v2;
	v22 =	vsel vm10, $0x41300000, v22  }
0xcc: {  	s29 =	sadd.s32 $0x120, s13;
	s30 =	sshll.u32 s4, $0x4;
	s16 =	simm.s32 $0x5AA0;
	[tilespmem:$0x5A70] =	vst v0;
	v18 =	vor.u32 s25, v2;
	v24 =	vsel vm11, $0x41400000, v22;
	v22 =	vmul.u32 $0x10, v2  }
0xcd: {  	s17 =	simm.s32 $0x5B20;
	s14 =	sadd.s32 s30, s6;
	s18 =	simm.s32 $0x5800;
	[tilespmem:$0x1FFE0] =	vst v25;
	v19 =	vor.u32 s26, v2;
	v20 =	vor.u32 s28, v2;
	v24 =	vsel vm12, $0x41500000, v24  }
0xce: {  	s19 =	simm.s32 $0x5780;
	s13 =	sadd.s32 s30, s5;
	s20 =	simm.s32 $0x5880;
	[tilespmem:$0x1FFF0] =	vst v26;
	v21 =	vor.u32 s29, v2;
	v24 =	vsel vm13, $0x41600000, v24;
	v25 =	vor.u32 $0x8, v22  }
.LBB2_1:
0xcf: {  	v26 =	vld [tilespmem:$0x5600];
	_ =	sdelay $0x1  }
0xd0: {  	v27 =	vld [tilespmem:$0x5610];
	_ =	sdelay $0x1  }
0xd1: {  	v28 =	vld [tilespmem:$0x5620]  }
0xd2: {  	vm2 =	vgt.f32 v26, $-3.000000010e+38  }
0xd3: {  	v29 =	vld [tilespmem:$0x5630];
	v26 =	vnsel vm2, $0xFF61B1E6, v26  }
0xd4: {  	vm4 =	vgt.f32 v27, v26  }
0xd5: {  	v26 =	vsel vm4, v27, v26;
	v27 =	vld [tilespmem:$0x5640]  }
0xd6: {  	vm2 =	vgt.f32 v28, v26  }
0xd7: {  	v40 =	vld [tilespmem:$0x5650];
	v26 =	vsel vm2, v28, v26  }
0xd8: {  	vm5 =	vgt.f32 v29, v26  }
0xd9: {  	v41 =	vld [tilespmem:$0x5660];
	v26 =	vsel vm5, v29, v26  }
0xda: {  	vm6 =	vgt.f32 v27, v26  }
0xdb: {  	v26 =	vsel vm6, v27, v26;
	v27 =	vld [tilespmem:$0x5670]  }
0xdc: {  	vm7 =	vgt.f32 v40, v26  }
0xdd: {  	v42 =	vld [tilespmem:$0x5680];
	v26 =	vsel vm7, v40, v26  }
0xde: {  	vm8 =	vgt.f32 v41, v26  }
0xdf: {  	v43 =	vld [tilespmem:$0x5690];
	v26 =	vsel vm8, v41, v26  }
0xe0: {  	vm9 =	vgt.f32 v27, v26  }
0xe1: {  	v26 =	vsel vm9, v27, v26;
	v27 =	vld [tilespmem:$0x56A0]  }
0xe2: {  	vm10 =	vgt.f32 v42, v26  }
0xe3: {  	v44 =	vld [tilespmem:$0x56B0];
	v26 =	vsel vm10, v42, v26  }
0xe4: {  	vm11 =	vgt.f32 v43, v26  }
0xe5: {  	v45 =	vld [tilespmem:$0x56C0];
	v26 =	vsel vm11, v43, v26  }
0xe6: {  	vm12 =	vgt.f32 v27, v26  }
0xe7: {  	v26 =	vsel vm12, v27, v26;
	v27 =	vld [tilespmem:$0x56D0]  }
0xe8: {  	vm13 =	vgt.f32 v44, v26  }
0xe9: {  	v46 =	vld [tilespmem:$0x56E0];
	v26 =	vsel vm13, v44, v26  }
0xea: {  	vm14 =	vgt.f32 v45, v26  }
0xeb: {  	v47 =	vld [tilespmem:$0x56F0];
	v26 =	vsel vm14, v45, v26  }
0xec: {  	vm15 =	vgt.f32 v27, v26  }
0xed: {  	v30 =	vsel vm4, $0x41800000, v0;
	v26 =	vsel vm15, v27, v26;
	v27 =	vld [tilespmem:$0x5700]  }
0xee: {  	v30 =	vsel vm2, $0x42000000, v30;
	vm4 =	vgt.f32 v46, v26  }
0xef: {  	v48 =	vld [tilespmem:$0x5710];
	v30 =	vsel vm5, $0x42400000, v30;
	v26 =	vsel vm4, v46, v26  }
0xf0: {  	v30 =	vsel vm6, $0x42800000, v30;
	vm2 =	vgt.f32 v47, v26  }
0xf1: {  	v49 =	vld [tilespmem:$0x5720];
	v30 =	vsel vm7, $0x42A00000, v30;
	v26 =	vsel vm2, v47, v26  }
0xf2: {  	v30 =	vsel vm8, $0x42C00000, v30;
	vm5 =	vgt.f32 v27, v26  }
0xf3: {  	v30 =	vsel vm9, $0x42E00000, v30;
	v26 =	vsel vm5, v27, v26;
	v27 =	vld [tilespmem:$0x5730]  }
0xf4: {  	v30 =	vsel vm10, $0x43000000, v30;
	vm0 =	vgt.f32 v48, v26  }
0xf5: {  	v50 =	vsel vm11, $0x43100000, v30;
	v26 =	vsel vm0, v48, v26  }
0xf6: {  	v28 =	vsel vm12, $0x43200000, v50;
	vm1 =	vgt.f32 v49, v26  }
0xf7: {  	v28 =	vsel vm13, $0x43300000, v28;
	v26 =	vsel vm1, v49, v26  }
0xf8: {  	v28 =	vsel vm14, $0x43400000, v28;
	vm3 =	vgt.f32 v27, v26  }
0xf9: {  	v26 =	vsel vm3, v27, v26;
	v27 =	vsel vm15, $0x43500000, v28  }
0xfa: {  	(xrf0) =	vmax.scan.msk.f32 $0xffff, v26;
	v27 =	vsel vm4, $0x43600000, v27  }
0xfb: {  	v27 =	vsel vm2, $0x43700000, v27  }
0xfc: {  	v27 =	vsel vm5, $0x43800000, v27  }
0xfd: {  	v27 =	vsel vm0, $0x43880000, v27  }
0xfe: {  	v27 =	vsel vm1, $0x43900000, v27  }
0xff: {  	v27 =	vsel vm3, $0x43980000, v27  }
0x100: {  	v51, _, _ =	vpop (xrf0);
	v27 =	vadd.f32 v27, v1  }
0x101: {  	v28 =	vbroadcast v51, $0xF  }
0x102: {  	v27 =	vadd.f32 v24, v27  }
0x103: {  	vm9 =	veq.f32 v26, v28  }
0x104: {  	v26 =	vnsel vm9, $0x7F61B1E6, v27  }
0x105: {  	(xrf0) =	vmin.scan.msk.f32 $0xffff, v26;
	_ =	sdelay $0x2  }
0x106: {  	v27 =	vld [tilespmem:$0x1FFE0];
	_ =	sdelay $0x2  }
0x107: {  	v26, _, _ =	vpop (xrf0)  }
0x108: {  	v26 =	vbroadcast v26, $0xF  }
0x109: {  	vm0 =	vnez.u8 v27  }
0x10a: {  	v26 =	vsel vm0, v28, v26  }
0x10b: {  	[tilespmem:$0x5AA0] =	vst v26  }
0x10c: {  	[spmem:s13] =	stream.linear.scatter [tilespmem:s16], [sflag:$0x2], $0x10, $0x38;
	[tilespmem:$0xDC20] =	vst v63  }
0x10d: {  	_ =	swait.ge [sflag:s8], $0x10  }
0x10e: {  	[sflag:s8] =	ssyncset.done $0x0  }
0x10f: {  	[sflag:s8] =	ssyncadd.s32 $0xFFFFFFF0  }
0x110: {  	[bflag:$0x0] =	sbarrier.arrive $0xFFFF  }
0x111: {  	[tilespmem:s17], [sflag:$0x2] =	stream.linear.gather [spmem:s5], $0x100, $0x38;
	[tilespmem:$0xDC20] =	vst v63  }
0x112: {  	_ =	swait.ge [sflag:s8], $0x100  }
0x113: {  	[sflag:s8] =	ssyncset.done $0x0  }
0x114: {  	[sflag:s8] =	ssyncadd.s32 $0xFFFFFF00  }
0x115: {  	v26 =	vld.idx.msk [tilespmem:v22+s17+$0x0], $0xffff;
	_ =	sdelay $0x4  }
0x116: {  	(xrf0) =	vmax.scan.msk.f32 $0xffff, v26;
	_ =	sdelay $0x4  }
0x117: {  	v27 =	vld.idx.msk [tilespmem:v25+s17+$0x0], $0xffff  }
0x118: {  	v52, _, _ =	vpop (xrf0)  }
0x119: {  	v53 =	vbroadcast v52, $0xF;
	_ =	sdelay $0x1  }
0x11a: {  	vm10 =	veq.f32 v26, v53  }
0x11b: {  	v26 =	vnsel vm10, $0x7F61B1E6, v27  }
0x11c: {  	(xrf0) =	vmin.scan.msk.f32 $0xffff, v26;
	_ =	sdelay $0x5  }
0x11d: {  	(v2sf) =	vpush v52, $0xF;
	v26, _, _ =	vpop (xrf0)  }
0x11e: {  	(v2sf) =	vpush v26, $0xF;
	_ =	sdelay $0xd  }
0x11f: {  	s22 =	spop (v2sf)  }
0x120: {  	s21 =	spop (v2sf)  }
0x121: {  	s21 =	scvt.f32.s32 s21;
	_ =	sdelay $0x1  }
0x122: {  	p0 =	sgt.s32 s21, $0x0  }
0x123: {  	s21 =	simm.s32 @!p0 $0x0  }
0x124: {  	s21 =	smin.u32 s21, $0x13FF  }
0x125: {  	v54 =	vmov s21;
	_ =	sdelay $0x3  }
0x126: {  	v56 =	vld [tilespmem:$0x1FFF0]  }
0x127: {  	v26 =	vld.idx.msk [tilespmem:v54+s10+$0x0], $0xffff  }
0x128: {  	s23 =	sadd.s32 $0xFFFFFFFF, s15;
	v27 =	vld.idx.msk [tilespmem:v54+s11+$0x0], $0xffff  }
0x129: {  	v31 =	vmov s23;
	v28 =	vld.idx.msk [tilespmem:v54+s9+$0x0], $0xffff  }
0x12a: {  	v32 =	vshll.u32 v31, $0x2;
	p0 =	sgt.f32 s22, $-5.000000080e+29;
	v29 =	vld.idx.msk [tilespmem:v54+s7+$0x0], $0xffff  }
0x12b: {  	v32 =	vadd.s32 v2, v32;
	s22 =	simm.f32 $1.000000000e+00  }
0x12c: {  	vm11 =	vcmask $0x3F0C;
	s22 =	simm.s32 @!p0 $0x0  }
0x12d: {  	vm12 =	vcmask $0x3F08;
	v33 =	vmov s22;
	v34 =	vsel vm11, v27, v26  }
0x12e: {  	vm1 =	vnez.u8 v56;
	[tilespmem:v31+s18+$0x0] =	vst.idx.msk $0x1, v33;
	v55 =	vsel vm12, v34, v28  }
0x12f: {  	[tilespmem:v31+s19+$0x0] =	vst.idx.msk $0x1, v54;
	v30 =	vsel vm1, v29, v55  }
0x130: {  	[tilespmem:v32+s20+$0x0] =	vst.idx.msk $0xf, v30  }
0x131: {  	v30 =	vld [tilespmem:$0x5000]  }
0x132: {  	v31 =	vld [tilespmem:$0x5180]  }
0x133: {  	v32 =	vld [tilespmem:$0x5300]  }
0x134: {  	v57 =	vld [tilespmem:$0x5480]  }
0x135: {  	v58 =	vld [tilespmem:$0x5010]  }
0x136: {  	v35 =	vld [tilespmem:$0x5190]  }
0x137: {  	v36 =	vld [tilespmem:$0x5310]  }
0x138: {  	v39 =	vld [tilespmem:$0x5490]  }
0x139: {  	vm14 =	veq.s32 v3, s21;
	v59 =	vld [tilespmem:$0x5020]  }
0x13a: {  	vm0 =	veq.s32 v4, s21;
	vm10 =	veq.s32 v5, s21;
	vm8 =	veq.s32 v11, s21;
	v62 =	vld [tilespmem:$0x51A0]  }
0x13b: {  	v37 =	vsub.f32 v26, v29;
	v38 =	vsub.f32 v27, v28;
	v49 =	vld [tilespmem:$0x5320];
	v40 =	vmax.f32 v29, v30  }
0x13c: {  	v41 =	vmax.f32 v28, v31;
	v42 =	vmin.f32 v26, v32;
	v43 =	vmin.f32 v27, v57  }
0x13d: {  	v51 =	vld [tilespmem:$0x54A0];
	v32 =	vsub.f32 v32, v30;
	v31 =	vsub.f32 v57, v31;
	v30 =	vmul.f32 v38, v37  }
0x13e: {  	v63 =	vmax.f32 v29, v58;
	v48 =	vmin.f32 v26, v36;
	v50 =	vmax.f32 v28, v35  }
0x13f: {  	v56 =	vld [tilespmem:$0x5030];
	v44 =	vmin.f32 v27, v39;
	v34 =	vsub.f32 v36, v58;
	v35 =	vsub.f32 v39, v35  }
0x140: {  	v53 =	vmax.f32 v29, v59;
	v54 =	vmax.f32 v28, v62;
	v33 =	vsub.f32 v49, v59  }
0x141: {  	v47 =	vld [tilespmem:$0x5350];
	v55 =	vmin.f32 v26, v49;
	v60 =	vsub.f32 v42, v40;
	v61 =	vsub.f32 v43, v41  }
0x142: {  	v45 =	vmin.f32 v27, v51;
	v57 =	vld [tilespmem:$0x5330];
	v43 =	vsub.f32 v44, v50;
	v40 =	vsub.f32 v51, v62  }
0x143: {  	v49 =	vld [tilespmem:$0x5340];
	v58 =	vsub.f32 v55, v53;
	v59 =	vsub.f32 v45, v54;
	v31 =	vmul.f32 v31, v32  }
0x144: {  	v62 =	vld [tilespmem:$0x5040];
	v32 =	vsub.f32 v48, v63;
	v34 =	vmul.f32 v35, v34;
	v63 =	vmax.f32 v29, v56  }
0x145: {  	v51 =	vld [tilespmem:$0x51C0];
	v37 =	vmax.f32 v60, $0.0e+00;
	v38 =	vmax.f32 v61, $0.0e+00;
	v52 =	vmax.f32 v43, $0.0e+00  }
0x146: {  	v55 =	vld [tilespmem:$0x5050];
	v33 =	vmul.f32 v40, v33;
	v35 =	vmax.f32 v58, $0.0e+00;
	v36 =	vmax.f32 v59, $0.0e+00  }
0x147: {  	v37 =	vmul.f32 v38, v37;
	v31 =	vadd.f32 v31, v30;
	v32 =	vmax.f32 v32, $0.0e+00  }
0x148: {  	v60 =	vld [tilespmem:$0x51B0];
	v34 =	vadd.f32 v34, v30;
	v35 =	vmul.f32 v36, v35;
	v32 =	vmul.f32 v52, v32  }
0x149: {  	v61 =	vld [tilespmem:$0x54B0];
	v33 =	vadd.f32 v33, v30;
	v48 =	vmin.f32 v26, v57;
	v41 =	vsub.f32 v57, v56  }
0x14a: {  	v58 =	vmin.f32 v26, v49;
	v31 =	vsub.f32 v31, v37;
	v40 =	vsub.f32 v48, v63  }
0x14b: {  	v52 =	vld [tilespmem:$0x54C0];
	v57 =	vmax.f32 v29, v62;
	v42 =	vmax.f32 v28, v51;
	v44 =	vsub.f32 v47, v55  }
0x14c: {  	v56 =	vld [tilespmem:$0x51D0];
	v63 =	vmax.f32 v29, v55;
	v34 =	vsub.f32 v34, v32;
	v33 =	vsub.f32 v33, v35  }
0x14d: {  	v59 =	vsub.f32 v58, v57;
	v31 =	vadd.f32 $9.999999710e-10, v31;
	v50 =	vmax.f32 v28, v60  }
0x14e: {  	v55 =	vld [tilespmem:$0x51E0];
	v46 =	vmin.f32 v27, v61;
	v38 =	vsub.f32 v61, v60;
	v61 =	vsub.f32 v49, v62  }
0x14f: {  	v40 =	vmax.f32 v40, $0.0e+00;
	v53 =	vadd.f32 $9.999999710e-10, v34;
	v54 =	vsub.f32 v46, v50  }
0x150: {  	v58 =	vld [tilespmem:$0x54E0];
	v33 =	vadd.f32 $9.999999710e-10, v33;
	(erf) = vrcp.f32 v31;
	v38 =	vmul.f32 v38, v41  }
0x151: {  	v60 =	vld [tilespmem:$0x54D0];
	v62 =	vsub.f32 v52, v51;
	v39 =	vmin.f32 v27, v52;
	v52 =	vmax.f32 v28, v56  }
0x152: {  	v34 =	vmax.f32 v54, $0.0e+00;
	(erf) = vrcp.f32 v53;
	v39 =	vsub.f32 v39, v42  }
0x153: {  	v53 =	vmin.f32 v26, v47;
	v45 =	vmax.f32 v28, v55;
	v34 =	vmul.f32 v34, v40  }
0x154: {  	v38 =	vadd.f32 v38, v30;
	v40 =	vmax.f32 v59, $0.0e+00;
	v31 =	vmul.f32 v62, v61  }
0x155: {  	v54 =	vld [tilespmem:$0x5060];
	v36 =	vsub.f32 v53, v63;
	(erf) = vrcp.f32 v33;
	v62 =	vsub.f32 v58, v55  }
0x156: {  	v33 =	vld [tilespmem:$0x5070];
	v48 =	vmin.f32 v27, v60;
	v41 =	vsub.f32 v60, v56;
	v39 =	vmax.f32 v39, $0.0e+00  }
0x157: {  	v63 =	vld [tilespmem:$0x5370];
	v38 =	vsub.f32 v38, v34;
	v42 =	vsub.f32 v48, v52;
	v39 =	vmul.f32 v39, v40  }
0x158: {  	v56 =	vld [tilespmem:$0x5360];
	v31 =	vadd.f32 v31, v30;
	v36 =	vmax.f32 v36, $0.0e+00;
	v57 =	vmul.f32 v41, v44  }
0x159: {  	v52 =	vld [tilespmem:$0x54F0];
	v41 =	vmin.f32 v27, v58;
	v38 =	vadd.f32 $9.999999710e-10, v38;
	v42 =	vmax.f32 v42, $0.0e+00  }
0x15a: {  	v31 =	vsub.f32 v31, v39;
	v60 =	vmax.f32 v29, v54;
	v41 =	vsub.f32 v41, v45  }
0x15b: {  	v36 =	vmul.f32 v42, v36;
	v40 =	vadd.f32 v57, v30;
	v57 =	vmax.f32 v29, v33  }
0x15c: {  	v33 =	vsub.f32 v63, v33;
	(erf) = vrcp.f32 v38;
	v31 =	vadd.f32 $9.999999710e-10, v31  }
0x15d: {  	v61 =	vsub.f32 v56, v54;
	v43 =	vmin.f32 v26, v56;
	v59 =	vsub.f32 v40, v36;
	v40 =	vld [tilespmem:$0x51F0]  }
0x15e: {  	v41 =	vmax.f32 v41, $0.0e+00;
	v42 =	vsub.f32 v43, v60;
	v60 =	vmin.f32 v27, v52;
	v45 =	vpop (erf)  }
0x15f: {  	v53 =	vmul.f32 v62, v61;
	(erf) = vrcp.f32 v31;
	v50 =	vpop (erf);
	v54 =	vadd.f32 $9.999999710e-10, v59  }
0x160: {  	v55 =	vmax.f32 v42, $0.0e+00;
	v59 =	vmin.f32 v26, v63;
	v32 =	vmul.f32 v50, v32  }
0x161: {  	v56 =	vadd.f32 v53, v30;
	v38 =	vmul.f32 v41, v55;
	v61 =	vsub.f32 v59, v57  }
0x162: {  	v51 =	vld [tilespmem:$0x5620];
	(erf) = vrcp.f32 v54;
	v58 =	vmax.f32 v28, v40;
	v40 =	vsub.f32 v52, v40  }
0x163: {  	v42 =	vld [tilespmem:$0x5080];
	vm15 =	vgt.f32 v32, $3.000000120e-01;
	v46 =	vsub.f32 v56, v38;
	v52 =	vpop (erf);
	v62 =	vsub.f32 v60, v58  }
0x164: {  	v48 =	vld [tilespmem:$0x5600];
	v41 =	vmax.f32 v61, $0.0e+00;
	v35 =	vmul.f32 v52, v35;
	v63 =	vmul.f32 v40, v33  }
0x165: {  	v44 =	vld [tilespmem:$0x5200];
	v33 =	vmul.f32 v45, v37;
	v40 =	vadd.f32 $9.999999710e-10, v46;
	v47 =	vmax.f32 v62, $0.0e+00  }
0x166: {  	v60 =	vld [tilespmem:$0x5500];
	vm9 =	vgt.f32 v35, $3.000000120e-01;
	v37 =	vmul.f32 v47, v41;
	v31 =	vadd.f32 v63, v30  }
0x167: {  	v56 =	vpop (erf);
	vm13 =	vgt.f32 v33, $3.000000120e-01;
	(erf) = vrcp.f32 v40;
	vm11 =	vmor vm10, vm9  }
0x168: {  	v49 =	vld [tilespmem:$0x5610];
	v34 =	vmul.f32 v56, v34;
	vm9 =	veq.s32 v8, s21;
	v63 =	vmax.f32 v29, v42  }
0x169: {  	v41 =	vld [tilespmem:$0x5380];
	vm2 =	vmor vm14, vm13;
	v57 =	vpop (erf);
	v32 =	vsel vm11, $0xF149F2CA, v51;
	v31 =	vsub.f32 v31, v37  }
0x16a: {  	v43 =	vld [tilespmem:$0x5210];
	vm13 =	veq.s32 v6, s21;
	v35 =	vmul.f32 v57, v39;
	vm12 =	vgt.f32 v34, $3.000000120e-01  }
0x16b: {  	v53 =	vld [tilespmem:$0x5630];
	v39 =	vsub.f32 v60, v44;
	v54 =	vadd.f32 $9.999999710e-10, v31;
	v31 =	vsel vm2, $0xF149F2CA, v48  }
0x16c: {  	v55 =	vld [tilespmem:$0x5640];
	vm2 =	vmor vm0, vm15;
	v58 =	vpop (erf);
	vm14 =	vgt.f32 v35, $3.000000120e-01;
	vm15 =	veq.s32 v7, s21  }
0x16d: {  	v33 =	vsel vm2, $0xF149F2CA, v49;
	v59 =	vmul.f32 v58, v36;
	vm2 =	vmor vm13, vm12  }
0x16e: {  	v45 =	vld [tilespmem:$0x5090];
	vm4 =	vmor vm15, vm14;
	v52 =	vmin.f32 v26, v41;
	v49 =	vmin.f32 v27, v60  }
0x16f: {  	v61 =	vld [tilespmem:$0x5650];
	vm12 =	veq.s32 v9, s21;
	v41 =	vsub.f32 v41, v42;
	v60 =	vmax.f32 v28, v43  }
0x170: {  	vm14 =	veq.s32 v10, s21;
	(erf) = vrcp.f32 v54;
	v35 =	vsel vm2, $0xF149F2CA, v53;
	v53 =	vld [tilespmem:$0x5390]  }
0x171: {  	v34 =	vsel vm4, $0xF149F2CA, v55;
	v54 =	vmax.f32 v28, v44;
	v40 =	vsub.f32 v52, v63;
	v55 =	vld [tilespmem:$0x5510]  }
0x172: {  	v63 =	vld [tilespmem:$0x53A0];
	vm2 =	veq.s32 v17, s21;
	vm0 =	vgt.f32 v59, $3.000000120e-01;
	v48 =	vsub.f32 v49, v54  }
0x173: {  	v59 =	vmax.f32 v29, v45;
	v39 =	vmul.f32 v39, v41;
	v54 =	vld [tilespmem:$0x5520];
	vm10 =	vmor vm9, vm0  }
0x174: {  	v52 =	vld [tilespmem:$0x5220];
	v57 =	vmax.f32 v40, $0.0e+00;
	v62 =	vpop (erf);
	v36 =	vsel vm10, $0xF149F2CA, v61;
	v58 =	vmax.f32 v48, $0.0e+00  }
0x175: {  	v40 =	vld [tilespmem:$0x50B0];
	v39 =	vadd.f32 v39, v30;
	v38 =	vmul.f32 v62, v38;
	v61 =	vmin.f32 v26, v53  }
0x176: {  	v50 =	vmin.f32 v27, v55;
	v45 =	vsub.f32 v53, v45;
	v43 =	vsub.f32 v55, v43  }
0x177: {  	v62 =	vld [tilespmem:$0x50A0];
	vm11 =	vgt.f32 v38, $3.000000120e-01;
	v48 =	vsub.f32 v61, v59;
	v51 =	vsub.f32 v50, v60  }
0x178: {  	v38 =	vmul.f32 v58, v57;
	v57 =	vmin.f32 v26, v63;
	v59 =	vmin.f32 v27, v54  }
0x179: {  	v58 =	vld [tilespmem:$0x53B0];
	vm4 =	vmor vm12, vm11;
	v53 =	vmul.f32 v43, v45;
	v43 =	vsub.f32 v54, v52  }
0x17a: {  	v60 =	vld [tilespmem:$0x5530];
	v61 =	vmax.f32 v29, v40;
	vm11 =	veq.s32 v12, s21;
	v41 =	vmax.f32 v48, $0.0e+00  }
0x17b: {  	v42 =	vmax.f32 v51, $0.0e+00;
	v39 =	vsub.f32 v39, v38;
	v56 =	vpop (erf);
	v55 =	vadd.f32 v53, v30  }
0x17c: {  	v46 =	vsub.f32 v63, v62;
	v37 =	vmul.f32 v56, v37;
	v56 =	vmax.f32 v29, v62  }
0x17d: {  	v49 =	vld [tilespmem:$0x50C0];
	v41 =	vmul.f32 v42, v41;
	v39 =	vadd.f32 $9.999999710e-10, v39;
	v42 =	vsub.f32 v57, v56  }
0x17e: {  	v63 =	vld [tilespmem:$0x5540];
	v43 =	vmul.f32 v43, v46;
	v51 =	vmin.f32 v26, v58;
	v57 =	vsub.f32 v58, v40  }
0x17f: {  	v56 =	vld [tilespmem:$0x5230];
	v44 =	vmin.f32 v27, v60;
	vm13 =	vgt.f32 v37, $3.000000120e-01;
	v37 =	vsub.f32 v55, v41  }
0x180: {  	v46 =	vld [tilespmem:$0x5240];
	v55 =	vmax.f32 v28, v52;
	v62 =	vsub.f32 v51, v61;
	(erf) = vrcp.f32 v39  }
0x181: {  	v52 =	vld [tilespmem:$0x53C0];
	v48 =	vsub.f32 v59, v55;
	v42 =	vmax.f32 v42, $0.0e+00;
	v43 =	vadd.f32 v43, v30  }
0x182: {  	vm15 =	vmor vm14, vm13;
	vm14 =	veq.s32 v13, s21;
	v37 =	vadd.f32 $9.999999710e-10, v37  }
0x183: {  	v53 =	vld [tilespmem:$0x5250];
	v59 =	vmax.f32 v62, $0.0e+00;
	v54 =	vmin.f32 v27, v63;
	v48 =	vmax.f32 v48, $0.0e+00  }
0x184: {  	v42 =	vmul.f32 v48, v42;
	v58 =	vsub.f32 v60, v56;
	v45 =	vmax.f32 v28, v56  }
0x185: {  	v60 =	vmax.f32 v29, v49;
	v61 =	vmax.f32 v28, v46;
	v46 =	vsub.f32 v63, v46  }
0x186: {  	v40 =	vld [tilespmem:$0x50D0];
	(erf) = vrcp.f32 v37;
	v44 =	vsub.f32 v44, v45;
	v49 =	vsub.f32 v52, v49  }
0x187: {  	v63 =	vld [tilespmem:$0x53D0];
	v62 =	vmin.f32 v26, v52;
	v48 =	vsub.f32 v54, v61;
	v43 =	vsub.f32 v43, v42  }
0x188: {  	v39 =	vmul.f32 v58, v57;
	v45 =	vsub.f32 v62, v60;
	v60 =	vmax.f32 v28, v53  }
0x189: {  	v57 =	vld [tilespmem:$0x5550];
	v44 =	vmax.f32 v44, $0.0e+00;
	v46 =	vmul.f32 v46, v49;
	v58 =	vmax.f32 v48, $0.0e+00  }
0x18a: {  	v51 =	vld [tilespmem:$0x50E0];
	v44 =	vmul.f32 v44, v59;
	v39 =	vadd.f32 v39, v30;
	v45 =	vmax.f32 v45, $0.0e+00  }
0x18b: {  	v49 =	vld [tilespmem:$0x5260];
	v43 =	vadd.f32 $9.999999710e-10, v43;
	v59 =	vmax.f32 v29, v40;
	v45 =	vmul.f32 v58, v45  }
0x18c: {  	v46 =	vadd.f32 v46, v30;
	v61 =	vmin.f32 v26, v63;
	v40 =	vsub.f32 v63, v40  }
0x18d: {  	v58 =	vld [tilespmem:$0x53E0];
	v39 =	vsub.f32 v39, v44;
	v55 =	vsub.f32 v61, v59;
	(erf) = vrcp.f32 v43  }
0x18e: {  	v47 =	vld [tilespmem:$0x5660];
	v62 =	vmin.f32 v27, v57;
	v63 =	vsub.f32 v57, v53;
	v57 =	vsub.f32 v46, v45  }
0x18f: {  	v59 =	vld [tilespmem:$0x5560];
	v61 =	vmax.f32 v29, v51;
	v56 =	vsub.f32 v62, v60;
	v39 =	vadd.f32 $9.999999710e-10, v39  }
0x190: {  	v37 =	vmax.f32 v55, $0.0e+00;
	v60 =	vpop (erf);
	v62 =	vmax.f32 v28, v49;
	v40 =	vmul.f32 v63, v40  }
0x191: {  	v43 =	vadd.f32 $9.999999710e-10, v57;
	v38 =	vmul.f32 v60, v38;
	v48 =	vmax.f32 v56, $0.0e+00  }
0x192: {  	(erf) = vrcp.f32 v39;
	v63 =	vmin.f32 v26, v58;
	v46 =	vsub.f32 v58, v51  }
0x193: {  	v48 =	vmul.f32 v48, v37;
	v40 =	vadd.f32 v40, v30;
	v37 =	vsel vm4, $0xF149F2CA, v47  }
0x194: {  	v56 =	vld [tilespmem:$0x5670];
	(erf) = vrcp.f32 v43;
	v57 =	vmin.f32 v27, v59;
	v49 =	vsub.f32 v59, v49  }
0x195: {  	v60 =	vld [tilespmem:$0x5680];
	vm0 =	vgt.f32 v38, $3.000000120e-01;
	v58 =	vsub.f32 v63, v61;
	v61 =	vpop (erf);
	v59 =	vsub.f32 v57, v62  }
0x196: {  	v62 =	vld [tilespmem:$0x5690];
	v41 =	vmul.f32 v61, v41;
	vm9 =	vmor vm8, vm0;
	v46 =	vmul.f32 v49, v46  }
0x197: {  	v52 =	vld [tilespmem:$0x50F0];
	v39 =	vsub.f32 v40, v48;
	v38 =	vmax.f32 v58, $0.0e+00;
	v40 =	vmax.f32 v59, $0.0e+00  }
0x198: {  	v47 =	vld [tilespmem:$0x56A0];
	vm10 =	vgt.f32 v41, $3.000000120e-01;
	v51 =	vmul.f32 v40, v38;
	v54 =	vadd.f32 v46, v30  }
0x199: {  	v61 =	vld [tilespmem:$0x53F0];
	v39 =	vadd.f32 $9.999999710e-10, v39;
	v63 =	vpop (erf);
	v38 =	vsel vm15, $0xF149F2CA, v56;
	vm12 =	vmor vm11, vm10  }
0x19a: {  	v53 =	vld [tilespmem:$0x5280];
	vm11 =	veq.s32 v15, s21;
	v55 =	vmul.f32 v63, v42;
	v57 =	vsub.f32 v54, v51  }
0x19b: {  	v63 =	vld [tilespmem:$0x5570];
	(erf) = vrcp.f32 v39;
	v39 =	vsel vm9, $0xF149F2CA, v60;
	v40 =	vsel vm12, $0xF149F2CA, v62  }
0x19c: {  	v62 =	vld [tilespmem:$0x5270];
	vm9 =	veq.s32 v14, s21;
	vm13 =	vgt.f32 v55, $3.000000120e-01;
	v58 =	vpop (erf);
	v41 =	vadd.f32 $9.999999710e-10, v57  }
0x19d: {  	v49 =	vld [tilespmem:$0x5580];
	vm15 =	vmor vm14, vm13;
	vm14 =	veq.s32 v16, s21;
	v59 =	vmul.f32 v58, v44  }
0x19e: {  	v46 =	vld [tilespmem:$0x56B0];
	v60 =	vpop (erf);
	v42 =	vsel vm15, $0xF149F2CA, v47;
	v58 =	vmax.f32 v29, v52;
	v44 =	vsub.f32 v61, v52  }
0x19f: {  	v56 =	vld [tilespmem:$0x56C0];
	vm15 =	vgt.f32 v31, $-3.000000010e+38;
	v43 =	vmul.f32 v60, v45;
	(erf) = vrcp.f32 v41  }
0x1a0: {  	v54 =	vld [tilespmem:$0x5400];
	v55 =	vmin.f32 v27, v63;
	vm8 =	vgt.f32 v59, $3.000000120e-01;
	v59 =	vmin.f32 v26, v61  }
0x1a1: {  	v52 =	vld [tilespmem:$0x5590];
	v60 =	vmax.f32 v28, v62;
	v45 =	vsub.f32 v63, v62;
	vm4 =	vmor vm9, vm8  }
0x1a2: {  	vm10 =	vgt.f32 v43, $3.000000120e-01;
	v50 =	vsub.f32 v59, v58;
	v61 =	vsub.f32 v55, v60  }
0x1a3: {  	v60 =	vsub.f32 v49, v53;
	v53 =	vmax.f32 v28, v53;
	v41 =	vsel vm4, $0xF149F2CA, v46;
	v46 =	vld [tilespmem:$0x5100]  }
0x1a4: {  	v49 =	vmin.f32 v27, v49;
	vm12 =	vmor vm11, vm10;
	v44 =	vmul.f32 v45, v44;
	v45 =	vld [tilespmem:$0x5290];
	v57 =	vpop (erf)  }
0x1a5: {  	v49 =	vsub.f32 v49, v53;
	v43 =	vsel vm12, $0xF149F2CA, v56;
	v56 =	vld [tilespmem:$0x5410];
	v47 =	vmul.f32 v57, v48  }
0x1a6: {  	v63 =	vmin.f32 v26, v54;
	v50 =	vmax.f32 v50, $0.0e+00;
	v58 =	vmin.f32 v27, v52  }
0x1a7: {  	v44 =	vadd.f32 v44, v30;
	v49 =	vmax.f32 v49, $0.0e+00;
	v48 =	vld [tilespmem:$0x5110];
	vm13 =	vgt.f32 v47, $3.000000120e-01  }
0x1a8: {  	v47 =	vmax.f32 v61, $0.0e+00;
	v62 =	vmax.f32 v29, v46;
	v46 =	vsub.f32 v54, v46  }
0x1a9: {  	vm4 =	vmor vm14, vm13;
	v47 =	vmul.f32 v47, v50;
	v59 =	vsub.f32 v63, v62  }
0x1aa: {  	v53 =	vld [tilespmem:$0x56D0];
	v57 =	vpop (erf);
	v62 =	vmax.f32 v28, v45;
	v63 =	vmin.f32 v26, v56;
	v45 =	vsub.f32 v52, v45  }
0x1ab: {  	v52 =	vld [tilespmem:$0x5120];
	v51 =	vmul.f32 v57, v51;
	v46 =	vmul.f32 v60, v46;
	v55 =	vsub.f32 v58, v62  }
0x1ac: {  	v44 =	vsub.f32 v44, v47;
	v50 =	vmax.f32 v59, $0.0e+00;
	v61 =	vmax.f32 v29, v48  }
0x1ad: {  	v48 =	vsub.f32 v56, v48;
	v56 =	vld [tilespmem:$0x52A0];
	v54 =	vsub.f32 v63, v61;
	v49 =	vmul.f32 v49, v50  }
0x1ae: {  	v46 =	vadd.f32 v46, v30;
	v62 =	vmax.f32 v55, $0.0e+00;
	v63 =	vld [tilespmem:$0x55A0];
	vm11 =	vgt.f32 v51, $3.000000120e-01  }
0x1af: {  	v55 =	vld [tilespmem:$0x5130];
	v45 =	vmul.f32 v45, v48;
	v60 =	vadd.f32 $9.999999710e-10, v44;
	v44 =	vsel vm4, $0xF149F2CA, v53  }
0x1b0: {  	v48 =	vld [tilespmem:$0x5420];
	v61 =	vmax.f32 v54, $0.0e+00;
	v46 =	vsub.f32 v46, v49;
	v50 =	vmax.f32 v29, v52  }
0x1b1: {  	v54 =	vmul.f32 v62, v61;
	v45 =	vadd.f32 v45, v30;
	(erf) = vrcp.f32 v60  }
0x1b2: {  	v60 =	vnsel vm15, $0xFF61B1E6, v31;
	v46 =	vadd.f32 $9.999999710e-10, v46;
	v51 =	vmax.f32 v28, v56  }
0x1b3: {  	vm4 =	vgt.f32 v33, v60;
	v45 =	vsub.f32 v45, v54;
	v62 =	vmin.f32 v27, v63  }
0x1b4: {  	v63 =	vsub.f32 v63, v56;
	v53 =	vsel vm4, v33, v60;
	v29 =	vmax.f32 v29, v55  }
0x1b5: {  	v56 =	vld [tilespmem:$0x52B0];
	v61 =	vmin.f32 v26, v48;
	v48 =	vsub.f32 v48, v52;
	vm5 =	vgt.f32 v32, v53  }
0x1b6: {  	v60 =	vld [tilespmem:$0x5430];
	v51 =	vsub.f32 v62, v51;
	(erf) = vrcp.f32 v46;
	v53 =	vsel vm5, v32, v53  }
0x1b7: {  	v50 =	vsub.f32 v61, v50;
	v45 =	vadd.f32 $9.999999710e-10, v45;
	vm6 =	vgt.f32 v35, v53  }
0x1b8: {  	v61 =	vld [tilespmem:$0x55B0];
	v48 =	vmul.f32 v63, v48;
	v51 =	vmax.f32 v51, $0.0e+00;
	v62 =	vsel vm6, v35, v53  }
0x1b9: {  	v50 =	vmax.f32 v50, $0.0e+00;
	(erf) = vrcp.f32 v45;
	vm7 =	vgt.f32 v34, v62  }
0x1ba: {  	v50 =	vmul.f32 v51, v50;
	v48 =	vadd.f32 v48, v30;
	v53 =	vsel vm7, v34, v62  }
0x1bb: {  	v28 =	vmax.f32 v28, v56;
	v26 =	vmin.f32 v26, v60;
	vm8 =	vgt.f32 v36, v53  }
0x1bc: {  	v55 =	vsub.f32 v60, v55;
	v26 =	vsub.f32 v26, v29;
	v46 =	vsel vm8, v36, v53  }
0x1bd: {  	v27 =	vmin.f32 v27, v61;
	v58 =	vsub.f32 v61, v56;
	vm9 =	vgt.f32 v37, v46  }
0x1be: {  	v63 =	vsub.f32 v48, v50;
	v27 =	vsub.f32 v27, v28;
	v59 =	vsel vm9, v37, v46  }
0x1bf: {  	v26 =	vmax.f32 v26, $0.0e+00;
	v61 =	vmul.f32 v58, v55;
	vm10 =	vgt.f32 v38, v59  }
0x1c0: {  	v62 =	vld [tilespmem:$0x56E0];
	v60 =	vadd.f32 $9.999999710e-10, v63;
	v27 =	vmax.f32 v27, $0.0e+00;
	v28 =	vsel vm10, v38, v59  }
0x1c1: {  	v26 =	vmul.f32 v27, v26;
	v27 =	vadd.f32 v61, v30;
	vm12 =	vgt.f32 v39, v28  }
0x1c2: {  	vm3 =	veq.s32 v18, s21;
	vm2 =	vmor vm2, vm11;
	v28 =	vsel vm12, v39, v28  }
0x1c3: {  	v63 =	vpop (erf);
	(erf) = vrcp.f32 v60;
	v27 =	vsub.f32 v27, v26;
	vm11 =	vgt.f32 v40, v28  }
0x1c4: {  	v57 =	vsel vm4, $0x41800000, v0;
	v48 =	vld [tilespmem:$0x56F0];
	v47 =	vmul.f32 v63, v47;
	v28 =	vsel vm11, v40, v28  }
0x1c5: {  	v45 =	vsel vm2, $0xF149F2CA, v62;
	v51 =	vpop (erf);
	v27 =	vadd.f32 $9.999999710e-10, v27;
	vm13 =	vgt.f32 v42, v28  }
0x1c6: {  	v52 =	vld [tilespmem:$0x5700];
	v30 =	vmul.f32 v51, v49;
	vm0 =	vgt.f32 v47, $3.000000120e-01;
	v28 =	vsel vm13, v42, v28  }
0x1c7: {  	vm2 =	vmor vm3, vm0;
	(erf) = vrcp.f32 v27;
	vm14 =	vgt.f32 v41, v28  }
0x1c8: {  	vm15 =	vgt.f32 v30, $3.000000120e-01;
	vm3 =	veq.s32 v19, s21;
	v28 =	vsel vm14, v41, v28  }
0x1c9: {  	v53 =	vpop (erf);
	v29 =	vsel vm2, $0xF149F2CA, v48;
	vm2 =	vmor vm3, vm15;
	v27 =	vld [tilespmem:$0x5710];
	vm15 =	vgt.f32 v43, v28  }
0x1ca: {  	v47 =	vsel vm5, $0x42000000, v57;
	v30 =	vmul.f32 v53, v54;
	v28 =	vsel vm15, v43, v28  }
0x1cb: {  	vm0 =	veq.s32 v20, s21;
	v55 =	vsel vm2, $0xF149F2CA, v52;
	vm2 =	vgt.f32 v44, v28  }
0x1cc: {  	v59 =	vsel vm6, $0x42400000, v47;
	vm3 =	vgt.f32 v30, $3.000000120e-01;
	v56 =	vpop (erf);
	v28 =	vsel vm2, v44, v28  }
0x1cd: {  	v58 =	vld [tilespmem:$0x5720];
	vm0 =	vmor vm0, vm3;
	v46 =	vmul.f32 v56, v50;
	vm4 =	vgt.f32 v45, v28  }
0x1ce: {  	vm3 =	veq.s32 v21, s21;
	v27 =	vsel vm0, $0xF149F2CA, v27;
	v28 =	vsel vm4, v45, v28  }
0x1cf: {  	vm0 =	vgt.f32 v46, $3.000000120e-01;
	v46 =	vsel vm7, $0x42800000, v59;
	vm5 =	vgt.f32 v29, v28  }
0x1d0: {  	vm0 =	vmor vm3, vm0;
	v46 =	vsel vm8, $0x42A00000, v46;
	v60 =	vpop (erf);
	v28 =	vsel vm5, v29, v28  }
0x1d1: {  	v61 =	vld [tilespmem:$0x5730];
	v46 =	vsel vm9, $0x42C00000, v46;
	v26 =	vmul.f32 v60, v26;
	vm3 =	vgt.f32 v55, v28  }
0x1d2: {  	v62 =	vsel vm0, $0xF149F2CA, v58;
	v46 =	vsel vm10, $0x42E00000, v46;
	v28 =	vsel vm3, v55, v28  }
0x1d3: {  	vm0 =	vgt.f32 v26, $3.000000120e-01;
	v26 =	vsel vm12, $0x43000000, v46;
	vm9 =	vgt.f32 v27, v28  }
0x1d4: {  	vm10 =	veq.s32 v23, s21;
	v26 =	vsel vm11, $0x43100000, v26;
	v28 =	vsel vm9, v27, v28  }
0x1d5: {  	vm0 =	vmor vm10, vm0;
	v26 =	vsel vm13, $0x43200000, v26;
	vm11 =	vgt.f32 v62, v28  }
0x1d6: {  	v63 =	vsel vm0, $0xF149F2CA, v61;
	v26 =	vsel vm14, $0x43300000, v26;
	v28 =	vsel vm11, v62, v28  }
0x1d7: {  	v26 =	vsel vm15, $0x43400000, v26;
	vm0 =	vgt.f32 v63, v28  }
0x1d8: {  	v26 =	vsel vm2, $0x43500000, v26;
	v28 =	vsel vm0, v63, v28  }
0x1d9: {  	v26 =	vsel vm4, $0x43600000, v26;
	(xrf0) =	vmax.scan.msk.f32 $0xffff, v28  }
0x1da: {  	[tilespmem:$0x5620] =	vst v32;
	v26 =	vsel vm5, $0x43700000, v26  }
0x1db: {  	[tilespmem:$0x5600] =	vst v31;
	v26 =	vsel vm3, $0x43800000, v26  }
0x1dc: {  	[tilespmem:$0x5610] =	vst v33;
	v26 =	vsel vm9, $0x43880000, v26  }
0x1dd: {  	[tilespmem:$0x5630] =	vst v35;
	v26 =	vsel vm11, $0x43900000, v26  }
0x1de: {  	[tilespmem:$0x5640] =	vst v34;
	v26 =	vsel vm0, $0x43980000, v26  }
0x1df: {  	[tilespmem:$0x5650] =	vst v36;
	v26 =	vadd.f32 v26, v1;
	v36, _, _ =	vpop (xrf0)  }
0x1e0: {  	[tilespmem:$0x5660] =	vst v37;
	v31 =	vbroadcast v36, $0xF  }
0x1e1: {  	[tilespmem:$0x5670] =	vst v38;
	v26 =	vadd.f32 v24, v26  }
0x1e2: {  	[tilespmem:$0x5680] =	vst v39;
	vm12 =	veq.f32 v28, v31  }
0x1e3: {  	[tilespmem:$0x5690] =	vst v40;
	v26 =	vnsel vm12, $0x7F61B1E6, v26  }
0x1e4: {  	[tilespmem:$0x56A0] =	vst v42;
	(xrf0) =	vmin.scan.msk.f32 $0xffff, v26  }
0x1e5: {  	[tilespmem:$0x56B0] =	vst v41  }
0x1e6: {  	[tilespmem:$0x56C0] =	vst v43  }
0x1e7: {  	[tilespmem:$0x5710] =	vst v27;
	v27 =	vld [tilespmem:$0x1FFE0]  }
0x1e8: {  	[tilespmem:$0x56D0] =	vst v44  }
0x1e9: {  	[tilespmem:$0x56E0] =	vst v45  }
0x1ea: {  	[tilespmem:$0x56F0] =	vst v29;
	v26, _, _ =	vpop (xrf0)  }
0x1eb: {  	[tilespmem:$0x5700] =	vst v55;
	v26 =	vbroadcast v26, $0xF  }
0x1ec: {  	[tilespmem:$0x5720] =	vst v62;
	vm13 =	vnez.u8 v27  }
0x1ed: {  	[tilespmem:$0x5730] =	vst v63;
	v26 =	vsel vm13, v31, v26  }
0x1ee: {  	[tilespmem:$0x5AA0] =	vst v26  }
0x1ef: {  	[spmem:s14] =	stream.linear.scatter [tilespmem:s16], [sflag:$0x2], $0x10, $0x38;
	[tilespmem:$0xDC20] =	vst v63  }
0x1f0: {  	_ =	swait.ge [sflag:s8], $0x10  }
0x1f1: {  	[sflag:s8] =	ssyncset.done $0x0  }
0x1f2: {  	[sflag:s8] =	ssyncadd.s32 $0xFFFFFFF0  }
0x1f3: {  	[bflag:$0x0] =	sbarrier.arrive $0xFFFF  }
0x1f4: {  	[tilespmem:s17], [sflag:$0x2] =	stream.linear.gather [spmem:s6], $0x100, $0x38;
	[tilespmem:$0xDC20] =	vst v63  }
0x1f5: {  	_ =	swait.ge [sflag:s8], $0x100  }
0x1f6: {  	[sflag:s8] =	ssyncset.done $0x0  }
0x1f7: {  	[sflag:s8] =	ssyncadd.s32 $0xFFFFFF00  }
0x1f8: {  	v26 =	vld.idx.msk [tilespmem:v22+s17+$0x0], $0xffff;
	_ =	sdelay $0x4  }
0x1f9: {  	(xrf0) =	vmax.scan.msk.f32 $0xffff, v26;
	_ =	sdelay $0x4  }
0x1fa: {  	v27 =	vld.idx.msk [tilespmem:v25+s17+$0x0], $0xffff  }
0x1fb: {  	v44, _, _ =	vpop (xrf0)  }
0x1fc: {  	v45 =	vbroadcast v44, $0xF;
	_ =	sdelay $0x1  }
0x1fd: {  	vm14 =	veq.f32 v26, v45  }
0x1fe: {  	v26 =	vnsel vm14, $0x7F61B1E6, v27  }
0x1ff: {  	(xrf0) =	vmin.scan.msk.f32 $0xffff, v26;
	_ =	sdelay $0x5  }
0x200: {  	(v2sf) =	vpush v44, $0xF;
	v26, _, _ =	vpop (xrf0)  }
0x201: {  	(v2sf) =	vpush v26, $0xF;
	_ =	sdelay $0xd  }
0x202: {  	s30 =	spop (v2sf)  }
0x203: {  	s31 =	spop (v2sf)  }
0x204: {  	s21 =	scvt.f32.s32 s31;
	_ =	sdelay $0x1  }
0x205: {  	p0 =	sgt.s32 s21, $0x0  }
0x206: {  	s21 =	simm.s32 @!p0 $0x0  }
0x207: {  	s21 =	smin.u32 s21, $0x13FF  }
0x208: {  	v46 =	vmov s21;
	_ =	sdelay $0x4  }
0x209: {  	v28 =	vld.idx.msk [tilespmem:v46+s10+$0x0], $0xffff  }
0x20a: {  	v26 =	vld.idx.msk [tilespmem:v46+s11+$0x0], $0xffff  }
0x20b: {  	v47 =	vmov s15;
	v27 =	vld.idx.msk [tilespmem:v46+s9+$0x0], $0xffff  }
0x20c: {  	v48 =	vshll.u32 v47, $0x2;
	p0 =	sgt.f32 s30, $-5.000000080e+29;
	v29 =	vld.idx.msk [tilespmem:v46+s7+$0x0], $0xffff  }
0x20d: {  	s22 =	simm.f32 $1.000000000e+00;
	v32 =	vadd.s32 v2, v48  }
0x20e: {  	vm15 =	vcmask $0x3F0C;
	s22 =	simm.s32 @!p0 $0x0  }
0x20f: {  	vm4 =	vcmask $0x3F08;
	v49 =	vmov s22;
	v50 =	vsel vm15, v26, v28  }
0x210: {  	[tilespmem:v47+s18+$0x0] =	vst.idx.msk $0x1, v49;
	v51 =	vsel vm4, v50, v27  }
0x211: {  	[tilespmem:v47+s19+$0x0] =	vst.idx.msk $0x1, v46;
	v52 =	vsel vm1, v29, v51  }
0x212: {  	[tilespmem:v32+s20+$0x0] =	vst.idx.msk $0xf, v52  }
0x213: {  	v30 =	vld [tilespmem:$0x5000]  }
0x214: {  	v31 =	vld [tilespmem:$0x5180]  }
0x215: {  	v32 =	vld [tilespmem:$0x5300]  }
0x216: {  	v53 =	vld [tilespmem:$0x5480]  }
0x217: {  	v59 =	vld [tilespmem:$0x5010]  }
0x218: {  	v61 =	vld [tilespmem:$0x5190]  }
0x219: {  	v62 =	vld [tilespmem:$0x5310]  }
0x21a: {  	v63 =	vld [tilespmem:$0x5490]  }
0x21b: {  	v46 =	vld [tilespmem:$0x5020]  }
0x21c: {  	v47 =	vld [tilespmem:$0x51A0]  }
0x21d: {  	v54 =	vsub.f32 v28, v29;
	v55 =	vsub.f32 v26, v27;
	v50 =	vld [tilespmem:$0x5320];
	v56 =	vmax.f32 v29, v30  }
0x21e: {  	v51 =	vld [tilespmem:$0x54A0];
	v57 =	vmax.f32 v27, v31;
	v58 =	vmin.f32 v28, v32;
	v60 =	vmin.f32 v26, v53  }
0x21f: {  	v32 =	vsub.f32 v32, v30;
	v31 =	vsub.f32 v53, v31;
	v30 =	vmul.f32 v55, v54  }
0x220: {  	v48 =	vmax.f32 v29, v59;
	v39 =	vsub.f32 v62, v59;
	v49 =	vsub.f32 v63, v61  }
0x221: {  	v33 =	vmax.f32 v27, v61;
	v38 =	vmin.f32 v28, v62;
	v53 =	vmax.f32 v29, v46  }
0x222: {  	v54 =	vmax.f32 v27, v47;
	v55 =	vmin.f32 v28, v50;
	v36 =	vsub.f32 v58, v56  }
0x223: {  	v35 =	vsub.f32 v50, v46;
	v37 =	vsub.f32 v60, v57;
	v56 =	vmin.f32 v26, v51  }
0x224: {  	v31 =	vmul.f32 v31, v32;
	v32 =	vmin.f32 v26, v63;
	v44 =	vmax.f32 v36, $0.0e+00  }
0x225: {  	v45 =	vmax.f32 v37, $0.0e+00;
	v37 =	vsub.f32 v38, v48;
	v32 =	vsub.f32 v32, v33  }
0x226: {  	v52 =	vmul.f32 v49, v39;
	v34 =	vmul.f32 v45, v44;
	v31 =	vadd.f32 v31, v30  }
0x227: {  	v57 =	vsub.f32 v55, v53;
	v37 =	vmax.f32 v37, $0.0e+00;
	v32 =	vmax.f32 v32, $0.0e+00  }
0x228: {  	v63 =	vld [tilespmem:$0x5330];
	v33 =	vadd.f32 v52, v30;
	v31 =	vsub.f32 v31, v34;
	v32 =	vmul.f32 v32, v37  }
0x229: {  	v58 =	vsub.f32 v56, v54;
	v39 =	vld [tilespmem:$0x5040];
	v36 =	vsub.f32 v51, v47  }
0x22a: {  	v48 =	vld [tilespmem:$0x54B0];
	v31 =	vadd.f32 $9.999999710e-10, v31;
	v33 =	vsub.f32 v33, v32  }
0x22b: {  	v60 =	vmax.f32 v57, $0.0e+00;
	v51 =	vld [tilespmem:$0x51C0];
	v59 =	vmul.f32 v36, v35  }
0x22c: {  	v57 =	vld [tilespmem:$0x54C0];
	v61 =	vmax.f32 v58, $0.0e+00;
	(erf) = vrcp.f32 v31;
	v33 =	vadd.f32 $9.999999710e-10, v33  }
0x22d: {  	v35 =	vmul.f32 v61, v60;
	v36 =	vld [tilespmem:$0x51B0];
	v31 =	vadd.f32 v59, v30  }
0x22e: {  	(erf) = vrcp.f32 v33;
	v33 =	vld [tilespmem:$0x5030]  }
0x22f: {  	v54 =	vld [tilespmem:$0x5340];
	v31 =	vsub.f32 v31, v35  }
0x230: {  	vm6 =	veq.s32 v3, s21;
	vm8 =	veq.s32 v4, s21  }
0x231: {  	vm10 =	veq.s32 v5, s21;
	v53 =	vmin.f32 v28, v63;
	v31 =	vadd.f32 $9.999999710e-10, v31  }
0x232: {  	v56 =	vmin.f32 v26, v48;
	v40 =	vsub.f32 v57, v51;
	v55 =	vmax.f32 v27, v36  }
0x233: {  	v43 =	vsub.f32 v56, v55;
	v55 =	vld [tilespmem:$0x54D0];
	(erf) = vrcp.f32 v31;
	v52 =	vmax.f32 v29, v33  }
0x234: {  	v33 =	vsub.f32 v63, v33;
	v63 =	vmax.f32 v29, v39;
	v39 =	vsub.f32 v54, v39  }
0x235: {  	vm13 =	veq.s32 v6, s21;
	vm15 =	veq.s32 v7, s21;
	v49 =	vld [tilespmem:$0x5600];
	v41 =	vsub.f32 v53, v52;
	v62 =	vpop (erf)  }
0x236: {  	vm1 =	veq.s32 v19, s21;
	v53 =	vld [tilespmem:$0x51D0];
	v39 =	vmul.f32 v40, v39;
	v31 =	vmul.f32 v62, v34  }
0x237: {  	v60 =	vmax.f32 v41, $0.0e+00;
	v62 =	vmax.f32 v43, $0.0e+00;
	v34 =	vsub.f32 v48, v36  }
0x238: {  	v48 =	vmax.f32 v27, v51;
	v41 =	vmin.f32 v26, v55;
	v50 =	vpop (erf);
	v56 =	vadd.f32 v39, v30  }
0x239: {  	v42 =	vld [tilespmem:$0x5050];
	vm5 =	vgt.f32 v31, $3.000000120e-01;
	v32 =	vmul.f32 v50, v32;
	v50 =	vmin.f32 v26, v57  }
0x23a: {  	v61 =	vld [tilespmem:$0x5610];
	v33 =	vmul.f32 v34, v33;
	vm0 =	vmor vm6, vm5;
	v52 =	vsub.f32 v50, v48  }
0x23b: {  	v57 =	vld [tilespmem:$0x5060];
	v43 =	vmax.f32 v27, v53;
	v31 =	vsel vm0, $0xF149F2CA, v49;
	vm7 =	vgt.f32 v32, $3.000000120e-01  }
0x23c: {  	v45 =	vld [tilespmem:$0x5070];
	v49 =	vmin.f32 v28, v54;
	v33 =	vadd.f32 v33, v30;
	v41 =	vsub.f32 v41, v43  }
0x23d: {  	v54 =	vld [tilespmem:$0x5350];
	v58 =	vpop (erf);
	v51 =	vsub.f32 v49, v63;
	v37 =	vmax.f32 v52, $0.0e+00;
	vm0 =	vmor vm8, vm7  }
0x23e: {  	v36 =	vld [tilespmem:$0x5620];
	v52 =	vsub.f32 v55, v53;
	vm8 =	veq.s32 v8, s21;
	v59 =	vmul.f32 v58, v35  }
0x23f: {  	v63 =	vld [tilespmem:$0x54E0];
	v35 =	vmul.f32 v62, v60;
	v32 =	vsel vm0, $0xF149F2CA, v61;
	v61 =	vmax.f32 v29, v42  }
0x240: {  	v43 =	vld [tilespmem:$0x5370];
	v41 =	vmax.f32 v41, $0.0e+00;
	v34 =	vmax.f32 v51, $0.0e+00;
	v53 =	vmax.f32 v29, v57  }
0x241: {  	v58 =	vld [tilespmem:$0x51E0];
	v34 =	vmul.f32 v37, v34;
	vm9 =	vgt.f32 v59, $3.000000120e-01;
	v33 =	vsub.f32 v33, v35  }
0x242: {  	v46 =	vld [tilespmem:$0x51F0];
	vm11 =	vmor vm10, vm9;
	v62 =	vmin.f32 v28, v54;
	v40 =	vsub.f32 v54, v42  }
0x243: {  	v59 =	vld [tilespmem:$0x5360];
	vm10 =	veq.s32 v9, s21;
	v37 =	vsub.f32 v56, v34;
	v60 =	vadd.f32 $9.999999710e-10, v33  }
0x244: {  	v33 =	vsel vm11, $0xF149F2CA, v36;
	v51 =	vsub.f32 v62, v61;
	v48 =	vmin.f32 v26, v63  }
0x245: {  	v61 =	vmin.f32 v28, v43;
	v43 =	vsub.f32 v43, v45;
	v40 =	vmul.f32 v52, v40  }
0x246: {  	v49 =	vld [tilespmem:$0x5390];
	v55 =	vsub.f32 v63, v58;
	v44 =	vmax.f32 v27, v58;
	v36 =	vadd.f32 $9.999999710e-10, v37  }
0x247: {  	v56 =	vld [tilespmem:$0x54F0];
	(erf) = vrcp.f32 v60;
	v37 =	vmax.f32 v51, $0.0e+00;
	v44 =	vsub.f32 v48, v44  }
0x248: {  	v47 =	vld [tilespmem:$0x5380];
	v60 =	vmax.f32 v27, v46;
	v54 =	vmin.f32 v28, v59;
	v38 =	vsub.f32 v59, v57  }
0x249: {  	v37 =	vmul.f32 v41, v37;
	v39 =	vadd.f32 v40, v30;
	v59 =	vmax.f32 v29, v45  }
0x24a: {  	v41 =	vld [tilespmem:$0x5210];
	v42 =	vsub.f32 v54, v53;
	v58 =	vmax.f32 v44, $0.0e+00;
	v54 =	vsub.f32 v61, v59  }
0x24b: {  	v44 =	vld [tilespmem:$0x5080];
	(erf) = vrcp.f32 v36;
	v53 =	vmin.f32 v28, v49;
	v38 =	vmul.f32 v55, v38  }
0x24c: {  	v51 =	vld [tilespmem:$0x5200];
	v62 =	vmin.f32 v26, v56;
	v56 =	vsub.f32 v56, v46;
	v57 =	vmax.f32 v42, $0.0e+00  }
0x24d: {  	v46 =	vld [tilespmem:$0x5500];
	v55 =	vsub.f32 v62, v60;
	v62 =	vmin.f32 v28, v47;
	v38 =	vadd.f32 v38, v30  }
0x24e: {  	v40 =	vmul.f32 v58, v57;
	v57 =	vsub.f32 v39, v37;
	v58 =	vmax.f32 v54, $0.0e+00  }
0x24f: {  	v60 =	vmul.f32 v56, v43;
	v59 =	vmax.f32 v55, $0.0e+00;
	v52 =	vmax.f32 v27, v41  }
0x250: {  	v38 =	vsub.f32 v38, v40;
	v36 =	vadd.f32 $9.999999710e-10, v57;
	v61 =	vmax.f32 v29, v44  }
0x251: {  	v43 =	vld [tilespmem:$0x5090];
	v39 =	vmul.f32 v59, v58;
	v42 =	vadd.f32 v60, v30;
	v45 =	vsub.f32 v62, v61  }
0x252: {  	v57 =	vld [tilespmem:$0x5510];
	v56 =	vmin.f32 v26, v46;
	v61 =	vsub.f32 v47, v44;
	v62 =	vsub.f32 v46, v51  }
0x253: {  	v63 =	vpop (erf);
	v38 =	vadd.f32 $9.999999710e-10, v38;
	(erf) = vrcp.f32 v36;
	v59 =	vsub.f32 v42, v39  }
0x254: {  	v35 =	vmul.f32 v63, v35;
	v63 =	vmax.f32 v27, v51;
	v60 =	vmax.f32 v45, $0.0e+00  }
0x255: {  	v42 =	vmul.f32 v62, v61;
	v58 =	vsub.f32 v56, v63;
	(erf) = vrcp.f32 v38  }
0x256: {  	v61 =	vld [tilespmem:$0x50A0];
	v63 =	vmax.f32 v29, v43;
	v43 =	vsub.f32 v49, v43;
	v36 =	vadd.f32 $9.999999710e-10, v59  }
0x257: {  	v54 =	vmin.f32 v26, v57;
	v41 =	vsub.f32 v57, v41;
	v55 =	vsub.f32 v53, v63;
	v63 =	vld [tilespmem:$0x5220]  }
0x258: {  	vm12 =	vgt.f32 v35, $3.000000120e-01;
	v53 =	vld [tilespmem:$0x53A0];
	v35 =	vmax.f32 v58, $0.0e+00;
	v56 =	vsub.f32 v54, v52  }
0x259: {  	v57 =	vld [tilespmem:$0x5630];
	v42 =	vadd.f32 v42, v30;
	v38 =	vmul.f32 v35, v60;
	v58 =	vmul.f32 v41, v43;
	v60 =	vpop (erf)  }
0x25a: {  	v54 =	vld [tilespmem:$0x5520];
	v44 =	vmax.f32 v55, $0.0e+00;
	v45 =	vmax.f32 v56, $0.0e+00;
	v34 =	vmul.f32 v60, v34  }
0x25b: {  	v59 =	vld [tilespmem:$0x5640];
	(erf) = vrcp.f32 v36;
	v43 =	vmul.f32 v45, v44;
	v35 =	vadd.f32 v58, v30  }
0x25c: {  	vm0 =	vmor vm13, vm12;
	v62 =	vsub.f32 v42, v38;
	vm14 =	vgt.f32 v34, $3.000000120e-01  }
0x25d: {  	v58 =	vmax.f32 v27, v63;
	v44 =	vsub.f32 v53, v61;
	v45 =	vsub.f32 v35, v43  }
0x25e: {  	v47 =	vld [tilespmem:$0x53B0];
	v36 =	vadd.f32 $9.999999710e-10, v62;
	v35 =	vsel vm0, $0xF149F2CA, v57;
	vm6 =	vmor vm15, vm14  }
0x25f: {  	v48 =	vld [tilespmem:$0x5230];
	v52 =	vpop (erf);
	v57 =	vmax.f32 v29, v61;
	v60 =	vmin.f32 v26, v54;
	v42 =	vsub.f32 v54, v63  }
0x260: {  	v46 =	vld [tilespmem:$0x50B0];
	vm14 =	veq.s32 v10, s21;
	v37 =	vmul.f32 v52, v37;
	v34 =	vsel vm6, $0xF149F2CA, v59  }
0x261: {  	v55 =	vld [tilespmem:$0x5650];
	v59 =	vmin.f32 v28, v53;
	vm6 =	veq.s32 v11, s21;
	v45 =	vadd.f32 $9.999999710e-10, v45  }
0x262: {  	v63 =	vld [tilespmem:$0x5530];
	v56 =	vpop (erf);
	(erf) = vrcp.f32 v36;
	v62 =	vmul.f32 v42, v44;
	vm7 =	vgt.f32 v37, $3.000000120e-01  }
0x263: {  	v37 =	vmul.f32 v56, v40;
	v40 =	vsub.f32 v60, v58;
	v56 =	vmin.f32 v28, v47  }
0x264: {  	v49 =	vld [tilespmem:$0x53C0];
	v58 =	vmax.f32 v27, v48;
	(erf) = vrcp.f32 v45;
	vm0 =	vmor vm8, vm7  }
0x265: {  	v50 =	vld [tilespmem:$0x5250];
	v45 =	vsub.f32 v59, v57;
	v61 =	vpop (erf);
	v54 =	vadd.f32 v62, v30;
	vm8 =	veq.s32 v12, s21  }
0x266: {  	v44 =	vld [tilespmem:$0x50C0];
	v36 =	vsel vm0, $0xF149F2CA, v55;
	vm9 =	vgt.f32 v37, $3.000000120e-01;
	v37 =	vmul.f32 v61, v39  }
0x267: {  	v41 =	vld [tilespmem:$0x5540];
	v40 =	vmax.f32 v40, $0.0e+00;
	v55 =	vmax.f32 v29, v46;
	v60 =	vmin.f32 v26, v63  }
0x268: {  	v46 =	vsub.f32 v47, v46;
	v42 =	vsub.f32 v63, v48;
	v47 =	vld [tilespmem:$0x50D0];
	v53 =	vmax.f32 v45, $0.0e+00  }
0x269: {  	v63 =	vmin.f32 v28, v49;
	v61 =	vsub.f32 v60, v58;
	v45 =	vmul.f32 v40, v53;
	v40 =	vld [tilespmem:$0x5240]  }
0x26a: {  	vm13 =	vmor vm10, vm9;
	vm10 =	veq.s32 v13, s21;
	v42 =	vmul.f32 v42, v46;
	v46 =	vld [tilespmem:$0x53D0]  }
0x26b: {  	vm11 =	vgt.f32 v37, $3.000000120e-01;
	v37 =	vsub.f32 v56, v55;
	v62 =	vmax.f32 v29, v44;
	v53 =	vld [tilespmem:$0x5550]  }
0x26c: {  	v44 =	vsub.f32 v49, v44;
	vm5 =	vmor vm14, vm11;
	v39 =	vsub.f32 v54, v45  }
0x26d: {  	v37 =	vmax.f32 v37, $0.0e+00;
	v56 =	vadd.f32 v42, v30;
	v60 =	vmax.f32 v29, v47;
	v57 =	vpop (erf)  }
0x26e: {  	v52 =	vld [tilespmem:$0x50E0];
	v39 =	vadd.f32 $9.999999710e-10, v39;
	v48 =	vmul.f32 v57, v38;
	v38 =	vmax.f32 v61, $0.0e+00  }
0x26f: {  	v49 =	vld [tilespmem:$0x53E0];
	v57 =	vsub.f32 v63, v62;
	v58 =	vmax.f32 v27, v40;
	v40 =	vsub.f32 v41, v40  }
0x270: {  	v61 =	vmax.f32 v27, v50;
	v62 =	vmin.f32 v28, v46;
	v63 =	vmin.f32 v26, v53  }
0x271: {  	v46 =	vsub.f32 v46, v47;
	v59 =	vpop (erf);
	v37 =	vmul.f32 v38, v37;
	(erf) = vrcp.f32 v39  }
0x272: {  	v43 =	vmul.f32 v59, v43;
	v59 =	vmin.f32 v26, v41;
	v42 =	vmax.f32 v57, $0.0e+00  }
0x273: {  	v51 =	vld [tilespmem:$0x5260];
	v40 =	vmul.f32 v40, v44;
	v41 =	vsub.f32 v62, v60;
	v60 =	vsub.f32 v63, v61  }
0x274: {  	v57 =	vld [tilespmem:$0x5560];
	v61 =	vsub.f32 v53, v50;
	v62 =	vmax.f32 v29, v52;
	v52 =	vsub.f32 v49, v52  }
0x275: {  	v49 =	vmin.f32 v28, v49;
	vm12 =	vgt.f32 v48, $3.000000120e-01;
	v38 =	vsub.f32 v56, v37  }
0x276: {  	v39 =	vsub.f32 v59, v58;
	v47 =	vsub.f32 v49, v62;
	vm7 =	vmor vm6, vm12  }
0x277: {  	v56 =	vld [tilespmem:$0x5570];
	v41 =	vmax.f32 v41, $0.0e+00;
	v44 =	vmul.f32 v61, v46;
	vm15 =	vgt.f32 v43, $3.000000120e-01  }
0x278: {  	v46 =	vld [tilespmem:$0x5270];
	v39 =	vmax.f32 v39, $0.0e+00;
	v50 =	vadd.f32 $9.999999710e-10, v38;
	vm0 =	vmor vm8, vm15  }
0x279: {  	v54 =	vld [tilespmem:$0x53F0];
	v38 =	vmul.f32 v39, v42;
	v39 =	vadd.f32 v40, v30;
	v63 =	vsub.f32 v57, v51  }
0x27a: {  	v40 =	vld [tilespmem:$0x50F0];
	v42 =	vmax.f32 v60, $0.0e+00;
	v51 =	vmax.f32 v27, v51;
	v60 =	vmin.f32 v26, v57  }
0x27b: {  	vm15 =	veq.s32 v15, s21;
	v61 =	vsub.f32 v60, v51;
	v62 =	vmul.f32 v63, v52  }
0x27c: {  	v52 =	vsub.f32 v39, v38;
	v39 =	vmul.f32 v42, v41;
	v41 =	vadd.f32 v44, v30  }
0x27d: {  	v42 =	vmax.f32 v47, $0.0e+00;
	v60 =	vmax.f32 v27, v46;
	v46 =	vsub.f32 v56, v46  }
0x27e: {  	v55 =	vld [tilespmem:$0x5100];
	v44 =	vmax.f32 v61, $0.0e+00;
	v61 =	vmin.f32 v28, v54;
	v47 =	vadd.f32 v62, v30  }
0x27f: {  	v63 =	vmax.f32 v29, v40;
	v62 =	vmin.f32 v26, v56;
	v54 =	vsub.f32 v54, v40  }
0x280: {  	v49 =	vld [tilespmem:$0x5400];
	v40 =	vmul.f32 v44, v42;
	v58 =	vadd.f32 $9.999999710e-10, v52;
	v59 =	vsub.f32 v41, v39  }
0x281: {  	(erf) = vrcp.f32 v50;
	v56 =	vld [tilespmem:$0x5280];
	v63 =	vsub.f32 v61, v63;
	v57 =	vsub.f32 v62, v60  }
0x282: {  	v53 =	vld [tilespmem:$0x5580];
	v46 =	vmul.f32 v46, v54;
	v47 =	vsub.f32 v47, v40;
	(erf) = vrcp.f32 v58  }
0x283: {  	v50 =	vld [tilespmem:$0x5290];
	v60 =	vmax.f32 v63, $0.0e+00;
	v61 =	vmax.f32 v57, $0.0e+00;
	v63 =	vmax.f32 v29, v55  }
0x284: {  	v44 =	vld [tilespmem:$0x5110];
	v41 =	vmul.f32 v61, v60;
	v62 =	vadd.f32 v46, v30;
	v46 =	vadd.f32 $9.999999710e-10, v59  }
0x285: {  	v54 =	vld [tilespmem:$0x5410];
	v47 =	vadd.f32 $9.999999710e-10, v47;
	v60 =	vmin.f32 v28, v49;
	v49 =	vsub.f32 v49, v55  }
0x286: {  	v52 =	vld [tilespmem:$0x5590];
	v61 =	vmax.f32 v27, v56;
	v51 =	vsub.f32 v60, v63;
	v42 =	vsub.f32 v62, v41  }
0x287: {  	v48 =	vld [tilespmem:$0x5420];
	v62 =	vmin.f32 v26, v53;
	(erf) = vrcp.f32 v46;
	v53 =	vsub.f32 v53, v56  }
0x288: {  	v63 =	vpop (erf);
	v57 =	vsub.f32 v62, v61;
	(erf) = vrcp.f32 v47;
	v47 =	vld [tilespmem:$0x5120];
	v42 =	vadd.f32 $9.999999710e-10, v42  }
0x289: {  	v45 =	vmul.f32 v63, v45;
	v60 =	vmax.f32 v51, $0.0e+00;
	v62 =	vmax.f32 v29, v44;
	v51 =	vld [tilespmem:$0x52A0]  }
0x28a: {  	v63 =	vmin.f32 v28, v54;
	v61 =	vmax.f32 v57, $0.0e+00;
	v57 =	vld [tilespmem:$0x55A0];
	(erf) = vrcp.f32 v42  }
0x28b: {  	v42 =	vmul.f32 v61, v60;
	v60 =	vmax.f32 v27, v50;
	v61 =	vmin.f32 v26, v52  }
0x28c: {  	v46 =	vsub.f32 v63, v62;
	v43 =	vmul.f32 v53, v49;
	v62 =	vsub.f32 v61, v60  }
0x28d: {  	v59 =	vmin.f32 v28, v48;
	v44 =	vsub.f32 v54, v44;
	v53 =	vld [tilespmem:$0x5130];
	v50 =	vsub.f32 v52, v50  }
0x28e: {  	v43 =	vadd.f32 v43, v30;
	v63 =	vmax.f32 v29, v47;
	v55 =	vmax.f32 v62, $0.0e+00;
	v62 =	vld [tilespmem:$0x5430]  }
0x28f: {  	v60 =	vmax.f32 v27, v51;
	v49 =	vsub.f32 v59, v63;
	v63 =	vld [tilespmem:$0x52B0];
	v61 =	vmin.f32 v26, v57  }
0x290: {  	v44 =	vmul.f32 v50, v44;
	v47 =	vsub.f32 v48, v47;
	v54 =	vsub.f32 v61, v60;
	v60 =	vld [tilespmem:$0x55B0]  }
0x291: {  	v46 =	vmax.f32 v46, $0.0e+00;
	v43 =	vsub.f32 v43, v42;
	v51 =	vsub.f32 v57, v51  }
0x292: {  	v29 =	vmax.f32 v29, v53;
	v46 =	vmul.f32 v55, v46;
	v44 =	vadd.f32 v44, v30  }
0x293: {  	v61 =	vmax.f32 v49, $0.0e+00;
	v47 =	vmul.f32 v51, v47;
	v28 =	vmin.f32 v28, v62  }
0x294: {  	v50 =	vsub.f32 v62, v53;
	v62 =	vmax.f32 v54, $0.0e+00;
	v27 =	vmax.f32 v27, v63  }
0x295: {  	v47 =	vadd.f32 v47, v30;
	v26 =	vmin.f32 v26, v60;
	v48 =	vsub.f32 v60, v63  }
0x296: {  	v28 =	vsub.f32 v28, v29;
	v29 =	vmul.f32 v62, v61;
	v26 =	vsub.f32 v26, v27  }
0x297: {  	v58 =	vld [tilespmem:$0x5660];
	v43 =	vadd.f32 $9.999999710e-10, v43;
	v27 =	vsub.f32 v44, v46;
	v49 =	vmul.f32 v48, v50  }
0x298: {  	v56 =	vld [tilespmem:$0x5670];
	v28 =	vmax.f32 v28, $0.0e+00;
	v54 =	vsub.f32 v47, v29;
	v26 =	vmax.f32 v26, $0.0e+00  }
0x299: {  	v27 =	vadd.f32 $9.999999710e-10, v27;
	v26 =	vmul.f32 v26, v28;
	v51 =	vadd.f32 v49, v30  }
0x29a: {  	vm8 =	veq.s32 v16, s21;
	vm9 =	vgt.f32 v45, $3.000000120e-01;
	v52 =	vld [tilespmem:$0x5680];
	v59 =	vpop (erf);
	(erf) = vrcp.f32 v43  }
0x29b: {  	[tilespmem:$0x5600] =	vst v31;
	v63 =	vld [tilespmem:$0x5690];
	v62 =	vpop (erf);
	(erf) = vrcp.f32 v27;
	v27 =	vadd.f32 $9.999999710e-10, v54;
	v28 =	vsub.f32 v51, v26  }
0x29c: {  	[tilespmem:$0x5610] =	vst v32;
	vm11 =	vmor vm10, vm9;
	vm10 =	veq.s32 v17, s21;
	v55 =	vsel vm13, $0xF149F2CA, v58;
	v58 =	vld [tilespmem:$0x56B0]  }
0x29d: {  	[tilespmem:$0x5620] =	vst v33;
	v56 =	vsel vm5, $0xF149F2CA, v56;
	v60 =	vmul.f32 v59, v37;
	v50 =	vld [tilespmem:$0x56A0];
	v28 =	vadd.f32 $9.999999710e-10, v28  }
0x29e: {  	[tilespmem:$0x5630] =	vst v35;
	vm13 =	veq.s32 v14, s21;
	v61 =	vld [tilespmem:$0x56C0];
	v44 =	vmul.f32 v62, v38;
	(erf) = vrcp.f32 v27  }
0x29f: {  	[tilespmem:$0x5640] =	vst v34;
	v52 =	vsel vm7, $0xF149F2CA, v52;
	vm12 =	vgt.f32 v60, $3.000000120e-01;
	v27 =	vpop (erf);
	(erf) = vrcp.f32 v28  }
0x2a0: {  	[tilespmem:$0x5650] =	vst v36;
	v47 =	vld [tilespmem:$0x56D0];
	vm14 =	vgt.f32 v44, $3.000000120e-01;
	v57 =	vsel vm0, $0xF149F2CA, v63;
	vm0 =	vmor vm13, vm12  }
0x2a1: {  	[tilespmem:$0x5670] =	vst v56;
	vm6 =	vmor vm15, vm14;
	vm12 =	veq.s32 v18, s21;
	v45 =	vpop (erf);
	v27 =	vmul.f32 v27, v39  }
0x2a2: {  	[tilespmem:$0x5660] =	vst v55;
	v49 =	vsel vm0, $0xF149F2CA, v58;
	v51 =	vld [tilespmem:$0x56E0];
	v63 =	vsel vm11, $0xF149F2CA, v50;
	v48 =	vpop (erf);
	v28 =	vmul.f32 v45, v40  }
0x2a3: {  	[tilespmem:$0x5680] =	vst v52;
	v50 =	vsel vm6, $0xF149F2CA, v61;
	vm7 =	vgt.f32 v27, $3.000000120e-01;
	v27 =	vld [tilespmem:$0x56F0];
	v33 =	vmul.f32 v48, v41;
	v53 =	vpop (erf)  }
0x2a4: {  	v54 =	vld [tilespmem:$0x5700];
	[tilespmem:$0x5690] =	vst v57;
	vm0 =	vmor vm8, vm7;
	vm9 =	vgt.f32 v28, $3.000000120e-01;
	v55 =	vmul.f32 v53, v42  }
0x2a5: {  	[tilespmem:$0x56B0] =	vst v49;
	vm11 =	vgt.f32 v33, $3.000000120e-01;
	v32 =	vsel vm0, $0xF149F2CA, v47;
	vm13 =	vmor vm10, vm9  }
0x2a6: {  	v57 =	vld [tilespmem:$0x5710];
	[tilespmem:$0x56A0] =	vst v63;
	v56 =	vpop (erf);
	vm9 =	veq.s32 v20, s21;
	vm14 =	vmor vm12, vm11;
	vm15 =	vgt.f32 v55, $3.000000120e-01  }
0x2a7: {  	v61 =	vld [tilespmem:$0x5720];
	[tilespmem:$0x56C0] =	vst v50;
	v58 =	vmul.f32 v56, v46;
	v59 =	vsel vm13, $0xF149F2CA, v51;
	vm12 =	veq.s32 v21, s21;
	v60 =	vpop (erf)  }
0x2a8: {  	v62 =	vld [tilespmem:$0x5730];
	[tilespmem:$0x56D0] =	vst v32;
	vm7 =	vmor vm1, vm15;
	v27 =	vsel vm14, $0xF149F2CA, v27;
	v29 =	vmul.f32 v60, v29;
	v63 =	vpop (erf)  }
0x2a9: {  	p0 =	sne.s32 s15, $0x63;
	[tilespmem:$0x56E0] =	vst v59;
	vm8 =	vgt.f32 v58, $3.000000120e-01;
	v28 =	vsel vm7, $0xF149F2CA, v54;
	v26 =	vmul.f32 v63, v26  }
.Ltmp0:
0x2aa: {  	vm14 =	veq.s32 v23, s21;
	vm10 =	vmor vm9, vm8;
	[tilespmem:$0x56F0] =	vst v27;
	vm11 =	vgt.f32 v29, $3.000000120e-01;
	(pc) =	sbr.rel @p0 .LBB2_1-.Ltmp0, $4  }
0x2ab: {  	[tilespmem:$0x5700] =	vst v28;
	v27 =	vsel vm10, $0xF149F2CA, v57;
	vm0 =	vmor vm12, vm11;
	vm13 =	vgt.f32 v26, $3.000000120e-01  }
0x2ac: {  	[tilespmem:$0x5710] =	vst v27;
	v26 =	vsel vm0, $0xF149F2CA, v61;
	vm15 =	vmor vm14, vm13  }
0x2ad: {  	[tilespmem:$0x5720] =	vst v26;
	v27 =	vsel vm15, $0xF149F2CA, v62  }
0x2ae: {  	s15 =	sadd.s32 $0x2, s15;
	[tilespmem:$0x5730] =	vst v27  }
0x2af: {  	s5 =	sshll.u32 s4, $0x3  }
0x2b0: {  	s5 =	sor.u32 $0x5780, s5  }
0x2b1: {  	v0 =	vld.msk [tilespmem:s5+$0x0], $0xff;
	_ =	sdelay $0x4  }
0x2b2: {  	v1 =	vshll.u32 v0, $0x5  }
0x2b3: {  	v2 =	vlaneseq.u32;
	v0 =	vand.u32 $0x7, v0;
	v1 =	vand.u32 $0xFFFFFF00, v1  }
0x2b4: {  	v62 =	vand.u32 $0x7, v2;
	v2 =	vshrl.u32 v2, $0x3;
	v0 =	vor.u32 v0, v1  }
0x2b5: {  	v63 =	vmul.u32 $0x8, v2;
	v0 =	vperm.xlane v0, v62;
	_ =	sdelay $0x1  }
0x2b6: {  	v0 =	vadd.s32 v63, v0;
	_ =	sdelay $0x3  }
0x2b7: {  	vm0 =	vmmov $0xffff;
	s6 =	simm.s32 $0x5C20;
	s5 =	simm.s32 $0x0  }
0x2b8: {  	[tilespmem:s6], [sflag:$0x1] =	stream.indirect_vreg.gather [hbm4b:s3+s5], $0x80, v0, vm0, $0xb8;
	[tilespmem:$0xDC20] =	vst v63  }
0x2b9: {  	s7 =	sadd.s32 $0x100, s3;
	s8 =	simm.s32 $0x6420  }
0x2ba: {  	[tilespmem:s8], [sflag:$0x1] =	stream.indirect_vreg.gather [hbm4b:s7+s5], $0x80, v0, vm0, $0xb8;
	[tilespmem:$0xDC20] =	vst v63  }
0x2bb: {  	s21 =	sadd.s32 $0x200, s3;
	s22 =	simm.s32 $0x6C20  }
0x2bc: {  	[tilespmem:s22], [sflag:$0x1] =	stream.indirect_vreg.gather [hbm4b:s21+s5], $0x80, v0, vm0, $0xb8;
	[tilespmem:$0xDC20] =	vst v63  }
0x2bd: {  	s23 =	sadd.s32 $0x300, s3;
	s24 =	simm.s32 $0x7420  }
0x2be: {  	[tilespmem:s24], [sflag:$0x1] =	stream.indirect_vreg.gather [hbm4b:s23+s5], $0x80, v0, vm0, $0xb8;
	[tilespmem:$0xDC20] =	vst v63  }
0x2bf: {  	s25 =	sadd.s32 $0x400, s3;
	s26 =	simm.s32 $0x7C20  }
0x2c0: {  	[tilespmem:s26], [sflag:$0x1] =	stream.indirect_vreg.gather [hbm4b:s25+s5], $0x80, v0, vm0, $0xb8;
	[tilespmem:$0xDC20] =	vst v63  }
0x2c1: {  	s28 =	sadd.s32 $0x500, s3;
	s29 =	simm.s32 $0x8420  }
0x2c2: {  	[tilespmem:s29], [sflag:$0x1] =	stream.indirect_vreg.gather [hbm4b:s28+s5], $0x80, v0, vm0, $0xb8;
	[tilespmem:$0xDC20] =	vst v63  }
0x2c3: {  	s30 =	sadd.s32 $0x600, s3;
	s31 =	simm.s32 $0x8C20  }
0x2c4: {  	[tilespmem:s31], [sflag:$0x1] =	stream.indirect_vreg.gather [hbm4b:s30+s5], $0x80, v0, vm0, $0xb8;
	[tilespmem:$0xDC20] =	vst v63  }
0x2c5: {  	s9 =	sadd.s32 $0x700, s3;
	s10 =	simm.s32 $0x9420  }
0x2c6: {  	[tilespmem:s10], [sflag:$0x1] =	stream.indirect_vreg.gather [hbm4b:s9+s5], $0x80, v0, vm0, $0xb8;
	[tilespmem:$0xDC20] =	vst v63  }
0x2c7: {  	s11 =	sadd.s32 $0x800, s3;
	s13 =	simm.s32 $0x9C20  }
0x2c8: {  	[tilespmem:s13], [sflag:$0x1] =	stream.indirect_vreg.gather [hbm4b:s11+s5], $0x80, v0, vm0, $0xb8;
	[tilespmem:$0xDC20] =	vst v63  }
0x2c9: {  	s14 =	sadd.s32 $0x900, s3;
	s15 =	simm.s32 $0xA420  }
0x2ca: {  	[tilespmem:s15], [sflag:$0x1] =	stream.indirect_vreg.gather [hbm4b:s14+s5], $0x80, v0, vm0, $0xb8;
	[tilespmem:$0xDC20] =	vst v63  }
0x2cb: {  	s16 =	sadd.s32 $0xA00, s3;
	s17 =	simm.s32 $0xAC20  }
0x2cc: {  	[tilespmem:s17], [sflag:$0x1] =	stream.indirect_vreg.gather [hbm4b:s16+s5], $0x80, v0, vm0, $0xb8;
	[tilespmem:$0xDC20] =	vst v63  }
0x2cd: {  	s18 =	sadd.s32 $0xB00, s3;
	s19 =	simm.s32 $0xB420  }
0x2ce: {  	[tilespmem:s19], [sflag:$0x1] =	stream.indirect_vreg.gather [hbm4b:s18+s5], $0x80, v0, vm0, $0xb8;
	[tilespmem:$0xDC20] =	vst v63  }
0x2cf: {  	s20 =	sadd.s32 $0xC00, s3;
	s21 =	simm.s32 $0xBC20  }
0x2d0: {  	[tilespmem:s21], [sflag:$0x1] =	stream.indirect_vreg.gather [hbm4b:s20+s5], $0x80, v0, vm0, $0xb8;
	[tilespmem:$0xDC20] =	vst v63  }
0x2d1: {  	s22 =	sadd.s32 $0xD00, s3;
	s23 =	simm.s32 $0xC420  }
0x2d2: {  	[tilespmem:s23], [sflag:$0x1] =	stream.indirect_vreg.gather [hbm4b:s22+s5], $0x80, v0, vm0, $0xb8;
	[tilespmem:$0xDC20] =	vst v63  }
0x2d3: {  	s24 =	sadd.s32 $0xE00, s3;
	s25 =	simm.s32 $0xCC20  }
0x2d4: {  	[tilespmem:s25], [sflag:$0x1] =	stream.indirect_vreg.gather [hbm4b:s24+s5], $0x80, v0, vm0, $0xb8;
	[tilespmem:$0xDC20] =	vst v63  }
0x2d5: {  	s26 =	sadd.s32 $0xF00, s3;
	s28 =	simm.s32 $0xD420;
	s29 =	simm.s32 $0x1  }
0x2d6: {  	[tilespmem:s28], [sflag:$0x1] =	stream.indirect_vreg.gather [hbm4b:s26+s5], $0x80, v0, vm0, $0xb8;
	[tilespmem:$0xDC20] =	vst v63  }
0x2d7: {  	_ =	swait.ge [sflag:s29], $0x8000  }
0x2d8: {  	s30 =	sshll.u32 s4, $0xC;
	[sflag:s29] =	ssyncset.done $0x0  }
0x2d9: {  	s31 =	simm.s32 $0x2;
	s7 =	sadd.s32 s12, s30;
	[sflag:s29] =	ssyncadd.s32 $0xFFFF8000  }
0x2da: {  	[hbm4b:s7+s5] =	stream.linear.scatter [tilespmem:s6], [sflag:$0x2], $0x8000, $0x38;
	[tilespmem:$0xDC20] =	vst v63  }
0x2db: {  	_ =	swait.ge [sflag:s31], $0x8000  }
0x2dc: {  	[sflag:s31] =	ssyncset.done $0x0  }
0x2dd: {  	p0 =	sne.s32 s4, $0x0;
	[sflag:s31] =	ssyncadd.s32 $0xFFFF8000  }
0x2de: {  	_ =	sfence.sel @p0 $0x180000  }
0x2df: {  	[bflag:$0x0] =	sbarrier.arrive @p0 $0xFFFF  }
0x2e0: {  	_ =	strace @p0 $0x90000047  }
0x2e1: {  	s3 =	simm.s32 @!p0 $0x0;
	s4 =	simm.s32 @!p0 $0x5800;
	[bflag:$0x2] =	sbarrier.arrive @p0 $0xFFFF  }
0x2e2: {  	[hbm4b:s2+s3] =	stream.linear.scatter @!p0 [tilespmem:s4], [sflag:$0x2], $0x80, $0x38;
	[tilespmem:$0xDC20] =	vst v63  }
0x2e3: {  	s2 =	simm.s32 @!p0 $0x2  }
0x2e4: {  	_ =	swait.ge @!p0 [sflag:s2], $0x80  }
0x2e5: {  	[sflag:s2] =	ssyncset.done @!p0 $0x0  }
0x2e6: {  	s4 =	simm.s32 @!p0 $0x5880;
	[sflag:s2] =	ssyncadd.s32 @!p0 $0xFFFFFF80  }
0x2e7: {  	[hbm4b:s1+s3] =	stream.linear.scatter @!p0 [tilespmem:s4], [sflag:$0x2], $0x200, $0x38;
	[tilespmem:$0xDC20] =	vst v63  }
0x2e8: {  	_ =	swait.ge @!p0 [sflag:s2], $0x200  }
0x2e9: {  	[sflag:s2] =	ssyncset.done @!p0 $0x0  }
0x2ea: {  	[sflag:s2] =	ssyncadd.s32 @!p0 $0xFFFFFE00  }
0x2eb: {  	_ =	sfence.sel @!p0 $0x180000  }
0x2ec: {  	[bflag:$0x0] =	sbarrier.arrive @!p0 $0xFFFF  }
0x2ed: {  	_ =	strace @!p0 $0x90000047  }
0x2ee: {  	s0 =	sadd.s32 @!p0 $0x100000, s0;
	[bflag:$0x2] =	sbarrier.arrive @!p0 $0xFFFF  }
0x2ef: {  	[sflag:s0] =	ssyncadd.tile.s32 @!p0 $0x1;
	_ =	shalt  }
.Lfunc_end2:
_tile_overlayer_lowered:
.L_overlay_start_2:
0x2f0: {  	(tag) =	ssettag $0x2  }
0x2f1: {  	s0 =	rddreg [dreg:$0x0];
	s2 =	stileid.u32  }
0x2f2: {  	s1 =	rddreg [dreg:$0x1];
	p0 =	sne.s32 s2, $0x0  }
0x2f3: {  	s3 =	rddreg [dreg:$0x2];
	[bflag:$0x3] =	sbarrier.arrive $0xFFFF;
	s2 =	simm.s32 @!p0 $0x1C02  }
0x2f4: {  	[timem:s3], [sflag:s2] =	dma.local @!p0 [hbm:s0], s1  }
0x2f5: {  	s0 =	simm.s32 @!p0 $0x2  }
0x2f6: {  	_ =	swait.ge @!p0 [sflag:s0], s1  }
0x2f7: {  	s1 =	ssub.s32 @!p0 $0x0, s1;
	[sflag:s0] =	ssyncset.done @!p0 $0x0  }
0x2f8: {  	[sflag:s0] =	ssyncadd.s32 @!p0 s1  }
0x2f9: {  	[bflag:$0x3] =	sbarrier.arrive $0xFFFF  }
0x2fa: {  	_ =	shalt  }

</sc_bundles>
